<compile_context>
chip_gen: v7x
topology: tpu7x:2x2x1
jax: 0.10.2.dev20260603
libtpu: 0.0.44.dev20260713+nightly
codegen_flags: <defaults>
</compile_context>

<pallas_src>
import functools

import jax
import jax.numpy as jnp
from jax import lax
from jax.experimental import pallas as pl
from jax.experimental.pallas import tpu as pltpu
from jax.experimental.pallas import tpu_sc as plsc

N = 10000
E = 320000
D = 128
OUT = 4
NB = 2000
EB = 3200

NC = 2
NS = 16
NW = NC * NS
EHALF = (153600, 166400)
ELO = (0, 153600)
NPART = len(EHALF)
GK = 200
SK = 40
ROWS = N // NS


def _mm(a, b):
    return jnp.dot(a, b)


def _ln(y, g, b):
    mu = jnp.mean(y, axis=-1, keepdims=True)
    var = jnp.mean((y - mu) ** 2, axis=-1, keepdims=True)
    return (y - mu) * lax.rsqrt(var + 1e-5) * g + b



def _gf_body(na, w1, b1, w2, b2, out):
    h = jnp.maximum(_mm(na[...], w1[...]) + b1[...], 0.0)
    y = _mm(h, w2[...]) + b2[...]
    s = jnp.sum(y, axis=0, keepdims=True) * (1.0 / N)

    @pl.when(pl.program_id(0) == 0)
    def _():
        out[...] = s

    @pl.when(pl.program_id(0) != 0)
    def _():
        out[...] += s


def _tc_global_mean(na, w1, b1, w2, b2):
    w = lambda shape: pl.BlockSpec(shape, lambda i: (0, 0))
    return pl.pallas_call(
        _gf_body,
        grid=(N // NB,),
        in_specs=[pl.BlockSpec((NB, D), lambda i: (i, 0)),
                  w((D, D)), w((1, D)), w((D, D)), w((1, D))],
        out_specs=pl.BlockSpec((1, D), lambda i: (0, 0)),
        out_shape=jax.ShapeDtypeStruct((1, D), jnp.float32),
    )(na, w1, b1, w2, b2)


def _node_enc_body(na, gf, w1a, w1g, b1, w2, b2, g, bt, out):
    h = jnp.maximum(_mm(na[...], w1a[...]) + _mm(gf[...], w1g[...]) + b1[...], 0.0)
    y = _mm(h, w2[...]) + b2[...]
    out[...] = _ln(y, g[...], bt[...])


def _tc_node_enc(na, gf, w1a, w1g, b1, w2, b2, g, bt):
    w = lambda shape: pl.BlockSpec(shape, lambda i: (0, 0))
    return pl.pallas_call(
        _node_enc_body,
        grid=(N // NB,),
        in_specs=[pl.BlockSpec((NB, D), lambda i: (i, 0)), w((1, D)),
                  w((D, D)), w((D, D)), w((1, D)), w((D, D)), w((1, D)),
                  w((1, D)), w((1, D))],
        out_specs=pl.BlockSpec((NB, D), lambda i: (i, 0)),
        out_shape=jax.ShapeDtypeStruct((N, D), jnp.float32),
    )(na, gf, w1a, w1g, b1, w2, b2, g, bt)


def _edge_enc_body(ea, w1, b1, w2, b2, g, bt, out):
    h = jnp.maximum(_mm(ea[...], w1[...]) + b1[...], 0.0)
    y = _mm(h, w2[...]) + b2[...]
    out[...] = _ln(y, g[...], bt[...])


def _tc_edge_enc(ea, w1, b1, w2, b2, g, bt, h):
    w = lambda shape: pl.BlockSpec(shape, lambda i: (0, 0))
    offb = ELO[h] // EB
    return pl.pallas_call(
        _edge_enc_body,
        grid=(EHALF[h] // EB,),
        in_specs=[pl.BlockSpec((EB, 16), lambda i: (i + offb, 0)),
                  w((16, D)), w((1, D)), w((D, D)), w((1, D)),
                  w((1, D)), w((1, D))],
        out_specs=pl.BlockSpec((EB, D), lambda i: (i, 0)),
        out_shape=jax.ShapeDtypeStruct((EHALF[h], D), jnp.float32),
    )(ea, w1, b1, w2, b2, g, bt)


def _uv_body(x, a, b, b1e, u, v):
    xv = x[...]
    u[...] = _mm(xv, a[...]) + b1e[...]
    v[...] = _mm(xv, b[...])


def _tc_uv(x, a, b, b1e):
    w = lambda shape: pl.BlockSpec(shape, lambda i: (0, 0))
    return pl.pallas_call(
        _uv_body,
        grid=(N // NB,),
        in_specs=[pl.BlockSpec((NB, D), lambda i: (i, 0)),
                  w((D, D)), w((D, D)), w((1, D))],
        out_specs=[pl.BlockSpec((NB, D), lambda i: (i, 0)),
                   pl.BlockSpec((NB, D), lambda i: (i, 0))],
        out_shape=[jax.ShapeDtypeStruct((N, D), jnp.float32),
                   jax.ShapeDtypeStruct((N, D), jnp.float32)],
    )(x, a, b, b1e)


def _edge_body(gs, e, c, w2, b2, g, bt, out):
    ev = e[...]
    h = jnp.maximum(gs[...] + _mm(ev, c[...]), 0.0)
    y = _mm(h, w2[...]) + b2[...]
    out[...] = _ln(y, g[...], bt[...]) + ev


def _tc_edge(gs, e, c, w2, b2, g, bt):
    ecnt = gs.shape[0]
    w = lambda shape: pl.BlockSpec(shape, lambda i: (0, 0))
    eb = pl.BlockSpec((EB, D), lambda i: (i, 0))
    return pl.pallas_call(
        _edge_body,
        grid=(ecnt // EB,),
        in_specs=[eb, eb, w((D, D)), w((D, D)), w((1, D)),
                  w((1, D)), w((1, D))],
        out_specs=eb,
        out_shape=jax.ShapeDtypeStruct((ecnt, D), jnp.float32),
    )(gs, e, c, w2, b2, g, bt)


def _node_body(x, *rest):
    aggs, (wx, wa, b1, w2, b2, g, bt, out) = rest[:2 * NPART], rest[2 * NPART:]
    xv = x[...]
    agg = aggs[0][...]
    for a in aggs[1:]:
        agg = agg + a[...]
    h = jnp.maximum(_mm(xv, wx[...]) + _mm(agg, wa[...]) + b1[...], 0.0)
    y = _mm(h, w2[...]) + b2[...]
    out[...] = _ln(y, g[...], bt[...]) + xv


def _tc_node(x, aggs, wx, wa, b1, w2, b2, g, bt):
    w = lambda shape: pl.BlockSpec(shape, lambda i: (0, 0))
    nb = pl.BlockSpec((NB, D), lambda i: (i, 0))
    nb1 = pl.BlockSpec((NB, D), lambda i: (N // NB + i, 0))
    agg_args = []
    agg_specs = []
    for a in aggs:
        agg_args += [a, a]
        agg_specs += [nb, nb1]
    return pl.pallas_call(
        _node_body,
        grid=(N // NB,),
        in_specs=[nb] + agg_specs + [w((D, D)), w((D, D)), w((1, D)),
                                     w((D, D)), w((1, D)), w((1, D)),
                                     w((1, D))],
        out_specs=nb,
        out_shape=jax.ShapeDtypeStruct((N, D), jnp.float32),
    )(x, *agg_args, wx, wa, b1, w2, b2, g, bt)


def _dec_body(x, w1, b1, w2, b2, out):
    h = jnp.maximum(_mm(x[...], w1[...]) + b1[...], 0.0)
    out[...] = _mm(h, w2[...]) + b2[...]


def _tc_dec(x, w1, b1, w2, b2):
    w = lambda shape: pl.BlockSpec(shape, lambda i: (0, 0))
    return pl.pallas_call(
        _dec_body,
        grid=(N // NB,),
        in_specs=[pl.BlockSpec((NB, D), lambda i: (i, 0)),
                  w((D, D)), w((1, D)), w((D, OUT)), w((1, OUT))],
        out_specs=pl.BlockSpec((NB, OUT), lambda i: (i, 0)),
        out_shape=jax.ShapeDtypeStruct((N, OUT), jnp.float32),
    )(x, w1, b1, w2, b2)



@functools.cache
def _sc_gather_kernel(e_lo, ecnt):
    mesh = plsc.VectorSubcoreMesh(core_axis_name="c", subcore_axis_name="s")
    ew = ecnt // NW

    @functools.partial(
        pl.kernel,
        out_type=jax.ShapeDtypeStruct((ecnt, D), jnp.float32),
        mesh=mesh,
        scratch_types=[
            pltpu.VMEM((GK,), jnp.int32),
            pltpu.VMEM((GK,), jnp.int32),
            pltpu.VMEM((GK,), jnp.int32),
            pltpu.VMEM((GK,), jnp.int32),
            pltpu.VMEM((GK, D), jnp.float32),
            pltpu.VMEM((GK, D), jnp.float32),
            pltpu.VMEM((GK, D), jnp.float32),
            pltpu.VMEM((GK, D), jnp.float32),
            pltpu.SemaphoreType.DMA,
            pltpu.SemaphoreType.DMA,
            pltpu.SemaphoreType.DMA,
            pltpu.SemaphoreType.DMA,
        ],
    )
    def gather(u_hbm, v_hbm, src_hbm, dst_hbm, g_hbm,
               sidx0, sidx1, didx0, didx1, bu0, bu1, bv0, bv1,
               sg0, sg1, sw0, sw1):
        wid = lax.axis_index("s") * NC + lax.axis_index("c")
        base = wid * ew
        CH = ew // GK
        bufs = {0: (sidx0, didx0, bu0, bv0, sg0, sw0),
                1: (sidx1, didx1, bu1, bv1, sg1, sw1)}

        def start_chunk(i, b):
            sidx, didx, bu, bv, sg, _ = bufs[b]
            off = base + i * GK
            pltpu.sync_copy(src_hbm.at[pl.ds(e_lo + off, GK)], sidx)
            pltpu.sync_copy(dst_hbm.at[pl.ds(e_lo + off, GK)], didx)
            pltpu.async_copy(u_hbm.at[sidx], bu, sg)
            pltpu.async_copy(v_hbm.at[didx], bv, sg)

        def add_rows(b):
            _, _, bu, bv, sg, _ = bufs[b]
            pltpu.make_async_copy(g_hbm.at[pl.ds(0, GK)], bu, sg).wait()
            pltpu.make_async_copy(g_hbm.at[pl.ds(0, GK)], bv, sg).wait()

            def row(r, carry):
                for t in range(D // 16):
                    sl = pl.ds(t * 16, 16)
                    bu[r, sl] += bv[r, sl]
                return carry

            lax.fori_loop(0, GK, row, 0)

        def start_write(i, b):
            _, _, bu, _, _, sw = bufs[b]
            off = base + i * GK
            pltpu.async_copy(bu, g_hbm.at[pl.ds(off, GK)], sw)

        def wait_write(b):
            _, _, bu, _, _, sw = bufs[b]
            pltpu.make_async_copy(bu, g_hbm.at[pl.ds(0, GK)], sw).wait()

        start_chunk(0, 0)
        add_rows(0)
        start_write(0, 0)
        start_chunk(1, 1)

        def pair(j, carry):
            i1 = 1 + 2 * j
            add_rows(1)
            start_write(i1, 1)
            wait_write(0)
            start_chunk(i1 + 1, 0)
            i2 = i1 + 1
            add_rows(0)
            start_write(i2, 0)
            wait_write(1)
            start_chunk(i2 + 1, 1)
            return carry

        lax.fori_loop(0, (CH - 2) // 2, pair, 0)
        add_rows(1)
        start_write(CH - 1, 1)
        wait_write(0)
        wait_write(1)

    return gather


def _sc_gather(u, v, src, dst, h):
    return _sc_gather_kernel(ELO[h], EHALF[h])(u, v, src, dst)


@functools.cache
def _sc_scatter_kernel(e_lo, ecnt):
    mesh = plsc.VectorSubcoreMesh(core_axis_name="c", subcore_axis_name="s")
    ew = ecnt // NW

    @functools.partial(
        pl.kernel,
        out_type=jax.ShapeDtypeStruct((NC, NS, ROWS, D), jnp.float32),
        mesh=mesh,
        scratch_types=[
            pltpu.VMEM_SHARED((N, D), jnp.float32),
            pltpu.VMEM((SK, D), jnp.float32),
            pltpu.VMEM((SK, D), jnp.float32),
            pltpu.VMEM((SK,), jnp.int32),
            pltpu.VMEM((SK,), jnp.int32),
            pltpu.SemaphoreType.DMA,
            pltpu.SemaphoreType.DMA,
        ],
    )
    def scatter(e_hbm, dst_hbm, zeros_hbm, out_hbm, shared,
                buf0, buf1, didx0, didx1, sl0, sl1):
        c = lax.axis_index("c")
        s = lax.axis_index("s")
        wid = s * NC + c
        r0 = s * ROWS
        pltpu.sync_copy(zeros_hbm, shared.at[pl.ds(r0, ROWS)])
        plsc.subcore_barrier()
        base = wid * ew
        CH = ew // SK
        bufs = {0: (buf0, didx0, sl0), 1: (buf1, didx1, sl1)}

        def start_load(i, b):
            buf, didx, sl = bufs[b]
            off = base + i * SK
            pltpu.async_copy(dst_hbm.at[pl.ds(e_lo + off, SK)], didx, sl)
            pltpu.async_copy(e_hbm.at[pl.ds(off, SK)], buf, sl)

        def scatter_chunk(b):
            buf, didx, sl = bufs[b]
            pltpu.make_async_copy(dst_hbm.at[pl.ds(0, SK)], didx, sl).wait()
            pltpu.make_async_copy(e_hbm.at[pl.ds(0, SK)], buf, sl).wait()
            pltpu.sync_copy(buf, shared.at[didx], add=True)


        start_load(0, 0)

        def pair(j, carry):
            start_load(2 * j + 1, 1)
            scatter_chunk(0)
            start_load(2 * j + 2, 0)
            scatter_chunk(1)
            return carry

        lax.fori_loop(0, (CH - 2) // 2, pair, 0)
        start_load(CH - 1, 1)
        scatter_chunk(0)
        scatter_chunk(1)
        plsc.subcore_barrier()
        pltpu.sync_copy(shared.at[pl.ds(r0, ROWS)], out_hbm.at[c, s])

    return scatter


def _sc_scatter(e2, dst, zeros_rows, h):
    out = _sc_scatter_kernel(ELO[h], EHALF[h])(e2, dst, zeros_rows)
    return out.reshape(NC * N, D)



def _rowvec(b):
    return b.reshape(1, -1)


def kernel(node_attr, edge_attr, edge_index, params):
    src = edge_index[0]
    dst = edge_index[1]
    p = params
    zeros_rows = jnp.zeros((ROWS, D), jnp.float32)

    ge = p['global_enc']
    gf = _tc_global_mean(node_attr, ge['W1'], _rowvec(ge['b1']),
                         ge['W2'], _rowvec(ge['b2']))

    ne = p['node_enc']
    x = _tc_node_enc(node_attr, gf, ne['W1'][:D], ne['W1'][D:],
                     _rowvec(ne['b1']), ne['W2'], _rowvec(ne['b2']),
                     _rowvec(ne['g']), _rowvec(ne['bt']))

    ee = p['edge_enc']
    e_parts = tuple(
        _tc_edge_enc(edge_attr, ee['W1'], _rowvec(ee['b1']), ee['W2'],
                     _rowvec(ee['b2']), _rowvec(ee['g']), _rowvec(ee['bt']),
                     h)
        for h in range(NPART))

    def stk(fn):
        return jnp.stack([fn(lp) for lp in p['layers']])

    ws = {
        'A': stk(lambda lp: lp['edge_mlp']['W1'][:D]),
        'B': stk(lambda lp: lp['edge_mlp']['W1'][D:2 * D]),
        'C': stk(lambda lp: lp['edge_mlp']['W1'][2 * D:]),
        'b1e': stk(lambda lp: _rowvec(lp['edge_mlp']['b1'])),
        'W2e': stk(lambda lp: lp['edge_mlp']['W2']),
        'b2e': stk(lambda lp: _rowvec(lp['edge_mlp']['b2'])),
        'ge': stk(lambda lp: _rowvec(lp['edge_mlp']['g'])),
        'be': stk(lambda lp: _rowvec(lp['edge_mlp']['bt'])),
        'Wx': stk(lambda lp: lp['node_mlp']['W1'][:D]),
        'Wa': stk(lambda lp: lp['node_mlp']['W1'][D:]),
        'b1n': stk(lambda lp: _rowvec(lp['node_mlp']['b1'])),
        'W2n': stk(lambda lp: lp['node_mlp']['W2']),
        'b2n': stk(lambda lp: _rowvec(lp['node_mlp']['b2'])),
        'gn': stk(lambda lp: _rowvec(lp['node_mlp']['g'])),
        'bn': stk(lambda lp: _rowvec(lp['node_mlp']['bt'])),
    }

    def body(carry, w):
        x = carry[0]
        e_parts = carry[1:]
        u, v = _tc_uv(x, w['A'], w['B'], w['b1e'])
        gs = [_sc_gather(u, v, src, dst, h) for h in range(NPART)]
        e2 = [_tc_edge(gs[h], e_parts[h], w['C'], w['W2e'], w['b2e'],
                       w['ge'], w['be']) for h in range(NPART)]
        aggs = [_sc_scatter(e2[h], dst, zeros_rows, h)
                for h in range(NPART)]
        x2 = _tc_node(x, aggs, w['Wx'], w['Wa'], w['b1n'],
                      w['W2n'], w['b2n'], w['gn'], w['bn'])
        return (x2, *e2), None

    carry, _ = lax.scan(body, (x, *e_parts), ws)
    x = carry[0]

    dec = p['decoder']
    return _tc_dec(x, dec['W1'], _rowvec(dec['b1']), dec['W2'],
                   _rowvec(dec['b2']))

# --- scband reference (transcript-rebuilt; emitter-appended) ---
"""Pipeline reference for scband-pool-mgn-38345468018705 (READ-ONLY COPY).

The authoritative reference and input builder live on the scoring server;
editing this copy changes nothing except your own understanding.
"""

import jax, jax.numpy as jnp
import numpy as np

N_NODES = 10000
N_EDGES = 320000
IN_NODE = 128
IN_EDGE = 16
OUT_NODE = 4
HID = 128
GDIM = 128
N_LAYERS = 15

def _mlp_params(key, in_d, h, out_d, ln):
    k1, k2 = jax.random.split(key)
    p = {'W1': jax.random.normal(k1, (in_d, h), jnp.float32) / np.sqrt(in_d),
         'b1': jnp.zeros((h,), jnp.float32),
         'W2': jax.random.normal(k2, (h, out_d), jnp.float32) / np.sqrt(h),
         'b2': jnp.zeros((out_d,), jnp.float32)}
    if ln:
        p['g'] = jnp.ones((out_d,), jnp.float32)
        p['bt'] = jnp.zeros((out_d,), jnp.float32)
    return p

def _mlp_apply(p, x):
    h = jax.nn.relu(x @ p['W1'] + p['b1'])
    y = h @ p['W2'] + p['b2']
    if 'g' in p:
        mu = jnp.mean(y, axis=-1, keepdims=True)
        var = jnp.var(y, axis=-1, keepdims=True)
        y = (y - mu) / jnp.sqrt(var + 1e-5) * p['g'] + p['bt']
    return y

def setup_inputs(seed: int = 0):
    key = jax.random.key(seed)
    ks = jax.random.split(key, 8)
    node_attr = jax.random.normal(ks[0], (N_NODES, IN_NODE), jnp.float32)
    edge_attr = jax.random.normal(ks[1], (N_EDGES, IN_EDGE), jnp.float32)
    edge_index = jax.random.randint(ks[2], (2, N_EDGES), 0, N_NODES, jnp.int32)
    params = {
        'global_enc': _mlp_params(ks[3], IN_NODE, GDIM, GDIM, False),
        'node_enc': _mlp_params(ks[4], IN_NODE + GDIM, HID, HID, True),
        'edge_enc': _mlp_params(ks[5], IN_EDGE, HID, HID, True),
        'layers': [{'edge_mlp': _mlp_params(jax.random.fold_in(ks[6], 2 * i), 3 * HID, HID, HID, True),
                    'node_mlp': _mlp_params(jax.random.fold_in(ks[6], 2 * i + 1), 2 * HID, HID, HID, True)}
                   for i in range(N_LAYERS)],
        'decoder': _mlp_params(ks[7], HID, HID, OUT_NODE, False),
    }
    return {'node_attr': node_attr, 'edge_attr': edge_attr, 'edge_index': edge_index, 'params': params}

def _forward(node_attr, edge_attr, params, edge_index):
    # global encoder + mean pool (single graph, batch=None path) + broadcast back
    gf = _mlp_apply(params['global_enc'], node_attr)
    gf = jnp.mean(gf, axis=0, keepdims=True)
    gf = jnp.broadcast_to(gf, (node_attr.shape[0], gf.shape[1]))
    x = jnp.concatenate([node_attr, gf], axis=-1)
    x = _mlp_apply(params['node_enc'], x)
    e = _mlp_apply(params['edge_enc'], edge_attr)
    src = edge_index[0]
    dst = edge_index[1]
    for lp in params['layers']:
        e_in = jnp.concatenate([x[src], x[dst], e], axis=-1)
        e_new = _mlp_apply(lp['edge_mlp'], e_in) + e
        agg = jax.ops.segment_sum(e_new, dst, num_segments=x.shape[0])
        x_new = _mlp_apply(lp['node_mlp'], jnp.concatenate([x, agg], axis=-1)) + x
        x, e = x_new, e_new
    return _mlp_apply(params['decoder'], x)

def reference(node_attr, edge_attr, edge_index, params):
    return _forward(node_attr, edge_attr, params, edge_index)

if __name__ == "__main__":
    import jax
    _d = setup_inputs()
    print(jax.jit(kernel)(*tuple(_d.values())))

</pallas_src>

<mosaic_0001>
#map = affine_map<(d0, d1) -> (0, 0)>
#map1 = affine_map<(d0, d1) -> (0)>
#map2 = affine_map<(d0, d1) -> (0, 0, 0, 0)>
module attributes {stable_mosaic.version = 14 : i64} {
  func.func @scatter(%arg0: i32, %arg1: i32, %arg2: memref<153600x128xf32, #tpu.memory_space<hbm>>, %arg3: memref<320000xi32, #tpu.memory_space<hbm>>, %arg4: memref<625x128xf32, #tpu.memory_space<hbm>>, %arg5: memref<2x16x625x128xf32, #tpu.memory_space<hbm>>, %arg6: memref<10000x128xf32, #tpu.memory_space<vmem_shared>>, %arg7: memref<40x128xf32, #tpu.memory_space<vmem>>, %arg8: memref<40x128xf32, #tpu.memory_space<vmem>>, %arg9: memref<40xi32, #tpu.memory_space<vmem>>, %arg10: memref<40xi32, #tpu.memory_space<vmem>>, %arg11: memref<!tpu.dma_semaphore, #tpu.memory_space<semaphore_mem>>, %arg12: memref<!tpu.dma_semaphore, #tpu.memory_space<semaphore_mem>>) attributes {dimension_semantics = [#tpu.dimension_semantics<core_parallel>, #tpu.dimension_semantics<subcore_parallel>], iteration_bounds = array<i64: 2, 16>, scalar_prefetch = 0 : i64, scratch_operands = 7 : i64, tpu.core_type = #tpu.core_type<sc_vector_subcore>, window_params = [{transform_indices = #map}, {transform_indices = #map1}, {transform_indices = #map}, {transform_indices = #map2}]} {
    %mul3A = arith.constant 2 : i32
    %mul3A_0 = arith.muli %arg1, %mul3A : i32
    %add3A = arith.addi %mul3A_0, %arg0 : i32
    %mul3A_1 = arith.constant 625 : i32
    %mul3A_2 = arith.muli %arg1, %mul3A_1 : i32
    "tpu.region"() ({
      %run_scoped3A = tpu.sem_alloc : memref<!tpu.dma_semaphore, #tpu.memory_space<semaphore_mem>>
      %dma_start3A_49 = arith.constant 0 : i32
      %dma_start3A_50 = tpu.memref_slice %arg6[%mul3A_2, %dma_start3A_49] : memref<10000x128xf32, #tpu.memory_space<vmem_shared>> -> memref<625x128xf32, #tpu.memory_space<vmem_shared>>
      tpu.enqueue_dma source(%arg4 : memref<625x128xf32, #tpu.memory_space<hbm>>) target(%dma_start3A_50 : memref<625x128xf32, #tpu.memory_space<vmem_shared>>) target_semaphore(%run_scoped3A : memref<!tpu.dma_semaphore, #tpu.memory_space<semaphore_mem>>)
      %dma_wait3A_51 = arith.constant 0 : i32
      %dma_wait3A_52 = tpu.memref_slice %arg6[%mul3A_2, %dma_wait3A_51] : memref<10000x128xf32, #tpu.memory_space<vmem_shared>> -> memref<625x128xf32, #tpu.memory_space<vmem_shared>>
      tpu.wait_dma2 semaphore(%run_scoped3A : memref<!tpu.dma_semaphore, #tpu.memory_space<semaphore_mem>>) src(%arg4 : memref<625x128xf32, #tpu.memory_space<hbm>>) dst(%dma_wait3A_52 : memref<625x128xf32, #tpu.memory_space<vmem_shared>>)
      tpu.yield
    }) : () -> ()
    %barrier3A = arith.constant 0 : index
    tpu.barrier barrier_id(%barrier3A)
    %mul3A_3 = arith.constant 4800 : i32
    %mul3A_4 = arith.muli %add3A, %mul3A_3 : i32
    %add3A_5 = arith.constant 0 : i32
    %add3A_6 = arith.addi %mul3A_4, %add3A_5 : i32
    %add3A_7 = arith.constant 0 : i32
    %add3A_8 = arith.addi %add3A_7, %add3A_6 : i32
    %dma_start3A = tpu.memref_slice %arg3[%add3A_8] : memref<320000xi32, #tpu.memory_space<hbm>> -> memref<40xi32, #tpu.memory_space<hbm>>
    %dma_start3A_9 = tpu.memref_slice %arg3[%add3A_8] : memref<320000xi32, #tpu.memory_space<hbm>> -> memref<40xi32, #tpu.memory_space<hbm>>
    tpu.enqueue_dma source(%dma_start3A_9 : memref<40xi32, #tpu.memory_space<hbm>>) target(%arg9 : memref<40xi32, #tpu.memory_space<vmem>>) target_semaphore(%arg11 : memref<!tpu.dma_semaphore, #tpu.memory_space<semaphore_mem>>)
    %dma_start3A_10 = arith.constant 0 : i32
    %dma_start3A_11 = tpu.memref_slice %arg2[%add3A_6, %dma_start3A_10] : memref<153600x128xf32, #tpu.memory_space<hbm>> -> memref<40x128xf32, #tpu.memory_space<hbm>>
    %dma_start3A_12 = arith.constant 0 : i32
    %dma_start3A_13 = tpu.memref_slice %arg2[%add3A_6, %dma_start3A_12] : memref<153600x128xf32, #tpu.memory_space<hbm>> -> memref<40x128xf32, #tpu.memory_space<hbm>>
    tpu.enqueue_dma source(%dma_start3A_13 : memref<40x128xf32, #tpu.memory_space<hbm>>) target(%arg7 : memref<40x128xf32, #tpu.memory_space<vmem>>) target_semaphore(%arg11 : memref<!tpu.dma_semaphore, #tpu.memory_space<semaphore_mem>>)
    %scan3A = arith.constant 0 : i32
    %scan3A_14 = arith.constant 0 : i32
    %scan3A_15 = arith.constant 59 : i32
    %scan3A_16 = arith.addi %scan3A_14, %scan3A_15 : i32
    %scan3A_17 = arith.constant 1 : i32
    scf.for %scan3A_49 = %scan3A_14 to %scan3A_16 step %scan3A_17  : i32 {
      %mul3A_50 = arith.constant 2 : i32
      %mul3A_51 = arith.muli %mul3A_50, %scan3A_49 : i32
      %add3A_52 = arith.constant 1 : i32
      %add3A_53 = arith.addi %mul3A_51, %add3A_52 : i32
      %mul3A_54 = arith.constant 40 : i32
      %mul3A_55 = arith.muli %add3A_53, %mul3A_54 : i32
      %add3A_56 = arith.addi %mul3A_4, %mul3A_55 : i32
      %add3A_57 = arith.constant 0 : i32
      %add3A_58 = arith.addi %add3A_57, %add3A_56 : i32
      %dma_start3A_59 = tpu.memref_slice %arg3[%add3A_58] : memref<320000xi32, #tpu.memory_space<hbm>> -> memref<40xi32, #tpu.memory_space<hbm>>
      %dma_start3A_60 = tpu.memref_slice %arg3[%add3A_58] : memref<320000xi32, #tpu.memory_space<hbm>> -> memref<40xi32, #tpu.memory_space<hbm>>
      tpu.enqueue_dma source(%dma_start3A_60 : memref<40xi32, #tpu.memory_space<hbm>>) target(%arg10 : memref<40xi32, #tpu.memory_space<vmem>>) target_semaphore(%arg12 : memref<!tpu.dma_semaphore, #tpu.memory_space<semaphore_mem>>)
      %dma_start3A_61 = arith.constant 0 : i32
      %dma_start3A_62 = tpu.memref_slice %arg2[%add3A_56, %dma_start3A_61] : memref<153600x128xf32, #tpu.memory_space<hbm>> -> memref<40x128xf32, #tpu.memory_space<hbm>>
      %dma_start3A_63 = arith.constant 0 : i32
      %dma_start3A_64 = tpu.memref_slice %arg2[%add3A_56, %dma_start3A_63] : memref<153600x128xf32, #tpu.memory_space<hbm>> -> memref<40x128xf32, #tpu.memory_space<hbm>>
      tpu.enqueue_dma source(%dma_start3A_64 : memref<40x128xf32, #tpu.memory_space<hbm>>) target(%arg8 : memref<40x128xf32, #tpu.memory_space<vmem>>) target_semaphore(%arg12 : memref<!tpu.dma_semaphore, #tpu.memory_space<semaphore_mem>>)
      %dma_wait3A_65 = arith.constant 0 : i32
      %dma_wait3A_66 = tpu.memref_slice %arg3[%dma_wait3A_65] : memref<320000xi32, #tpu.memory_space<hbm>> -> memref<40xi32, #tpu.memory_space<hbm>>
      %dma_wait3A_67 = arith.constant 0 : i32
      %dma_wait3A_68 = tpu.memref_slice %arg3[%dma_wait3A_67] : memref<320000xi32, #tpu.memory_space<hbm>> -> memref<40xi32, #tpu.memory_space<hbm>>
      tpu.wait_dma2 semaphore(%arg11 : memref<!tpu.dma_semaphore, #tpu.memory_space<semaphore_mem>>) src(%dma_wait3A_68 : memref<40xi32, #tpu.memory_space<hbm>>) dst(%arg9 : memref<40xi32, #tpu.memory_space<vmem>>)
      %dma_wait3A_69 = arith.constant 0 : i32
      %dma_wait3A_70 = arith.constant 0 : i32
      %dma_wait3A_71 = tpu.memref_slice %arg2[%dma_wait3A_69, %dma_wait3A_70] : memref<153600x128xf32, #tpu.memory_space<hbm>> -> memref<40x128xf32, #tpu.memory_space<hbm>>
      %dma_wait3A_72 = arith.constant 0 : i32
      %dma_wait3A_73 = arith.constant 0 : i32
      %dma_wait3A_74 = tpu.memref_slice %arg2[%dma_wait3A_72, %dma_wait3A_73] : memref<153600x128xf32, #tpu.memory_space<hbm>> -> memref<40x128xf32, #tpu.memory_space<hbm>>
      tpu.wait_dma2 semaphore(%arg11 : memref<!tpu.dma_semaphore, #tpu.memory_space<semaphore_mem>>) src(%dma_wait3A_74 : memref<40x128xf32, #tpu.memory_space<hbm>>) dst(%arg7 : memref<40x128xf32, #tpu.memory_space<vmem>>)
      "tpu.region"() ({
        %run_scoped3A = tpu.sem_alloc : memref<!tpu.dma_semaphore, #tpu.memory_space<semaphore_mem>>
        %dma_start3A_100 = arith.constant 0 : i32
        %dma_start3A_101 = arith.constant 0 : i32
        %dma_start3A_102 = tpu.memref_slice %arg6[%dma_start3A_100, %dma_start3A_101] : memref<10000x128xf32, #tpu.memory_space<vmem_shared>> -> memref<10000x128xf32, #tpu.memory_space<vmem_shared>>
        tpu.enqueue_indirect_dma source(%arg7 : memref<40x128xf32, #tpu.memory_space<vmem>>) target(%dma_start3A_102 : memref<10000x128xf32, #tpu.memory_space<vmem_shared>>) offsets(%arg9 : memref<40xi32, #tpu.memory_space<vmem>>) semaphore(%run_scoped3A : memref<!tpu.dma_semaphore, #tpu.memory_space<semaphore_mem>>) {add = true}
        %dma_wait3A_103 = arith.constant 0 : i32
        %dma_wait3A_104 = arith.constant 0 : i32
        %dma_wait3A_105 = tpu.memref_slice %arg6[%dma_wait3A_103, %dma_wait3A_104] : memref<10000x128xf32, #tpu.memory_space<vmem_shared>> -> memref<10000x128xf32, #tpu.memory_space<vmem_shared>>
        tpu.wait_indirect_dma semaphore(%run_scoped3A : memref<!tpu.dma_semaphore, #tpu.memory_space<semaphore_mem>>) src(%arg7 : memref<40x128xf32, #tpu.memory_space<vmem>>) dst(%dma_wait3A_105 : memref<10000x128xf32, #tpu.memory_space<vmem_shared>>)
        tpu.yield
      }) : () -> ()
      %mul3A_75 = arith.constant 2 : i32
      %mul3A_76 = arith.muli %mul3A_75, %scan3A_49 : i32
      %add3A_77 = arith.constant 2 : i32
      %add3A_78 = arith.addi %mul3A_76, %add3A_77 : i32
      %mul3A_79 = arith.constant 40 : i32
      %mul3A_80 = arith.muli %add3A_78, %mul3A_79 : i32
      %add3A_81 = arith.addi %mul3A_4, %mul3A_80 : i32
      %add3A_82 = arith.constant 0 : i32
      %add3A_83 = arith.addi %add3A_82, %add3A_81 : i32
      %dma_start3A_84 = tpu.memref_slice %arg3[%add3A_83] : memref<320000xi32, #tpu.memory_space<hbm>> -> memref<40xi32, #tpu.memory_space<hbm>>
      %dma_start3A_85 = tpu.memref_slice %arg3[%add3A_83] : memref<320000xi32, #tpu.memory_space<hbm>> -> memref<40xi32, #tpu.memory_space<hbm>>
      tpu.enqueue_dma source(%dma_start3A_85 : memref<40xi32, #tpu.memory_space<hbm>>) target(%arg9 : memref<40xi32, #tpu.memory_space<vmem>>) target_semaphore(%arg11 : memref<!tpu.dma_semaphore, #tpu.memory_space<semaphore_mem>>)
      %dma_start3A_86 = arith.constant 0 : i32
      %dma_start3A_87 = tpu.memref_slice %arg2[%add3A_81, %dma_start3A_86] : memref<153600x128xf32, #tpu.memory_space<hbm>> -> memref<40x128xf32, #tpu.memory_space<hbm>>
      %dma_start3A_88 = arith.constant 0 : i32
      %dma_start3A_89 = tpu.memref_slice %arg2[%add3A_81, %dma_start3A_88] : memref<153600x128xf32, #tpu.memory_space<hbm>> -> memref<40x128xf32, #tpu.memory_space<hbm>>
      tpu.enqueue_dma source(%dma_start3A_89 : memref<40x128xf32, #tpu.memory_space<hbm>>) target(%arg7 : memref<40x128xf32, #tpu.memory_space<vmem>>) target_semaphore(%arg11 : memref<!tpu.dma_semaphore, #tpu.memory_space<semaphore_mem>>)
      %dma_wait3A_90 = arith.constant 0 : i32
      %dma_wait3A_91 = tpu.memref_slice %arg3[%dma_wait3A_90] : memref<320000xi32, #tpu.memory_space<hbm>> -> memref<40xi32, #tpu.memory_space<hbm>>
      %dma_wait3A_92 = arith.constant 0 : i32
      %dma_wait3A_93 = tpu.memref_slice %arg3[%dma_wait3A_92] : memref<320000xi32, #tpu.memory_space<hbm>> -> memref<40xi32, #tpu.memory_space<hbm>>
      tpu.wait_dma2 semaphore(%arg12 : memref<!tpu.dma_semaphore, #tpu.memory_space<semaphore_mem>>) src(%dma_wait3A_93 : memref<40xi32, #tpu.memory_space<hbm>>) dst(%arg10 : memref<40xi32, #tpu.memory_space<vmem>>)
      %dma_wait3A_94 = arith.constant 0 : i32
      %dma_wait3A_95 = arith.constant 0 : i32
      %dma_wait3A_96 = tpu.memref_slice %arg2[%dma_wait3A_94, %dma_wait3A_95] : memref<153600x128xf32, #tpu.memory_space<hbm>> -> memref<40x128xf32, #tpu.memory_space<hbm>>
      %dma_wait3A_97 = arith.constant 0 : i32
      %dma_wait3A_98 = arith.constant 0 : i32
      %dma_wait3A_99 = tpu.memref_slice %arg2[%dma_wait3A_97, %dma_wait3A_98] : memref<153600x128xf32, #tpu.memory_space<hbm>> -> memref<40x128xf32, #tpu.memory_space<hbm>>
      tpu.wait_dma2 semaphore(%arg12 : memref<!tpu.dma_semaphore, #tpu.memory_space<semaphore_mem>>) src(%dma_wait3A_99 : memref<40x128xf32, #tpu.memory_space<hbm>>) dst(%arg8 : memref<40x128xf32, #tpu.memory_space<vmem>>)
      "tpu.region"() ({
        %run_scoped3A = tpu.sem_alloc : memref<!tpu.dma_semaphore, #tpu.memory_space<semaphore_mem>>
        %dma_start3A_100 = arith.constant 0 : i32
        %dma_start3A_101 = arith.constant 0 : i32
        %dma_start3A_102 = tpu.memref_slice %arg6[%dma_start3A_100, %dma_start3A_101] : memref<10000x128xf32, #tpu.memory_space<vmem_shared>> -> memref<10000x128xf32, #tpu.memory_space<vmem_shared>>
        tpu.enqueue_indirect_dma source(%arg8 : memref<40x128xf32, #tpu.memory_space<vmem>>) target(%dma_start3A_102 : memref<10000x128xf32, #tpu.memory_space<vmem_shared>>) offsets(%arg10 : memref<40xi32, #tpu.memory_space<vmem>>) semaphore(%run_scoped3A : memref<!tpu.dma_semaphore, #tpu.memory_space<semaphore_mem>>) {add = true}
        %dma_wait3A_103 = arith.constant 0 : i32
        %dma_wait3A_104 = arith.constant 0 : i32
        %dma_wait3A_105 = tpu.memref_slice %arg6[%dma_wait3A_103, %dma_wait3A_104] : memref<10000x128xf32, #tpu.memory_space<vmem_shared>> -> memref<10000x128xf32, #tpu.memory_space<vmem_shared>>
        tpu.wait_indirect_dma semaphore(%run_scoped3A : memref<!tpu.dma_semaphore, #tpu.memory_space<semaphore_mem>>) src(%arg8 : memref<40x128xf32, #tpu.memory_space<vmem>>) dst(%dma_wait3A_105 : memref<10000x128xf32, #tpu.memory_space<vmem_shared>>)
        tpu.yield
      }) : () -> ()
    }
    %scan3A_18 = arith.constant 59 : i32
    %add3A_19 = arith.constant 4760 : i32
    %add3A_20 = arith.addi %mul3A_4, %add3A_19 : i32
    %add3A_21 = arith.constant 0 : i32
    %add3A_22 = arith.addi %add3A_21, %add3A_20 : i32
    %dma_start3A_23 = tpu.memref_slice %arg3[%add3A_22] : memref<320000xi32, #tpu.memory_space<hbm>> -> memref<40xi32, #tpu.memory_space<hbm>>
    %dma_start3A_24 = tpu.memref_slice %arg3[%add3A_22] : memref<320000xi32, #tpu.memory_space<hbm>> -> memref<40xi32, #tpu.memory_space<hbm>>
    tpu.enqueue_dma source(%dma_start3A_24 : memref<40xi32, #tpu.memory_space<hbm>>) target(%arg10 : memref<40xi32, #tpu.memory_space<vmem>>) target_semaphore(%arg12 : memref<!tpu.dma_semaphore, #tpu.memory_space<semaphore_mem>>)
    %dma_start3A_25 = arith.constant 0 : i32
    %dma_start3A_26 = tpu.memref_slice %arg2[%add3A_20, %dma_start3A_25] : memref<153600x128xf32, #tpu.memory_space<hbm>> -> memref<40x128xf32, #tpu.memory_space<hbm>>
    %dma_start3A_27 = arith.constant 0 : i32
    %dma_start3A_28 = tpu.memref_slice %arg2[%add3A_20, %dma_start3A_27] : memref<153600x128xf32, #tpu.memory_space<hbm>> -> memref<40x128xf32, #tpu.memory_space<hbm>>
    tpu.enqueue_dma source(%dma_start3A_28 : memref<40x128xf32, #tpu.memory_space<hbm>>) target(%arg8 : memref<40x128xf32, #tpu.memory_space<vmem>>) target_semaphore(%arg12 : memref<!tpu.dma_semaphore, #tpu.memory_space<semaphore_mem>>)
    %dma_wait3A = arith.constant 0 : i32
    %dma_wait3A_29 = tpu.memref_slice %arg3[%dma_wait3A] : memref<320000xi32, #tpu.memory_space<hbm>> -> memref<40xi32, #tpu.memory_space<hbm>>
    %dma_wait3A_30 = arith.constant 0 : i32
    %dma_wait3A_31 = tpu.memref_slice %arg3[%dma_wait3A_30] : memref<320000xi32, #tpu.memory_space<hbm>> -> memref<40xi32, #tpu.memory_space<hbm>>
    tpu.wait_dma2 semaphore(%arg11 : memref<!tpu.dma_semaphore, #tpu.memory_space<semaphore_mem>>) src(%dma_wait3A_31 : memref<40xi32, #tpu.memory_space<hbm>>) dst(%arg9 : memref<40xi32, #tpu.memory_space<vmem>>)
    %dma_wait3A_32 = arith.constant 0 : i32
    %dma_wait3A_33 = arith.constant 0 : i32
    %dma_wait3A_34 = tpu.memref_slice %arg2[%dma_wait3A_32, %dma_wait3A_33] : memref<153600x128xf32, #tpu.memory_space<hbm>> -> memref<40x128xf32, #tpu.memory_space<hbm>>
    %dma_wait3A_35 = arith.constant 0 : i32
    %dma_wait3A_36 = arith.constant 0 : i32
    %dma_wait3A_37 = tpu.memref_slice %arg2[%dma_wait3A_35, %dma_wait3A_36] : memref<153600x128xf32, #tpu.memory_space<hbm>> -> memref<40x128xf32, #tpu.memory_space<hbm>>
    tpu.wait_dma2 semaphore(%arg11 : memref<!tpu.dma_semaphore, #tpu.memory_space<semaphore_mem>>) src(%dma_wait3A_37 : memref<40x128xf32, #tpu.memory_space<hbm>>) dst(%arg7 : memref<40x128xf32, #tpu.memory_space<vmem>>)
    "tpu.region"() ({
      %run_scoped3A = tpu.sem_alloc : memref<!tpu.dma_semaphore, #tpu.memory_space<semaphore_mem>>
      %dma_start3A_49 = arith.constant 0 : i32
      %dma_start3A_50 = arith.constant 0 : i32
      %dma_start3A_51 = tpu.memref_slice %arg6[%dma_start3A_49, %dma_start3A_50] : memref<10000x128xf32, #tpu.memory_space<vmem_shared>> -> memref<10000x128xf32, #tpu.memory_space<vmem_shared>>
      tpu.enqueue_indirect_dma source(%arg7 : memref<40x128xf32, #tpu.memory_space<vmem>>) target(%dma_start3A_51 : memref<10000x128xf32, #tpu.memory_space<vmem_shared>>) offsets(%arg9 : memref<40xi32, #tpu.memory_space<vmem>>) semaphore(%run_scoped3A : memref<!tpu.dma_semaphore, #tpu.memory_space<semaphore_mem>>) {add = true}
      %dma_wait3A_52 = arith.constant 0 : i32
      %dma_wait3A_53 = arith.constant 0 : i32
      %dma_wait3A_54 = tpu.memref_slice %arg6[%dma_wait3A_52, %dma_wait3A_53] : memref<10000x128xf32, #tpu.memory_space<vmem_shared>> -> memref<10000x128xf32, #tpu.memory_space<vmem_shared>>
      tpu.wait_indirect_dma semaphore(%run_scoped3A : memref<!tpu.dma_semaphore, #tpu.memory_space<semaphore_mem>>) src(%arg7 : memref<40x128xf32, #tpu.memory_space<vmem>>) dst(%dma_wait3A_54 : memref<10000x128xf32, #tpu.memory_space<vmem_shared>>)
      tpu.yield
    }) : () -> ()
    %dma_wait3A_38 = arith.constant 0 : i32
    %dma_wait3A_39 = tpu.memref_slice %arg3[%dma_wait3A_38] : memref<320000xi32, #tpu.memory_space<hbm>> -> memref<40xi32, #tpu.memory_space<hbm>>
    %dma_wait3A_40 = arith.constant 0 : i32
    %dma_wait3A_41 = tpu.memref_slice %arg3[%dma_wait3A_40] : memref<320000xi32, #tpu.memory_space<hbm>> -> memref<40xi32, #tpu.memory_space<hbm>>
    tpu.wait_dma2 semaphore(%arg12 : memref<!tpu.dma_semaphore, #tpu.memory_space<semaphore_mem>>) src(%dma_wait3A_41 : memref<40xi32, #tpu.memory_space<hbm>>) dst(%arg10 : memref<40xi32, #tpu.memory_space<vmem>>)
    %dma_wait3A_42 = arith.constant 0 : i32
    %dma_wait3A_43 = arith.constant 0 : i32
    %dma_wait3A_44 = tpu.memref_slice %arg2[%dma_wait3A_42, %dma_wait3A_43] : memref<153600x128xf32, #tpu.memory_space<hbm>> -> memref<40x128xf32, #tpu.memory_space<hbm>>
    %dma_wait3A_45 = arith.constant 0 : i32
    %dma_wait3A_46 = arith.constant 0 : i32
    %dma_wait3A_47 = tpu.memref_slice %arg2[%dma_wait3A_45, %dma_wait3A_46] : memref<153600x128xf32, #tpu.memory_space<hbm>> -> memref<40x128xf32, #tpu.memory_space<hbm>>
    tpu.wait_dma2 semaphore(%arg12 : memref<!tpu.dma_semaphore, #tpu.memory_space<semaphore_mem>>) src(%dma_wait3A_47 : memref<40x128xf32, #tpu.memory_space<hbm>>) dst(%arg8 : memref<40x128xf32, #tpu.memory_space<vmem>>)
    "tpu.region"() ({
      %run_scoped3A = tpu.sem_alloc : memref<!tpu.dma_semaphore, #tpu.memory_space<semaphore_mem>>
      %dma_start3A_49 = arith.constant 0 : i32
      %dma_start3A_50 = arith.constant 0 : i32
      %dma_start3A_51 = tpu.memref_slice %arg6[%dma_start3A_49, %dma_start3A_50] : memref<10000x128xf32, #tpu.memory_space<vmem_shared>> -> memref<10000x128xf32, #tpu.memory_space<vmem_shared>>
      tpu.enqueue_indirect_dma source(%arg8 : memref<40x128xf32, #tpu.memory_space<vmem>>) target(%dma_start3A_51 : memref<10000x128xf32, #tpu.memory_space<vmem_shared>>) offsets(%arg10 : memref<40xi32, #tpu.memory_space<vmem>>) semaphore(%run_scoped3A : memref<!tpu.dma_semaphore, #tpu.memory_space<semaphore_mem>>) {add = true}
      %dma_wait3A_52 = arith.constant 0 : i32
      %dma_wait3A_53 = arith.constant 0 : i32
      %dma_wait3A_54 = tpu.memref_slice %arg6[%dma_wait3A_52, %dma_wait3A_53] : memref<10000x128xf32, #tpu.memory_space<vmem_shared>> -> memref<10000x128xf32, #tpu.memory_space<vmem_shared>>
      tpu.wait_indirect_dma semaphore(%run_scoped3A : memref<!tpu.dma_semaphore, #tpu.memory_space<semaphore_mem>>) src(%arg8 : memref<40x128xf32, #tpu.memory_space<vmem>>) dst(%dma_wait3A_54 : memref<10000x128xf32, #tpu.memory_space<vmem_shared>>)
      tpu.yield
    }) : () -> ()
    %barrier3A_48 = arith.constant 0 : index
    tpu.barrier barrier_id(%barrier3A_48)
    "tpu.region"() ({
      %run_scoped3A = tpu.sem_alloc : memref<!tpu.dma_semaphore, #tpu.memory_space<semaphore_mem>>
      %dma_start3A_49 = arith.constant 0 : i32
      %dma_start3A_50 = arith.constant 0 : i32
      %dma_start3A_51 = tpu.memref_slice %arg5[%arg0, %arg1, %dma_start3A_49, %dma_start3A_50] : memref<2x16x625x128xf32, #tpu.memory_space<hbm>> -> memref<1x1x625x128xf32, #tpu.memory_space<hbm>>
      %dma_start3A_52 = tpu.memref_squeeze %dma_start3A_51 : memref<1x1x625x128xf32, #tpu.memory_space<hbm>> -> memref<625x128xf32, #tpu.memory_space<hbm>>
      %dma_start3A_53 = arith.constant 0 : i32
      %dma_start3A_54 = tpu.memref_slice %arg6[%mul3A_2, %dma_start3A_53] : memref<10000x128xf32, #tpu.memory_space<vmem_shared>> -> memref<625x128xf32, #tpu.memory_space<vmem_shared>>
      tpu.enqueue_dma source(%dma_start3A_54 : memref<625x128xf32, #tpu.memory_space<vmem_shared>>) target(%dma_start3A_52 : memref<625x128xf32, #tpu.memory_space<hbm>>) target_semaphore(%run_scoped3A : memref<!tpu.dma_semaphore, #tpu.memory_space<semaphore_mem>>)
      %dma_wait3A_55 = arith.constant 0 : i32
      %dma_wait3A_56 = arith.constant 0 : i32
      %dma_wait3A_57 = tpu.memref_slice %arg5[%arg0, %arg1, %dma_wait3A_55, %dma_wait3A_56] : memref<2x16x625x128xf32, #tpu.memory_space<hbm>> -> memref<1x1x625x128xf32, #tpu.memory_space<hbm>>
      %dma_wait3A_58 = tpu.memref_squeeze %dma_wait3A_57 : memref<1x1x625x128xf32, #tpu.memory_space<hbm>> -> memref<625x128xf32, #tpu.memory_space<hbm>>
      %dma_wait3A_59 = arith.constant 0 : i32
      %dma_wait3A_60 = tpu.memref_slice %arg6[%mul3A_2, %dma_wait3A_59] : memref<10000x128xf32, #tpu.memory_space<vmem_shared>> -> memref<625x128xf32, #tpu.memory_space<vmem_shared>>
      tpu.wait_dma2 semaphore(%run_scoped3A : memref<!tpu.dma_semaphore, #tpu.memory_space<semaphore_mem>>) src(%dma_wait3A_60 : memref<625x128xf32, #tpu.memory_space<vmem_shared>>) dst(%dma_wait3A_58 : memref<625x128xf32, #tpu.memory_space<hbm>>)
      tpu.yield
    }) : () -> ()
    return
  }
}

#map = affine_map<(d0, d1) -> (0, 0)>
#map1 = affine_map<(d0, d1) -> (0)>
module attributes {stable_mosaic.version = 14 : i64} {
  func.func @gather(%arg0: i32, %arg1: i32, %arg2: memref<10000x128xf32, #tpu.memory_space<hbm>>, %arg3: memref<10000x128xf32, #tpu.memory_space<hbm>>, %arg4: memref<320000xi32, #tpu.memory_space<hbm>>, %arg5: memref<320000xi32, #tpu.memory_space<hbm>>, %arg6: memref<166400x128xf32, #tpu.memory_space<hbm>>, %arg7: memref<200xi32, #tpu.memory_space<vmem>>, %arg8: memref<200xi32, #tpu.memory_space<vmem>>, %arg9: memref<200xi32, #tpu.memory_space<vmem>>, %arg10: memref<200xi32, #tpu.memory_space<vmem>>, %arg11: memref<200x128xf32, #tpu.memory_space<vmem>>, %arg12: memref<200x128xf32, #tpu.memory_space<vmem>>, %arg13: memref<200x128xf32, #tpu.memory_space<vmem>>, %arg14: memref<200x128xf32, #tpu.memory_space<vmem>>, %arg15: memref<!tpu.dma_semaphore, #tpu.memory_space<semaphore_mem>>, %arg16: memref<!tpu.dma_semaphore, #tpu.memory_space<semaphore_mem>>, %arg17: memref<!tpu.dma_semaphore, #tpu.memory_space<semaphore_mem>>, %arg18: memref<!tpu.dma_semaphore, #tpu.memory_space<semaphore_mem>>) attributes {dimension_semantics = [#tpu.dimension_semantics<core_parallel>, #tpu.dimension_semantics<subcore_parallel>], iteration_bounds = array<i64: 2, 16>, scalar_prefetch = 0 : i64, scratch_operands = 12 : i64, tpu.core_type = #tpu.core_type<sc_vector_subcore>, window_params = [{transform_indices = #map}, {transform_indices = #map}, {transform_indices = #map1}, {transform_indices = #map1}, {transform_indices = #map}]} {
    %mul3A = arith.constant 2 : i32
    %mul3A_0 = arith.muli %arg1, %mul3A : i32
    %add3A = arith.addi %mul3A_0, %arg0 : i32
    %mul3A_1 = arith.constant 5200 : i32
    %mul3A_2 = arith.muli %add3A, %mul3A_1 : i32
    %add3A_3 = arith.constant 0 : i32
    %add3A_4 = arith.addi %mul3A_2, %add3A_3 : i32
    %add3A_5 = arith.constant 153600 : i32
    %add3A_6 = arith.addi %add3A_5, %add3A_4 : i32
    "tpu.region"() ({
      %run_scoped3A = tpu.sem_alloc : memref<!tpu.dma_semaphore, #tpu.memory_space<semaphore_mem>>
      %dma_start3A_90 = tpu.memref_slice %arg4[%add3A_6] : memref<320000xi32, #tpu.memory_space<hbm>> -> memref<200xi32, #tpu.memory_space<hbm>>
      %dma_start3A_91 = tpu.memref_slice %arg4[%add3A_6] : memref<320000xi32, #tpu.memory_space<hbm>> -> memref<200xi32, #tpu.memory_space<hbm>>
      tpu.enqueue_dma source(%dma_start3A_91 : memref<200xi32, #tpu.memory_space<hbm>>) target(%arg7 : memref<200xi32, #tpu.memory_space<vmem>>) target_semaphore(%run_scoped3A : memref<!tpu.dma_semaphore, #tpu.memory_space<semaphore_mem>>)
      %dma_wait3A_92 = tpu.memref_slice %arg4[%add3A_6] : memref<320000xi32, #tpu.memory_space<hbm>> -> memref<200xi32, #tpu.memory_space<hbm>>
      %dma_wait3A_93 = tpu.memref_slice %arg4[%add3A_6] : memref<320000xi32, #tpu.memory_space<hbm>> -> memref<200xi32, #tpu.memory_space<hbm>>
      tpu.wait_dma2 semaphore(%run_scoped3A : memref<!tpu.dma_semaphore, #tpu.memory_space<semaphore_mem>>) src(%dma_wait3A_93 : memref<200xi32, #tpu.memory_space<hbm>>) dst(%arg7 : memref<200xi32, #tpu.memory_space<vmem>>)
      tpu.yield
    }) : () -> ()
    %add3A_7 = arith.constant 153600 : i32
    %add3A_8 = arith.addi %add3A_7, %add3A_4 : i32
    "tpu.region"() ({
      %run_scoped3A = tpu.sem_alloc : memref<!tpu.dma_semaphore, #tpu.memory_space<semaphore_mem>>
      %dma_start3A_90 = tpu.memref_slice %arg5[%add3A_8] : memref<320000xi32, #tpu.memory_space<hbm>> -> memref<200xi32, #tpu.memory_space<hbm>>
      %dma_start3A_91 = tpu.memref_slice %arg5[%add3A_8] : memref<320000xi32, #tpu.memory_space<hbm>> -> memref<200xi32, #tpu.memory_space<hbm>>
      tpu.enqueue_dma source(%dma_start3A_91 : memref<200xi32, #tpu.memory_space<hbm>>) target(%arg9 : memref<200xi32, #tpu.memory_space<vmem>>) target_semaphore(%run_scoped3A : memref<!tpu.dma_semaphore, #tpu.memory_space<semaphore_mem>>)
      %dma_wait3A_92 = tpu.memref_slice %arg5[%add3A_8] : memref<320000xi32, #tpu.memory_space<hbm>> -> memref<200xi32, #tpu.memory_space<hbm>>
      %dma_wait3A_93 = tpu.memref_slice %arg5[%add3A_8] : memref<320000xi32, #tpu.memory_space<hbm>> -> memref<200xi32, #tpu.memory_space<hbm>>
      tpu.wait_dma2 semaphore(%run_scoped3A : memref<!tpu.dma_semaphore, #tpu.memory_space<semaphore_mem>>) src(%dma_wait3A_93 : memref<200xi32, #tpu.memory_space<hbm>>) dst(%arg9 : memref<200xi32, #tpu.memory_space<vmem>>)
      tpu.yield
    }) : () -> ()
    %dma_start3A = arith.constant 0 : i32
    %dma_start3A_9 = arith.constant 0 : i32
    %dma_start3A_10 = tpu.memref_slice %arg2[%dma_start3A, %dma_start3A_9] : memref<10000x128xf32, #tpu.memory_space<hbm>> -> memref<10000x128xf32, #tpu.memory_space<hbm>>
    tpu.enqueue_indirect_dma source(%dma_start3A_10 : memref<10000x128xf32, #tpu.memory_space<hbm>>) target(%arg11 : memref<200x128xf32, #tpu.memory_space<vmem>>) offsets(%arg7 : memref<200xi32, #tpu.memory_space<vmem>>) semaphore(%arg15 : memref<!tpu.dma_semaphore, #tpu.memory_space<semaphore_mem>>)
    %dma_start3A_11 = arith.constant 0 : i32
    %dma_start3A_12 = arith.constant 0 : i32
    %dma_start3A_13 = tpu.memref_slice %arg3[%dma_start3A_11, %dma_start3A_12] : memref<10000x128xf32, #tpu.memory_space<hbm>> -> memref<10000x128xf32, #tpu.memory_space<hbm>>
    tpu.enqueue_indirect_dma source(%dma_start3A_13 : memref<10000x128xf32, #tpu.memory_space<hbm>>) target(%arg13 : memref<200x128xf32, #tpu.memory_space<vmem>>) offsets(%arg9 : memref<200xi32, #tpu.memory_space<vmem>>) semaphore(%arg15 : memref<!tpu.dma_semaphore, #tpu.memory_space<semaphore_mem>>)
    %dma_wait3A = arith.constant 0 : i32
    %dma_wait3A_14 = arith.constant 0 : i32
    %dma_wait3A_15 = tpu.memref_slice %arg6[%dma_wait3A, %dma_wait3A_14] : memref<166400x128xf32, #tpu.memory_space<hbm>> -> memref<200x128xf32, #tpu.memory_space<hbm>>
    %dma_wait3A_16 = arith.constant 0 : i32
    %dma_wait3A_17 = arith.constant 0 : i32
    %dma_wait3A_18 = tpu.memref_slice %arg6[%dma_wait3A_16, %dma_wait3A_17] : memref<166400x128xf32, #tpu.memory_space<hbm>> -> memref<200x128xf32, #tpu.memory_space<hbm>>
    tpu.wait_dma2 semaphore(%arg15 : memref<!tpu.dma_semaphore, #tpu.memory_space<semaphore_mem>>) src(%dma_wait3A_18 : memref<200x128xf32, #tpu.memory_space<hbm>>) dst(%arg11 : memref<200x128xf32, #tpu.memory_space<vmem>>)
    %dma_wait3A_19 = arith.constant 0 : i32
    %dma_wait3A_20 = arith.constant 0 : i32
    %dma_wait3A_21 = tpu.memref_slice %arg6[%dma_wait3A_19, %dma_wait3A_20] : memref<166400x128xf32, #tpu.memory_space<hbm>> -> memref<200x128xf32, #tpu.memory_space<hbm>>
    %dma_wait3A_22 = arith.constant 0 : i32
    %dma_wait3A_23 = arith.constant 0 : i32
    %dma_wait3A_24 = tpu.memref_slice %arg6[%dma_wait3A_22, %dma_wait3A_23] : memref<166400x128xf32, #tpu.memory_space<hbm>> -> memref<200x128xf32, #tpu.memory_space<hbm>>
    tpu.wait_dma2 semaphore(%arg15 : memref<!tpu.dma_semaphore, #tpu.memory_space<semaphore_mem>>) src(%dma_wait3A_24 : memref<200x128xf32, #tpu.memory_space<hbm>>) dst(%arg13 : memref<200x128xf32, #tpu.memory_space<vmem>>)
    %scan3A = arith.constant 0 : i32
    %scan3A_25 = arith.constant 0 : i32
    %scan3A_26 = arith.constant 200 : i32
    %scan3A_27 = arith.addi %scan3A_25, %scan3A_26 : i32
    %scan3A_28 = arith.constant 1 : i32
    scf.for %scan3A_90 = %scan3A_25 to %scan3A_27 step %scan3A_28  : i32 {
      %get3A = arith.index_cast %scan3A_90 : i32 to index
      %get3A_91 = arith.constant 0 : index
      %get3A_92 = tpu.vector_load %arg11[%get3A, %get3A_91] {strides = array<i32>} : memref<200x128xf32, #tpu.memory_space<vmem>>, vector<1x16xf32>,
      %get3A_93 = vector.shape_cast %get3A_92 : vector<1x16xf32> to vector<16xf32>
      %get3A_94 = arith.index_cast %scan3A_90 : i32 to index
      %get3A_95 = arith.constant 0 : index
      %get3A_96 = tpu.vector_load %arg13[%get3A_94, %get3A_95] {strides = array<i32>} : memref<200x128xf32, #tpu.memory_space<vmem>>, vector<1x16xf32>,
      %get3A_97 = vector.shape_cast %get3A_96 : vector<1x16xf32> to vector<16xf32>
      %add3A_98 = arith.addf %get3A_93, %get3A_97 : vector<16xf32>
      %swap3A = arith.index_cast %scan3A_90 : i32 to index
      %swap3A_99 = arith.constant 0 : index
      %swap3A_100 = tpu.vector_load %arg11[%swap3A, %swap3A_99] {strides = array<i32>} : memref<200x128xf32, #tpu.memory_space<vmem>>, vector<1x16xf32>,
      %swap3A_101 = vector.shape_cast %swap3A_100 : vector<1x16xf32> to vector<16xf32>
      %swap3A_102 = vector.shape_cast %add3A_98 : vector<16xf32> to vector<1x16xf32>
      tpu.vector_store %arg11[%swap3A, %swap3A_99], %swap3A_102 {strides = array<i32>} : memref<200x128xf32, #tpu.memory_space<vmem>>, vector<1x16xf32>,
      %get3A_103 = arith.index_cast %scan3A_90 : i32 to index
      %get3A_104 = arith.constant 16 : index
      %get3A_105 = tpu.vector_load %arg11[%get3A_103, %get3A_104] {strides = array<i32>} : memref<200x128xf32, #tpu.memory_space<vmem>>, vector<1x16xf32>,
      %get3A_106 = vector.shape_cast %get3A_105 : vector<1x16xf32> to vector<16xf32>
      %get3A_107 = arith.index_cast %scan3A_90 : i32 to index
      %get3A_108 = arith.constant 16 : index
      %get3A_109 = tpu.vector_load %arg13[%get3A_107, %get3A_108] {strides = array<i32>} : memref<200x128xf32, #tpu.memory_space<vmem>>, vector<1x16xf32>,
      %get3A_110 = vector.shape_cast %get3A_109 : vector<1x16xf32> to vector<16xf32>
      %add3A_111 = arith.addf %get3A_106, %get3A_110 : vector<16xf32>
      %swap3A_112 = arith.index_cast %scan3A_90 : i32 to index
      %swap3A_113 = arith.constant 16 : index
      %swap3A_114 = tpu.vector_load %arg11[%swap3A_112, %swap3A_113] {strides = array<i32>} : memref<200x128xf32, #tpu.memory_space<vmem>>, vector<1x16xf32>,
      %swap3A_115 = vector.shape_cast %swap3A_114 : vector<1x16xf32> to vector<16xf32>
      %swap3A_116 = vector.shape_cast %add3A_111 : vector<16xf32> to vector<1x16xf32>
      tpu.vector_store %arg11[%swap3A_112, %swap3A_113], %swap3A_116 {strides = array<i32>} : memref<200x128xf32, #tpu.memory_space<vmem>>, vector<1x16xf32>,
      %get3A_117 = arith.index_cast %scan3A_90 : i32 to index
      %get3A_118 = arith.constant 32 : index
      %get3A_119 = tpu.vector_load %arg11[%get3A_117, %get3A_118] {strides = array<i32>} : memref<200x128xf32, #tpu.memory_space<vmem>>, vector<1x16xf32>,
      %get3A_120 = vector.shape_cast %get3A_119 : vector<1x16xf32> to vector<16xf32>
      %get3A_121 = arith.index_cast %scan3A_90 : i32 to index
      %get3A_122 = arith.constant 32 : index
      %get3A_123 = tpu.vector_load %arg13[%get3A_121, %get3A_122] {strides = array<i32>} : memref<200x128xf32, #tpu.memory_space<vmem>>, vector<1x16xf32>,
      %get3A_124 = vector.shape_cast %get3A_123 : vector<1x16xf32> to vector<16xf32>
      %add3A_125 = arith.addf %get3A_120, %get3A_124 : vector<16xf32>
      %swap3A_126 = arith.index_cast %scan3A_90 : i32 to index
      %swap3A_127 = arith.constant 32 : index
      %swap3A_128 = tpu.vector_load %arg11[%swap3A_126, %swap3A_127] {strides = array<i32>} : memref<200x128xf32, #tpu.memory_space<vmem>>, vector<1x16xf32>,
      %swap3A_129 = vector.shape_cast %swap3A_128 : vector<1x16xf32> to vector<16xf32>
      %swap3A_130 = vector.shape_cast %add3A_125 : vector<16xf32> to vector<1x16xf32>
      tpu.vector_store %arg11[%swap3A_126, %swap3A_127], %swap3A_130 {strides = array<i32>} : memref<200x128xf32, #tpu.memory_space<vmem>>, vector<1x16xf32>,
      %get3A_131 = arith.index_cast %scan3A_90 : i32 to index
      %get3A_132 = arith.constant 48 : index
      %get3A_133 = tpu.vector_load %arg11[%get3A_131, %get3A_132] {strides = array<i32>} : memref<200x128xf32, #tpu.memory_space<vmem>>, vector<1x16xf32>,
      %get3A_134 = vector.shape_cast %get3A_133 : vector<1x16xf32> to vector<16xf32>
      %get3A_135 = arith.index_cast %scan3A_90 : i32 to index
      %get3A_136 = arith.constant 48 : index
      %get3A_137 = tpu.vector_load %arg13[%get3A_135, %get3A_136] {strides = array<i32>} : memref<200x128xf32, #tpu.memory_space<vmem>>, vector<1x16xf32>,
      %get3A_138 = vector.shape_cast %get3A_137 : vector<1x16xf32> to vector<16xf32>
      %add3A_139 = arith.addf %get3A_134, %get3A_138 : vector<16xf32>
      %swap3A_140 = arith.index_cast %scan3A_90 : i32 to index
      %swap3A_141 = arith.constant 48 : index
      %swap3A_142 = tpu.vector_load %arg11[%swap3A_140, %swap3A_141] {strides = array<i32>} : memref<200x128xf32, #tpu.memory_space<vmem>>, vector<1x16xf32>,
      %swap3A_143 = vector.shape_cast %swap3A_142 : vector<1x16xf32> to vector<16xf32>
      %swap3A_144 = vector.shape_cast %add3A_139 : vector<16xf32> to vector<1x16xf32>
      tpu.vector_store %arg11[%swap3A_140, %swap3A_141], %swap3A_144 {strides = array<i32>} : memref<200x128xf32, #tpu.memory_space<vmem>>, vector<1x16xf32>,
      %get3A_145 = arith.index_cast %scan3A_90 : i32 to index
      %get3A_146 = arith.constant 64 : index
      %get3A_147 = tpu.vector_load %arg11[%get3A_145, %get3A_146] {strides = array<i32>} : memref<200x128xf32, #tpu.memory_space<vmem>>, vector<1x16xf32>,
      %get3A_148 = vector.shape_cast %get3A_147 : vector<1x16xf32> to vector<16xf32>
      %get3A_149 = arith.index_cast %scan3A_90 : i32 to index
      %get3A_150 = arith.constant 64 : index
      %get3A_151 = tpu.vector_load %arg13[%get3A_149, %get3A_150] {strides = array<i32>} : memref<200x128xf32, #tpu.memory_space<vmem>>, vector<1x16xf32>,
      %get3A_152 = vector.shape_cast %get3A_151 : vector<1x16xf32> to vector<16xf32>
      %add3A_153 = arith.addf %get3A_148, %get3A_152 : vector<16xf32>
      %swap3A_154 = arith.index_cast %scan3A_90 : i32 to index
      %swap3A_155 = arith.constant 64 : index
      %swap3A_156 = tpu.vector_load %arg11[%swap3A_154, %swap3A_155] {strides = array<i32>} : memref<200x128xf32, #tpu.memory_space<vmem>>, vector<1x16xf32>,
      %swap3A_157 = vector.shape_cast %swap3A_156 : vector<1x16xf32> to vector<16xf32>
      %swap3A_158 = vector.shape_cast %add3A_153 : vector<16xf32> to vector<1x16xf32>
      tpu.vector_store %arg11[%swap3A_154, %swap3A_155], %swap3A_158 {strides = array<i32>} : memref<200x128xf32, #tpu.memory_space<vmem>>, vector<1x16xf32>,
      %get3A_159 = arith.index_cast %scan3A_90 : i32 to index
      %get3A_160 = arith.constant 80 : index
      %get3A_161 = tpu.vector_load %arg11[%get3A_159, %get3A_160] {strides = array<i32>} : memref<200x128xf32, #tpu.memory_space<vmem>>, vector<1x16xf32>,
      %get3A_162 = vector.shape_cast %get3A_161 : vector<1x16xf32> to vector<16xf32>
      %get3A_163 = arith.index_cast %scan3A_90 : i32 to index
      %get3A_164 = arith.constant 80 : index
      %get3A_165 = tpu.vector_load %arg13[%get3A_163, %get3A_164] {strides = array<i32>} : memref<200x128xf32, #tpu.memory_space<vmem>>, vector<1x16xf32>,
      %get3A_166 = vector.shape_cast %get3A_165 : vector<1x16xf32> to vector<16xf32>
      %add3A_167 = arith.addf %get3A_162, %get3A_166 : vector<16xf32>
      %swap3A_168 = arith.index_cast %scan3A_90 : i32 to index
      %swap3A_169 = arith.constant 80 : index
      %swap3A_170 = tpu.vector_load %arg11[%swap3A_168, %swap3A_169] {strides = array<i32>} : memref<200x128xf32, #tpu.memory_space<vmem>>, vector<1x16xf32>,
      %swap3A_171 = vector.shape_cast %swap3A_170 : vector<1x16xf32> to vector<16xf32>
      %swap3A_172 = vector.shape_cast %add3A_167 : vector<16xf32> to vector<1x16xf32>
      tpu.vector_store %arg11[%swap3A_168, %swap3A_169], %swap3A_172 {strides = array<i32>} : memref<200x128xf32, #tpu.memory_space<vmem>>, vector<1x16xf32>,
      %get3A_173 = arith.index_cast %scan3A_90 : i32 to index
      %get3A_174 = arith.constant 96 : index
      %get3A_175 = tpu.vector_load %arg11[%get3A_173, %get3A_174] {strides = array<i32>} : memref<200x128xf32, #tpu.memory_space<vmem>>, vector<1x16xf32>,
      %get3A_176 = vector.shape_cast %get3A_175 : vector<1x16xf32> to vector<16xf32>
      %get3A_177 = arith.index_cast %scan3A_90 : i32 to index
      %get3A_178 = arith.constant 96 : index
      %get3A_179 = tpu.vector_load %arg13[%get3A_177, %get3A_178] {strides = array<i32>} : memref<200x128xf32, #tpu.memory_space<vmem>>, vector<1x16xf32>,
      %get3A_180 = vector.shape_cast %get3A_179 : vector<1x16xf32> to vector<16xf32>
      %add3A_181 = arith.addf %get3A_176, %get3A_180 : vector<16xf32>
      %swap3A_182 = arith.index_cast %scan3A_90 : i32 to index
      %swap3A_183 = arith.constant 96 : index
      %swap3A_184 = tpu.vector_load %arg11[%swap3A_182, %swap3A_183] {strides = array<i32>} : memref<200x128xf32, #tpu.memory_space<vmem>>, vector<1x16xf32>,
      %swap3A_185 = vector.shape_cast %swap3A_184 : vector<1x16xf32> to vector<16xf32>
      %swap3A_186 = vector.shape_cast %add3A_181 : vector<16xf32> to vector<1x16xf32>
      tpu.vector_store %arg11[%swap3A_182, %swap3A_183], %swap3A_186 {strides = array<i32>} : memref<200x128xf32, #tpu.memory_space<vmem>>, vector<1x16xf32>,
      %get3A_187 = arith.index_cast %scan3A_90 : i32 to index
      %get3A_188 = arith.constant 112 : index
      %get3A_189 = tpu.vector_load %arg11[%get3A_187, %get3A_188] {strides = array<i32>} : memref<200x128xf32, #tpu.memory_space<vmem>>, vector<1x16xf32>,
      %get3A_190 = vector.shape_cast %get3A_189 : vector<1x16xf32> to vector<16xf32>
      %get3A_191 = arith.index_cast %scan3A_90 : i32 to index
      %get3A_192 = arith.constant 112 : index
      %get3A_193 = tpu.vector_load %arg13[%get3A_191, %get3A_192] {strides = array<i32>} : memref<200x128xf32, #tpu.memory_space<vmem>>, vector<1x16xf32>,
      %get3A_194 = vector.shape_cast %get3A_193 : vector<1x16xf32> to vector<16xf32>
      %add3A_195 = arith.addf %get3A_190, %get3A_194 : vector<16xf32>
      %swap3A_196 = arith.index_cast %scan3A_90 : i32 to index
      %swap3A_197 = arith.constant 112 : index
      %swap3A_198 = tpu.vector_load %arg11[%swap3A_196, %swap3A_197] {strides = array<i32>} : memref<200x128xf32, #tpu.memory_space<vmem>>, vector<1x16xf32>,
      %swap3A_199 = vector.shape_cast %swap3A_198 : vector<1x16xf32> to vector<16xf32>
      %swap3A_200 = vector.shape_cast %add3A_195 : vector<16xf32> to vector<1x16xf32>
      tpu.vector_store %arg11[%swap3A_196, %swap3A_197], %swap3A_200 {strides = array<i32>} : memref<200x128xf32, #tpu.memory_space<vmem>>, vector<1x16xf32>,
    }
    %scan3A_29 = arith.constant 200 : i32
    %add3A_30 = arith.constant 0 : i32
    %add3A_31 = arith.addi %mul3A_2, %add3A_30 : i32
    %dma_start3A_32 = arith.constant 0 : i32
    %dma_start3A_33 = tpu.memref_slice %arg6[%add3A_31, %dma_start3A_32] : memref<166400x128xf32, #tpu.memory_space<hbm>> -> memref<200x128xf32, #tpu.memory_space<hbm>>
    %dma_start3A_34 = arith.constant 0 : i32
    %dma_start3A_35 = tpu.memref_slice %arg6[%add3A_31, %dma_start3A_34] : memref<166400x128xf32, #tpu.memory_space<hbm>> -> memref<200x128xf32, #tpu.memory_space<hbm>>
    tpu.enqueue_dma source(%arg11 : memref<200x128xf32, #tpu.memory_space<vmem>>) target(%dma_start3A_35 : memref<200x128xf32, #tpu.memory_space<hbm>>) target_semaphore(%arg17 : memref<!tpu.dma_semaphore, #tpu.memory_space<semaphore_mem>>)
    %add3A_36 = arith.constant 200 : i32
    %add3A_37 = arith.addi %mul3A_2, %add3A_36 : i32
    %add3A_38 = arith.constant 153600 : i32
    %add3A_39 = arith.addi %add3A_38, %add3A_37 : i32
    "tpu.region"() ({
      %run_scoped3A = tpu.sem_alloc : memref<!tpu.dma_semaphore, #tpu.memory_space<semaphore_mem>>
      %dma_start3A_90 = tpu.memref_slice %arg4[%add3A_39] : memref<320000xi32, #tpu.memory_space<hbm>> -> memref<200xi32, #tpu.memory_space<hbm>>
      %dma_start3A_91 = tpu.memref_slice %arg4[%add3A_39] : memref<320000xi32, #tpu.memory_space<hbm>> -> memref<200xi32, #tpu.memory_space<hbm>>
      tpu.enqueue_dma source(%dma_start3A_91 : memref<200xi32, #tpu.memory_space<hbm>>) target(%arg8 : memref<200xi32, #tpu.memory_space<vmem>>) target_semaphore(%run_scoped3A : memref<!tpu.dma_semaphore, #tpu.memory_space<semaphore_mem>>)
      %dma_wait3A_92 = tpu.memref_slice %arg4[%add3A_39] : memref<320000xi32, #tpu.memory_space<hbm>> -> memref<200xi32, #tpu.memory_space<hbm>>
      %dma_wait3A_93 = tpu.memref_slice %arg4[%add3A_39] : memref<320000xi32, #tpu.memory_space<hbm>> -> memref<200xi32, #tpu.memory_space<hbm>>
      tpu.wait_dma2 semaphore(%run_scoped3A : memref<!tpu.dma_semaphore, #tpu.memory_space<semaphore_mem>>) src(%dma_wait3A_93 : memref<200xi32, #tpu.memory_space<hbm>>) dst(%arg8 : memref<200xi32, #tpu.memory_space<vmem>>)
      tpu.yield
    }) : () -> ()
    %add3A_40 = arith.constant 153600 : i32
    %add3A_41 = arith.addi %add3A_40, %add3A_37 : i32
    "tpu.region"() ({
      %run_scoped3A = tpu.sem_alloc : memref<!tpu.dma_semaphore, #tpu.memory_space<semaphore_mem>>
      %dma_start3A_90 = tpu.memref_slice %arg5[%add3A_41] : memref<320000xi32, #tpu.memory_space<hbm>> -> memref<200xi32, #tpu.memory_space<hbm>>
      %dma_start3A_91 = tpu.memref_slice %arg5[%add3A_41] : memref<320000xi32, #tpu.memory_space<hbm>> -> memref<200xi32, #tpu.memory_space<hbm>>
      tpu.enqueue_dma source(%dma_start3A_91 : memref<200xi32, #tpu.memory_space<hbm>>) target(%arg10 : memref<200xi32, #tpu.memory_space<vmem>>) target_semaphore(%run_scoped3A : memref<!tpu.dma_semaphore, #tpu.memory_space<semaphore_mem>>)
      %dma_wait3A_92 = tpu.memref_slice %arg5[%add3A_41] : memref<320000xi32, #tpu.memory_space<hbm>> -> memref<200xi32, #tpu.memory_space<hbm>>
      %dma_wait3A_93 = tpu.memref_slice %arg5[%add3A_41] : memref<320000xi32, #tpu.memory_space<hbm>> -> memref<200xi32, #tpu.memory_space<hbm>>
      tpu.wait_dma2 semaphore(%run_scoped3A : memref<!tpu.dma_semaphore, #tpu.memory_space<semaphore_mem>>) src(%dma_wait3A_93 : memref<200xi32, #tpu.memory_space<hbm>>) dst(%arg10 : memref<200xi32, #tpu.memory_space<vmem>>)
      tpu.yield
    }) : () -> ()
    %dma_start3A_42 = arith.constant 0 : i32
    %dma_start3A_43 = arith.constant 0 : i32
    %dma_start3A_44 = tpu.memref_slice %arg2[%dma_start3A_42, %dma_start3A_43] : memref<10000x128xf32, #tpu.memory_space<hbm>> -> memref<10000x128xf32, #tpu.memory_space<hbm>>
    tpu.enqueue_indirect_dma source(%dma_start3A_44 : memref<10000x128xf32, #tpu.memory_space<hbm>>) target(%arg12 : memref<200x128xf32, #tpu.memory_space<vmem>>) offsets(%arg8 : memref<200xi32, #tpu.memory_space<vmem>>) semaphore(%arg16 : memref<!tpu.dma_semaphore, #tpu.memory_space<semaphore_mem>>)
    %dma_start3A_45 = arith.constant 0 : i32
    %dma_start3A_46 = arith.constant 0 : i32
    %dma_start3A_47 = tpu.memref_slice %arg3[%dma_start3A_45, %dma_start3A_46] : memref<10000x128xf32, #tpu.memory_space<hbm>> -> memref<10000x128xf32, #tpu.memory_space<hbm>>
    tpu.enqueue_indirect_dma source(%dma_start3A_47 : memref<10000x128xf32, #tpu.memory_space<hbm>>) target(%arg14 : memref<200x128xf32, #tpu.memory_space<vmem>>) offsets(%arg10 : memref<200xi32, #tpu.memory_space<vmem>>) semaphore(%arg16 : memref<!tpu.dma_semaphore, #tpu.memory_space<semaphore_mem>>)
    %scan3A_48 = arith.constant 0 : i32
    %scan3A_49 = arith.constant 0 : i32
    %scan3A_50 = arith.constant 12 : i32
    %scan3A_51 = arith.addi %scan3A_49, %scan3A_50 : i32
    %scan3A_52 = arith.constant 1 : i32
    scf.for %scan3A_90 = %scan3A_49 to %scan3A_51 step %scan3A_52  : i32 {
      %mul3A_91 = arith.constant 2 : i32
      %mul3A_92 = arith.muli %mul3A_91, %scan3A_90 : i32
      %add3A_93 = arith.constant 1 : i32
      %add3A_94 = arith.addi %add3A_93, %mul3A_92 : i32
      %dma_wait3A_95 = arith.constant 0 : i32
      %dma_wait3A_96 = arith.constant 0 : i32
      %dma_wait3A_97 = tpu.memref_slice %arg6[%dma_wait3A_95, %dma_wait3A_96] : memref<166400x128xf32, #tpu.memory_space<hbm>> -> memref<200x128xf32, #tpu.memory_space<hbm>>
      %dma_wait3A_98 = arith.constant 0 : i32
      %dma_wait3A_99 = arith.constant 0 : i32
      %dma_wait3A_100 = tpu.memref_slice %arg6[%dma_wait3A_98, %dma_wait3A_99] : memref<166400x128xf32, #tpu.memory_space<hbm>> -> memref<200x128xf32, #tpu.memory_space<hbm>>
      tpu.wait_dma2 semaphore(%arg16 : memref<!tpu.dma_semaphore, #tpu.memory_space<semaphore_mem>>) src(%dma_wait3A_100 : memref<200x128xf32, #tpu.memory_space<hbm>>) dst(%arg12 : memref<200x128xf32, #tpu.memory_space<vmem>>)
      %dma_wait3A_101 = arith.constant 0 : i32
      %dma_wait3A_102 = arith.constant 0 : i32
      %dma_wait3A_103 = tpu.memref_slice %arg6[%dma_wait3A_101, %dma_wait3A_102] : memref<166400x128xf32, #tpu.memory_space<hbm>> -> memref<200x128xf32, #tpu.memory_space<hbm>>
      %dma_wait3A_104 = arith.constant 0 : i32
      %dma_wait3A_105 = arith.constant 0 : i32
      %dma_wait3A_106 = tpu.memref_slice %arg6[%dma_wait3A_104, %dma_wait3A_105] : memref<166400x128xf32, #tpu.memory_space<hbm>> -> memref<200x128xf32, #tpu.memory_space<hbm>>
      tpu.wait_dma2 semaphore(%arg16 : memref<!tpu.dma_semaphore, #tpu.memory_space<semaphore_mem>>) src(%dma_wait3A_106 : memref<200x128xf32, #tpu.memory_space<hbm>>) dst(%arg14 : memref<200x128xf32, #tpu.memory_space<vmem>>)
      %scan3A_107 = arith.constant 0 : i32
      %scan3A_108 = arith.constant 0 : i32
      %scan3A_109 = arith.constant 200 : i32
      %scan3A_110 = arith.addi %scan3A_108, %scan3A_109 : i32
      %scan3A_111 = arith.constant 1 : i32
      scf.for %scan3A_189 = %scan3A_108 to %scan3A_110 step %scan3A_111  : i32 {
        %get3A = arith.index_cast %scan3A_189 : i32 to index
        %get3A_190 = arith.constant 0 : index
        %get3A_191 = tpu.vector_load %arg12[%get3A, %get3A_190] {strides = array<i32>} : memref<200x128xf32, #tpu.memory_space<vmem>>, vector<1x16xf32>,
        %get3A_192 = vector.shape_cast %get3A_191 : vector<1x16xf32> to vector<16xf32>
        %get3A_193 = arith.index_cast %scan3A_189 : i32 to index
        %get3A_194 = arith.constant 0 : index
        %get3A_195 = tpu.vector_load %arg14[%get3A_193, %get3A_194] {strides = array<i32>} : memref<200x128xf32, #tpu.memory_space<vmem>>, vector<1x16xf32>,
        %get3A_196 = vector.shape_cast %get3A_195 : vector<1x16xf32> to vector<16xf32>
        %add3A_197 = arith.addf %get3A_192, %get3A_196 : vector<16xf32>
        %swap3A = arith.index_cast %scan3A_189 : i32 to index
        %swap3A_198 = arith.constant 0 : index
        %swap3A_199 = tpu.vector_load %arg12[%swap3A, %swap3A_198] {strides = array<i32>} : memref<200x128xf32, #tpu.memory_space<vmem>>, vector<1x16xf32>,
        %swap3A_200 = vector.shape_cast %swap3A_199 : vector<1x16xf32> to vector<16xf32>
        %swap3A_201 = vector.shape_cast %add3A_197 : vector<16xf32> to vector<1x16xf32>
        tpu.vector_store %arg12[%swap3A, %swap3A_198], %swap3A_201 {strides = array<i32>} : memref<200x128xf32, #tpu.memory_space<vmem>>, vector<1x16xf32>,
        %get3A_202 = arith.index_cast %scan3A_189 : i32 to index
        %get3A_203 = arith.constant 16 : index
        %get3A_204 = tpu.vector_load %arg12[%get3A_202, %get3A_203] {strides = array<i32>} : memref<200x128xf32, #tpu.memory_space<vmem>>, vector<1x16xf32>,
        %get3A_205 = vector.shape_cast %get3A_204 : vector<1x16xf32> to vector<16xf32>
        %get3A_206 = arith.index_cast %scan3A_189 : i32 to index
        %get3A_207 = arith.constant 16 : index
        %get3A_208 = tpu.vector_load %arg14[%get3A_206, %get3A_207] {strides = array<i32>} : memref<200x128xf32, #tpu.memory_space<vmem>>, vector<1x16xf32>,
        %get3A_209 = vector.shape_cast %get3A_208 : vector<1x16xf32> to vector<16xf32>
        %add3A_210 = arith.addf %get3A_205, %get3A_209 : vector<16xf32>
        %swap3A_211 = arith.index_cast %scan3A_189 : i32 to index
        %swap3A_212 = arith.constant 16 : index
        %swap3A_213 = tpu.vector_load %arg12[%swap3A_211, %swap3A_212] {strides = array<i32>} : memref<200x128xf32, #tpu.memory_space<vmem>>, vector<1x16xf32>,
        %swap3A_214 = vector.shape_cast %swap3A_213 : vector<1x16xf32> to vector<16xf32>
        %swap3A_215 = vector.shape_cast %add3A_210 : vector<16xf32> to vector<1x16xf32>
        tpu.vector_store %arg12[%swap3A_211, %swap3A_212], %swap3A_215 {strides = array<i32>} : memref<200x128xf32, #tpu.memory_space<vmem>>, vector<1x16xf32>,
        %get3A_216 = arith.index_cast %scan3A_189 : i32 to index
        %get3A_217 = arith.constant 32 : index
        %get3A_218 = tpu.vector_load %arg12[%get3A_216, %get3A_217] {strides = array<i32>} : memref<200x128xf32, #tpu.memory_space<vmem>>, vector<1x16xf32>,
        %get3A_219 = vector.shape_cast %get3A_218 : vector<1x16xf32> to vector<16xf32>
        %get3A_220 = arith.index_cast %scan3A_189 : i32 to index
        %get3A_221 = arith.constant 32 : index
        %get3A_222 = tpu.vector_load %arg14[%get3A_220, %get3A_221] {strides = array<i32>} : memref<200x128xf32, #tpu.memory_space<vmem>>, vector<1x16xf32>,
        %get3A_223 = vector.shape_cast %get3A_222 : vector<1x16xf32> to vector<16xf32>
        %add3A_224 = arith.addf %get3A_219, %get3A_223 : vector<16xf32>
        %swap3A_225 = arith.index_cast %scan3A_189 : i32 to index
        %swap3A_226 = arith.constant 32 : index
        %swap3A_227 = tpu.vector_load %arg12[%swap3A_225, %swap3A_226] {strides = array<i32>} : memref<200x128xf32, #tpu.memory_space<vmem>>, vector<1x16xf32>,
        %swap3A_228 = vector.shape_cast %swap3A_227 : vector<1x16xf32> to vector<16xf32>
        %swap3A_229 = vector.shape_cast %add3A_224 : vector<16xf32> to vector<1x16xf32>
        tpu.vector_store %arg12[%swap3A_225, %swap3A_226], %swap3A_229 {strides = array<i32>} : memref<200x128xf32, #tpu.memory_space<vmem>>, vector<1x16xf32>,
        %get3A_230 = arith.index_cast %scan3A_189 : i32 to index
        %get3A_231 = arith.constant 48 : index
        %get3A_232 = tpu.vector_load %arg12[%get3A_230, %get3A_231] {strides = array<i32>} : memref<200x128xf32, #tpu.memory_space<vmem>>, vector<1x16xf32>,
        %get3A_233 = vector.shape_cast %get3A_232 : vector<1x16xf32> to vector<16xf32>
        %get3A_234 = arith.index_cast %scan3A_189 : i32 to index
        %get3A_235 = arith.constant 48 : index
        %get3A_236 = tpu.vector_load %arg14[%get3A_234, %get3A_235] {strides = array<i32>} : memref<200x128xf32, #tpu.memory_space<vmem>>, vector<1x16xf32>,
        %get3A_237 = vector.shape_cast %get3A_236 : vector<1x16xf32> to vector<16xf32>
        %add3A_238 = arith.addf %get3A_233, %get3A_237 : vector<16xf32>
        %swap3A_239 = arith.index_cast %scan3A_189 : i32 to index
        %swap3A_240 = arith.constant 48 : index
        %swap3A_241 = tpu.vector_load %arg12[%swap3A_239, %swap3A_240] {strides = array<i32>} : memref<200x128xf32, #tpu.memory_space<vmem>>, vector<1x16xf32>,
        %swap3A_242 = vector.shape_cast %swap3A_241 : vector<1x16xf32> to vector<16xf32>
        %swap3A_243 = vector.shape_cast %add3A_238 : vector<16xf32> to vector<1x16xf32>
        tpu.vector_store %arg12[%swap3A_239, %swap3A_240], %swap3A_243 {strides = array<i32>} : memref<200x128xf32, #tpu.memory_space<vmem>>, vector<1x16xf32>,
        %get3A_244 = arith.index_cast %scan3A_189 : i32 to index
        %get3A_245 = arith.constant 64 : index
        %get3A_246 = tpu.vector_load %arg12[%get3A_244, %get3A_245] {strides = array<i32>} : memref<200x128xf32, #tpu.memory_space<vmem>>, vector<1x16xf32>,
        %get3A_247 = vector.shape_cast %get3A_246 : vector<1x16xf32> to vector<16xf32>
        %get3A_248 = arith.index_cast %scan3A_189 : i32 to index
        %get3A_249 = arith.constant 64 : index
        %get3A_250 = tpu.vector_load %arg14[%get3A_248, %get3A_249] {strides = array<i32>} : memref<200x128xf32, #tpu.memory_space<vmem>>, vector<1x16xf32>,
        %get3A_251 = vector.shape_cast %get3A_250 : vector<1x16xf32> to vector<16xf32>
        %add3A_252 = arith.addf %get3A_247, %get3A_251 : vector<16xf32>
        %swap3A_253 = arith.index_cast %scan3A_189 : i32 to index
        %swap3A_254 = arith.constant 64 : index
        %swap3A_255 = tpu.vector_load %arg12[%swap3A_253, %swap3A_254] {strides = array<i32>} : memref<200x128xf32, #tpu.memory_space<vmem>>, vector<1x16xf32>,
        %swap3A_256 = vector.shape_cast %swap3A_255 : vector<1x16xf32> to vector<16xf32>
        %swap3A_257 = vector.shape_cast %add3A_252 : vector<16xf32> to vector<1x16xf32>
        tpu.vector_store %arg12[%swap3A_253, %swap3A_254], %swap3A_257 {strides = array<i32>} : memref<200x128xf32, #tpu.memory_space<vmem>>, vector<1x16xf32>,
        %get3A_258 = arith.index_cast %scan3A_189 : i32 to index
        %get3A_259 = arith.constant 80 : index
        %get3A_260 = tpu.vector_load %arg12[%get3A_258, %get3A_259] {strides = array<i32>} : memref<200x128xf32, #tpu.memory_space<vmem>>, vector<1x16xf32>,
        %get3A_261 = vector.shape_cast %get3A_260 : vector<1x16xf32> to vector<16xf32>
        %get3A_262 = arith.index_cast %scan3A_189 : i32 to index
        %get3A_263 = arith.constant 80 : index
        %get3A_264 = tpu.vector_load %arg14[%get3A_262, %get3A_263] {strides = array<i32>} : memref<200x128xf32, #tpu.memory_space<vmem>>, vector<1x16xf32>,
        %get3A_265 = vector.shape_cast %get3A_264 : vector<1x16xf32> to vector<16xf32>
        %add3A_266 = arith.addf %get3A_261, %get3A_265 : vector<16xf32>
        %swap3A_267 = arith.index_cast %scan3A_189 : i32 to index
        %swap3A_268 = arith.constant 80 : index
        %swap3A_269 = tpu.vector_load %arg12[%swap3A_267, %swap3A_268] {strides = array<i32>} : memref<200x128xf32, #tpu.memory_space<vmem>>, vector<1x16xf32>,
        %swap3A_270 = vector.shape_cast %swap3A_269 : vector<1x16xf32> to vector<16xf32>
        %swap3A_271 = vector.shape_cast %add3A_266 : vector<16xf32> to vector<1x16xf32>
        tpu.vector_store %arg12[%swap3A_267, %swap3A_268], %swap3A_271 {strides = array<i32>} : memref<200x128xf32, #tpu.memory_space<vmem>>, vector<1x16xf32>,
        %get3A_272 = arith.index_cast %scan3A_189 : i32 to index
        %get3A_273 = arith.constant 96 : index
        %get3A_274 = tpu.vector_load %arg12[%get3A_272, %get3A_273] {strides = array<i32>} : memref<200x128xf32, #tpu.memory_space<vmem>>, vector<1x16xf32>,
        %get3A_275 = vector.shape_cast %get3A_274 : vector<1x16xf32> to vector<16xf32>
        %get3A_276 = arith.index_cast %scan3A_189 : i32 to index
        %get3A_277 = arith.constant 96 : index
        %get3A_278 = tpu.vector_load %arg14[%get3A_276, %get3A_277] {strides = array<i32>} : memref<200x128xf32, #tpu.memory_space<vmem>>, vector<1x16xf32>,
        %get3A_279 = vector.shape_cast %get3A_278 : vector<1x16xf32> to vector<16xf32>
        %add3A_280 = arith.addf %get3A_275, %get3A_279 : vector<16xf32>
        %swap3A_281 = arith.index_cast %scan3A_189 : i32 to index
        %swap3A_282 = arith.constant 96 : index
        %swap3A_283 = tpu.vector_load %arg12[%swap3A_281, %swap3A_282] {strides = array<i32>} : memref<200x128xf32, #tpu.memory_space<vmem>>, vector<1x16xf32>,
        %swap3A_284 = vector.shape_cast %swap3A_283 : vector<1x16xf32> to vector<16xf32>
        %swap3A_285 = vector.shape_cast %add3A_280 : vector<16xf32> to vector<1x16xf32>
        tpu.vector_store %arg12[%swap3A_281, %swap3A_282], %swap3A_285 {strides = array<i32>} : memref<200x128xf32, #tpu.memory_space<vmem>>, vector<1x16xf32>,
        %get3A_286 = arith.index_cast %scan3A_189 : i32 to index
        %get3A_287 = arith.constant 112 : index
        %get3A_288 = tpu.vector_load %arg12[%get3A_286, %get3A_287] {strides = array<i32>} : memref<200x128xf32, #tpu.memory_space<vmem>>, vector<1x16xf32>,
        %get3A_289 = vector.shape_cast %get3A_288 : vector<1x16xf32> to vector<16xf32>
        %get3A_290 = arith.index_cast %scan3A_189 : i32 to index
        %get3A_291 = arith.constant 112 : index
        %get3A_292 = tpu.vector_load %arg14[%get3A_290, %get3A_291] {strides = array<i32>} : memref<200x128xf32, #tpu.memory_space<vmem>>, vector<1x16xf32>,
        %get3A_293 = vector.shape_cast %get3A_292 : vector<1x16xf32> to vector<16xf32>
        %add3A_294 = arith.addf %get3A_289, %get3A_293 : vector<16xf32>
        %swap3A_295 = arith.index_cast %scan3A_189 : i32 to index
        %swap3A_296 = arith.constant 112 : index
        %swap3A_297 = tpu.vector_load %arg12[%swap3A_295, %swap3A_296] {strides = array<i32>} : memref<200x128xf32, #tpu.memory_space<vmem>>, vector<1x16xf32>,
        %swap3A_298 = vector.shape_cast %swap3A_297 : vector<1x16xf32> to vector<16xf32>
        %swap3A_299 = vector.shape_cast %add3A_294 : vector<16xf32> to vector<1x16xf32>
        tpu.vector_store %arg12[%swap3A_295, %swap3A_296], %swap3A_299 {strides = array<i32>} : memref<200x128xf32, #tpu.memory_space<vmem>>, vector<1x16xf32>,
      }
      %scan3A_112 = arith.constant 200 : i32
      %mul3A_113 = arith.constant 200 : i32
      %mul3A_114 = arith.muli %add3A_94, %mul3A_113 : i32
      %add3A_115 = arith.addi %mul3A_2, %mul3A_114 : i32
      %dma_start3A_116 = arith.constant 0 : i32
      %dma_start3A_117 = tpu.memref_slice %arg6[%add3A_115, %dma_start3A_116] : memref<166400x128xf32, #tpu.memory_space<hbm>> -> memref<200x128xf32, #tpu.memory_space<hbm>>
      %dma_start3A_118 = arith.constant 0 : i32
      %dma_start3A_119 = tpu.memref_slice %arg6[%add3A_115, %dma_start3A_118] : memref<166400x128xf32, #tpu.memory_space<hbm>> -> memref<200x128xf32, #tpu.memory_space<hbm>>
      tpu.enqueue_dma source(%arg12 : memref<200x128xf32, #tpu.memory_space<vmem>>) target(%dma_start3A_119 : memref<200x128xf32, #tpu.memory_space<hbm>>) target_semaphore(%arg18 : memref<!tpu.dma_semaphore, #tpu.memory_space<semaphore_mem>>)
      %dma_wait3A_120 = arith.constant 0 : i32
      %dma_wait3A_121 = arith.constant 0 : i32
      %dma_wait3A_122 = tpu.memref_slice %arg6[%dma_wait3A_120, %dma_wait3A_121] : memref<166400x128xf32, #tpu.memory_space<hbm>> -> memref<200x128xf32, #tpu.memory_space<hbm>>
      %dma_wait3A_123 = arith.constant 0 : i32
      %dma_wait3A_124 = arith.constant 0 : i32
      %dma_wait3A_125 = tpu.memref_slice %arg6[%dma_wait3A_123, %dma_wait3A_124] : memref<166400x128xf32, #tpu.memory_space<hbm>> -> memref<200x128xf32, #tpu.memory_space<hbm>>
      tpu.wait_dma2 semaphore(%arg17 : memref<!tpu.dma_semaphore, #tpu.memory_space<semaphore_mem>>) src(%arg11 : memref<200x128xf32, #tpu.memory_space<vmem>>) dst(%dma_wait3A_125 : memref<200x128xf32, #tpu.memory_space<hbm>>)
      %add3A_126 = arith.constant 1 : i32
      %add3A_127 = arith.addi %add3A_94, %add3A_126 : i32
      %mul3A_128 = arith.constant 200 : i32
      %mul3A_129 = arith.muli %add3A_127, %mul3A_128 : i32
      %add3A_130 = arith.addi %mul3A_2, %mul3A_129 : i32
      %add3A_131 = arith.constant 153600 : i32
      %add3A_132 = arith.addi %add3A_131, %add3A_130 : i32
      "tpu.region"() ({
        %run_scoped3A = tpu.sem_alloc : memref<!tpu.dma_semaphore, #tpu.memory_space<semaphore_mem>>
        %dma_start3A_189 = tpu.memref_slice %arg4[%add3A_132] : memref<320000xi32, #tpu.memory_space<hbm>> -> memref<200xi32, #tpu.memory_space<hbm>>
        %dma_start3A_190 = tpu.memref_slice %arg4[%add3A_132] : memref<320000xi32, #tpu.memory_space<hbm>> -> memref<200xi32, #tpu.memory_space<hbm>>
        tpu.enqueue_dma source(%dma_start3A_190 : memref<200xi32, #tpu.memory_space<hbm>>) target(%arg7 : memref<200xi32, #tpu.memory_space<vmem>>) target_semaphore(%run_scoped3A : memref<!tpu.dma_semaphore, #tpu.memory_space<semaphore_mem>>)
        %dma_wait3A_191 = tpu.memref_slice %arg4[%add3A_132] : memref<320000xi32, #tpu.memory_space<hbm>> -> memref<200xi32, #tpu.memory_space<hbm>>
        %dma_wait3A_192 = tpu.memref_slice %arg4[%add3A_132] : memref<320000xi32, #tpu.memory_space<hbm>> -> memref<200xi32, #tpu.memory_space<hbm>>
        tpu.wait_dma2 semaphore(%run_scoped3A : memref<!tpu.dma_semaphore, #tpu.memory_space<semaphore_mem>>) src(%dma_wait3A_192 : memref<200xi32, #tpu.memory_space<hbm>>) dst(%arg7 : memref<200xi32, #tpu.memory_space<vmem>>)
        tpu.yield
      }) : () -> ()
      %add3A_133 = arith.constant 153600 : i32
      %add3A_134 = arith.addi %add3A_133, %add3A_130 : i32
      "tpu.region"() ({
        %run_scoped3A = tpu.sem_alloc : memref<!tpu.dma_semaphore, #tpu.memory_space<semaphore_mem>>
        %dma_start3A_189 = tpu.memref_slice %arg5[%add3A_134] : memref<320000xi32, #tpu.memory_space<hbm>> -> memref<200xi32, #tpu.memory_space<hbm>>
        %dma_start3A_190 = tpu.memref_slice %arg5[%add3A_134] : memref<320000xi32, #tpu.memory_space<hbm>> -> memref<200xi32, #tpu.memory_space<hbm>>
        tpu.enqueue_dma source(%dma_start3A_190 : memref<200xi32, #tpu.memory_space<hbm>>) target(%arg9 : memref<200xi32, #tpu.memory_space<vmem>>) target_semaphore(%run_scoped3A : memref<!tpu.dma_semaphore, #tpu.memory_space<semaphore_mem>>)
        %dma_wait3A_191 = tpu.memref_slice %arg5[%add3A_134] : memref<320000xi32, #tpu.memory_space<hbm>> -> memref<200xi32, #tpu.memory_space<hbm>>
        %dma_wait3A_192 = tpu.memref_slice %arg5[%add3A_134] : memref<320000xi32, #tpu.memory_space<hbm>> -> memref<200xi32, #tpu.memory_space<hbm>>
        tpu.wait_dma2 semaphore(%run_scoped3A : memref<!tpu.dma_semaphore, #tpu.memory_space<semaphore_mem>>) src(%dma_wait3A_192 : memref<200xi32, #tpu.memory_space<hbm>>) dst(%arg9 : memref<200xi32, #tpu.memory_space<vmem>>)
        tpu.yield
      }) : () -> ()
      %dma_start3A_135 = arith.constant 0 : i32
      %dma_start3A_136 = arith.constant 0 : i32
      %dma_start3A_137 = tpu.memref_slice %arg2[%dma_start3A_135, %dma_start3A_136] : memref<10000x128xf32, #tpu.memory_space<hbm>> -> memref<10000x128xf32, #tpu.memory_space<hbm>>
      tpu.enqueue_indirect_dma source(%dma_start3A_137 : memref<10000x128xf32, #tpu.memory_space<hbm>>) target(%arg11 : memref<200x128xf32, #tpu.memory_space<vmem>>) offsets(%arg7 : memref<200xi32, #tpu.memory_space<vmem>>) semaphore(%arg15 : memref<!tpu.dma_semaphore, #tpu.memory_space<semaphore_mem>>)
      %dma_start3A_138 = arith.constant 0 : i32
      %dma_start3A_139 = arith.constant 0 : i32
      %dma_start3A_140 = tpu.memref_slice %arg3[%dma_start3A_138, %dma_start3A_139] : memref<10000x128xf32, #tpu.memory_space<hbm>> -> memref<10000x128xf32, #tpu.memory_space<hbm>>
      tpu.enqueue_indirect_dma source(%dma_start3A_140 : memref<10000x128xf32, #tpu.memory_space<hbm>>) target(%arg13 : memref<200x128xf32, #tpu.memory_space<vmem>>) offsets(%arg9 : memref<200xi32, #tpu.memory_space<vmem>>) semaphore(%arg15 : memref<!tpu.dma_semaphore, #tpu.memory_space<semaphore_mem>>)
      %add3A_141 = arith.constant 1 : i32
      %add3A_142 = arith.addi %add3A_94, %add3A_141 : i32
      %dma_wait3A_143 = arith.constant 0 : i32
      %dma_wait3A_144 = arith.constant 0 : i32
      %dma_wait3A_145 = tpu.memref_slice %arg6[%dma_wait3A_143, %dma_wait3A_144] : memref<166400x128xf32, #tpu.memory_space<hbm>> -> memref<200x128xf32, #tpu.memory_space<hbm>>
      %dma_wait3A_146 = arith.constant 0 : i32
      %dma_wait3A_147 = arith.constant 0 : i32
      %dma_wait3A_148 = tpu.memref_slice %arg6[%dma_wait3A_146, %dma_wait3A_147] : memref<166400x128xf32, #tpu.memory_space<hbm>> -> memref<200x128xf32, #tpu.memory_space<hbm>>
      tpu.wait_dma2 semaphore(%arg15 : memref<!tpu.dma_semaphore, #tpu.memory_space<semaphore_mem>>) src(%dma_wait3A_148 : memref<200x128xf32, #tpu.memory_space<hbm>>) dst(%arg11 : memref<200x128xf32, #tpu.memory_space<vmem>>)
      %dma_wait3A_149 = arith.constant 0 : i32
      %dma_wait3A_150 = arith.constant 0 : i32
      %dma_wait3A_151 = tpu.memref_slice %arg6[%dma_wait3A_149, %dma_wait3A_150] : memref<166400x128xf32, #tpu.memory_space<hbm>> -> memref<200x128xf32, #tpu.memory_space<hbm>>
      %dma_wait3A_152 = arith.constant 0 : i32
      %dma_wait3A_153 = arith.constant 0 : i32
      %dma_wait3A_154 = tpu.memref_slice %arg6[%dma_wait3A_152, %dma_wait3A_153] : memref<166400x128xf32, #tpu.memory_space<hbm>> -> memref<200x128xf32, #tpu.memory_space<hbm>>
      tpu.wait_dma2 semaphore(%arg15 : memref<!tpu.dma_semaphore, #tpu.memory_space<semaphore_mem>>) src(%dma_wait3A_154 : memref<200x128xf32, #tpu.memory_space<hbm>>) dst(%arg13 : memref<200x128xf32, #tpu.memory_space<vmem>>)
      %scan3A_155 = arith.constant 0 : i32
      %scan3A_156 = arith.constant 0 : i32
      %scan3A_157 = arith.constant 200 : i32
      %scan3A_158 = arith.addi %scan3A_156, %scan3A_157 : i32
      %scan3A_159 = arith.constant 1 : i32
      scf.for %scan3A_189 = %scan3A_156 to %scan3A_158 step %scan3A_159  : i32 {
        %get3A = arith.index_cast %scan3A_189 : i32 to index
        %get3A_190 = arith.constant 0 : index
        %get3A_191 = tpu.vector_load %arg11[%get3A, %get3A_190] {strides = array<i32>} : memref<200x128xf32, #tpu.memory_space<vmem>>, vector<1x16xf32>,
        %get3A_192 = vector.shape_cast %get3A_191 : vector<1x16xf32> to vector<16xf32>
        %get3A_193 = arith.index_cast %scan3A_189 : i32 to index
        %get3A_194 = arith.constant 0 : index
        %get3A_195 = tpu.vector_load %arg13[%get3A_193, %get3A_194] {strides = array<i32>} : memref<200x128xf32, #tpu.memory_space<vmem>>, vector<1x16xf32>,
        %get3A_196 = vector.shape_cast %get3A_195 : vector<1x16xf32> to vector<16xf32>
        %add3A_197 = arith.addf %get3A_192, %get3A_196 : vector<16xf32>
        %swap3A = arith.index_cast %scan3A_189 : i32 to index
        %swap3A_198 = arith.constant 0 : index
        %swap3A_199 = tpu.vector_load %arg11[%swap3A, %swap3A_198] {strides = array<i32>} : memref<200x128xf32, #tpu.memory_space<vmem>>, vector<1x16xf32>,
        %swap3A_200 = vector.shape_cast %swap3A_199 : vector<1x16xf32> to vector<16xf32>
        %swap3A_201 = vector.shape_cast %add3A_197 : vector<16xf32> to vector<1x16xf32>
        tpu.vector_store %arg11[%swap3A, %swap3A_198], %swap3A_201 {strides = array<i32>} : memref<200x128xf32, #tpu.memory_space<vmem>>, vector<1x16xf32>,
        %get3A_202 = arith.index_cast %scan3A_189 : i32 to index
        %get3A_203 = arith.constant 16 : index
        %get3A_204 = tpu.vector_load %arg11[%get3A_202, %get3A_203] {strides = array<i32>} : memref<200x128xf32, #tpu.memory_space<vmem>>, vector<1x16xf32>,
        %get3A_205 = vector.shape_cast %get3A_204 : vector<1x16xf32> to vector<16xf32>
        %get3A_206 = arith.index_cast %scan3A_189 : i32 to index
        %get3A_207 = arith.constant 16 : index
        %get3A_208 = tpu.vector_load %arg13[%get3A_206, %get3A_207] {strides = array<i32>} : memref<200x128xf32, #tpu.memory_space<vmem>>, vector<1x16xf32>,
        %get3A_209 = vector.shape_cast %get3A_208 : vector<1x16xf32> to vector<16xf32>
        %add3A_210 = arith.addf %get3A_205, %get3A_209 : vector<16xf32>
        %swap3A_211 = arith.index_cast %scan3A_189 : i32 to index
        %swap3A_212 = arith.constant 16 : index
        %swap3A_213 = tpu.vector_load %arg11[%swap3A_211, %swap3A_212] {strides = array<i32>} : memref<200x128xf32, #tpu.memory_space<vmem>>, vector<1x16xf32>,
        %swap3A_214 = vector.shape_cast %swap3A_213 : vector<1x16xf32> to vector<16xf32>
        %swap3A_215 = vector.shape_cast %add3A_210 : vector<16xf32> to vector<1x16xf32>
        tpu.vector_store %arg11[%swap3A_211, %swap3A_212], %swap3A_215 {strides = array<i32>} : memref<200x128xf32, #tpu.memory_space<vmem>>, vector<1x16xf32>,
        %get3A_216 = arith.index_cast %scan3A_189 : i32 to index
        %get3A_217 = arith.constant 32 : index
        %get3A_218 = tpu.vector_load %arg11[%get3A_216, %get3A_217] {strides = array<i32>} : memref<200x128xf32, #tpu.memory_space<vmem>>, vector<1x16xf32>,
        %get3A_219 = vector.shape_cast %get3A_218 : vector<1x16xf32> to vector<16xf32>
        %get3A_220 = arith.index_cast %scan3A_189 : i32 to index
        %get3A_221 = arith.constant 32 : index
        %get3A_222 = tpu.vector_load %arg13[%get3A_220, %get3A_221] {strides = array<i32>} : memref<200x128xf32, #tpu.memory_space<vmem>>, vector<1x16xf32>,
        %get3A_223 = vector.shape_cast %get3A_222 : vector<1x16xf32> to vector<16xf32>
        %add3A_224 = arith.addf %get3A_219, %get3A_223 : vector<16xf32>
        %swap3A_225 = arith.index_cast %scan3A_189 : i32 to index
        %swap3A_226 = arith.constant 32 : index
        %swap3A_227 = tpu.vector_load %arg11[%swap3A_225, %swap3A_226] {strides = array<i32>} : memref<200x128xf32, #tpu.memory_space<vmem>>, vector<1x16xf32>,
        %swap3A_228 = vector.shape_cast %swap3A_227 : vector<1x16xf32> to vector<16xf32>
        %swap3A_229 = vector.shape_cast %add3A_224 : vector<16xf32> to vector<1x16xf32>
        tpu.vector_store %arg11[%swap3A_225, %swap3A_226], %swap3A_229 {strides = array<i32>} : memref<200x128xf32, #tpu.memory_space<vmem>>, vector<1x16xf32>,
        %get3A_230 = arith.index_cast %scan3A_189 : i32 to index
        %get3A_231 = arith.constant 48 : index
        %get3A_232 = tpu.vector_load %arg11[%get3A_230, %get3A_231] {strides = array<i32>} : memref<200x128xf32, #tpu.memory_space<vmem>>, vector<1x16xf32>,
        %get3A_233 = vector.shape_cast %get3A_232 : vector<1x16xf32> to vector<16xf32>
        %get3A_234 = arith.index_cast %scan3A_189 : i32 to index
        %get3A_235 = arith.constant 48 : index
        %get3A_236 = tpu.vector_load %arg13[%get3A_234, %get3A_235] {strides = array<i32>} : memref<200x128xf32, #tpu.memory_space<vmem>>, vector<1x16xf32>,
        %get3A_237 = vector.shape_cast %get3A_236 : vector<1x16xf32> to vector<16xf32>
        %add3A_238 = arith.addf %get3A_233, %get3A_237 : vector<16xf32>
        %swap3A_239 = arith.index_cast %scan3A_189 : i32 to index
        %swap3A_240 = arith.constant 48 : index
        %swap3A_241 = tpu.vector_load %arg11[%swap3A_239, %swap3A_240] {strides = array<i32>} : memref<200x128xf32, #tpu.memory_space<vmem>>, vector<1x16xf32>,
        %swap3A_242 = vector.shape_cast %swap3A_241 : vector<1x16xf32> to vector<16xf32>
        %swap3A_243 = vector.shape_cast %add3A_238 : vector<16xf32> to vector<1x16xf32>
        tpu.vector_store %arg11[%swap3A_239, %swap3A_240], %swap3A_243 {strides = array<i32>} : memref<200x128xf32, #tpu.memory_space<vmem>>, vector<1x16xf32>,
        %get3A_244 = arith.index_cast %scan3A_189 : i32 to index
        %get3A_245 = arith.constant 64 : index
        %get3A_246 = tpu.vector_load %arg11[%get3A_244, %get3A_245] {strides = array<i32>} : memref<200x128xf32, #tpu.memory_space<vmem>>, vector<1x16xf32>,
        %get3A_247 = vector.shape_cast %get3A_246 : vector<1x16xf32> to vector<16xf32>
        %get3A_248 = arith.index_cast %scan3A_189 : i32 to index
        %get3A_249 = arith.constant 64 : index
        %get3A_250 = tpu.vector_load %arg13[%get3A_248, %get3A_249] {strides = array<i32>} : memref<200x128xf32, #tpu.memory_space<vmem>>, vector<1x16xf32>,
        %get3A_251 = vector.shape_cast %get3A_250 : vector<1x16xf32> to vector<16xf32>
        %add3A_252 = arith.addf %get3A_247, %get3A_251 : vector<16xf32>
        %swap3A_253 = arith.index_cast %scan3A_189 : i32 to index
        %swap3A_254 = arith.constant 64 : index
        %swap3A_255 = tpu.vector_load %arg11[%swap3A_253, %swap3A_254] {strides = array<i32>} : memref<200x128xf32, #tpu.memory_space<vmem>>, vector<1x16xf32>,
        %swap3A_256 = vector.shape_cast %swap3A_255 : vector<1x16xf32> to vector<16xf32>
        %swap3A_257 = vector.shape_cast %add3A_252 : vector<16xf32> to vector<1x16xf32>
        tpu.vector_store %arg11[%swap3A_253, %swap3A_254], %swap3A_257 {strides = array<i32>} : memref<200x128xf32, #tpu.memory_space<vmem>>, vector<1x16xf32>,
        %get3A_258 = arith.index_cast %scan3A_189 : i32 to index
        %get3A_259 = arith.constant 80 : index
        %get3A_260 = tpu.vector_load %arg11[%get3A_258, %get3A_259] {strides = array<i32>} : memref<200x128xf32, #tpu.memory_space<vmem>>, vector<1x16xf32>,
        %get3A_261 = vector.shape_cast %get3A_260 : vector<1x16xf32> to vector<16xf32>
        %get3A_262 = arith.index_cast %scan3A_189 : i32 to index
        %get3A_263 = arith.constant 80 : index
        %get3A_264 = tpu.vector_load %arg13[%get3A_262, %get3A_263] {strides = array<i32>} : memref<200x128xf32, #tpu.memory_space<vmem>>, vector<1x16xf32>,
        %get3A_265 = vector.shape_cast %get3A_264 : vector<1x16xf32> to vector<16xf32>
        %add3A_266 = arith.addf %get3A_261, %get3A_265 : vector<16xf32>
        %swap3A_267 = arith.index_cast %scan3A_189 : i32 to index
        %swap3A_268 = arith.constant 80 : index
        %swap3A_269 = tpu.vector_load %arg11[%swap3A_267, %swap3A_268] {strides = array<i32>} : memref<200x128xf32, #tpu.memory_space<vmem>>, vector<1x16xf32>,
        %swap3A_270 = vector.shape_cast %swap3A_269 : vector<1x16xf32> to vector<16xf32>
        %swap3A_271 = vector.shape_cast %add3A_266 : vector<16xf32> to vector<1x16xf32>
        tpu.vector_store %arg11[%swap3A_267, %swap3A_268], %swap3A_271 {strides = array<i32>} : memref<200x128xf32, #tpu.memory_space<vmem>>, vector<1x16xf32>,
        %get3A_272 = arith.index_cast %scan3A_189 : i32 to index
        %get3A_273 = arith.constant 96 : index
        %get3A_274 = tpu.vector_load %arg11[%get3A_272, %get3A_273] {strides = array<i32>} : memref<200x128xf32, #tpu.memory_space<vmem>>, vector<1x16xf32>,
        %get3A_275 = vector.shape_cast %get3A_274 : vector<1x16xf32> to vector<16xf32>
        %get3A_276 = arith.index_cast %scan3A_189 : i32 to index
        %get3A_277 = arith.constant 96 : index
        %get3A_278 = tpu.vector_load %arg13[%get3A_276, %get3A_277] {strides = array<i32>} : memref<200x128xf32, #tpu.memory_space<vmem>>, vector<1x16xf32>,
        %get3A_279 = vector.shape_cast %get3A_278 : vector<1x16xf32> to vector<16xf32>
        %add3A_280 = arith.addf %get3A_275, %get3A_279 : vector<16xf32>
        %swap3A_281 = arith.index_cast %scan3A_189 : i32 to index
        %swap3A_282 = arith.constant 96 : index
        %swap3A_283 = tpu.vector_load %arg11[%swap3A_281, %swap3A_282] {strides = array<i32>} : memref<200x128xf32, #tpu.memory_space<vmem>>, vector<1x16xf32>,
        %swap3A_284 = vector.shape_cast %swap3A_283 : vector<1x16xf32> to vector<16xf32>
        %swap3A_285 = vector.shape_cast %add3A_280 : vector<16xf32> to vector<1x16xf32>
        tpu.vector_store %arg11[%swap3A_281, %swap3A_282], %swap3A_285 {strides = array<i32>} : memref<200x128xf32, #tpu.memory_space<vmem>>, vector<1x16xf32>,
        %get3A_286 = arith.index_cast %scan3A_189 : i32 to index
        %get3A_287 = arith.constant 112 : index
        %get3A_288 = tpu.vector_load %arg11[%get3A_286, %get3A_287] {strides = array<i32>} : memref<200x128xf32, #tpu.memory_space<vmem>>, vector<1x16xf32>,
        %get3A_289 = vector.shape_cast %get3A_288 : vector<1x16xf32> to vector<16xf32>
        %get3A_290 = arith.index_cast %scan3A_189 : i32 to index
        %get3A_291 = arith.constant 112 : index
        %get3A_292 = tpu.vector_load %arg13[%get3A_290, %get3A_291] {strides = array<i32>} : memref<200x128xf32, #tpu.memory_space<vmem>>, vector<1x16xf32>,
        %get3A_293 = vector.shape_cast %get3A_292 : vector<1x16xf32> to vector<16xf32>
        %add3A_294 = arith.addf %get3A_289, %get3A_293 : vector<16xf32>
        %swap3A_295 = arith.index_cast %scan3A_189 : i32 to index
        %swap3A_296 = arith.constant 112 : index
        %swap3A_297 = tpu.vector_load %arg11[%swap3A_295, %swap3A_296] {strides = array<i32>} : memref<200x128xf32, #tpu.memory_space<vmem>>, vector<1x16xf32>,
        %swap3A_298 = vector.shape_cast %swap3A_297 : vector<1x16xf32> to vector<16xf32>
        %swap3A_299 = vector.shape_cast %add3A_294 : vector<16xf32> to vector<1x16xf32>
        tpu.vector_store %arg11[%swap3A_295, %swap3A_296], %swap3A_299 {strides = array<i32>} : memref<200x128xf32, #tpu.memory_space<vmem>>, vector<1x16xf32>,
      }
      %scan3A_160 = arith.constant 200 : i32
      %mul3A_161 = arith.constant 200 : i32
      %mul3A_162 = arith.muli %add3A_142, %mul3A_161 : i32
      %add3A_163 = arith.addi %mul3A_2, %mul3A_162 : i32
      %dma_start3A_164 = arith.constant 0 : i32
      %dma_start3A_165 = tpu.memref_slice %arg6[%add3A_163, %dma_start3A_164] : memref<166400x128xf32, #tpu.memory_space<hbm>> -> memref<200x128xf32, #tpu.memory_space<hbm>>
      %dma_start3A_166 = arith.constant 0 : i32
      %dma_start3A_167 = tpu.memref_slice %arg6[%add3A_163, %dma_start3A_166] : memref<166400x128xf32, #tpu.memory_space<hbm>> -> memref<200x128xf32, #tpu.memory_space<hbm>>
      tpu.enqueue_dma source(%arg11 : memref<200x128xf32, #tpu.memory_space<vmem>>) target(%dma_start3A_167 : memref<200x128xf32, #tpu.memory_space<hbm>>) target_semaphore(%arg17 : memref<!tpu.dma_semaphore, #tpu.memory_space<semaphore_mem>>)
      %dma_wait3A_168 = arith.constant 0 : i32
      %dma_wait3A_169 = arith.constant 0 : i32
      %dma_wait3A_170 = tpu.memref_slice %arg6[%dma_wait3A_168, %dma_wait3A_169] : memref<166400x128xf32, #tpu.memory_space<hbm>> -> memref<200x128xf32, #tpu.memory_space<hbm>>
      %dma_wait3A_171 = arith.constant 0 : i32
      %dma_wait3A_172 = arith.constant 0 : i32
      %dma_wait3A_173 = tpu.memref_slice %arg6[%dma_wait3A_171, %dma_wait3A_172] : memref<166400x128xf32, #tpu.memory_space<hbm>> -> memref<200x128xf32, #tpu.memory_space<hbm>>
      tpu.wait_dma2 semaphore(%arg18 : memref<!tpu.dma_semaphore, #tpu.memory_space<semaphore_mem>>) src(%arg12 : memref<200x128xf32, #tpu.memory_space<vmem>>) dst(%dma_wait3A_173 : memref<200x128xf32, #tpu.memory_space<hbm>>)
      %add3A_174 = arith.constant 1 : i32
      %add3A_175 = arith.addi %add3A_142, %add3A_174 : i32
      %mul3A_176 = arith.constant 200 : i32
      %mul3A_177 = arith.muli %add3A_175, %mul3A_176 : i32
      %add3A_178 = arith.addi %mul3A_2, %mul3A_177 : i32
      %add3A_179 = arith.constant 153600 : i32
      %add3A_180 = arith.addi %add3A_179, %add3A_178 : i32
      "tpu.region"() ({
        %run_scoped3A = tpu.sem_alloc : memref<!tpu.dma_semaphore, #tpu.memory_space<semaphore_mem>>
        %dma_start3A_189 = tpu.memref_slice %arg4[%add3A_180] : memref<320000xi32, #tpu.memory_space<hbm>> -> memref<200xi32, #tpu.memory_space<hbm>>
        %dma_start3A_190 = tpu.memref_slice %arg4[%add3A_180] : memref<320000xi32, #tpu.memory_space<hbm>> -> memref<200xi32, #tpu.memory_space<hbm>>
        tpu.enqueue_dma source(%dma_start3A_190 : memref<200xi32, #tpu.memory_space<hbm>>) target(%arg8 : memref<200xi32, #tpu.memory_space<vmem>>) target_semaphore(%run_scoped3A : memref<!tpu.dma_semaphore, #tpu.memory_space<semaphore_mem>>)
        %dma_wait3A_191 = tpu.memref_slice %arg4[%add3A_180] : memref<320000xi32, #tpu.memory_space<hbm>> -> memref<200xi32, #tpu.memory_space<hbm>>
        %dma_wait3A_192 = tpu.memref_slice %arg4[%add3A_180] : memref<320000xi32, #tpu.memory_space<hbm>> -> memref<200xi32, #tpu.memory_space<hbm>>
        tpu.wait_dma2 semaphore(%run_scoped3A : memref<!tpu.dma_semaphore, #tpu.memory_space<semaphore_mem>>) src(%dma_wait3A_192 : memref<200xi32, #tpu.memory_space<hbm>>) dst(%arg8 : memref<200xi32, #tpu.memory_space<vmem>>)
        tpu.yield
      }) : () -> ()
      %add3A_181 = arith.constant 153600 : i32
      %add3A_182 = arith.addi %add3A_181, %add3A_178 : i32
      "tpu.region"() ({
        %run_scoped3A = tpu.sem_alloc : memref<!tpu.dma_semaphore, #tpu.memory_space<semaphore_mem>>
        %dma_start3A_189 = tpu.memref_slice %arg5[%add3A_182] : memref<320000xi32, #tpu.memory_space<hbm>> -> memref<200xi32, #tpu.memory_space<hbm>>
        %dma_start3A_190 = tpu.memref_slice %arg5[%add3A_182] : memref<320000xi32, #tpu.memory_space<hbm>> -> memref<200xi32, #tpu.memory_space<hbm>>
        tpu.enqueue_dma source(%dma_start3A_190 : memref<200xi32, #tpu.memory_space<hbm>>) target(%arg10 : memref<200xi32, #tpu.memory_space<vmem>>) target_semaphore(%run_scoped3A : memref<!tpu.dma_semaphore, #tpu.memory_space<semaphore_mem>>)
        %dma_wait3A_191 = tpu.memref_slice %arg5[%add3A_182] : memref<320000xi32, #tpu.memory_space<hbm>> -> memref<200xi32, #tpu.memory_space<hbm>>
        %dma_wait3A_192 = tpu.memref_slice %arg5[%add3A_182] : memref<320000xi32, #tpu.memory_space<hbm>> -> memref<200xi32, #tpu.memory_space<hbm>>
        tpu.wait_dma2 semaphore(%run_scoped3A : memref<!tpu.dma_semaphore, #tpu.memory_space<semaphore_mem>>) src(%dma_wait3A_192 : memref<200xi32, #tpu.memory_space<hbm>>) dst(%arg10 : memref<200xi32, #tpu.memory_space<vmem>>)
        tpu.yield
      }) : () -> ()
      %dma_start3A_183 = arith.constant 0 : i32
      %dma_start3A_184 = arith.constant 0 : i32
      %dma_start3A_185 = tpu.memref_slice %arg2[%dma_start3A_183, %dma_start3A_184] : memref<10000x128xf32, #tpu.memory_space<hbm>> -> memref<10000x128xf32, #tpu.memory_space<hbm>>
      tpu.enqueue_indirect_dma source(%dma_start3A_185 : memref<10000x128xf32, #tpu.memory_space<hbm>>) target(%arg12 : memref<200x128xf32, #tpu.memory_space<vmem>>) offsets(%arg8 : memref<200xi32, #tpu.memory_space<vmem>>) semaphore(%arg16 : memref<!tpu.dma_semaphore, #tpu.memory_space<semaphore_mem>>)
      %dma_start3A_186 = arith.constant 0 : i32
      %dma_start3A_187 = arith.constant 0 : i32
      %dma_start3A_188 = tpu.memref_slice %arg3[%dma_start3A_186, %dma_start3A_187] : memref<10000x128xf32, #tpu.memory_space<hbm>> -> memref<10000x128xf32, #tpu.memory_space<hbm>>
      tpu.enqueue_indirect_dma source(%dma_start3A_188 : memref<10000x128xf32, #tpu.memory_space<hbm>>) target(%arg14 : memref<200x128xf32, #tpu.memory_space<vmem>>) offsets(%arg10 : memref<200xi32, #tpu.memory_space<vmem>>) semaphore(%arg16 : memref<!tpu.dma_semaphore, #tpu.memory_space<semaphore_mem>>)
    }
    %scan3A_53 = arith.constant 12 : i32
    %dma_wait3A_54 = arith.constant 0 : i32
    %dma_wait3A_55 = arith.constant 0 : i32
    %dma_wait3A_56 = tpu.memref_slice %arg6[%dma_wait3A_54, %dma_wait3A_55] : memref<166400x128xf32, #tpu.memory_space<hbm>> -> memref<200x128xf32, #tpu.memory_space<hbm>>
    %dma_wait3A_57 = arith.constant 0 : i32
    %dma_wait3A_58 = arith.constant 0 : i32
    %dma_wait3A_59 = tpu.memref_slice %arg6[%dma_wait3A_57, %dma_wait3A_58] : memref<166400x128xf32, #tpu.memory_space<hbm>> -> memref<200x128xf32, #tpu.memory_space<hbm>>
    tpu.wait_dma2 semaphore(%arg16 : memref<!tpu.dma_semaphore, #tpu.memory_space<semaphore_mem>>) src(%dma_wait3A_59 : memref<200x128xf32, #tpu.memory_space<hbm>>) dst(%arg12 : memref<200x128xf32, #tpu.memory_space<vmem>>)
    %dma_wait3A_60 = arith.constant 0 : i32
    %dma_wait3A_61 = arith.constant 0 : i32
    %dma_wait3A_62 = tpu.memref_slice %arg6[%dma_wait3A_60, %dma_wait3A_61] : memref<166400x128xf32, #tpu.memory_space<hbm>> -> memref<200x128xf32, #tpu.memory_space<hbm>>
    %dma_wait3A_63 = arith.constant 0 : i32
    %dma_wait3A_64 = arith.constant 0 : i32
    %dma_wait3A_65 = tpu.memref_slice %arg6[%dma_wait3A_63, %dma_wait3A_64] : memref<166400x128xf32, #tpu.memory_space<hbm>> -> memref<200x128xf32, #tpu.memory_space<hbm>>
    tpu.wait_dma2 semaphore(%arg16 : memref<!tpu.dma_semaphore, #tpu.memory_space<semaphore_mem>>) src(%dma_wait3A_65 : memref<200x128xf32, #tpu.memory_space<hbm>>) dst(%arg14 : memref<200x128xf32, #tpu.memory_space<vmem>>)
    %scan3A_66 = arith.constant 0 : i32
    %scan3A_67 = arith.constant 0 : i32
    %scan3A_68 = arith.constant 200 : i32
    %scan3A_69 = arith.addi %scan3A_67, %scan3A_68 : i32
    %scan3A_70 = arith.constant 1 : i32
    scf.for %scan3A_90 = %scan3A_67 to %scan3A_69 step %scan3A_70  : i32 {
      %get3A = arith.index_cast %scan3A_90 : i32 to index
      %get3A_91 = arith.constant 0 : index
      %get3A_92 = tpu.vector_load %arg12[%get3A, %get3A_91] {strides = array<i32>} : memref<200x128xf32, #tpu.memory_space<vmem>>, vector<1x16xf32>,
      %get3A_93 = vector.shape_cast %get3A_92 : vector<1x16xf32> to vector<16xf32>
      %get3A_94 = arith.index_cast %scan3A_90 : i32 to index
      %get3A_95 = arith.constant 0 : index
      %get3A_96 = tpu.vector_load %arg14[%get3A_94, %get3A_95] {strides = array<i32>} : memref<200x128xf32, #tpu.memory_space<vmem>>, vector<1x16xf32>,
      %get3A_97 = vector.shape_cast %get3A_96 : vector<1x16xf32> to vector<16xf32>
      %add3A_98 = arith.addf %get3A_93, %get3A_97 : vector<16xf32>
      %swap3A = arith.index_cast %scan3A_90 : i32 to index
      %swap3A_99 = arith.constant 0 : index
      %swap3A_100 = tpu.vector_load %arg12[%swap3A, %swap3A_99] {strides = array<i32>} : memref<200x128xf32, #tpu.memory_space<vmem>>, vector<1x16xf32>,
      %swap3A_101 = vector.shape_cast %swap3A_100 : vector<1x16xf32> to vector<16xf32>
      %swap3A_102 = vector.shape_cast %add3A_98 : vector<16xf32> to vector<1x16xf32>
      tpu.vector_store %arg12[%swap3A, %swap3A_99], %swap3A_102 {strides = array<i32>} : memref<200x128xf32, #tpu.memory_space<vmem>>, vector<1x16xf32>,
      %get3A_103 = arith.index_cast %scan3A_90 : i32 to index
      %get3A_104 = arith.constant 16 : index
      %get3A_105 = tpu.vector_load %arg12[%get3A_103, %get3A_104] {strides = array<i32>} : memref<200x128xf32, #tpu.memory_space<vmem>>, vector<1x16xf32>,
      %get3A_106 = vector.shape_cast %get3A_105 : vector<1x16xf32> to vector<16xf32>
      %get3A_107 = arith.index_cast %scan3A_90 : i32 to index
      %get3A_108 = arith.constant 16 : index
      %get3A_109 = tpu.vector_load %arg14[%get3A_107, %get3A_108] {strides = array<i32>} : memref<200x128xf32, #tpu.memory_space<vmem>>, vector<1x16xf32>,
      %get3A_110 = vector.shape_cast %get3A_109 : vector<1x16xf32> to vector<16xf32>
      %add3A_111 = arith.addf %get3A_106, %get3A_110 : vector<16xf32>
      %swap3A_112 = arith.index_cast %scan3A_90 : i32 to index
      %swap3A_113 = arith.constant 16 : index
      %swap3A_114 = tpu.vector_load %arg12[%swap3A_112, %swap3A_113] {strides = array<i32>} : memref<200x128xf32, #tpu.memory_space<vmem>>, vector<1x16xf32>,
      %swap3A_115 = vector.shape_cast %swap3A_114 : vector<1x16xf32> to vector<16xf32>
      %swap3A_116 = vector.shape_cast %add3A_111 : vector<16xf32> to vector<1x16xf32>
      tpu.vector_store %arg12[%swap3A_112, %swap3A_113], %swap3A_116 {strides = array<i32>} : memref<200x128xf32, #tpu.memory_space<vmem>>, vector<1x16xf32>,
      %get3A_117 = arith.index_cast %scan3A_90 : i32 to index
      %get3A_118 = arith.constant 32 : index
      %get3A_119 = tpu.vector_load %arg12[%get3A_117, %get3A_118] {strides = array<i32>} : memref<200x128xf32, #tpu.memory_space<vmem>>, vector<1x16xf32>,
      %get3A_120 = vector.shape_cast %get3A_119 : vector<1x16xf32> to vector<16xf32>
      %get3A_121 = arith.index_cast %scan3A_90 : i32 to index
      %get3A_122 = arith.constant 32 : index
      %get3A_123 = tpu.vector_load %arg14[%get3A_121, %get3A_122] {strides = array<i32>} : memref<200x128xf32, #tpu.memory_space<vmem>>, vector<1x16xf32>,
      %get3A_124 = vector.shape_cast %get3A_123 : vector<1x16xf32> to vector<16xf32>
      %add3A_125 = arith.addf %get3A_120, %get3A_124 : vector<16xf32>
      %swap3A_126 = arith.index_cast %scan3A_90 : i32 to index
      %swap3A_127 = arith.constant 32 : index
      %swap3A_128 = tpu.vector_load %arg12[%swap3A_126, %swap3A_127] {strides = array<i32>} : memref<200x128xf32, #tpu.memory_space<vmem>>, vector<1x16xf32>,
      %swap3A_129 = vector.shape_cast %swap3A_128 : vector<1x16xf32> to vector<16xf32>
      %swap3A_130 = vector.shape_cast %add3A_125 : vector<16xf32> to vector<1x16xf32>
      tpu.vector_store %arg12[%swap3A_126, %swap3A_127], %swap3A_130 {strides = array<i32>} : memref<200x128xf32, #tpu.memory_space<vmem>>, vector<1x16xf32>,
      %get3A_131 = arith.index_cast %scan3A_90 : i32 to index
      %get3A_132 = arith.constant 48 : index
      %get3A_133 = tpu.vector_load %arg12[%get3A_131, %get3A_132] {strides = array<i32>} : memref<200x128xf32, #tpu.memory_space<vmem>>, vector<1x16xf32>,
      %get3A_134 = vector.shape_cast %get3A_133 : vector<1x16xf32> to vector<16xf32>
      %get3A_135 = arith.index_cast %scan3A_90 : i32 to index
      %get3A_136 = arith.constant 48 : index
      %get3A_137 = tpu.vector_load %arg14[%get3A_135, %get3A_136] {strides = array<i32>} : memref<200x128xf32, #tpu.memory_space<vmem>>, vector<1x16xf32>,
      %get3A_138 = vector.shape_cast %get3A_137 : vector<1x16xf32> to vector<16xf32>
      %add3A_139 = arith.addf %get3A_134, %get3A_138 : vector<16xf32>
      %swap3A_140 = arith.index_cast %scan3A_90 : i32 to index
      %swap3A_141 = arith.constant 48 : index
      %swap3A_142 = tpu.vector_load %arg12[%swap3A_140, %swap3A_141] {strides = array<i32>} : memref<200x128xf32, #tpu.memory_space<vmem>>, vector<1x16xf32>,
      %swap3A_143 = vector.shape_cast %swap3A_142 : vector<1x16xf32> to vector<16xf32>
      %swap3A_144 = vector.shape_cast %add3A_139 : vector<16xf32> to vector<1x16xf32>
      tpu.vector_store %arg12[%swap3A_140, %swap3A_141], %swap3A_144 {strides = array<i32>} : memref<200x128xf32, #tpu.memory_space<vmem>>, vector<1x16xf32>,
      %get3A_145 = arith.index_cast %scan3A_90 : i32 to index
      %get3A_146 = arith.constant 64 : index
      %get3A_147 = tpu.vector_load %arg12[%get3A_145, %get3A_146] {strides = array<i32>} : memref<200x128xf32, #tpu.memory_space<vmem>>, vector<1x16xf32>,
      %get3A_148 = vector.shape_cast %get3A_147 : vector<1x16xf32> to vector<16xf32>
      %get3A_149 = arith.index_cast %scan3A_90 : i32 to index
      %get3A_150 = arith.constant 64 : index
      %get3A_151 = tpu.vector_load %arg14[%get3A_149, %get3A_150] {strides = array<i32>} : memref<200x128xf32, #tpu.memory_space<vmem>>, vector<1x16xf32>,
      %get3A_152 = vector.shape_cast %get3A_151 : vector<1x16xf32> to vector<16xf32>
      %add3A_153 = arith.addf %get3A_148, %get3A_152 : vector<16xf32>
      %swap3A_154 = arith.index_cast %scan3A_90 : i32 to index
      %swap3A_155 = arith.constant 64 : index
      %swap3A_156 = tpu.vector_load %arg12[%swap3A_154, %swap3A_155] {strides = array<i32>} : memref<200x128xf32, #tpu.memory_space<vmem>>, vector<1x16xf32>,
      %swap3A_157 = vector.shape_cast %swap3A_156 : vector<1x16xf32> to vector<16xf32>
      %swap3A_158 = vector.shape_cast %add3A_153 : vector<16xf32> to vector<1x16xf32>
      tpu.vector_store %arg12[%swap3A_154, %swap3A_155], %swap3A_158 {strides = array<i32>} : memref<200x128xf32, #tpu.memory_space<vmem>>, vector<1x16xf32>,
      %get3A_159 = arith.index_cast %scan3A_90 : i32 to index
      %get3A_160 = arith.constant 80 : index
      %get3A_161 = tpu.vector_load %arg12[%get3A_159, %get3A_160] {strides = array<i32>} : memref<200x128xf32, #tpu.memory_space<vmem>>, vector<1x16xf32>,
      %get3A_162 = vector.shape_cast %get3A_161 : vector<1x16xf32> to vector<16xf32>
      %get3A_163 = arith.index_cast %scan3A_90 : i32 to index
      %get3A_164 = arith.constant 80 : index
      %get3A_165 = tpu.vector_load %arg14[%get3A_163, %get3A_164] {strides = array<i32>} : memref<200x128xf32, #tpu.memory_space<vmem>>, vector<1x16xf32>,
      %get3A_166 = vector.shape_cast %get3A_165 : vector<1x16xf32> to vector<16xf32>
      %add3A_167 = arith.addf %get3A_162, %get3A_166 : vector<16xf32>
      %swap3A_168 = arith.index_cast %scan3A_90 : i32 to index
      %swap3A_169 = arith.constant 80 : index
      %swap3A_170 = tpu.vector_load %arg12[%swap3A_168, %swap3A_169] {strides = array<i32>} : memref<200x128xf32, #tpu.memory_space<vmem>>, vector<1x16xf32>,
      %swap3A_171 = vector.shape_cast %swap3A_170 : vector<1x16xf32> to vector<16xf32>
      %swap3A_172 = vector.shape_cast %add3A_167 : vector<16xf32> to vector<1x16xf32>
      tpu.vector_store %arg12[%swap3A_168, %swap3A_169], %swap3A_172 {strides = array<i32>} : memref<200x128xf32, #tpu.memory_space<vmem>>, vector<1x16xf32>,
      %get3A_173 = arith.index_cast %scan3A_90 : i32 to index
      %get3A_174 = arith.constant 96 : index
      %get3A_175 = tpu.vector_load %arg12[%get3A_173, %get3A_174] {strides = array<i32>} : memref<200x128xf32, #tpu.memory_space<vmem>>, vector<1x16xf32>,
      %get3A_176 = vector.shape_cast %get3A_175 : vector<1x16xf32> to vector<16xf32>
      %get3A_177 = arith.index_cast %scan3A_90 : i32 to index
      %get3A_178 = arith.constant 96 : index
      %get3A_179 = tpu.vector_load %arg14[%get3A_177, %get3A_178] {strides = array<i32>} : memref<200x128xf32, #tpu.memory_space<vmem>>, vector<1x16xf32>,
      %get3A_180 = vector.shape_cast %get3A_179 : vector<1x16xf32> to vector<16xf32>
      %add3A_181 = arith.addf %get3A_176, %get3A_180 : vector<16xf32>
      %swap3A_182 = arith.index_cast %scan3A_90 : i32 to index
      %swap3A_183 = arith.constant 96 : index
      %swap3A_184 = tpu.vector_load %arg12[%swap3A_182, %swap3A_183] {strides = array<i32>} : memref<200x128xf32, #tpu.memory_space<vmem>>, vector<1x16xf32>,
      %swap3A_185 = vector.shape_cast %swap3A_184 : vector<1x16xf32> to vector<16xf32>
      %swap3A_186 = vector.shape_cast %add3A_181 : vector<16xf32> to vector<1x16xf32>
      tpu.vector_store %arg12[%swap3A_182, %swap3A_183], %swap3A_186 {strides = array<i32>} : memref<200x128xf32, #tpu.memory_space<vmem>>, vector<1x16xf32>,
      %get3A_187 = arith.index_cast %scan3A_90 : i32 to index
      %get3A_188 = arith.constant 112 : index
      %get3A_189 = tpu.vector_load %arg12[%get3A_187, %get3A_188] {strides = array<i32>} : memref<200x128xf32, #tpu.memory_space<vmem>>, vector<1x16xf32>,
      %get3A_190 = vector.shape_cast %get3A_189 : vector<1x16xf32> to vector<16xf32>
      %get3A_191 = arith.index_cast %scan3A_90 : i32 to index
      %get3A_192 = arith.constant 112 : index
      %get3A_193 = tpu.vector_load %arg14[%get3A_191, %get3A_192] {strides = array<i32>} : memref<200x128xf32, #tpu.memory_space<vmem>>, vector<1x16xf32>,
      %get3A_194 = vector.shape_cast %get3A_193 : vector<1x16xf32> to vector<16xf32>
      %add3A_195 = arith.addf %get3A_190, %get3A_194 : vector<16xf32>
      %swap3A_196 = arith.index_cast %scan3A_90 : i32 to index
      %swap3A_197 = arith.constant 112 : index
      %swap3A_198 = tpu.vector_load %arg12[%swap3A_196, %swap3A_197] {strides = array<i32>} : memref<200x128xf32, #tpu.memory_space<vmem>>, vector<1x16xf32>,
      %swap3A_199 = vector.shape_cast %swap3A_198 : vector<1x16xf32> to vector<16xf32>
      %swap3A_200 = vector.shape_cast %add3A_195 : vector<16xf32> to vector<1x16xf32>
      tpu.vector_store %arg12[%swap3A_196, %swap3A_197], %swap3A_200 {strides = array<i32>} : memref<200x128xf32, #tpu.memory_space<vmem>>, vector<1x16xf32>,
    }
    %scan3A_71 = arith.constant 200 : i32
    %add3A_72 = arith.constant 5000 : i32
    %add3A_73 = arith.addi %mul3A_2, %add3A_72 : i32
    %dma_start3A_74 = arith.constant 0 : i32
    %dma_start3A_75 = tpu.memref_slice %arg6[%add3A_73, %dma_start3A_74] : memref<166400x128xf32, #tpu.memory_space<hbm>> -> memref<200x128xf32, #tpu.memory_space<hbm>>
    %dma_start3A_76 = arith.constant 0 : i32
    %dma_start3A_77 = tpu.memref_slice %arg6[%add3A_73, %dma_start3A_76] : memref<166400x128xf32, #tpu.memory_space<hbm>> -> memref<200x128xf32, #tpu.memory_space<hbm>>
    tpu.enqueue_dma source(%arg12 : memref<200x128xf32, #tpu.memory_space<vmem>>) target(%dma_start3A_77 : memref<200x128xf32, #tpu.memory_space<hbm>>) target_semaphore(%arg18 : memref<!tpu.dma_semaphore, #tpu.memory_space<semaphore_mem>>)
    %dma_wait3A_78 = arith.constant 0 : i32
    %dma_wait3A_79 = arith.constant 0 : i32
    %dma_wait3A_80 = tpu.memref_slice %arg6[%dma_wait3A_78, %dma_wait3A_79] : memref<166400x128xf32, #tpu.memory_space<hbm>> -> memref<200x128xf32, #tpu.memory_space<hbm>>
    %dma_wait3A_81 = arith.constant 0 : i32
    %dma_wait3A_82 = arith.constant 0 : i32
    %dma_wait3A_83 = tpu.memref_slice %arg6[%dma_wait3A_81, %dma_wait3A_82] : memref<166400x128xf32, #tpu.memory_space<hbm>> -> memref<200x128xf32, #tpu.memory_space<hbm>>
    tpu.wait_dma2 semaphore(%arg17 : memref<!tpu.dma_semaphore, #tpu.memory_space<semaphore_mem>>) src(%arg11 : memref<200x128xf32, #tpu.memory_space<vmem>>) dst(%dma_wait3A_83 : memref<200x128xf32, #tpu.memory_space<hbm>>)
    %dma_wait3A_84 = arith.constant 0 : i32
    %dma_wait3A_85 = arith.constant 0 : i32
    %dma_wait3A_86 = tpu.memref_slice %arg6[%dma_wait3A_84, %dma_wait3A_85] : memref<166400x128xf32, #tpu.memory_space<hbm>> -> memref<200x128xf32, #tpu.memory_space<hbm>>
    %dma_wait3A_87 = arith.constant 0 : i32
    %dma_wait3A_88 = arith.constant 0 : i32
    %dma_wait3A_89 = tpu.memref_slice %arg6[%dma_wait3A_87, %dma_wait3A_88] : memref<166400x128xf32, #tpu.memory_space<hbm>> -> memref<200x128xf32, #tpu.memory_space<hbm>>
    tpu.wait_dma2 semaphore(%arg18 : memref<!tpu.dma_semaphore, #tpu.memory_space<semaphore_mem>>) src(%arg12 : memref<200x128xf32, #tpu.memory_space<vmem>>) dst(%dma_wait3A_89 : memref<200x128xf32, #tpu.memory_space<hbm>>)
    return
  }
}

#map = affine_map<(d0, d1) -> (0, 0)>
#map1 = affine_map<(d0, d1) -> (0)>
module attributes {stable_mosaic.version = 14 : i64} {
  func.func @gather(%arg0: i32, %arg1: i32, %arg2: memref<10000x128xf32, #tpu.memory_space<hbm>>, %arg3: memref<10000x128xf32, #tpu.memory_space<hbm>>, %arg4: memref<320000xi32, #tpu.memory_space<hbm>>, %arg5: memref<320000xi32, #tpu.memory_space<hbm>>, %arg6: memref<153600x128xf32, #tpu.memory_space<hbm>>, %arg7: memref<200xi32, #tpu.memory_space<vmem>>, %arg8: memref<200xi32, #tpu.memory_space<vmem>>, %arg9: memref<200xi32, #tpu.memory_space<vmem>>, %arg10: memref<200xi32, #tpu.memory_space<vmem>>, %arg11: memref<200x128xf32, #tpu.memory_space<vmem>>, %arg12: memref<200x128xf32, #tpu.memory_space<vmem>>, %arg13: memref<200x128xf32, #tpu.memory_space<vmem>>, %arg14: memref<200x128xf32, #tpu.memory_space<vmem>>, %arg15: memref<!tpu.dma_semaphore, #tpu.memory_space<semaphore_mem>>, %arg16: memref<!tpu.dma_semaphore, #tpu.memory_space<semaphore_mem>>, %arg17: memref<!tpu.dma_semaphore, #tpu.memory_space<semaphore_mem>>, %arg18: memref<!tpu.dma_semaphore, #tpu.memory_space<semaphore_mem>>) attributes {dimension_semantics = [#tpu.dimension_semantics<core_parallel>, #tpu.dimension_semantics<subcore_parallel>], iteration_bounds = array<i64: 2, 16>, scalar_prefetch = 0 : i64, scratch_operands = 12 : i64, tpu.core_type = #tpu.core_type<sc_vector_subcore>, window_params = [{transform_indices = #map}, {transform_indices = #map}, {transform_indices = #map1}, {transform_indices = #map1}, {transform_indices = #map}]} {
    %mul3A = arith.constant 2 : i32
    %mul3A_0 = arith.muli %arg1, %mul3A : i32
    %add3A = arith.addi %mul3A_0, %arg0 : i32
    %mul3A_1 = arith.constant 4800 : i32
    %mul3A_2 = arith.muli %add3A, %mul3A_1 : i32
    %add3A_3 = arith.constant 0 : i32
    %add3A_4 = arith.addi %mul3A_2, %add3A_3 : i32
    %add3A_5 = arith.constant 0 : i32
    %add3A_6 = arith.addi %add3A_5, %add3A_4 : i32
    "tpu.region"() ({
      %run_scoped3A = tpu.sem_alloc : memref<!tpu.dma_semaphore, #tpu.memory_space<semaphore_mem>>
      %dma_start3A_90 = tpu.memref_slice %arg4[%add3A_6] : memref<320000xi32, #tpu.memory_space<hbm>> -> memref<200xi32, #tpu.memory_space<hbm>>
      %dma_start3A_91 = tpu.memref_slice %arg4[%add3A_6] : memref<320000xi32, #tpu.memory_space<hbm>> -> memref<200xi32, #tpu.memory_space<hbm>>
      tpu.enqueue_dma source(%dma_start3A_91 : memref<200xi32, #tpu.memory_space<hbm>>) target(%arg7 : memref<200xi32, #tpu.memory_space<vmem>>) target_semaphore(%run_scoped3A : memref<!tpu.dma_semaphore, #tpu.memory_space<semaphore_mem>>)
      %dma_wait3A_92 = tpu.memref_slice %arg4[%add3A_6] : memref<320000xi32, #tpu.memory_space<hbm>> -> memref<200xi32, #tpu.memory_space<hbm>>
      %dma_wait3A_93 = tpu.memref_slice %arg4[%add3A_6] : memref<320000xi32, #tpu.memory_space<hbm>> -> memref<200xi32, #tpu.memory_space<hbm>>
      tpu.wait_dma2 semaphore(%run_scoped3A : memref<!tpu.dma_semaphore, #tpu.memory_space<semaphore_mem>>) src(%dma_wait3A_93 : memref<200xi32, #tpu.memory_space<hbm>>) dst(%arg7 : memref<200xi32, #tpu.memory_space<vmem>>)
      tpu.yield
    }) : () -> ()
    %add3A_7 = arith.constant 0 : i32
    %add3A_8 = arith.addi %add3A_7, %add3A_4 : i32
    "tpu.region"() ({
      %run_scoped3A = tpu.sem_alloc : memref<!tpu.dma_semaphore, #tpu.memory_space<semaphore_mem>>
      %dma_start3A_90 = tpu.memref_slice %arg5[%add3A_8] : memref<320000xi32, #tpu.memory_space<hbm>> -> memref<200xi32, #tpu.memory_space<hbm>>
      %dma_start3A_91 = tpu.memref_slice %arg5[%add3A_8] : memref<320000xi32, #tpu.memory_space<hbm>> -> memref<200xi32, #tpu.memory_space<hbm>>
      tpu.enqueue_dma source(%dma_start3A_91 : memref<200xi32, #tpu.memory_space<hbm>>) target(%arg9 : memref<200xi32, #tpu.memory_space<vmem>>) target_semaphore(%run_scoped3A : memref<!tpu.dma_semaphore, #tpu.memory_space<semaphore_mem>>)
      %dma_wait3A_92 = tpu.memref_slice %arg5[%add3A_8] : memref<320000xi32, #tpu.memory_space<hbm>> -> memref<200xi32, #tpu.memory_space<hbm>>
      %dma_wait3A_93 = tpu.memref_slice %arg5[%add3A_8] : memref<320000xi32, #tpu.memory_space<hbm>> -> memref<200xi32, #tpu.memory_space<hbm>>
      tpu.wait_dma2 semaphore(%run_scoped3A : memref<!tpu.dma_semaphore, #tpu.memory_space<semaphore_mem>>) src(%dma_wait3A_93 : memref<200xi32, #tpu.memory_space<hbm>>) dst(%arg9 : memref<200xi32, #tpu.memory_space<vmem>>)
      tpu.yield
    }) : () -> ()
    %dma_start3A = arith.constant 0 : i32
    %dma_start3A_9 = arith.constant 0 : i32
    %dma_start3A_10 = tpu.memref_slice %arg2[%dma_start3A, %dma_start3A_9] : memref<10000x128xf32, #tpu.memory_space<hbm>> -> memref<10000x128xf32, #tpu.memory_space<hbm>>
    tpu.enqueue_indirect_dma source(%dma_start3A_10 : memref<10000x128xf32, #tpu.memory_space<hbm>>) target(%arg11 : memref<200x128xf32, #tpu.memory_space<vmem>>) offsets(%arg7 : memref<200xi32, #tpu.memory_space<vmem>>) semaphore(%arg15 : memref<!tpu.dma_semaphore, #tpu.memory_space<semaphore_mem>>)
    %dma_start3A_11 = arith.constant 0 : i32
    %dma_start3A_12 = arith.constant 0 : i32
    %dma_start3A_13 = tpu.memref_slice %arg3[%dma_start3A_11, %dma_start3A_12] : memref<10000x128xf32, #tpu.memory_space<hbm>> -> memref<10000x128xf32, #tpu.memory_space<hbm>>
    tpu.enqueue_indirect_dma source(%dma_start3A_13 : memref<10000x128xf32, #tpu.memory_space<hbm>>) target(%arg13 : memref<200x128xf32, #tpu.memory_space<vmem>>) offsets(%arg9 : memref<200xi32, #tpu.memory_space<vmem>>) semaphore(%arg15 : memref<!tpu.dma_semaphore, #tpu.memory_space<semaphore_mem>>)
    %dma_wait3A = arith.constant 0 : i32
    %dma_wait3A_14 = arith.constant 0 : i32
    %dma_wait3A_15 = tpu.memref_slice %arg6[%dma_wait3A, %dma_wait3A_14] : memref<153600x128xf32, #tpu.memory_space<hbm>> -> memref<200x128xf32, #tpu.memory_space<hbm>>
    %dma_wait3A_16 = arith.constant 0 : i32
    %dma_wait3A_17 = arith.constant 0 : i32
    %dma_wait3A_18 = tpu.memref_slice %arg6[%dma_wait3A_16, %dma_wait3A_17] : memref<153600x128xf32, #tpu.memory_space<hbm>> -> memref<200x128xf32, #tpu.memory_space<hbm>>
    tpu.wait_dma2 semaphore(%arg15 : memref<!tpu.dma_semaphore, #tpu.memory_space<semaphore_mem>>) src(%dma_wait3A_18 : memref<200x128xf32, #tpu.memory_space<hbm>>) dst(%arg11 : memref<200x128xf32, #tpu.memory_space<vmem>>)
    %dma_wait3A_19 = arith.constant 0 : i32
    %dma_wait3A_20 = arith.constant 0 : i32
    %dma_wait3A_21 = tpu.memref_slice %arg6[%dma_wait3A_19, %dma_wait3A_20] : memref<153600x128xf32, #tpu.memory_space<hbm>> -> memref<200x128xf32, #tpu.memory_space<hbm>>
    %dma_wait3A_22 = arith.constant 0 : i32
    %dma_wait3A_23 = arith.constant 0 : i32
    %dma_wait3A_24 = tpu.memref_slice %arg6[%dma_wait3A_22, %dma_wait3A_23] : memref<153600x128xf32, #tpu.memory_space<hbm>> -> memref<200x128xf32, #tpu.memory_space<hbm>>
    tpu.wait_dma2 semaphore(%arg15 : memref<!tpu.dma_semaphore, #tpu.memory_space<semaphore_mem>>) src(%dma_wait3A_24 : memref<200x128xf32, #tpu.memory_space<hbm>>) dst(%arg13 : memref<200x128xf32, #tpu.memory_space<vmem>>)
    %scan3A = arith.constant 0 : i32
    %scan3A_25 = arith.constant 0 : i32
    %scan3A_26 = arith.constant 200 : i32
    %scan3A_27 = arith.addi %scan3A_25, %scan3A_26 : i32
    %scan3A_28 = arith.constant 1 : i32
    scf.for %scan3A_90 = %scan3A_25 to %scan3A_27 step %scan3A_28  : i32 {
      %get3A = arith.index_cast %scan3A_90 : i32 to index
      %get3A_91 = arith.constant 0 : index
      %get3A_92 = tpu.vector_load %arg11[%get3A, %get3A_91] {strides = array<i32>} : memref<200x128xf32, #tpu.memory_space<vmem>>, vector<1x16xf32>,
      %get3A_93 = vector.shape_cast %get3A_92 : vector<1x16xf32> to vector<16xf32>
      %get3A_94 = arith.index_cast %scan3A_90 : i32 to index
      %get3A_95 = arith.constant 0 : index
      %get3A_96 = tpu.vector_load %arg13[%get3A_94, %get3A_95] {strides = array<i32>} : memref<200x128xf32, #tpu.memory_space<vmem>>, vector<1x16xf32>,
      %get3A_97 = vector.shape_cast %get3A_96 : vector<1x16xf32> to vector<16xf32>
      %add3A_98 = arith.addf %get3A_93, %get3A_97 : vector<16xf32>
      %swap3A = arith.index_cast %scan3A_90 : i32 to index
      %swap3A_99 = arith.constant 0 : index
      %swap3A_100 = tpu.vector_load %arg11[%swap3A, %swap3A_99] {strides = array<i32>} : memref<200x128xf32, #tpu.memory_space<vmem>>, vector<1x16xf32>,
      %swap3A_101 = vector.shape_cast %swap3A_100 : vector<1x16xf32> to vector<16xf32>
      %swap3A_102 = vector.shape_cast %add3A_98 : vector<16xf32> to vector<1x16xf32>
      tpu.vector_store %arg11[%swap3A, %swap3A_99], %swap3A_102 {strides = array<i32>} : memref<200x128xf32, #tpu.memory_space<vmem>>, vector<1x16xf32>,
      %get3A_103 = arith.index_cast %scan3A_90 : i32 to index
      %get3A_104 = arith.constant 16 : index
      %get3A_105 = tpu.vector_load %arg11[%get3A_103, %get3A_104] {strides = array<i32>} : memref<200x128xf32, #tpu.memory_space<vmem>>, vector<1x16xf32>,
      %get3A_106 = vector.shape_cast %get3A_105 : vector<1x16xf32> to vector<16xf32>
      %get3A_107 = arith.index_cast %scan3A_90 : i32 to index
      %get3A_108 = arith.constant 16 : index
      %get3A_109 = tpu.vector_load %arg13[%get3A_107, %get3A_108] {strides = array<i32>} : memref<200x128xf32, #tpu.memory_space<vmem>>, vector<1x16xf32>,
      %get3A_110 = vector.shape_cast %get3A_109 : vector<1x16xf32> to vector<16xf32>
      %add3A_111 = arith.addf %get3A_106, %get3A_110 : vector<16xf32>
      %swap3A_112 = arith.index_cast %scan3A_90 : i32 to index
      %swap3A_113 = arith.constant 16 : index
      %swap3A_114 = tpu.vector_load %arg11[%swap3A_112, %swap3A_113] {strides = array<i32>} : memref<200x128xf32, #tpu.memory_space<vmem>>, vector<1x16xf32>,
      %swap3A_115 = vector.shape_cast %swap3A_114 : vector<1x16xf32> to vector<16xf32>
      %swap3A_116 = vector.shape_cast %add3A_111 : vector<16xf32> to vector<1x16xf32>
      tpu.vector_store %arg11[%swap3A_112, %swap3A_113], %swap3A_116 {strides = array<i32>} : memref<200x128xf32, #tpu.memory_space<vmem>>, vector<1x16xf32>,
      %get3A_117 = arith.index_cast %scan3A_90 : i32 to index
      %get3A_118 = arith.constant 32 : index
      %get3A_119 = tpu.vector_load %arg11[%get3A_117, %get3A_118] {strides = array<i32>} : memref<200x128xf32, #tpu.memory_space<vmem>>, vector<1x16xf32>,
      %get3A_120 = vector.shape_cast %get3A_119 : vector<1x16xf32> to vector<16xf32>
      %get3A_121 = arith.index_cast %scan3A_90 : i32 to index
      %get3A_122 = arith.constant 32 : index
      %get3A_123 = tpu.vector_load %arg13[%get3A_121, %get3A_122] {strides = array<i32>} : memref<200x128xf32, #tpu.memory_space<vmem>>, vector<1x16xf32>,
      %get3A_124 = vector.shape_cast %get3A_123 : vector<1x16xf32> to vector<16xf32>
      %add3A_125 = arith.addf %get3A_120, %get3A_124 : vector<16xf32>
      %swap3A_126 = arith.index_cast %scan3A_90 : i32 to index
      %swap3A_127 = arith.constant 32 : index
      %swap3A_128 = tpu.vector_load %arg11[%swap3A_126, %swap3A_127] {strides = array<i32>} : memref<200x128xf32, #tpu.memory_space<vmem>>, vector<1x16xf32>,
      %swap3A_129 = vector.shape_cast %swap3A_128 : vector<1x16xf32> to vector<16xf32>
      %swap3A_130 = vector.shape_cast %add3A_125 : vector<16xf32> to vector<1x16xf32>
      tpu.vector_store %arg11[%swap3A_126, %swap3A_127], %swap3A_130 {strides = array<i32>} : memref<200x128xf32, #tpu.memory_space<vmem>>, vector<1x16xf32>,
      %get3A_131 = arith.index_cast %scan3A_90 : i32 to index
      %get3A_132 = arith.constant 48 : index
      %get3A_133 = tpu.vector_load %arg11[%get3A_131, %get3A_132] {strides = array<i32>} : memref<200x128xf32, #tpu.memory_space<vmem>>, vector<1x16xf32>,
      %get3A_134 = vector.shape_cast %get3A_133 : vector<1x16xf32> to vector<16xf32>
      %get3A_135 = arith.index_cast %scan3A_90 : i32 to index
      %get3A_136 = arith.constant 48 : index
      %get3A_137 = tpu.vector_load %arg13[%get3A_135, %get3A_136] {strides = array<i32>} : memref<200x128xf32, #tpu.memory_space<vmem>>, vector<1x16xf32>,
      %get3A_138 = vector.shape_cast %get3A_137 : vector<1x16xf32> to vector<16xf32>
      %add3A_139 = arith.addf %get3A_134, %get3A_138 : vector<16xf32>
      %swap3A_140 = arith.index_cast %scan3A_90 : i32 to index
      %swap3A_141 = arith.constant 48 : index
      %swap3A_142 = tpu.vector_load %arg11[%swap3A_140, %swap3A_141] {strides = array<i32>} : memref<200x128xf32, #tpu.memory_space<vmem>>, vector<1x16xf32>,
      %swap3A_143 = vector.shape_cast %swap3A_142 : vector<1x16xf32> to vector<16xf32>
      %swap3A_144 = vector.shape_cast %add3A_139 : vector<16xf32> to vector<1x16xf32>
      tpu.vector_store %arg11[%swap3A_140, %swap3A_141], %swap3A_144 {strides = array<i32>} : memref<200x128xf32, #tpu.memory_space<vmem>>, vector<1x16xf32>,
      %get3A_145 = arith.index_cast %scan3A_90 : i32 to index
      %get3A_146 = arith.constant 64 : index
      %get3A_147 = tpu.vector_load %arg11[%get3A_145, %get3A_146] {strides = array<i32>} : memref<200x128xf32, #tpu.memory_space<vmem>>, vector<1x16xf32>,
      %get3A_148 = vector.shape_cast %get3A_147 : vector<1x16xf32> to vector<16xf32>
      %get3A_149 = arith.index_cast %scan3A_90 : i32 to index
      %get3A_150 = arith.constant 64 : index
      %get3A_151 = tpu.vector_load %arg13[%get3A_149, %get3A_150] {strides = array<i32>} : memref<200x128xf32, #tpu.memory_space<vmem>>, vector<1x16xf32>,
      %get3A_152 = vector.shape_cast %get3A_151 : vector<1x16xf32> to vector<16xf32>
      %add3A_153 = arith.addf %get3A_148, %get3A_152 : vector<16xf32>
      %swap3A_154 = arith.index_cast %scan3A_90 : i32 to index
      %swap3A_155 = arith.constant 64 : index
      %swap3A_156 = tpu.vector_load %arg11[%swap3A_154, %swap3A_155] {strides = array<i32>} : memref<200x128xf32, #tpu.memory_space<vmem>>, vector<1x16xf32>,
      %swap3A_157 = vector.shape_cast %swap3A_156 : vector<1x16xf32> to vector<16xf32>
      %swap3A_158 = vector.shape_cast %add3A_153 : vector<16xf32> to vector<1x16xf32>
      tpu.vector_store %arg11[%swap3A_154, %swap3A_155], %swap3A_158 {strides = array<i32>} : memref<200x128xf32, #tpu.memory_space<vmem>>, vector<1x16xf32>,
      %get3A_159 = arith.index_cast %scan3A_90 : i32 to index
      %get3A_160 = arith.constant 80 : index
      %get3A_161 = tpu.vector_load %arg11[%get3A_159, %get3A_160] {strides = array<i32>} : memref<200x128xf32, #tpu.memory_space<vmem>>, vector<1x16xf32>,
      %get3A_162 = vector.shape_cast %get3A_161 : vector<1x16xf32> to vector<16xf32>
      %get3A_163 = arith.index_cast %scan3A_90 : i32 to index
      %get3A_164 = arith.constant 80 : index
      %get3A_165 = tpu.vector_load %arg13[%get3A_163, %get3A_164] {strides = array<i32>} : memref<200x128xf32, #tpu.memory_space<vmem>>, vector<1x16xf32>,
      %get3A_166 = vector.shape_cast %get3A_165 : vector<1x16xf32> to vector<16xf32>
      %add3A_167 = arith.addf %get3A_162, %get3A_166 : vector<16xf32>
      %swap3A_168 = arith.index_cast %scan3A_90 : i32 to index
      %swap3A_169 = arith.constant 80 : index
      %swap3A_170 = tpu.vector_load %arg11[%swap3A_168, %swap3A_169] {strides = array<i32>} : memref<200x128xf32, #tpu.memory_space<vmem>>, vector<1x16xf32>,
      %swap3A_171 = vector.shape_cast %swap3A_170 : vector<1x16xf32> to vector<16xf32>
      %swap3A_172 = vector.shape_cast %add3A_167 : vector<16xf32> to vector<1x16xf32>
      tpu.vector_store %arg11[%swap3A_168, %swap3A_169], %swap3A_172 {strides = array<i32>} : memref<200x128xf32, #tpu.memory_space<vmem>>, vector<1x16xf32>,
      %get3A_173 = arith.index_cast %scan3A_90 : i32 to index
      %get3A_174 = arith.constant 96 : index
      %get3A_175 = tpu.vector_load %arg11[%get3A_173, %get3A_174] {strides = array<i32>} : memref<200x128xf32, #tpu.memory_space<vmem>>, vector<1x16xf32>,
      %get3A_176 = vector.shape_cast %get3A_175 : vector<1x16xf32> to vector<16xf32>
      %get3A_177 = arith.index_cast %scan3A_90 : i32 to index
      %get3A_178 = arith.constant 96 : index
      %get3A_179 = tpu.vector_load %arg13[%get3A_177, %get3A_178] {strides = array<i32>} : memref<200x128xf32, #tpu.memory_space<vmem>>, vector<1x16xf32>,
      %get3A_180 = vector.shape_cast %get3A_179 : vector<1x16xf32> to vector<16xf32>
      %add3A_181 = arith.addf %get3A_176, %get3A_180 : vector<16xf32>
      %swap3A_182 = arith.index_cast %scan3A_90 : i32 to index
      %swap3A_183 = arith.constant 96 : index
      %swap3A_184 = tpu.vector_load %arg11[%swap3A_182, %swap3A_183] {strides = array<i32>} : memref<200x128xf32, #tpu.memory_space<vmem>>, vector<1x16xf32>,
      %swap3A_185 = vector.shape_cast %swap3A_184 : vector<1x16xf32> to vector<16xf32>
      %swap3A_186 = vector.shape_cast %add3A_181 : vector<16xf32> to vector<1x16xf32>
      tpu.vector_store %arg11[%swap3A_182, %swap3A_183], %swap3A_186 {strides = array<i32>} : memref<200x128xf32, #tpu.memory_space<vmem>>, vector<1x16xf32>,
      %get3A_187 = arith.index_cast %scan3A_90 : i32 to index
      %get3A_188 = arith.constant 112 : index
      %get3A_189 = tpu.vector_load %arg11[%get3A_187, %get3A_188] {strides = array<i32>} : memref<200x128xf32, #tpu.memory_space<vmem>>, vector<1x16xf32>,
      %get3A_190 = vector.shape_cast %get3A_189 : vector<1x16xf32> to vector<16xf32>
      %get3A_191 = arith.index_cast %scan3A_90 : i32 to index
      %get3A_192 = arith.constant 112 : index
      %get3A_193 = tpu.vector_load %arg13[%get3A_191, %get3A_192] {strides = array<i32>} : memref<200x128xf32, #tpu.memory_space<vmem>>, vector<1x16xf32>,
      %get3A_194 = vector.shape_cast %get3A_193 : vector<1x16xf32> to vector<16xf32>
      %add3A_195 = arith.addf %get3A_190, %get3A_194 : vector<16xf32>
      %swap3A_196 = arith.index_cast %scan3A_90 : i32 to index
      %swap3A_197 = arith.constant 112 : index
      %swap3A_198 = tpu.vector_load %arg11[%swap3A_196, %swap3A_197] {strides = array<i32>} : memref<200x128xf32, #tpu.memory_space<vmem>>, vector<1x16xf32>,
      %swap3A_199 = vector.shape_cast %swap3A_198 : vector<1x16xf32> to vector<16xf32>
      %swap3A_200 = vector.shape_cast %add3A_195 : vector<16xf32> to vector<1x16xf32>
      tpu.vector_store %arg11[%swap3A_196, %swap3A_197], %swap3A_200 {strides = array<i32>} : memref<200x128xf32, #tpu.memory_space<vmem>>, vector<1x16xf32>,
    }
    %scan3A_29 = arith.constant 200 : i32
    %add3A_30 = arith.constant 0 : i32
    %add3A_31 = arith.addi %mul3A_2, %add3A_30 : i32
    %dma_start3A_32 = arith.constant 0 : i32
    %dma_start3A_33 = tpu.memref_slice %arg6[%add3A_31, %dma_start3A_32] : memref<153600x128xf32, #tpu.memory_space<hbm>> -> memref<200x128xf32, #tpu.memory_space<hbm>>
    %dma_start3A_34 = arith.constant 0 : i32
    %dma_start3A_35 = tpu.memref_slice %arg6[%add3A_31, %dma_start3A_34] : memref<153600x128xf32, #tpu.memory_space<hbm>> -> memref<200x128xf32, #tpu.memory_space<hbm>>
    tpu.enqueue_dma source(%arg11 : memref<200x128xf32, #tpu.memory_space<vmem>>) target(%dma_start3A_35 : memref<200x128xf32, #tpu.memory_space<hbm>>) target_semaphore(%arg17 : memref<!tpu.dma_semaphore, #tpu.memory_space<semaphore_mem>>)
    %add3A_36 = arith.constant 200 : i32
    %add3A_37 = arith.addi %mul3A_2, %add3A_36 : i32
    %add3A_38 = arith.constant 0 : i32
    %add3A_39 = arith.addi %add3A_38, %add3A_37 : i32
    "tpu.region"() ({
      %run_scoped3A = tpu.sem_alloc : memref<!tpu.dma_semaphore, #tpu.memory_space<semaphore_mem>>
      %dma_start3A_90 = tpu.memref_slice %arg4[%add3A_39] : memref<320000xi32, #tpu.memory_space<hbm>> -> memref<200xi32, #tpu.memory_space<hbm>>
      %dma_start3A_91 = tpu.memref_slice %arg4[%add3A_39] : memref<320000xi32, #tpu.memory_space<hbm>> -> memref<200xi32, #tpu.memory_space<hbm>>
      tpu.enqueue_dma source(%dma_start3A_91 : memref<200xi32, #tpu.memory_space<hbm>>) target(%arg8 : memref<200xi32, #tpu.memory_space<vmem>>) target_semaphore(%run_scoped3A : memref<!tpu.dma_semaphore, #tpu.memory_space<semaphore_mem>>)
      %dma_wait3A_92 = tpu.memref_slice %arg4[%add3A_39] : memref<320000xi32, #tpu.memory_space<hbm>> -> memref<200xi32, #tpu.memory_space<hbm>>
      %dma_wait3A_93 = tpu.memref_slice %arg4[%add3A_39] : memref<320000xi32, #tpu.memory_space<hbm>> -> memref<200xi32, #tpu.memory_space<hbm>>
      tpu.wait_dma2 semaphore(%run_scoped3A : memref<!tpu.dma_semaphore, #tpu.memory_space<semaphore_mem>>) src(%dma_wait3A_93 : memref<200xi32, #tpu.memory_space<hbm>>) dst(%arg8 : memref<200xi32, #tpu.memory_space<vmem>>)
      tpu.yield
    }) : () -> ()
    %add3A_40 = arith.constant 0 : i32
    %add3A_41 = arith.addi %add3A_40, %add3A_37 : i32
    "tpu.region"() ({
      %run_scoped3A = tpu.sem_alloc : memref<!tpu.dma_semaphore, #tpu.memory_space<semaphore_mem>>
      %dma_start3A_90 = tpu.memref_slice %arg5[%add3A_41] : memref<320000xi32, #tpu.memory_space<hbm>> -> memref<200xi32, #tpu.memory_space<hbm>>
      %dma_start3A_91 = tpu.memref_slice %arg5[%add3A_41] : memref<320000xi32, #tpu.memory_space<hbm>> -> memref<200xi32, #tpu.memory_space<hbm>>
      tpu.enqueue_dma source(%dma_start3A_91 : memref<200xi32, #tpu.memory_space<hbm>>) target(%arg10 : memref<200xi32, #tpu.memory_space<vmem>>) target_semaphore(%run_scoped3A : memref<!tpu.dma_semaphore, #tpu.memory_space<semaphore_mem>>)
      %dma_wait3A_92 = tpu.memref_slice %arg5[%add3A_41] : memref<320000xi32, #tpu.memory_space<hbm>> -> memref<200xi32, #tpu.memory_space<hbm>>
      %dma_wait3A_93 = tpu.memref_slice %arg5[%add3A_41] : memref<320000xi32, #tpu.memory_space<hbm>> -> memref<200xi32, #tpu.memory_space<hbm>>
      tpu.wait_dma2 semaphore(%run_scoped3A : memref<!tpu.dma_semaphore, #tpu.memory_space<semaphore_mem>>) src(%dma_wait3A_93 : memref<200xi32, #tpu.memory_space<hbm>>) dst(%arg10 : memref<200xi32, #tpu.memory_space<vmem>>)
      tpu.yield
    }) : () -> ()
    %dma_start3A_42 = arith.constant 0 : i32
    %dma_start3A_43 = arith.constant 0 : i32
    %dma_start3A_44 = tpu.memref_slice %arg2[%dma_start3A_42, %dma_start3A_43] : memref<10000x128xf32, #tpu.memory_space<hbm>> -> memref<10000x128xf32, #tpu.memory_space<hbm>>
    tpu.enqueue_indirect_dma source(%dma_start3A_44 : memref<10000x128xf32, #tpu.memory_space<hbm>>) target(%arg12 : memref<200x128xf32, #tpu.memory_space<vmem>>) offsets(%arg8 : memref<200xi32, #tpu.memory_space<vmem>>) semaphore(%arg16 : memref<!tpu.dma_semaphore, #tpu.memory_space<semaphore_mem>>)
    %dma_start3A_45 = arith.constant 0 : i32
    %dma_start3A_46 = arith.constant 0 : i32
    %dma_start3A_47 = tpu.memref_slice %arg3[%dma_start3A_45, %dma_start3A_46] : memref<10000x128xf32, #tpu.memory_space<hbm>> -> memref<10000x128xf32, #tpu.memory_space<hbm>>
    tpu.enqueue_indirect_dma source(%dma_start3A_47 : memref<10000x128xf32, #tpu.memory_space<hbm>>) target(%arg14 : memref<200x128xf32, #tpu.memory_space<vmem>>) offsets(%arg10 : memref<200xi32, #tpu.memory_space<vmem>>) semaphore(%arg16 : memref<!tpu.dma_semaphore, #tpu.memory_space<semaphore_mem>>)
    %scan3A_48 = arith.constant 0 : i32
    %scan3A_49 = arith.constant 0 : i32
    %scan3A_50 = arith.constant 11 : i32
    %scan3A_51 = arith.addi %scan3A_49, %scan3A_50 : i32
    %scan3A_52 = arith.constant 1 : i32
    scf.for %scan3A_90 = %scan3A_49 to %scan3A_51 step %scan3A_52  : i32 {
      %mul3A_91 = arith.constant 2 : i32
      %mul3A_92 = arith.muli %mul3A_91, %scan3A_90 : i32
      %add3A_93 = arith.constant 1 : i32
      %add3A_94 = arith.addi %add3A_93, %mul3A_92 : i32
      %dma_wait3A_95 = arith.constant 0 : i32
      %dma_wait3A_96 = arith.constant 0 : i32
      %dma_wait3A_97 = tpu.memref_slice %arg6[%dma_wait3A_95, %dma_wait3A_96] : memref<153600x128xf32, #tpu.memory_space<hbm>> -> memref<200x128xf32, #tpu.memory_space<hbm>>
      %dma_wait3A_98 = arith.constant 0 : i32
      %dma_wait3A_99 = arith.constant 0 : i32
      %dma_wait3A_100 = tpu.memref_slice %arg6[%dma_wait3A_98, %dma_wait3A_99] : memref<153600x128xf32, #tpu.memory_space<hbm>> -> memref<200x128xf32, #tpu.memory_space<hbm>>
      tpu.wait_dma2 semaphore(%arg16 : memref<!tpu.dma_semaphore, #tpu.memory_space<semaphore_mem>>) src(%dma_wait3A_100 : memref<200x128xf32, #tpu.memory_space<hbm>>) dst(%arg12 : memref<200x128xf32, #tpu.memory_space<vmem>>)
      %dma_wait3A_101 = arith.constant 0 : i32
      %dma_wait3A_102 = arith.constant 0 : i32
      %dma_wait3A_103 = tpu.memref_slice %arg6[%dma_wait3A_101, %dma_wait3A_102] : memref<153600x128xf32, #tpu.memory_space<hbm>> -> memref<200x128xf32, #tpu.memory_space<hbm>>
      %dma_wait3A_104 = arith.constant 0 : i32
      %dma_wait3A_105 = arith.constant 0 : i32
      %dma_wait3A_106 = tpu.memref_slice %arg6[%dma_wait3A_104, %dma_wait3A_105] : memref<153600x128xf32, #tpu.memory_space<hbm>> -> memref<200x128xf32, #tpu.memory_space<hbm>>
      tpu.wait_dma2 semaphore(%arg16 : memref<!tpu.dma_semaphore, #tpu.memory_space<semaphore_mem>>) src(%dma_wait3A_106 : memref<200x128xf32, #tpu.memory_space<hbm>>) dst(%arg14 : memref<200x128xf32, #tpu.memory_space<vmem>>)
      %scan3A_107 = arith.constant 0 : i32
      %scan3A_108 = arith.constant 0 : i32
      %scan3A_109 = arith.constant 200 : i32
      %scan3A_110 = arith.addi %scan3A_108, %scan3A_109 : i32
      %scan3A_111 = arith.constant 1 : i32
      scf.for %scan3A_189 = %scan3A_108 to %scan3A_110 step %scan3A_111  : i32 {
        %get3A = arith.index_cast %scan3A_189 : i32 to index
        %get3A_190 = arith.constant 0 : index
        %get3A_191 = tpu.vector_load %arg12[%get3A, %get3A_190] {strides = array<i32>} : memref<200x128xf32, #tpu.memory_space<vmem>>, vector<1x16xf32>,
        %get3A_192 = vector.shape_cast %get3A_191 : vector<1x16xf32> to vector<16xf32>
        %get3A_193 = arith.index_cast %scan3A_189 : i32 to index
        %get3A_194 = arith.constant 0 : index
        %get3A_195 = tpu.vector_load %arg14[%get3A_193, %get3A_194] {strides = array<i32>} : memref<200x128xf32, #tpu.memory_space<vmem>>, vector<1x16xf32>,
        %get3A_196 = vector.shape_cast %get3A_195 : vector<1x16xf32> to vector<16xf32>
        %add3A_197 = arith.addf %get3A_192, %get3A_196 : vector<16xf32>
        %swap3A = arith.index_cast %scan3A_189 : i32 to index
        %swap3A_198 = arith.constant 0 : index
        %swap3A_199 = tpu.vector_load %arg12[%swap3A, %swap3A_198] {strides = array<i32>} : memref<200x128xf32, #tpu.memory_space<vmem>>, vector<1x16xf32>,
        %swap3A_200 = vector.shape_cast %swap3A_199 : vector<1x16xf32> to vector<16xf32>
        %swap3A_201 = vector.shape_cast %add3A_197 : vector<16xf32> to vector<1x16xf32>
        tpu.vector_store %arg12[%swap3A, %swap3A_198], %swap3A_201 {strides = array<i32>} : memref<200x128xf32, #tpu.memory_space<vmem>>, vector<1x16xf32>,
        %get3A_202 = arith.index_cast %scan3A_189 : i32 to index
        %get3A_203 = arith.constant 16 : index
        %get3A_204 = tpu.vector_load %arg12[%get3A_202, %get3A_203] {strides = array<i32>} : memref<200x128xf32, #tpu.memory_space<vmem>>, vector<1x16xf32>,
        %get3A_205 = vector.shape_cast %get3A_204 : vector<1x16xf32> to vector<16xf32>
        %get3A_206 = arith.index_cast %scan3A_189 : i32 to index
        %get3A_207 = arith.constant 16 : index
        %get3A_208 = tpu.vector_load %arg14[%get3A_206, %get3A_207] {strides = array<i32>} : memref<200x128xf32, #tpu.memory_space<vmem>>, vector<1x16xf32>,
        %get3A_209 = vector.shape_cast %get3A_208 : vector<1x16xf32> to vector<16xf32>
        %add3A_210 = arith.addf %get3A_205, %get3A_209 : vector<16xf32>
        %swap3A_211 = arith.index_cast %scan3A_189 : i32 to index
        %swap3A_212 = arith.constant 16 : index
        %swap3A_213 = tpu.vector_load %arg12[%swap3A_211, %swap3A_212] {strides = array<i32>} : memref<200x128xf32, #tpu.memory_space<vmem>>, vector<1x16xf32>,
        %swap3A_214 = vector.shape_cast %swap3A_213 : vector<1x16xf32> to vector<16xf32>
        %swap3A_215 = vector.shape_cast %add3A_210 : vector<16xf32> to vector<1x16xf32>
        tpu.vector_store %arg12[%swap3A_211, %swap3A_212], %swap3A_215 {strides = array<i32>} : memref<200x128xf32, #tpu.memory_space<vmem>>, vector<1x16xf32>,
        %get3A_216 = arith.index_cast %scan3A_189 : i32 to index
        %get3A_217 = arith.constant 32 : index
        %get3A_218 = tpu.vector_load %arg12[%get3A_216, %get3A_217] {strides = array<i32>} : memref<200x128xf32, #tpu.memory_space<vmem>>, vector<1x16xf32>,
        %get3A_219 = vector.shape_cast %get3A_218 : vector<1x16xf32> to vector<16xf32>
        %get3A_220 = arith.index_cast %scan3A_189 : i32 to index
        %get3A_221 = arith.constant 32 : index
        %get3A_222 = tpu.vector_load %arg14[%get3A_220, %get3A_221] {strides = array<i32>} : memref<200x128xf32, #tpu.memory_space<vmem>>, vector<1x16xf32>,
        %get3A_223 = vector.shape_cast %get3A_222 : vector<1x16xf32> to vector<16xf32>
        %add3A_224 = arith.addf %get3A_219, %get3A_223 : vector<16xf32>
        %swap3A_225 = arith.index_cast %scan3A_189 : i32 to index
        %swap3A_226 = arith.constant 32 : index
        %swap3A_227 = tpu.vector_load %arg12[%swap3A_225, %swap3A_226] {strides = array<i32>} : memref<200x128xf32, #tpu.memory_space<vmem>>, vector<1x16xf32>,
        %swap3A_228 = vector.shape_cast %swap3A_227 : vector<1x16xf32> to vector<16xf32>
        %swap3A_229 = vector.shape_cast %add3A_224 : vector<16xf32> to vector<1x16xf32>
        tpu.vector_store %arg12[%swap3A_225, %swap3A_226], %swap3A_229 {strides = array<i32>} : memref<200x128xf32, #tpu.memory_space<vmem>>, vector<1x16xf32>,
        %get3A_230 = arith.index_cast %scan3A_189 : i32 to index
        %get3A_231 = arith.constant 48 : index
        %get3A_232 = tpu.vector_load %arg12[%get3A_230, %get3A_231] {strides = array<i32>} : memref<200x128xf32, #tpu.memory_space<vmem>>, vector<1x16xf32>,
        %get3A_233 = vector.shape_cast %get3A_232 : vector<1x16xf32> to vector<16xf32>
        %get3A_234 = arith.index_cast %scan3A_189 : i32 to index
        %get3A_235 = arith.constant 48 : index
        %get3A_236 = tpu.vector_load %arg14[%get3A_234, %get3A_235] {strides = array<i32>} : memref<200x128xf32, #tpu.memory_space<vmem>>, vector<1x16xf32>,
        %get3A_237 = vector.shape_cast %get3A_236 : vector<1x16xf32> to vector<16xf32>
        %add3A_238 = arith.addf %get3A_233, %get3A_237 : vector<16xf32>
        %swap3A_239 = arith.index_cast %scan3A_189 : i32 to index
        %swap3A_240 = arith.constant 48 : index
        %swap3A_241 = tpu.vector_load %arg12[%swap3A_239, %swap3A_240] {strides = array<i32>} : memref<200x128xf32, #tpu.memory_space<vmem>>, vector<1x16xf32>,
        %swap3A_242 = vector.shape_cast %swap3A_241 : vector<1x16xf32> to vector<16xf32>
        %swap3A_243 = vector.shape_cast %add3A_238 : vector<16xf32> to vector<1x16xf32>
        tpu.vector_store %arg12[%swap3A_239, %swap3A_240], %swap3A_243 {strides = array<i32>} : memref<200x128xf32, #tpu.memory_space<vmem>>, vector<1x16xf32>,
        %get3A_244 = arith.index_cast %scan3A_189 : i32 to index
        %get3A_245 = arith.constant 64 : index
        %get3A_246 = tpu.vector_load %arg12[%get3A_244, %get3A_245] {strides = array<i32>} : memref<200x128xf32, #tpu.memory_space<vmem>>, vector<1x16xf32>,
        %get3A_247 = vector.shape_cast %get3A_246 : vector<1x16xf32> to vector<16xf32>
        %get3A_248 = arith.index_cast %scan3A_189 : i32 to index
        %get3A_249 = arith.constant 64 : index
        %get3A_250 = tpu.vector_load %arg14[%get3A_248, %get3A_249] {strides = array<i32>} : memref<200x128xf32, #tpu.memory_space<vmem>>, vector<1x16xf32>,
        %get3A_251 = vector.shape_cast %get3A_250 : vector<1x16xf32> to vector<16xf32>
        %add3A_252 = arith.addf %get3A_247, %get3A_251 : vector<16xf32>
        %swap3A_253 = arith.index_cast %scan3A_189 : i32 to index
        %swap3A_254 = arith.constant 64 : index
        %swap3A_255 = tpu.vector_load %arg12[%swap3A_253, %swap3A_254] {strides = array<i32>} : memref<200x128xf32, #tpu.memory_space<vmem>>, vector<1x16xf32>,
        %swap3A_256 = vector.shape_cast %swap3A_255 : vector<1x16xf32> to vector<16xf32>
        %swap3A_257 = vector.shape_cast %add3A_252 : vector<16xf32> to vector<1x16xf32>
        tpu.vector_store %arg12[%swap3A_253, %swap3A_254], %swap3A_257 {strides = array<i32>} : memref<200x128xf32, #tpu.memory_space<vmem>>, vector<1x16xf32>,
        %get3A_258 = arith.index_cast %scan3A_189 : i32 to index
        %get3A_259 = arith.constant 80 : index
        %get3A_260 = tpu.vector_load %arg12[%get3A_258, %get3A_259] {strides = array<i32>} : memref<200x128xf32, #tpu.memory_space<vmem>>, vector<1x16xf32>,
        %get3A_261 = vector.shape_cast %get3A_260 : vector<1x16xf32> to vector<16xf32>
        %get3A_262 = arith.index_cast %scan3A_189 : i32 to index
        %get3A_263 = arith.constant 80 : index
        %get3A_264 = tpu.vector_load %arg14[%get3A_262, %get3A_263] {strides = array<i32>} : memref<200x128xf32, #tpu.memory_space<vmem>>, vector<1x16xf32>,
        %get3A_265 = vector.shape_cast %get3A_264 : vector<1x16xf32> to vector<16xf32>
        %add3A_266 = arith.addf %get3A_261, %get3A_265 : vector<16xf32>
        %swap3A_267 = arith.index_cast %scan3A_189 : i32 to index
        %swap3A_268 = arith.constant 80 : index
        %swap3A_269 = tpu.vector_load %arg12[%swap3A_267, %swap3A_268] {strides = array<i32>} : memref<200x128xf32, #tpu.memory_space<vmem>>, vector<1x16xf32>,
        %swap3A_270 = vector.shape_cast %swap3A_269 : vector<1x16xf32> to vector<16xf32>
        %swap3A_271 = vector.shape_cast %add3A_266 : vector<16xf32> to vector<1x16xf32>
        tpu.vector_store %arg12[%swap3A_267, %swap3A_268], %swap3A_271 {strides = array<i32>} : memref<200x128xf32, #tpu.memory_space<vmem>>, vector<1x16xf32>,
        %get3A_272 = arith.index_cast %scan3A_189 : i32 to index
        %get3A_273 = arith.constant 96 : index
        %get3A_274 = tpu.vector_load %arg12[%get3A_272, %get3A_273] {strides = array<i32>} : memref<200x128xf32, #tpu.memory_space<vmem>>, vector<1x16xf32>,
        %get3A_275 = vector.shape_cast %get3A_274 : vector<1x16xf32> to vector<16xf32>
        %get3A_276 = arith.index_cast %scan3A_189 : i32 to index
        %get3A_277 = arith.constant 96 : index
        %get3A_278 = tpu.vector_load %arg14[%get3A_276, %get3A_277] {strides = array<i32>} : memref<200x128xf32, #tpu.memory_space<vmem>>, vector<1x16xf32>,
        %get3A_279 = vector.shape_cast %get3A_278 : vector<1x16xf32> to vector<16xf32>
        %add3A_280 = arith.addf %get3A_275, %get3A_279 : vector<16xf32>
        %swap3A_281 = arith.index_cast %scan3A_189 : i32 to index
        %swap3A_282 = arith.constant 96 : index
        %swap3A_283 = tpu.vector_load %arg12[%swap3A_281, %swap3A_282] {strides = array<i32>} : memref<200x128xf32, #tpu.memory_space<vmem>>, vector<1x16xf32>,
        %swap3A_284 = vector.shape_cast %swap3A_283 : vector<1x16xf32> to vector<16xf32>
        %swap3A_285 = vector.shape_cast %add3A_280 : vector<16xf32> to vector<1x16xf32>
        tpu.vector_store %arg12[%swap3A_281, %swap3A_282], %swap3A_285 {strides = array<i32>} : memref<200x128xf32, #tpu.memory_space<vmem>>, vector<1x16xf32>,
        %get3A_286 = arith.index_cast %scan3A_189 : i32 to index
        %get3A_287 = arith.constant 112 : index
        %get3A_288 = tpu.vector_load %arg12[%get3A_286, %get3A_287] {strides = array<i32>} : memref<200x128xf32, #tpu.memory_space<vmem>>, vector<1x16xf32>,
        %get3A_289 = vector.shape_cast %get3A_288 : vector<1x16xf32> to vector<16xf32>
        %get3A_290 = arith.index_cast %scan3A_189 : i32 to index
        %get3A_291 = arith.constant 112 : index
        %get3A_292 = tpu.vector_load %arg14[%get3A_290, %get3A_291] {strides = array<i32>} : memref<200x128xf32, #tpu.memory_space<vmem>>, vector<1x16xf32>,
        %get3A_293 = vector.shape_cast %get3A_292 : vector<1x16xf32> to vector<16xf32>
        %add3A_294 = arith.addf %get3A_289, %get3A_293 : vector<16xf32>
        %swap3A_295 = arith.index_cast %scan3A_189 : i32 to index
        %swap3A_296 = arith.constant 112 : index
        %swap3A_297 = tpu.vector_load %arg12[%swap3A_295, %swap3A_296] {strides = array<i32>} : memref<200x128xf32, #tpu.memory_space<vmem>>, vector<1x16xf32>,
        %swap3A_298 = vector.shape_cast %swap3A_297 : vector<1x16xf32> to vector<16xf32>
        %swap3A_299 = vector.shape_cast %add3A_294 : vector<16xf32> to vector<1x16xf32>
        tpu.vector_store %arg12[%swap3A_295, %swap3A_296], %swap3A_299 {strides = array<i32>} : memref<200x128xf32, #tpu.memory_space<vmem>>, vector<1x16xf32>,
      }
      %scan3A_112 = arith.constant 200 : i32
      %mul3A_113 = arith.constant 200 : i32
      %mul3A_114 = arith.muli %add3A_94, %mul3A_113 : i32
      %add3A_115 = arith.addi %mul3A_2, %mul3A_114 : i32
      %dma_start3A_116 = arith.constant 0 : i32
      %dma_start3A_117 = tpu.memref_slice %arg6[%add3A_115, %dma_start3A_116] : memref<153600x128xf32, #tpu.memory_space<hbm>> -> memref<200x128xf32, #tpu.memory_space<hbm>>
      %dma_start3A_118 = arith.constant 0 : i32
      %dma_start3A_119 = tpu.memref_slice %arg6[%add3A_115, %dma_start3A_118] : memref<153600x128xf32, #tpu.memory_space<hbm>> -> memref<200x128xf32, #tpu.memory_space<hbm>>
      tpu.enqueue_dma source(%arg12 : memref<200x128xf32, #tpu.memory_space<vmem>>) target(%dma_start3A_119 : memref<200x128xf32, #tpu.memory_space<hbm>>) target_semaphore(%arg18 : memref<!tpu.dma_semaphore, #tpu.memory_space<semaphore_mem>>)
      %dma_wait3A_120 = arith.constant 0 : i32
      %dma_wait3A_121 = arith.constant 0 : i32
      %dma_wait3A_122 = tpu.memref_slice %arg6[%dma_wait3A_120, %dma_wait3A_121] : memref<153600x128xf32, #tpu.memory_space<hbm>> -> memref<200x128xf32, #tpu.memory_space<hbm>>
      %dma_wait3A_123 = arith.constant 0 : i32
      %dma_wait3A_124 = arith.constant 0 : i32
      %dma_wait3A_125 = tpu.memref_slice %arg6[%dma_wait3A_123, %dma_wait3A_124] : memref<153600x128xf32, #tpu.memory_space<hbm>> -> memref<200x128xf32, #tpu.memory_space<hbm>>
      tpu.wait_dma2 semaphore(%arg17 : memref<!tpu.dma_semaphore, #tpu.memory_space<semaphore_mem>>) src(%arg11 : memref<200x128xf32, #tpu.memory_space<vmem>>) dst(%dma_wait3A_125 : memref<200x128xf32, #tpu.memory_space<hbm>>)
      %add3A_126 = arith.constant 1 : i32
      %add3A_127 = arith.addi %add3A_94, %add3A_126 : i32
      %mul3A_128 = arith.constant 200 : i32
      %mul3A_129 = arith.muli %add3A_127, %mul3A_128 : i32
      %add3A_130 = arith.addi %mul3A_2, %mul3A_129 : i32
      %add3A_131 = arith.constant 0 : i32
      %add3A_132 = arith.addi %add3A_131, %add3A_130 : i32
      "tpu.region"() ({
        %run_scoped3A = tpu.sem_alloc : memref<!tpu.dma_semaphore, #tpu.memory_space<semaphore_mem>>
        %dma_start3A_189 = tpu.memref_slice %arg4[%add3A_132] : memref<320000xi32, #tpu.memory_space<hbm>> -> memref<200xi32, #tpu.memory_space<hbm>>
        %dma_start3A_190 = tpu.memref_slice %arg4[%add3A_132] : memref<320000xi32, #tpu.memory_space<hbm>> -> memref<200xi32, #tpu.memory_space<hbm>>
        tpu.enqueue_dma source(%dma_start3A_190 : memref<200xi32, #tpu.memory_space<hbm>>) target(%arg7 : memref<200xi32, #tpu.memory_space<vmem>>) target_semaphore(%run_scoped3A : memref<!tpu.dma_semaphore, #tpu.memory_space<semaphore_mem>>)
        %dma_wait3A_191 = tpu.memref_slice %arg4[%add3A_132] : memref<320000xi32, #tpu.memory_space<hbm>> -> memref<200xi32, #tpu.memory_space<hbm>>
        %dma_wait3A_192 = tpu.memref_slice %arg4[%add3A_132] : memref<320000xi32, #tpu.memory_space<hbm>> -> memref<200xi32, #tpu.memory_space<hbm>>
        tpu.wait_dma2 semaphore(%run_scoped3A : memref<!tpu.dma_semaphore, #tpu.memory_space<semaphore_mem>>) src(%dma_wait3A_192 : memref<200xi32, #tpu.memory_space<hbm>>) dst(%arg7 : memref<200xi32, #tpu.memory_space<vmem>>)
        tpu.yield
      }) : () -> ()
      %add3A_133 = arith.constant 0 : i32
      %add3A_134 = arith.addi %add3A_133, %add3A_130 : i32
      "tpu.region"() ({
        %run_scoped3A = tpu.sem_alloc : memref<!tpu.dma_semaphore, #tpu.memory_space<semaphore_mem>>
        %dma_start3A_189 = tpu.memref_slice %arg5[%add3A_134] : memref<320000xi32, #tpu.memory_space<hbm>> -> memref<200xi32, #tpu.memory_space<hbm>>
        %dma_start3A_190 = tpu.memref_slice %arg5[%add3A_134] : memref<320000xi32, #tpu.memory_space<hbm>> -> memref<200xi32, #tpu.memory_space<hbm>>
        tpu.enqueue_dma source(%dma_start3A_190 : memref<200xi32, #tpu.memory_space<hbm>>) target(%arg9 : memref<200xi32, #tpu.memory_space<vmem>>) target_semaphore(%run_scoped3A : memref<!tpu.dma_semaphore, #tpu.memory_space<semaphore_mem>>)
        %dma_wait3A_191 = tpu.memref_slice %arg5[%add3A_134] : memref<320000xi32, #tpu.memory_space<hbm>> -> memref<200xi32, #tpu.memory_space<hbm>>
        %dma_wait3A_192 = tpu.memref_slice %arg5[%add3A_134] : memref<320000xi32, #tpu.memory_space<hbm>> -> memref<200xi32, #tpu.memory_space<hbm>>
        tpu.wait_dma2 semaphore(%run_scoped3A : memref<!tpu.dma_semaphore, #tpu.memory_space<semaphore_mem>>) src(%dma_wait3A_192 : memref<200xi32, #tpu.memory_space<hbm>>) dst(%arg9 : memref<200xi32, #tpu.memory_space<vmem>>)
        tpu.yield
      }) : () -> ()
      %dma_start3A_135 = arith.constant 0 : i32
      %dma_start3A_136 = arith.constant 0 : i32
      %dma_start3A_137 = tpu.memref_slice %arg2[%dma_start3A_135, %dma_start3A_136] : memref<10000x128xf32, #tpu.memory_space<hbm>> -> memref<10000x128xf32, #tpu.memory_space<hbm>>
      tpu.enqueue_indirect_dma source(%dma_start3A_137 : memref<10000x128xf32, #tpu.memory_space<hbm>>) target(%arg11 : memref<200x128xf32, #tpu.memory_space<vmem>>) offsets(%arg7 : memref<200xi32, #tpu.memory_space<vmem>>) semaphore(%arg15 : memref<!tpu.dma_semaphore, #tpu.memory_space<semaphore_mem>>)
      %dma_start3A_138 = arith.constant 0 : i32
      %dma_start3A_139 = arith.constant 0 : i32
      %dma_start3A_140 = tpu.memref_slice %arg3[%dma_start3A_138, %dma_start3A_139] : memref<10000x128xf32, #tpu.memory_space<hbm>> -> memref<10000x128xf32, #tpu.memory_space<hbm>>
      tpu.enqueue_indirect_dma source(%dma_start3A_140 : memref<10000x128xf32, #tpu.memory_space<hbm>>) target(%arg13 : memref<200x128xf32, #tpu.memory_space<vmem>>) offsets(%arg9 : memref<200xi32, #tpu.memory_space<vmem>>) semaphore(%arg15 : memref<!tpu.dma_semaphore, #tpu.memory_space<semaphore_mem>>)
      %add3A_141 = arith.constant 1 : i32
      %add3A_142 = arith.addi %add3A_94, %add3A_141 : i32
      %dma_wait3A_143 = arith.constant 0 : i32
      %dma_wait3A_144 = arith.constant 0 : i32
      %dma_wait3A_145 = tpu.memref_slice %arg6[%dma_wait3A_143, %dma_wait3A_144] : memref<153600x128xf32, #tpu.memory_space<hbm>> -> memref<200x128xf32, #tpu.memory_space<hbm>>
      %dma_wait3A_146 = arith.constant 0 : i32
      %dma_wait3A_147 = arith.constant 0 : i32
      %dma_wait3A_148 = tpu.memref_slice %arg6[%dma_wait3A_146, %dma_wait3A_147] : memref<153600x128xf32, #tpu.memory_space<hbm>> -> memref<200x128xf32, #tpu.memory_space<hbm>>
      tpu.wait_dma2 semaphore(%arg15 : memref<!tpu.dma_semaphore, #tpu.memory_space<semaphore_mem>>) src(%dma_wait3A_148 : memref<200x128xf32, #tpu.memory_space<hbm>>) dst(%arg11 : memref<200x128xf32, #tpu.memory_space<vmem>>)
      %dma_wait3A_149 = arith.constant 0 : i32
      %dma_wait3A_150 = arith.constant 0 : i32
      %dma_wait3A_151 = tpu.memref_slice %arg6[%dma_wait3A_149, %dma_wait3A_150] : memref<153600x128xf32, #tpu.memory_space<hbm>> -> memref<200x128xf32, #tpu.memory_space<hbm>>
      %dma_wait3A_152 = arith.constant 0 : i32
      %dma_wait3A_153 = arith.constant 0 : i32
      %dma_wait3A_154 = tpu.memref_slice %arg6[%dma_wait3A_152, %dma_wait3A_153] : memref<153600x128xf32, #tpu.memory_space<hbm>> -> memref<200x128xf32, #tpu.memory_space<hbm>>
      tpu.wait_dma2 semaphore(%arg15 : memref<!tpu.dma_semaphore, #tpu.memory_space<semaphore_mem>>) src(%dma_wait3A_154 : memref<200x128xf32, #tpu.memory_space<hbm>>) dst(%arg13 : memref<200x128xf32, #tpu.memory_space<vmem>>)
      %scan3A_155 = arith.constant 0 : i32
      %scan3A_156 = arith.constant 0 : i32
      %scan3A_157 = arith.constant 200 : i32
      %scan3A_158 = arith.addi %scan3A_156, %scan3A_157 : i32
      %scan3A_159 = arith.constant 1 : i32
      scf.for %scan3A_189 = %scan3A_156 to %scan3A_158 step %scan3A_159  : i32 {
        %get3A = arith.index_cast %scan3A_189 : i32 to index
        %get3A_190 = arith.constant 0 : index
        %get3A_191 = tpu.vector_load %arg11[%get3A, %get3A_190] {strides = array<i32>} : memref<200x128xf32, #tpu.memory_space<vmem>>, vector<1x16xf32>,
        %get3A_192 = vector.shape_cast %get3A_191 : vector<1x16xf32> to vector<16xf32>
        %get3A_193 = arith.index_cast %scan3A_189 : i32 to index
        %get3A_194 = arith.constant 0 : index
        %get3A_195 = tpu.vector_load %arg13[%get3A_193, %get3A_194] {strides = array<i32>} : memref<200x128xf32, #tpu.memory_space<vmem>>, vector<1x16xf32>,
        %get3A_196 = vector.shape_cast %get3A_195 : vector<1x16xf32> to vector<16xf32>
        %add3A_197 = arith.addf %get3A_192, %get3A_196 : vector<16xf32>
        %swap3A = arith.index_cast %scan3A_189 : i32 to index
        %swap3A_198 = arith.constant 0 : index
        %swap3A_199 = tpu.vector_load %arg11[%swap3A, %swap3A_198] {strides = array<i32>} : memref<200x128xf32, #tpu.memory_space<vmem>>, vector<1x16xf32>,
        %swap3A_200 = vector.shape_cast %swap3A_199 : vector<1x16xf32> to vector<16xf32>
        %swap3A_201 = vector.shape_cast %add3A_197 : vector<16xf32> to vector<1x16xf32>
        tpu.vector_store %arg11[%swap3A, %swap3A_198], %swap3A_201 {strides = array<i32>} : memref<200x128xf32, #tpu.memory_space<vmem>>, vector<1x16xf32>,
        %get3A_202 = arith.index_cast %scan3A_189 : i32 to index
        %get3A_203 = arith.constant 16 : index
        %get3A_204 = tpu.vector_load %arg11[%get3A_202, %get3A_203] {strides = array<i32>} : memref<200x128xf32, #tpu.memory_space<vmem>>, vector<1x16xf32>,
        %get3A_205 = vector.shape_cast %get3A_204 : vector<1x16xf32> to vector<16xf32>
        %get3A_206 = arith.index_cast %scan3A_189 : i32 to index
        %get3A_207 = arith.constant 16 : index
        %get3A_208 = tpu.vector_load %arg13[%get3A_206, %get3A_207] {strides = array<i32>} : memref<200x128xf32, #tpu.memory_space<vmem>>, vector<1x16xf32>,
        %get3A_209 = vector.shape_cast %get3A_208 : vector<1x16xf32> to vector<16xf32>
        %add3A_210 = arith.addf %get3A_205, %get3A_209 : vector<16xf32>
        %swap3A_211 = arith.index_cast %scan3A_189 : i32 to index
        %swap3A_212 = arith.constant 16 : index
        %swap3A_213 = tpu.vector_load %arg11[%swap3A_211, %swap3A_212] {strides = array<i32>} : memref<200x128xf32, #tpu.memory_space<vmem>>, vector<1x16xf32>,
        %swap3A_214 = vector.shape_cast %swap3A_213 : vector<1x16xf32> to vector<16xf32>
        %swap3A_215 = vector.shape_cast %add3A_210 : vector<16xf32> to vector<1x16xf32>
        tpu.vector_store %arg11[%swap3A_211, %swap3A_212], %swap3A_215 {strides = array<i32>} : memref<200x128xf32, #tpu.memory_space<vmem>>, vector<1x16xf32>,
        %get3A_216 = arith.index_cast %scan3A_189 : i32 to index
        %get3A_217 = arith.constant 32 : index
        %get3A_218 = tpu.vector_load %arg11[%get3A_216, %get3A_217] {strides = array<i32>} : memref<200x128xf32, #tpu.memory_space<vmem>>, vector<1x16xf32>,
        %get3A_219 = vector.shape_cast %get3A_218 : vector<1x16xf32> to vector<16xf32>
        %get3A_220 = arith.index_cast %scan3A_189 : i32 to index
        %get3A_221 = arith.constant 32 : index
        %get3A_222 = tpu.vector_load %arg13[%get3A_220, %get3A_221] {strides = array<i32>} : memref<200x128xf32, #tpu.memory_space<vmem>>, vector<1x16xf32>,
        %get3A_223 = vector.shape_cast %get3A_222 : vector<1x16xf32> to vector<16xf32>
        %add3A_224 = arith.addf %get3A_219, %get3A_223 : vector<16xf32>
        %swap3A_225 = arith.index_cast %scan3A_189 : i32 to index
        %swap3A_226 = arith.constant 32 : index
        %swap3A_227 = tpu.vector_load %arg11[%swap3A_225, %swap3A_226] {strides = array<i32>} : memref<200x128xf32, #tpu.memory_space<vmem>>, vector<1x16xf32>,
        %swap3A_228 = vector.shape_cast %swap3A_227 : vector<1x16xf32> to vector<16xf32>
        %swap3A_229 = vector.shape_cast %add3A_224 : vector<16xf32> to vector<1x16xf32>
        tpu.vector_store %arg11[%swap3A_225, %swap3A_226], %swap3A_229 {strides = array<i32>} : memref<200x128xf32, #tpu.memory_space<vmem>>, vector<1x16xf32>,
        %get3A_230 = arith.index_cast %scan3A_189 : i32 to index
        %get3A_231 = arith.constant 48 : index
        %get3A_232 = tpu.vector_load %arg11[%get3A_230, %get3A_231] {strides = array<i32>} : memref<200x128xf32, #tpu.memory_space<vmem>>, vector<1x16xf32>,
        %get3A_233 = vector.shape_cast %get3A_232 : vector<1x16xf32> to vector<16xf32>
        %get3A_234 = arith.index_cast %scan3A_189 : i32 to index
        %get3A_235 = arith.constant 48 : index
        %get3A_236 = tpu.vector_load %arg13[%get3A_234, %get3A_235] {strides = array<i32>} : memref<200x128xf32, #tpu.memory_space<vmem>>, vector<1x16xf32>,
        %get3A_237 = vector.shape_cast %get3A_236 : vector<1x16xf32> to vector<16xf32>
        %add3A_238 = arith.addf %get3A_233, %get3A_237 : vector<16xf32>
        %swap3A_239 = arith.index_cast %scan3A_189 : i32 to index
        %swap3A_240 = arith.constant 48 : index
        %swap3A_241 = tpu.vector_load %arg11[%swap3A_239, %swap3A_240] {strides = array<i32>} : memref<200x128xf32, #tpu.memory_space<vmem>>, vector<1x16xf32>,
        %swap3A_242 = vector.shape_cast %swap3A_241 : vector<1x16xf32> to vector<16xf32>
        %swap3A_243 = vector.shape_cast %add3A_238 : vector<16xf32> to vector<1x16xf32>
        tpu.vector_store %arg11[%swap3A_239, %swap3A_240], %swap3A_243 {strides = array<i32>} : memref<200x128xf32, #tpu.memory_space<vmem>>, vector<1x16xf32>,
        %get3A_244 = arith.index_cast %scan3A_189 : i32 to index
        %get3A_245 = arith.constant 64 : index
        %get3A_246 = tpu.vector_load %arg11[%get3A_244, %get3A_245] {strides = array<i32>} : memref<200x128xf32, #tpu.memory_space<vmem>>, vector<1x16xf32>,
        %get3A_247 = vector.shape_cast %get3A_246 : vector<1x16xf32> to vector<16xf32>
        %get3A_248 = arith.index_cast %scan3A_189 : i32 to index
        %get3A_249 = arith.constant 64 : index
        %get3A_250 = tpu.vector_load %arg13[%get3A_248, %get3A_249] {strides = array<i32>} : memref<200x128xf32, #tpu.memory_space<vmem>>, vector<1x16xf32>,
        %get3A_251 = vector.shape_cast %get3A_250 : vector<1x16xf32> to vector<16xf32>
        %add3A_252 = arith.addf %get3A_247, %get3A_251 : vector<16xf32>
        %swap3A_253 = arith.index_cast %scan3A_189 : i32 to index
        %swap3A_254 = arith.constant 64 : index
        %swap3A_255 = tpu.vector_load %arg11[%swap3A_253, %swap3A_254] {strides = array<i32>} : memref<200x128xf32, #tpu.memory_space<vmem>>, vector<1x16xf32>,
        %swap3A_256 = vector.shape_cast %swap3A_255 : vector<1x16xf32> to vector<16xf32>
        %swap3A_257 = vector.shape_cast %add3A_252 : vector<16xf32> to vector<1x16xf32>
        tpu.vector_store %arg11[%swap3A_253, %swap3A_254], %swap3A_257 {strides = array<i32>} : memref<200x128xf32, #tpu.memory_space<vmem>>, vector<1x16xf32>,
        %get3A_258 = arith.index_cast %scan3A_189 : i32 to index
        %get3A_259 = arith.constant 80 : index
        %get3A_260 = tpu.vector_load %arg11[%get3A_258, %get3A_259] {strides = array<i32>} : memref<200x128xf32, #tpu.memory_space<vmem>>, vector<1x16xf32>,
        %get3A_261 = vector.shape_cast %get3A_260 : vector<1x16xf32> to vector<16xf32>
        %get3A_262 = arith.index_cast %scan3A_189 : i32 to index
        %get3A_263 = arith.constant 80 : index
        %get3A_264 = tpu.vector_load %arg13[%get3A_262, %get3A_263] {strides = array<i32>} : memref<200x128xf32, #tpu.memory_space<vmem>>, vector<1x16xf32>,
        %get3A_265 = vector.shape_cast %get3A_264 : vector<1x16xf32> to vector<16xf32>
        %add3A_266 = arith.addf %get3A_261, %get3A_265 : vector<16xf32>
        %swap3A_267 = arith.index_cast %scan3A_189 : i32 to index
        %swap3A_268 = arith.constant 80 : index
        %swap3A_269 = tpu.vector_load %arg11[%swap3A_267, %swap3A_268] {strides = array<i32>} : memref<200x128xf32, #tpu.memory_space<vmem>>, vector<1x16xf32>,
        %swap3A_270 = vector.shape_cast %swap3A_269 : vector<1x16xf32> to vector<16xf32>
        %swap3A_271 = vector.shape_cast %add3A_266 : vector<16xf32> to vector<1x16xf32>
        tpu.vector_store %arg11[%swap3A_267, %swap3A_268], %swap3A_271 {strides = array<i32>} : memref<200x128xf32, #tpu.memory_space<vmem>>, vector<1x16xf32>,
        %get3A_272 = arith.index_cast %scan3A_189 : i32 to index
        %get3A_273 = arith.constant 96 : index
        %get3A_274 = tpu.vector_load %arg11[%get3A_272, %get3A_273] {strides = array<i32>} : memref<200x128xf32, #tpu.memory_space<vmem>>, vector<1x16xf32>,
        %get3A_275 = vector.shape_cast %get3A_274 : vector<1x16xf32> to vector<16xf32>
        %get3A_276 = arith.index_cast %scan3A_189 : i32 to index
        %get3A_277 = arith.constant 96 : index
        %get3A_278 = tpu.vector_load %arg13[%get3A_276, %get3A_277] {strides = array<i32>} : memref<200x128xf32, #tpu.memory_space<vmem>>, vector<1x16xf32>,
        %get3A_279 = vector.shape_cast %get3A_278 : vector<1x16xf32> to vector<16xf32>
        %add3A_280 = arith.addf %get3A_275, %get3A_279 : vector<16xf32>
        %swap3A_281 = arith.index_cast %scan3A_189 : i32 to index
        %swap3A_282 = arith.constant 96 : index
        %swap3A_283 = tpu.vector_load %arg11[%swap3A_281, %swap3A_282] {strides = array<i32>} : memref<200x128xf32, #tpu.memory_space<vmem>>, vector<1x16xf32>,
        %swap3A_284 = vector.shape_cast %swap3A_283 : vector<1x16xf32> to vector<16xf32>
        %swap3A_285 = vector.shape_cast %add3A_280 : vector<16xf32> to vector<1x16xf32>
        tpu.vector_store %arg11[%swap3A_281, %swap3A_282], %swap3A_285 {strides = array<i32>} : memref<200x128xf32, #tpu.memory_space<vmem>>, vector<1x16xf32>,
        %get3A_286 = arith.index_cast %scan3A_189 : i32 to index
        %get3A_287 = arith.constant 112 : index
        %get3A_288 = tpu.vector_load %arg11[%get3A_286, %get3A_287] {strides = array<i32>} : memref<200x128xf32, #tpu.memory_space<vmem>>, vector<1x16xf32>,
        %get3A_289 = vector.shape_cast %get3A_288 : vector<1x16xf32> to vector<16xf32>
        %get3A_290 = arith.index_cast %scan3A_189 : i32 to index
        %get3A_291 = arith.constant 112 : index
        %get3A_292 = tpu.vector_load %arg13[%get3A_290, %get3A_291] {strides = array<i32>} : memref<200x128xf32, #tpu.memory_space<vmem>>, vector<1x16xf32>,
        %get3A_293 = vector.shape_cast %get3A_292 : vector<1x16xf32> to vector<16xf32>
        %add3A_294 = arith.addf %get3A_289, %get3A_293 : vector<16xf32>
        %swap3A_295 = arith.index_cast %scan3A_189 : i32 to index
        %swap3A_296 = arith.constant 112 : index
        %swap3A_297 = tpu.vector_load %arg11[%swap3A_295, %swap3A_296] {strides = array<i32>} : memref<200x128xf32, #tpu.memory_space<vmem>>, vector<1x16xf32>,
        %swap3A_298 = vector.shape_cast %swap3A_297 : vector<1x16xf32> to vector<16xf32>
        %swap3A_299 = vector.shape_cast %add3A_294 : vector<16xf32> to vector<1x16xf32>
        tpu.vector_store %arg11[%swap3A_295, %swap3A_296], %swap3A_299 {strides = array<i32>} : memref<200x128xf32, #tpu.memory_space<vmem>>, vector<1x16xf32>,
      }
      %scan3A_160 = arith.constant 200 : i32
      %mul3A_161 = arith.constant 200 : i32
      %mul3A_162 = arith.muli %add3A_142, %mul3A_161 : i32
      %add3A_163 = arith.addi %mul3A_2, %mul3A_162 : i32
      %dma_start3A_164 = arith.constant 0 : i32
      %dma_start3A_165 = tpu.memref_slice %arg6[%add3A_163, %dma_start3A_164] : memref<153600x128xf32, #tpu.memory_space<hbm>> -> memref<200x128xf32, #tpu.memory_space<hbm>>
      %dma_start3A_166 = arith.constant 0 : i32
      %dma_start3A_167 = tpu.memref_slice %arg6[%add3A_163, %dma_start3A_166] : memref<153600x128xf32, #tpu.memory_space<hbm>> -> memref<200x128xf32, #tpu.memory_space<hbm>>
      tpu.enqueue_dma source(%arg11 : memref<200x128xf32, #tpu.memory_space<vmem>>) target(%dma_start3A_167 : memref<200x128xf32, #tpu.memory_space<hbm>>) target_semaphore(%arg17 : memref<!tpu.dma_semaphore, #tpu.memory_space<semaphore_mem>>)
      %dma_wait3A_168 = arith.constant 0 : i32
      %dma_wait3A_169 = arith.constant 0 : i32
      %dma_wait3A_170 = tpu.memref_slice %arg6[%dma_wait3A_168, %dma_wait3A_169] : memref<153600x128xf32, #tpu.memory_space<hbm>> -> memref<200x128xf32, #tpu.memory_space<hbm>>
      %dma_wait3A_171 = arith.constant 0 : i32
      %dma_wait3A_172 = arith.constant 0 : i32
      %dma_wait3A_173 = tpu.memref_slice %arg6[%dma_wait3A_171, %dma_wait3A_172] : memref<153600x128xf32, #tpu.memory_space<hbm>> -> memref<200x128xf32, #tpu.memory_space<hbm>>
      tpu.wait_dma2 semaphore(%arg18 : memref<!tpu.dma_semaphore, #tpu.memory_space<semaphore_mem>>) src(%arg12 : memref<200x128xf32, #tpu.memory_space<vmem>>) dst(%dma_wait3A_173 : memref<200x128xf32, #tpu.memory_space<hbm>>)
      %add3A_174 = arith.constant 1 : i32
      %add3A_175 = arith.addi %add3A_142, %add3A_174 : i32
      %mul3A_176 = arith.constant 200 : i32
      %mul3A_177 = arith.muli %add3A_175, %mul3A_176 : i32
      %add3A_178 = arith.addi %mul3A_2, %mul3A_177 : i32
      %add3A_179 = arith.constant 0 : i32
      %add3A_180 = arith.addi %add3A_179, %add3A_178 : i32
      "tpu.region"() ({
        %run_scoped3A = tpu.sem_alloc : memref<!tpu.dma_semaphore, #tpu.memory_space<semaphore_mem>>
        %dma_start3A_189 = tpu.memref_slice %arg4[%add3A_180] : memref<320000xi32, #tpu.memory_space<hbm>> -> memref<200xi32, #tpu.memory_space<hbm>>
        %dma_start3A_190 = tpu.memref_slice %arg4[%add3A_180] : memref<320000xi32, #tpu.memory_space<hbm>> -> memref<200xi32, #tpu.memory_space<hbm>>
        tpu.enqueue_dma source(%dma_start3A_190 : memref<200xi32, #tpu.memory_space<hbm>>) target(%arg8 : memref<200xi32, #tpu.memory_space<vmem>>) target_semaphore(%run_scoped3A : memref<!tpu.dma_semaphore, #tpu.memory_space<semaphore_mem>>)
        %dma_wait3A_191 = tpu.memref_slice %arg4[%add3A_180] : memref<320000xi32, #tpu.memory_space<hbm>> -> memref<200xi32, #tpu.memory_space<hbm>>
        %dma_wait3A_192 = tpu.memref_slice %arg4[%add3A_180] : memref<320000xi32, #tpu.memory_space<hbm>> -> memref<200xi32, #tpu.memory_space<hbm>>
        tpu.wait_dma2 semaphore(%run_scoped3A : memref<!tpu.dma_semaphore, #tpu.memory_space<semaphore_mem>>) src(%dma_wait3A_192 : memref<200xi32, #tpu.memory_space<hbm>>) dst(%arg8 : memref<200xi32, #tpu.memory_space<vmem>>)
        tpu.yield
      }) : () -> ()
      %add3A_181 = arith.constant 0 : i32
      %add3A_182 = arith.addi %add3A_181, %add3A_178 : i32
      "tpu.region"() ({
        %run_scoped3A = tpu.sem_alloc : memref<!tpu.dma_semaphore, #tpu.memory_space<semaphore_mem>>
        %dma_start3A_189 = tpu.memref_slice %arg5[%add3A_182] : memref<320000xi32, #tpu.memory_space<hbm>> -> memref<200xi32, #tpu.memory_space<hbm>>
        %dma_start3A_190 = tpu.memref_slice %arg5[%add3A_182] : memref<320000xi32, #tpu.memory_space<hbm>> -> memref<200xi32, #tpu.memory_space<hbm>>
        tpu.enqueue_dma source(%dma_start3A_190 : memref<200xi32, #tpu.memory_space<hbm>>) target(%arg10 : memref<200xi32, #tpu.memory_space<vmem>>) target_semaphore(%run_scoped3A : memref<!tpu.dma_semaphore, #tpu.memory_space<semaphore_mem>>)
        %dma_wait3A_191 = tpu.memref_slice %arg5[%add3A_182] : memref<320000xi32, #tpu.memory_space<hbm>> -> memref<200xi32, #tpu.memory_space<hbm>>
        %dma_wait3A_192 = tpu.memref_slice %arg5[%add3A_182] : memref<320000xi32, #tpu.memory_space<hbm>> -> memref<200xi32, #tpu.memory_space<hbm>>
        tpu.wait_dma2 semaphore(%run_scoped3A : memref<!tpu.dma_semaphore, #tpu.memory_space<semaphore_mem>>) src(%dma_wait3A_192 : memref<200xi32, #tpu.memory_space<hbm>>) dst(%arg10 : memref<200xi32, #tpu.memory_space<vmem>>)
        tpu.yield
      }) : () -> ()
      %dma_start3A_183 = arith.constant 0 : i32
      %dma_start3A_184 = arith.constant 0 : i32
      %dma_start3A_185 = tpu.memref_slice %arg2[%dma_start3A_183, %dma_start3A_184] : memref<10000x128xf32, #tpu.memory_space<hbm>> -> memref<10000x128xf32, #tpu.memory_space<hbm>>
      tpu.enqueue_indirect_dma source(%dma_start3A_185 : memref<10000x128xf32, #tpu.memory_space<hbm>>) target(%arg12 : memref<200x128xf32, #tpu.memory_space<vmem>>) offsets(%arg8 : memref<200xi32, #tpu.memory_space<vmem>>) semaphore(%arg16 : memref<!tpu.dma_semaphore, #tpu.memory_space<semaphore_mem>>)
      %dma_start3A_186 = arith.constant 0 : i32
      %dma_start3A_187 = arith.constant 0 : i32
      %dma_start3A_188 = tpu.memref_slice %arg3[%dma_start3A_186, %dma_start3A_187] : memref<10000x128xf32, #tpu.memory_space<hbm>> -> memref<10000x128xf32, #tpu.memory_space<hbm>>
      tpu.enqueue_indirect_dma source(%dma_start3A_188 : memref<10000x128xf32, #tpu.memory_space<hbm>>) target(%arg14 : memref<200x128xf32, #tpu.memory_space<vmem>>) offsets(%arg10 : memref<200xi32, #tpu.memory_space<vmem>>) semaphore(%arg16 : memref<!tpu.dma_semaphore, #tpu.memory_space<semaphore_mem>>)
    }
    %scan3A_53 = arith.constant 11 : i32
    %dma_wait3A_54 = arith.constant 0 : i32
    %dma_wait3A_55 = arith.constant 0 : i32
    %dma_wait3A_56 = tpu.memref_slice %arg6[%dma_wait3A_54, %dma_wait3A_55] : memref<153600x128xf32, #tpu.memory_space<hbm>> -> memref<200x128xf32, #tpu.memory_space<hbm>>
    %dma_wait3A_57 = arith.constant 0 : i32
    %dma_wait3A_58 = arith.constant 0 : i32
    %dma_wait3A_59 = tpu.memref_slice %arg6[%dma_wait3A_57, %dma_wait3A_58] : memref<153600x128xf32, #tpu.memory_space<hbm>> -> memref<200x128xf32, #tpu.memory_space<hbm>>
    tpu.wait_dma2 semaphore(%arg16 : memref<!tpu.dma_semaphore, #tpu.memory_space<semaphore_mem>>) src(%dma_wait3A_59 : memref<200x128xf32, #tpu.memory_space<hbm>>) dst(%arg12 : memref<200x128xf32, #tpu.memory_space<vmem>>)
    %dma_wait3A_60 = arith.constant 0 : i32
    %dma_wait3A_61 = arith.constant 0 : i32
    %dma_wait3A_62 = tpu.memref_slice %arg6[%dma_wait3A_60, %dma_wait3A_61] : memref<153600x128xf32, #tpu.memory_space<hbm>> -> memref<200x128xf32, #tpu.memory_space<hbm>>
    %dma_wait3A_63 = arith.constant 0 : i32
    %dma_wait3A_64 = arith.constant 0 : i32
    %dma_wait3A_65 = tpu.memref_slice %arg6[%dma_wait3A_63, %dma_wait3A_64] : memref<153600x128xf32, #tpu.memory_space<hbm>> -> memref<200x128xf32, #tpu.memory_space<hbm>>
    tpu.wait_dma2 semaphore(%arg16 : memref<!tpu.dma_semaphore, #tpu.memory_space<semaphore_mem>>) src(%dma_wait3A_65 : memref<200x128xf32, #tpu.memory_space<hbm>>) dst(%arg14 : memref<200x128xf32, #tpu.memory_space<vmem>>)
    %scan3A_66 = arith.constant 0 : i32
    %scan3A_67 = arith.constant 0 : i32
    %scan3A_68 = arith.constant 200 : i32
    %scan3A_69 = arith.addi %scan3A_67, %scan3A_68 : i32
    %scan3A_70 = arith.constant 1 : i32
    scf.for %scan3A_90 = %scan3A_67 to %scan3A_69 step %scan3A_70  : i32 {
      %get3A = arith.index_cast %scan3A_90 : i32 to index
      %get3A_91 = arith.constant 0 : index
      %get3A_92 = tpu.vector_load %arg12[%get3A, %get3A_91] {strides = array<i32>} : memref<200x128xf32, #tpu.memory_space<vmem>>, vector<1x16xf32>,
      %get3A_93 = vector.shape_cast %get3A_92 : vector<1x16xf32> to vector<16xf32>
      %get3A_94 = arith.index_cast %scan3A_90 : i32 to index
      %get3A_95 = arith.constant 0 : index
      %get3A_96 = tpu.vector_load %arg14[%get3A_94, %get3A_95] {strides = array<i32>} : memref<200x128xf32, #tpu.memory_space<vmem>>, vector<1x16xf32>,
      %get3A_97 = vector.shape_cast %get3A_96 : vector<1x16xf32> to vector<16xf32>
      %add3A_98 = arith.addf %get3A_93, %get3A_97 : vector<16xf32>
      %swap3A = arith.index_cast %scan3A_90 : i32 to index
      %swap3A_99 = arith.constant 0 : index
      %swap3A_100 = tpu.vector_load %arg12[%swap3A, %swap3A_99] {strides = array<i32>} : memref<200x128xf32, #tpu.memory_space<vmem>>, vector<1x16xf32>,
      %swap3A_101 = vector.shape_cast %swap3A_100 : vector<1x16xf32> to vector<16xf32>
      %swap3A_102 = vector.shape_cast %add3A_98 : vector<16xf32> to vector<1x16xf32>
      tpu.vector_store %arg12[%swap3A, %swap3A_99], %swap3A_102 {strides = array<i32>} : memref<200x128xf32, #tpu.memory_space<vmem>>, vector<1x16xf32>,
      %get3A_103 = arith.index_cast %scan3A_90 : i32 to index
      %get3A_104 = arith.constant 16 : index
      %get3A_105 = tpu.vector_load %arg12[%get3A_103, %get3A_104] {strides = array<i32>} : memref<200x128xf32, #tpu.memory_space<vmem>>, vector<1x16xf32>,
      %get3A_106 = vector.shape_cast %get3A_105 : vector<1x16xf32> to vector<16xf32>
      %get3A_107 = arith.index_cast %scan3A_90 : i32 to index
      %get3A_108 = arith.constant 16 : index
      %get3A_109 = tpu.vector_load %arg14[%get3A_107, %get3A_108] {strides = array<i32>} : memref<200x128xf32, #tpu.memory_space<vmem>>, vector<1x16xf32>,
      %get3A_110 = vector.shape_cast %get3A_109 : vector<1x16xf32> to vector<16xf32>
      %add3A_111 = arith.addf %get3A_106, %get3A_110 : vector<16xf32>
      %swap3A_112 = arith.index_cast %scan3A_90 : i32 to index
      %swap3A_113 = arith.constant 16 : index
      %swap3A_114 = tpu.vector_load %arg12[%swap3A_112, %swap3A_113] {strides = array<i32>} : memref<200x128xf32, #tpu.memory_space<vmem>>, vector<1x16xf32>,
      %swap3A_115 = vector.shape_cast %swap3A_114 : vector<1x16xf32> to vector<16xf32>
      %swap3A_116 = vector.shape_cast %add3A_111 : vector<16xf32> to vector<1x16xf32>
      tpu.vector_store %arg12[%swap3A_112, %swap3A_113], %swap3A_116 {strides = array<i32>} : memref<200x128xf32, #tpu.memory_space<vmem>>, vector<1x16xf32>,
      %get3A_117 = arith.index_cast %scan3A_90 : i32 to index
      %get3A_118 = arith.constant 32 : index
      %get3A_119 = tpu.vector_load %arg12[%get3A_117, %get3A_118] {strides = array<i32>} : memref<200x128xf32, #tpu.memory_space<vmem>>, vector<1x16xf32>,
      %get3A_120 = vector.shape_cast %get3A_119 : vector<1x16xf32> to vector<16xf32>
      %get3A_121 = arith.index_cast %scan3A_90 : i32 to index
      %get3A_122 = arith.constant 32 : index
      %get3A_123 = tpu.vector_load %arg14[%get3A_121, %get3A_122] {strides = array<i32>} : memref<200x128xf32, #tpu.memory_space<vmem>>, vector<1x16xf32>,
      %get3A_124 = vector.shape_cast %get3A_123 : vector<1x16xf32> to vector<16xf32>
      %add3A_125 = arith.addf %get3A_120, %get3A_124 : vector<16xf32>
      %swap3A_126 = arith.index_cast %scan3A_90 : i32 to index
      %swap3A_127 = arith.constant 32 : index
      %swap3A_128 = tpu.vector_load %arg12[%swap3A_126, %swap3A_127] {strides = array<i32>} : memref<200x128xf32, #tpu.memory_space<vmem>>, vector<1x16xf32>,
      %swap3A_129 = vector.shape_cast %swap3A_128 : vector<1x16xf32> to vector<16xf32>
      %swap3A_130 = vector.shape_cast %add3A_125 : vector<16xf32> to vector<1x16xf32>
      tpu.vector_store %arg12[%swap3A_126, %swap3A_127], %swap3A_130 {strides = array<i32>} : memref<200x128xf32, #tpu.memory_space<vmem>>, vector<1x16xf32>,
      %get3A_131 = arith.index_cast %scan3A_90 : i32 to index
      %get3A_132 = arith.constant 48 : index
      %get3A_133 = tpu.vector_load %arg12[%get3A_131, %get3A_132] {strides = array<i32>} : memref<200x128xf32, #tpu.memory_space<vmem>>, vector<1x16xf32>,
      %get3A_134 = vector.shape_cast %get3A_133 : vector<1x16xf32> to vector<16xf32>
      %get3A_135 = arith.index_cast %scan3A_90 : i32 to index
      %get3A_136 = arith.constant 48 : index
      %get3A_137 = tpu.vector_load %arg14[%get3A_135, %get3A_136] {strides = array<i32>} : memref<200x128xf32, #tpu.memory_space<vmem>>, vector<1x16xf32>,
      %get3A_138 = vector.shape_cast %get3A_137 : vector<1x16xf32> to vector<16xf32>
      %add3A_139 = arith.addf %get3A_134, %get3A_138 : vector<16xf32>
      %swap3A_140 = arith.index_cast %scan3A_90 : i32 to index
      %swap3A_141 = arith.constant 48 : index
      %swap3A_142 = tpu.vector_load %arg12[%swap3A_140, %swap3A_141] {strides = array<i32>} : memref<200x128xf32, #tpu.memory_space<vmem>>, vector<1x16xf32>,
      %swap3A_143 = vector.shape_cast %swap3A_142 : vector<1x16xf32> to vector<16xf32>
      %swap3A_144 = vector.shape_cast %add3A_139 : vector<16xf32> to vector<1x16xf32>
      tpu.vector_store %arg12[%swap3A_140, %swap3A_141], %swap3A_144 {strides = array<i32>} : memref<200x128xf32, #tpu.memory_space<vmem>>, vector<1x16xf32>,
      %get3A_145 = arith.index_cast %scan3A_90 : i32 to index
      %get3A_146 = arith.constant 64 : index
      %get3A_147 = tpu.vector_load %arg12[%get3A_145, %get3A_146] {strides = array<i32>} : memref<200x128xf32, #tpu.memory_space<vmem>>, vector<1x16xf32>,
      %get3A_148 = vector.shape_cast %get3A_147 : vector<1x16xf32> to vector<16xf32>
      %get3A_149 = arith.index_cast %scan3A_90 : i32 to index
      %get3A_150 = arith.constant 64 : index
      %get3A_151 = tpu.vector_load %arg14[%get3A_149, %get3A_150] {strides = array<i32>} : memref<200x128xf32, #tpu.memory_space<vmem>>, vector<1x16xf32>,
      %get3A_152 = vector.shape_cast %get3A_151 : vector<1x16xf32> to vector<16xf32>
      %add3A_153 = arith.addf %get3A_148, %get3A_152 : vector<16xf32>
      %swap3A_154 = arith.index_cast %scan3A_90 : i32 to index
      %swap3A_155 = arith.constant 64 : index
      %swap3A_156 = tpu.vector_load %arg12[%swap3A_154, %swap3A_155] {strides = array<i32>} : memref<200x128xf32, #tpu.memory_space<vmem>>, vector<1x16xf32>,
      %swap3A_157 = vector.shape_cast %swap3A_156 : vector<1x16xf32> to vector<16xf32>
      %swap3A_158 = vector.shape_cast %add3A_153 : vector<16xf32> to vector<1x16xf32>
      tpu.vector_store %arg12[%swap3A_154, %swap3A_155], %swap3A_158 {strides = array<i32>} : memref<200x128xf32, #tpu.memory_space<vmem>>, vector<1x16xf32>,
      %get3A_159 = arith.index_cast %scan3A_90 : i32 to index
      %get3A_160 = arith.constant 80 : index
      %get3A_161 = tpu.vector_load %arg12[%get3A_159, %get3A_160] {strides = array<i32>} : memref<200x128xf32, #tpu.memory_space<vmem>>, vector<1x16xf32>,
      %get3A_162 = vector.shape_cast %get3A_161 : vector<1x16xf32> to vector<16xf32>
      %get3A_163 = arith.index_cast %scan3A_90 : i32 to index
      %get3A_164 = arith.constant 80 : index
      %get3A_165 = tpu.vector_load %arg14[%get3A_163, %get3A_164] {strides = array<i32>} : memref<200x128xf32, #tpu.memory_space<vmem>>, vector<1x16xf32>,
      %get3A_166 = vector.shape_cast %get3A_165 : vector<1x16xf32> to vector<16xf32>
      %add3A_167 = arith.addf %get3A_162, %get3A_166 : vector<16xf32>
      %swap3A_168 = arith.index_cast %scan3A_90 : i32 to index
      %swap3A_169 = arith.constant 80 : index
      %swap3A_170 = tpu.vector_load %arg12[%swap3A_168, %swap3A_169] {strides = array<i32>} : memref<200x128xf32, #tpu.memory_space<vmem>>, vector<1x16xf32>,
      %swap3A_171 = vector.shape_cast %swap3A_170 : vector<1x16xf32> to vector<16xf32>
      %swap3A_172 = vector.shape_cast %add3A_167 : vector<16xf32> to vector<1x16xf32>
      tpu.vector_store %arg12[%swap3A_168, %swap3A_169], %swap3A_172 {strides = array<i32>} : memref<200x128xf32, #tpu.memory_space<vmem>>, vector<1x16xf32>,
      %get3A_173 = arith.index_cast %scan3A_90 : i32 to index
      %get3A_174 = arith.constant 96 : index
      %get3A_175 = tpu.vector_load %arg12[%get3A_173, %get3A_174] {strides = array<i32>} : memref<200x128xf32, #tpu.memory_space<vmem>>, vector<1x16xf32>,
      %get3A_176 = vector.shape_cast %get3A_175 : vector<1x16xf32> to vector<16xf32>
      %get3A_177 = arith.index_cast %scan3A_90 : i32 to index
      %get3A_178 = arith.constant 96 : index
      %get3A_179 = tpu.vector_load %arg14[%get3A_177, %get3A_178] {strides = array<i32>} : memref<200x128xf32, #tpu.memory_space<vmem>>, vector<1x16xf32>,
      %get3A_180 = vector.shape_cast %get3A_179 : vector<1x16xf32> to vector<16xf32>
      %add3A_181 = arith.addf %get3A_176, %get3A_180 : vector<16xf32>
      %swap3A_182 = arith.index_cast %scan3A_90 : i32 to index
      %swap3A_183 = arith.constant 96 : index
      %swap3A_184 = tpu.vector_load %arg12[%swap3A_182, %swap3A_183] {strides = array<i32>} : memref<200x128xf32, #tpu.memory_space<vmem>>, vector<1x16xf32>,
      %swap3A_185 = vector.shape_cast %swap3A_184 : vector<1x16xf32> to vector<16xf32>
      %swap3A_186 = vector.shape_cast %add3A_181 : vector<16xf32> to vector<1x16xf32>
      tpu.vector_store %arg12[%swap3A_182, %swap3A_183], %swap3A_186 {strides = array<i32>} : memref<200x128xf32, #tpu.memory_space<vmem>>, vector<1x16xf32>,
      %get3A_187 = arith.index_cast %scan3A_90 : i32 to index
      %get3A_188 = arith.constant 112 : index
      %get3A_189 = tpu.vector_load %arg12[%get3A_187, %get3A_188] {strides = array<i32>} : memref<200x128xf32, #tpu.memory_space<vmem>>, vector<1x16xf32>,
      %get3A_190 = vector.shape_cast %get3A_189 : vector<1x16xf32> to vector<16xf32>
      %get3A_191 = arith.index_cast %scan3A_90 : i32 to index
      %get3A_192 = arith.constant 112 : index
      %get3A_193 = tpu.vector_load %arg14[%get3A_191, %get3A_192] {strides = array<i32>} : memref<200x128xf32, #tpu.memory_space<vmem>>, vector<1x16xf32>,
      %get3A_194 = vector.shape_cast %get3A_193 : vector<1x16xf32> to vector<16xf32>
      %add3A_195 = arith.addf %get3A_190, %get3A_194 : vector<16xf32>
      %swap3A_196 = arith.index_cast %scan3A_90 : i32 to index
      %swap3A_197 = arith.constant 112 : index
      %swap3A_198 = tpu.vector_load %arg12[%swap3A_196, %swap3A_197] {strides = array<i32>} : memref<200x128xf32, #tpu.memory_space<vmem>>, vector<1x16xf32>,
      %swap3A_199 = vector.shape_cast %swap3A_198 : vector<1x16xf32> to vector<16xf32>
      %swap3A_200 = vector.shape_cast %add3A_195 : vector<16xf32> to vector<1x16xf32>
      tpu.vector_store %arg12[%swap3A_196, %swap3A_197], %swap3A_200 {strides = array<i32>} : memref<200x128xf32, #tpu.memory_space<vmem>>, vector<1x16xf32>,
    }
    %scan3A_71 = arith.constant 200 : i32
    %add3A_72 = arith.constant 4600 : i32
    %add3A_73 = arith.addi %mul3A_2, %add3A_72 : i32
    %dma_start3A_74 = arith.constant 0 : i32
    %dma_start3A_75 = tpu.memref_slice %arg6[%add3A_73, %dma_start3A_74] : memref<153600x128xf32, #tpu.memory_space<hbm>> -> memref<200x128xf32, #tpu.memory_space<hbm>>
    %dma_start3A_76 = arith.constant 0 : i32
    %dma_start3A_77 = tpu.memref_slice %arg6[%add3A_73, %dma_start3A_76] : memref<153600x128xf32, #tpu.memory_space<hbm>> -> memref<200x128xf32, #tpu.memory_space<hbm>>
    tpu.enqueue_dma source(%arg12 : memref<200x128xf32, #tpu.memory_space<vmem>>) target(%dma_start3A_77 : memref<200x128xf32, #tpu.memory_space<hbm>>) target_semaphore(%arg18 : memref<!tpu.dma_semaphore, #tpu.memory_space<semaphore_mem>>)
    %dma_wait3A_78 = arith.constant 0 : i32
    %dma_wait3A_79 = arith.constant 0 : i32
    %dma_wait3A_80 = tpu.memref_slice %arg6[%dma_wait3A_78, %dma_wait3A_79] : memref<153600x128xf32, #tpu.memory_space<hbm>> -> memref<200x128xf32, #tpu.memory_space<hbm>>
    %dma_wait3A_81 = arith.constant 0 : i32
    %dma_wait3A_82 = arith.constant 0 : i32
    %dma_wait3A_83 = tpu.memref_slice %arg6[%dma_wait3A_81, %dma_wait3A_82] : memref<153600x128xf32, #tpu.memory_space<hbm>> -> memref<200x128xf32, #tpu.memory_space<hbm>>
    tpu.wait_dma2 semaphore(%arg17 : memref<!tpu.dma_semaphore, #tpu.memory_space<semaphore_mem>>) src(%arg11 : memref<200x128xf32, #tpu.memory_space<vmem>>) dst(%dma_wait3A_83 : memref<200x128xf32, #tpu.memory_space<hbm>>)
    %dma_wait3A_84 = arith.constant 0 : i32
    %dma_wait3A_85 = arith.constant 0 : i32
    %dma_wait3A_86 = tpu.memref_slice %arg6[%dma_wait3A_84, %dma_wait3A_85] : memref<153600x128xf32, #tpu.memory_space<hbm>> -> memref<200x128xf32, #tpu.memory_space<hbm>>
    %dma_wait3A_87 = arith.constant 0 : i32
    %dma_wait3A_88 = arith.constant 0 : i32
    %dma_wait3A_89 = tpu.memref_slice %arg6[%dma_wait3A_87, %dma_wait3A_88] : memref<153600x128xf32, #tpu.memory_space<hbm>> -> memref<200x128xf32, #tpu.memory_space<hbm>>
    tpu.wait_dma2 semaphore(%arg18 : memref<!tpu.dma_semaphore, #tpu.memory_space<semaphore_mem>>) src(%arg12 : memref<200x128xf32, #tpu.memory_space<vmem>>) dst(%dma_wait3A_89 : memref<200x128xf32, #tpu.memory_space<hbm>>)
    return
  }
}

#map = affine_map<(d0, d1) -> (0, 0)>
#map1 = affine_map<(d0, d1) -> (0)>
#map2 = affine_map<(d0, d1) -> (0, 0, 0, 0)>
module attributes {stable_mosaic.version = 14 : i64} {
  func.func @scatter(%arg0: i32, %arg1: i32, %arg2: memref<166400x128xf32, #tpu.memory_space<hbm>>, %arg3: memref<320000xi32, #tpu.memory_space<hbm>>, %arg4: memref<625x128xf32, #tpu.memory_space<hbm>>, %arg5: memref<2x16x625x128xf32, #tpu.memory_space<hbm>>, %arg6: memref<10000x128xf32, #tpu.memory_space<vmem_shared>>, %arg7: memref<40x128xf32, #tpu.memory_space<vmem>>, %arg8: memref<40x128xf32, #tpu.memory_space<vmem>>, %arg9: memref<40xi32, #tpu.memory_space<vmem>>, %arg10: memref<40xi32, #tpu.memory_space<vmem>>, %arg11: memref<!tpu.dma_semaphore, #tpu.memory_space<semaphore_mem>>, %arg12: memref<!tpu.dma_semaphore, #tpu.memory_space<semaphore_mem>>) attributes {dimension_semantics = [#tpu.dimension_semantics<core_parallel>, #tpu.dimension_semantics<subcore_parallel>], iteration_bounds = array<i64: 2, 16>, scalar_prefetch = 0 : i64, scratch_operands = 7 : i64, tpu.core_type = #tpu.core_type<sc_vector_subcore>, window_params = [{transform_indices = #map}, {transform_indices = #map1}, {transform_indices = #map}, {transform_indices = #map2}]} {
    %mul3A = arith.constant 2 : i32
    %mul3A_0 = arith.muli %arg1, %mul3A : i32
    %add3A = arith.addi %mul3A_0, %arg0 : i32
    %mul3A_1 = arith.constant 625 : i32
    %mul3A_2 = arith.muli %arg1, %mul3A_1 : i32
    "tpu.region"() ({
      %run_scoped3A = tpu.sem_alloc : memref<!tpu.dma_semaphore, #tpu.memory_space<semaphore_mem>>
      %dma_start3A_49 = arith.constant 0 : i32
      %dma_start3A_50 = tpu.memref_slice %arg6[%mul3A_2, %dma_start3A_49] : memref<10000x128xf32, #tpu.memory_space<vmem_shared>> -> memref<625x128xf32, #tpu.memory_space<vmem_shared>>
      tpu.enqueue_dma source(%arg4 : memref<625x128xf32, #tpu.memory_space<hbm>>) target(%dma_start3A_50 : memref<625x128xf32, #tpu.memory_space<vmem_shared>>) target_semaphore(%run_scoped3A : memref<!tpu.dma_semaphore, #tpu.memory_space<semaphore_mem>>)
      %dma_wait3A_51 = arith.constant 0 : i32
      %dma_wait3A_52 = tpu.memref_slice %arg6[%mul3A_2, %dma_wait3A_51] : memref<10000x128xf32, #tpu.memory_space<vmem_shared>> -> memref<625x128xf32, #tpu.memory_space<vmem_shared>>
      tpu.wait_dma2 semaphore(%run_scoped3A : memref<!tpu.dma_semaphore, #tpu.memory_space<semaphore_mem>>) src(%arg4 : memref<625x128xf32, #tpu.memory_space<hbm>>) dst(%dma_wait3A_52 : memref<625x128xf32, #tpu.memory_space<vmem_shared>>)
      tpu.yield
    }) : () -> ()
    %barrier3A = arith.constant 0 : index
    tpu.barrier barrier_id(%barrier3A)
    %mul3A_3 = arith.constant 5200 : i32
    %mul3A_4 = arith.muli %add3A, %mul3A_3 : i32
    %add3A_5 = arith.constant 0 : i32
    %add3A_6 = arith.addi %mul3A_4, %add3A_5 : i32
    %add3A_7 = arith.constant 153600 : i32
    %add3A_8 = arith.addi %add3A_7, %add3A_6 : i32
    %dma_start3A = tpu.memref_slice %arg3[%add3A_8] : memref<320000xi32, #tpu.memory_space<hbm>> -> memref<40xi32, #tpu.memory_space<hbm>>
    %dma_start3A_9 = tpu.memref_slice %arg3[%add3A_8] : memref<320000xi32, #tpu.memory_space<hbm>> -> memref<40xi32, #tpu.memory_space<hbm>>
    tpu.enqueue_dma source(%dma_start3A_9 : memref<40xi32, #tpu.memory_space<hbm>>) target(%arg9 : memref<40xi32, #tpu.memory_space<vmem>>) target_semaphore(%arg11 : memref<!tpu.dma_semaphore, #tpu.memory_space<semaphore_mem>>)
    %dma_start3A_10 = arith.constant 0 : i32
    %dma_start3A_11 = tpu.memref_slice %arg2[%add3A_6, %dma_start3A_10] : memref<166400x128xf32, #tpu.memory_space<hbm>> -> memref<40x128xf32, #tpu.memory_space<hbm>>
    %dma_start3A_12 = arith.constant 0 : i32
    %dma_start3A_13 = tpu.memref_slice %arg2[%add3A_6, %dma_start3A_12] : memref<166400x128xf32, #tpu.memory_space<hbm>> -> memref<40x128xf32, #tpu.memory_space<hbm>>
    tpu.enqueue_dma source(%dma_start3A_13 : memref<40x128xf32, #tpu.memory_space<hbm>>) target(%arg7 : memref<40x128xf32, #tpu.memory_space<vmem>>) target_semaphore(%arg11 : memref<!tpu.dma_semaphore, #tpu.memory_space<semaphore_mem>>)
    %scan3A = arith.constant 0 : i32
    %scan3A_14 = arith.constant 0 : i32
    %scan3A_15 = arith.constant 64 : i32
    %scan3A_16 = arith.addi %scan3A_14, %scan3A_15 : i32
    %scan3A_17 = arith.constant 1 : i32
    scf.for %scan3A_49 = %scan3A_14 to %scan3A_16 step %scan3A_17  : i32 {
      %mul3A_50 = arith.constant 2 : i32
      %mul3A_51 = arith.muli %mul3A_50, %scan3A_49 : i32
      %add3A_52 = arith.constant 1 : i32
      %add3A_53 = arith.addi %mul3A_51, %add3A_52 : i32
      %mul3A_54 = arith.constant 40 : i32
      %mul3A_55 = arith.muli %add3A_53, %mul3A_54 : i32
      %add3A_56 = arith.addi %mul3A_4, %mul3A_55 : i32
      %add3A_57 = arith.constant 153600 : i32
      %add3A_58 = arith.addi %add3A_57, %add3A_56 : i32
      %dma_start3A_59 = tpu.memref_slice %arg3[%add3A_58] : memref<320000xi32, #tpu.memory_space<hbm>> -> memref<40xi32, #tpu.memory_space<hbm>>
      %dma_start3A_60 = tpu.memref_slice %arg3[%add3A_58] : memref<320000xi32, #tpu.memory_space<hbm>> -> memref<40xi32, #tpu.memory_space<hbm>>
      tpu.enqueue_dma source(%dma_start3A_60 : memref<40xi32, #tpu.memory_space<hbm>>) target(%arg10 : memref<40xi32, #tpu.memory_space<vmem>>) target_semaphore(%arg12 : memref<!tpu.dma_semaphore, #tpu.memory_space<semaphore_mem>>)
      %dma_start3A_61 = arith.constant 0 : i32
      %dma_start3A_62 = tpu.memref_slice %arg2[%add3A_56, %dma_start3A_61] : memref<166400x128xf32, #tpu.memory_space<hbm>> -> memref<40x128xf32, #tpu.memory_space<hbm>>
      %dma_start3A_63 = arith.constant 0 : i32
      %dma_start3A_64 = tpu.memref_slice %arg2[%add3A_56, %dma_start3A_63] : memref<166400x128xf32, #tpu.memory_space<hbm>> -> memref<40x128xf32, #tpu.memory_space<hbm>>
      tpu.enqueue_dma source(%dma_start3A_64 : memref<40x128xf32, #tpu.memory_space<hbm>>) target(%arg8 : memref<40x128xf32, #tpu.memory_space<vmem>>) target_semaphore(%arg12 : memref<!tpu.dma_semaphore, #tpu.memory_space<semaphore_mem>>)
      %dma_wait3A_65 = arith.constant 0 : i32
      %dma_wait3A_66 = tpu.memref_slice %arg3[%dma_wait3A_65] : memref<320000xi32, #tpu.memory_space<hbm>> -> memref<40xi32, #tpu.memory_space<hbm>>
      %dma_wait3A_67 = arith.constant 0 : i32
      %dma_wait3A_68 = tpu.memref_slice %arg3[%dma_wait3A_67] : memref<320000xi32, #tpu.memory_space<hbm>> -> memref<40xi32, #tpu.memory_space<hbm>>
      tpu.wait_dma2 semaphore(%arg11 : memref<!tpu.dma_semaphore, #tpu.memory_space<semaphore_mem>>) src(%dma_wait3A_68 : memref<40xi32, #tpu.memory_space<hbm>>) dst(%arg9 : memref<40xi32, #tpu.memory_space<vmem>>)
      %dma_wait3A_69 = arith.constant 0 : i32
      %dma_wait3A_70 = arith.constant 0 : i32
      %dma_wait3A_71 = tpu.memref_slice %arg2[%dma_wait3A_69, %dma_wait3A_70] : memref<166400x128xf32, #tpu.memory_space<hbm>> -> memref<40x128xf32, #tpu.memory_space<hbm>>
      %dma_wait3A_72 = arith.constant 0 : i32
      %dma_wait3A_73 = arith.constant 0 : i32
      %dma_wait3A_74 = tpu.memref_slice %arg2[%dma_wait3A_72, %dma_wait3A_73] : memref<166400x128xf32, #tpu.memory_space<hbm>> -> memref<40x128xf32, #tpu.memory_space<hbm>>
      tpu.wait_dma2 semaphore(%arg11 : memref<!tpu.dma_semaphore, #tpu.memory_space<semaphore_mem>>) src(%dma_wait3A_74 : memref<40x128xf32, #tpu.memory_space<hbm>>) dst(%arg7 : memref<40x128xf32, #tpu.memory_space<vmem>>)
      "tpu.region"() ({
        %run_scoped3A = tpu.sem_alloc : memref<!tpu.dma_semaphore, #tpu.memory_space<semaphore_mem>>
        %dma_start3A_100 = arith.constant 0 : i32
        %dma_start3A_101 = arith.constant 0 : i32
        %dma_start3A_102 = tpu.memref_slice %arg6[%dma_start3A_100, %dma_start3A_101] : memref<10000x128xf32, #tpu.memory_space<vmem_shared>> -> memref<10000x128xf32, #tpu.memory_space<vmem_shared>>
        tpu.enqueue_indirect_dma source(%arg7 : memref<40x128xf32, #tpu.memory_space<vmem>>) target(%dma_start3A_102 : memref<10000x128xf32, #tpu.memory_space<vmem_shared>>) offsets(%arg9 : memref<40xi32, #tpu.memory_space<vmem>>) semaphore(%run_scoped3A : memref<!tpu.dma_semaphore, #tpu.memory_space<semaphore_mem>>) {add = true}
        %dma_wait3A_103 = arith.constant 0 : i32
        %dma_wait3A_104 = arith.constant 0 : i32
        %dma_wait3A_105 = tpu.memref_slice %arg6[%dma_wait3A_103, %dma_wait3A_104] : memref<10000x128xf32, #tpu.memory_space<vmem_shared>> -> memref<10000x128xf32, #tpu.memory_space<vmem_shared>>
        tpu.wait_indirect_dma semaphore(%run_scoped3A : memref<!tpu.dma_semaphore, #tpu.memory_space<semaphore_mem>>) src(%arg7 : memref<40x128xf32, #tpu.memory_space<vmem>>) dst(%dma_wait3A_105 : memref<10000x128xf32, #tpu.memory_space<vmem_shared>>)
        tpu.yield
      }) : () -> ()
      %mul3A_75 = arith.constant 2 : i32
      %mul3A_76 = arith.muli %mul3A_75, %scan3A_49 : i32
      %add3A_77 = arith.constant 2 : i32
      %add3A_78 = arith.addi %mul3A_76, %add3A_77 : i32
      %mul3A_79 = arith.constant 40 : i32
      %mul3A_80 = arith.muli %add3A_78, %mul3A_79 : i32
      %add3A_81 = arith.addi %mul3A_4, %mul3A_80 : i32
      %add3A_82 = arith.constant 153600 : i32
      %add3A_83 = arith.addi %add3A_82, %add3A_81 : i32
      %dma_start3A_84 = tpu.memref_slice %arg3[%add3A_83] : memref<320000xi32, #tpu.memory_space<hbm>> -> memref<40xi32, #tpu.memory_space<hbm>>
      %dma_start3A_85 = tpu.memref_slice %arg3[%add3A_83] : memref<320000xi32, #tpu.memory_space<hbm>> -> memref<40xi32, #tpu.memory_space<hbm>>
      tpu.enqueue_dma source(%dma_start3A_85 : memref<40xi32, #tpu.memory_space<hbm>>) target(%arg9 : memref<40xi32, #tpu.memory_space<vmem>>) target_semaphore(%arg11 : memref<!tpu.dma_semaphore, #tpu.memory_space<semaphore_mem>>)
      %dma_start3A_86 = arith.constant 0 : i32
      %dma_start3A_87 = tpu.memref_slice %arg2[%add3A_81, %dma_start3A_86] : memref<166400x128xf32, #tpu.memory_space<hbm>> -> memref<40x128xf32, #tpu.memory_space<hbm>>
      %dma_start3A_88 = arith.constant 0 : i32
      %dma_start3A_89 = tpu.memref_slice %arg2[%add3A_81, %dma_start3A_88] : memref<166400x128xf32, #tpu.memory_space<hbm>> -> memref<40x128xf32, #tpu.memory_space<hbm>>
      tpu.enqueue_dma source(%dma_start3A_89 : memref<40x128xf32, #tpu.memory_space<hbm>>) target(%arg7 : memref<40x128xf32, #tpu.memory_space<vmem>>) target_semaphore(%arg11 : memref<!tpu.dma_semaphore, #tpu.memory_space<semaphore_mem>>)
      %dma_wait3A_90 = arith.constant 0 : i32
      %dma_wait3A_91 = tpu.memref_slice %arg3[%dma_wait3A_90] : memref<320000xi32, #tpu.memory_space<hbm>> -> memref<40xi32, #tpu.memory_space<hbm>>
      %dma_wait3A_92 = arith.constant 0 : i32
      %dma_wait3A_93 = tpu.memref_slice %arg3[%dma_wait3A_92] : memref<320000xi32, #tpu.memory_space<hbm>> -> memref<40xi32, #tpu.memory_space<hbm>>
      tpu.wait_dma2 semaphore(%arg12 : memref<!tpu.dma_semaphore, #tpu.memory_space<semaphore_mem>>) src(%dma_wait3A_93 : memref<40xi32, #tpu.memory_space<hbm>>) dst(%arg10 : memref<40xi32, #tpu.memory_space<vmem>>)
      %dma_wait3A_94 = arith.constant 0 : i32
      %dma_wait3A_95 = arith.constant 0 : i32
      %dma_wait3A_96 = tpu.memref_slice %arg2[%dma_wait3A_94, %dma_wait3A_95] : memref<166400x128xf32, #tpu.memory_space<hbm>> -> memref<40x128xf32, #tpu.memory_space<hbm>>
      %dma_wait3A_97 = arith.constant 0 : i32
      %dma_wait3A_98 = arith.constant 0 : i32
      %dma_wait3A_99 = tpu.memref_slice %arg2[%dma_wait3A_97, %dma_wait3A_98] : memref<166400x128xf32, #tpu.memory_space<hbm>> -> memref<40x128xf32, #tpu.memory_space<hbm>>
      tpu.wait_dma2 semaphore(%arg12 : memref<!tpu.dma_semaphore, #tpu.memory_space<semaphore_mem>>) src(%dma_wait3A_99 : memref<40x128xf32, #tpu.memory_space<hbm>>) dst(%arg8 : memref<40x128xf32, #tpu.memory_space<vmem>>)
      "tpu.region"() ({
        %run_scoped3A = tpu.sem_alloc : memref<!tpu.dma_semaphore, #tpu.memory_space<semaphore_mem>>
        %dma_start3A_100 = arith.constant 0 : i32
        %dma_start3A_101 = arith.constant 0 : i32
        %dma_start3A_102 = tpu.memref_slice %arg6[%dma_start3A_100, %dma_start3A_101] : memref<10000x128xf32, #tpu.memory_space<vmem_shared>> -> memref<10000x128xf32, #tpu.memory_space<vmem_shared>>
        tpu.enqueue_indirect_dma source(%arg8 : memref<40x128xf32, #tpu.memory_space<vmem>>) target(%dma_start3A_102 : memref<10000x128xf32, #tpu.memory_space<vmem_shared>>) offsets(%arg10 : memref<40xi32, #tpu.memory_space<vmem>>) semaphore(%run_scoped3A : memref<!tpu.dma_semaphore, #tpu.memory_space<semaphore_mem>>) {add = true}
        %dma_wait3A_103 = arith.constant 0 : i32
        %dma_wait3A_104 = arith.constant 0 : i32
        %dma_wait3A_105 = tpu.memref_slice %arg6[%dma_wait3A_103, %dma_wait3A_104] : memref<10000x128xf32, #tpu.memory_space<vmem_shared>> -> memref<10000x128xf32, #tpu.memory_space<vmem_shared>>
        tpu.wait_indirect_dma semaphore(%run_scoped3A : memref<!tpu.dma_semaphore, #tpu.memory_space<semaphore_mem>>) src(%arg8 : memref<40x128xf32, #tpu.memory_space<vmem>>) dst(%dma_wait3A_105 : memref<10000x128xf32, #tpu.memory_space<vmem_shared>>)
        tpu.yield
      }) : () -> ()
    }
    %scan3A_18 = arith.constant 64 : i32
    %add3A_19 = arith.constant 5160 : i32
    %add3A_20 = arith.addi %mul3A_4, %add3A_19 : i32
    %add3A_21 = arith.constant 153600 : i32
    %add3A_22 = arith.addi %add3A_21, %add3A_20 : i32
    %dma_start3A_23 = tpu.memref_slice %arg3[%add3A_22] : memref<320000xi32, #tpu.memory_space<hbm>> -> memref<40xi32, #tpu.memory_space<hbm>>
    %dma_start3A_24 = tpu.memref_slice %arg3[%add3A_22] : memref<320000xi32, #tpu.memory_space<hbm>> -> memref<40xi32, #tpu.memory_space<hbm>>
    tpu.enqueue_dma source(%dma_start3A_24 : memref<40xi32, #tpu.memory_space<hbm>>) target(%arg10 : memref<40xi32, #tpu.memory_space<vmem>>) target_semaphore(%arg12 : memref<!tpu.dma_semaphore, #tpu.memory_space<semaphore_mem>>)
    %dma_start3A_25 = arith.constant 0 : i32
    %dma_start3A_26 = tpu.memref_slice %arg2[%add3A_20, %dma_start3A_25] : memref<166400x128xf32, #tpu.memory_space<hbm>> -> memref<40x128xf32, #tpu.memory_space<hbm>>
    %dma_start3A_27 = arith.constant 0 : i32
    %dma_start3A_28 = tpu.memref_slice %arg2[%add3A_20, %dma_start3A_27] : memref<166400x128xf32, #tpu.memory_space<hbm>> -> memref<40x128xf32, #tpu.memory_space<hbm>>
    tpu.enqueue_dma source(%dma_start3A_28 : memref<40x128xf32, #tpu.memory_space<hbm>>) target(%arg8 : memref<40x128xf32, #tpu.memory_space<vmem>>) target_semaphore(%arg12 : memref<!tpu.dma_semaphore, #tpu.memory_space<semaphore_mem>>)
    %dma_wait3A = arith.constant 0 : i32
    %dma_wait3A_29 = tpu.memref_slice %arg3[%dma_wait3A] : memref<320000xi32, #tpu.memory_space<hbm>> -> memref<40xi32, #tpu.memory_space<hbm>>
    %dma_wait3A_30 = arith.constant 0 : i32
    %dma_wait3A_31 = tpu.memref_slice %arg3[%dma_wait3A_30] : memref<320000xi32, #tpu.memory_space<hbm>> -> memref<40xi32, #tpu.memory_space<hbm>>
    tpu.wait_dma2 semaphore(%arg11 : memref<!tpu.dma_semaphore, #tpu.memory_space<semaphore_mem>>) src(%dma_wait3A_31 : memref<40xi32, #tpu.memory_space<hbm>>) dst(%arg9 : memref<40xi32, #tpu.memory_space<vmem>>)
    %dma_wait3A_32 = arith.constant 0 : i32
    %dma_wait3A_33 = arith.constant 0 : i32
    %dma_wait3A_34 = tpu.memref_slice %arg2[%dma_wait3A_32, %dma_wait3A_33] : memref<166400x128xf32, #tpu.memory_space<hbm>> -> memref<40x128xf32, #tpu.memory_space<hbm>>
    %dma_wait3A_35 = arith.constant 0 : i32
    %dma_wait3A_36 = arith.constant 0 : i32
    %dma_wait3A_37 = tpu.memref_slice %arg2[%dma_wait3A_35, %dma_wait3A_36] : memref<166400x128xf32, #tpu.memory_space<hbm>> -> memref<40x128xf32, #tpu.memory_space<hbm>>
    tpu.wait_dma2 semaphore(%arg11 : memref<!tpu.dma_semaphore, #tpu.memory_space<semaphore_mem>>) src(%dma_wait3A_37 : memref<40x128xf32, #tpu.memory_space<hbm>>) dst(%arg7 : memref<40x128xf32, #tpu.memory_space<vmem>>)
    "tpu.region"() ({
      %run_scoped3A = tpu.sem_alloc : memref<!tpu.dma_semaphore, #tpu.memory_space<semaphore_mem>>
      %dma_start3A_49 = arith.constant 0 : i32
      %dma_start3A_50 = arith.constant 0 : i32
      %dma_start3A_51 = tpu.memref_slice %arg6[%dma_start3A_49, %dma_start3A_50] : memref<10000x128xf32, #tpu.memory_space<vmem_shared>> -> memref<10000x128xf32, #tpu.memory_space<vmem_shared>>
      tpu.enqueue_indirect_dma source(%arg7 : memref<40x128xf32, #tpu.memory_space<vmem>>) target(%dma_start3A_51 : memref<10000x128xf32, #tpu.memory_space<vmem_shared>>) offsets(%arg9 : memref<40xi32, #tpu.memory_space<vmem>>) semaphore(%run_scoped3A : memref<!tpu.dma_semaphore, #tpu.memory_space<semaphore_mem>>) {add = true}
      %dma_wait3A_52 = arith.constant 0 : i32
      %dma_wait3A_53 = arith.constant 0 : i32
      %dma_wait3A_54 = tpu.memref_slice %arg6[%dma_wait3A_52, %dma_wait3A_53] : memref<10000x128xf32, #tpu.memory_space<vmem_shared>> -> memref<10000x128xf32, #tpu.memory_space<vmem_shared>>
      tpu.wait_indirect_dma semaphore(%run_scoped3A : memref<!tpu.dma_semaphore, #tpu.memory_space<semaphore_mem>>) src(%arg7 : memref<40x128xf32, #tpu.memory_space<vmem>>) dst(%dma_wait3A_54 : memref<10000x128xf32, #tpu.memory_space<vmem_shared>>)
      tpu.yield
    }) : () -> ()
    %dma_wait3A_38 = arith.constant 0 : i32
    %dma_wait3A_39 = tpu.memref_slice %arg3[%dma_wait3A_38] : memref<320000xi32, #tpu.memory_space<hbm>> -> memref<40xi32, #tpu.memory_space<hbm>>
    %dma_wait3A_40 = arith.constant 0 : i32
    %dma_wait3A_41 = tpu.memref_slice %arg3[%dma_wait3A_40] : memref<320000xi32, #tpu.memory_space<hbm>> -> memref<40xi32, #tpu.memory_space<hbm>>
    tpu.wait_dma2 semaphore(%arg12 : memref<!tpu.dma_semaphore, #tpu.memory_space<semaphore_mem>>) src(%dma_wait3A_41 : memref<40xi32, #tpu.memory_space<hbm>>) dst(%arg10 : memref<40xi32, #tpu.memory_space<vmem>>)
    %dma_wait3A_42 = arith.constant 0 : i32
    %dma_wait3A_43 = arith.constant 0 : i32
    %dma_wait3A_44 = tpu.memref_slice %arg2[%dma_wait3A_42, %dma_wait3A_43] : memref<166400x128xf32, #tpu.memory_space<hbm>> -> memref<40x128xf32, #tpu.memory_space<hbm>>
    %dma_wait3A_45 = arith.constant 0 : i32
    %dma_wait3A_46 = arith.constant 0 : i32
    %dma_wait3A_47 = tpu.memref_slice %arg2[%dma_wait3A_45, %dma_wait3A_46] : memref<166400x128xf32, #tpu.memory_space<hbm>> -> memref<40x128xf32, #tpu.memory_space<hbm>>
    tpu.wait_dma2 semaphore(%arg12 : memref<!tpu.dma_semaphore, #tpu.memory_space<semaphore_mem>>) src(%dma_wait3A_47 : memref<40x128xf32, #tpu.memory_space<hbm>>) dst(%arg8 : memref<40x128xf32, #tpu.memory_space<vmem>>)
    "tpu.region"() ({
      %run_scoped3A = tpu.sem_alloc : memref<!tpu.dma_semaphore, #tpu.memory_space<semaphore_mem>>
      %dma_start3A_49 = arith.constant 0 : i32
      %dma_start3A_50 = arith.constant 0 : i32
      %dma_start3A_51 = tpu.memref_slice %arg6[%dma_start3A_49, %dma_start3A_50] : memref<10000x128xf32, #tpu.memory_space<vmem_shared>> -> memref<10000x128xf32, #tpu.memory_space<vmem_shared>>
      tpu.enqueue_indirect_dma source(%arg8 : memref<40x128xf32, #tpu.memory_space<vmem>>) target(%dma_start3A_51 : memref<10000x128xf32, #tpu.memory_space<vmem_shared>>) offsets(%arg10 : memref<40xi32, #tpu.memory_space<vmem>>) semaphore(%run_scoped3A : memref<!tpu.dma_semaphore, #tpu.memory_space<semaphore_mem>>) {add = true}
      %dma_wait3A_52 = arith.constant 0 : i32
      %dma_wait3A_53 = arith.constant 0 : i32
      %dma_wait3A_54 = tpu.memref_slice %arg6[%dma_wait3A_52, %dma_wait3A_53] : memref<10000x128xf32, #tpu.memory_space<vmem_shared>> -> memref<10000x128xf32, #tpu.memory_space<vmem_shared>>
      tpu.wait_indirect_dma semaphore(%run_scoped3A : memref<!tpu.dma_semaphore, #tpu.memory_space<semaphore_mem>>) src(%arg8 : memref<40x128xf32, #tpu.memory_space<vmem>>) dst(%dma_wait3A_54 : memref<10000x128xf32, #tpu.memory_space<vmem_shared>>)
      tpu.yield
    }) : () -> ()
    %barrier3A_48 = arith.constant 0 : index
    tpu.barrier barrier_id(%barrier3A_48)
    "tpu.region"() ({
      %run_scoped3A = tpu.sem_alloc : memref<!tpu.dma_semaphore, #tpu.memory_space<semaphore_mem>>
      %dma_start3A_49 = arith.constant 0 : i32
      %dma_start3A_50 = arith.constant 0 : i32
      %dma_start3A_51 = tpu.memref_slice %arg5[%arg0, %arg1, %dma_start3A_49, %dma_start3A_50] : memref<2x16x625x128xf32, #tpu.memory_space<hbm>> -> memref<1x1x625x128xf32, #tpu.memory_space<hbm>>
      %dma_start3A_52 = tpu.memref_squeeze %dma_start3A_51 : memref<1x1x625x128xf32, #tpu.memory_space<hbm>> -> memref<625x128xf32, #tpu.memory_space<hbm>>
      %dma_start3A_53 = arith.constant 0 : i32
      %dma_start3A_54 = tpu.memref_slice %arg6[%mul3A_2, %dma_start3A_53] : memref<10000x128xf32, #tpu.memory_space<vmem_shared>> -> memref<625x128xf32, #tpu.memory_space<vmem_shared>>
      tpu.enqueue_dma source(%dma_start3A_54 : memref<625x128xf32, #tpu.memory_space<vmem_shared>>) target(%dma_start3A_52 : memref<625x128xf32, #tpu.memory_space<hbm>>) target_semaphore(%run_scoped3A : memref<!tpu.dma_semaphore, #tpu.memory_space<semaphore_mem>>)
      %dma_wait3A_55 = arith.constant 0 : i32
      %dma_wait3A_56 = arith.constant 0 : i32
      %dma_wait3A_57 = tpu.memref_slice %arg5[%arg0, %arg1, %dma_wait3A_55, %dma_wait3A_56] : memref<2x16x625x128xf32, #tpu.memory_space<hbm>> -> memref<1x1x625x128xf32, #tpu.memory_space<hbm>>
      %dma_wait3A_58 = tpu.memref_squeeze %dma_wait3A_57 : memref<1x1x625x128xf32, #tpu.memory_space<hbm>> -> memref<625x128xf32, #tpu.memory_space<hbm>>
      %dma_wait3A_59 = arith.constant 0 : i32
      %dma_wait3A_60 = tpu.memref_slice %arg6[%mul3A_2, %dma_wait3A_59] : memref<10000x128xf32, #tpu.memory_space<vmem_shared>> -> memref<625x128xf32, #tpu.memory_space<vmem_shared>>
      tpu.wait_dma2 semaphore(%run_scoped3A : memref<!tpu.dma_semaphore, #tpu.memory_space<semaphore_mem>>) src(%dma_wait3A_60 : memref<625x128xf32, #tpu.memory_space<vmem_shared>>) dst(%dma_wait3A_58 : memref<625x128xf32, #tpu.memory_space<hbm>>)
      tpu.yield
    }) : () -> ()
    return
  }
}

module attributes {stable_mosaic.version = 14 : i64} {
  func.func @_edge_enc_body(%arg0: i32, %arg1: memref<3200x16xf32, #tpu.memory_space<vmem>>, %arg2: memref<16x128xf32, #tpu.memory_space<vmem>>, %arg3: memref<1x128xf32, #tpu.memory_space<vmem>>, %arg4: memref<128x128xf32, #tpu.memory_space<vmem>>, %arg5: memref<1x128xf32, #tpu.memory_space<vmem>>, %arg6: memref<1x128xf32, #tpu.memory_space<vmem>>, %arg7: memref<1x128xf32, #tpu.memory_space<vmem>>, %arg8: memref<3200x128xf32, #tpu.memory_space<vmem>>) attributes {dimension_semantics = [#tpu.dimension_semantics<arbitrary>], iteration_bounds = array<i64: 52>, scalar_prefetch = 0 : i64, scratch_operands = 0 : i64, tpu.core_type = #tpu.core_type<tc>, window_params = [{transform_indices = @transform_0, window_bounds = array<i64: 3200, 16>}, {pipeline_mode = #tpu.pipeline_mode<synchronous>, transform_indices = @transform_1, window_bounds = array<i64: 16, 128>}, {pipeline_mode = #tpu.pipeline_mode<synchronous>, transform_indices = @transform_2, window_bounds = array<i64: 1, 128>}, {pipeline_mode = #tpu.pipeline_mode<synchronous>, transform_indices = @transform_3, window_bounds = array<i64: 128, 128>}, {pipeline_mode = #tpu.pipeline_mode<synchronous>, transform_indices = @transform_4, window_bounds = array<i64: 1, 128>}, {pipeline_mode = #tpu.pipeline_mode<synchronous>, transform_indices = @transform_5, window_bounds = array<i64: 1, 128>}, {pipeline_mode = #tpu.pipeline_mode<synchronous>, transform_indices = @transform_6, window_bounds = array<i64: 1, 128>}, {transform_indices = @transform_7, window_bounds = array<i64: 3200, 128>}]} {
    %get3A = arith.constant 0 : index
    %get3A_0 = arith.constant 0 : index
    %get3A_1 = vector.load %arg1[%get3A, %get3A_0] : memref<3200x16xf32, #tpu.memory_space<vmem>>, vector<3200x16xf32>
    %get3A_2 = arith.constant 0 : index
    %get3A_3 = arith.constant 0 : index
    %get3A_4 = vector.load %arg2[%get3A_2, %get3A_3] : memref<16x128xf32, #tpu.memory_space<vmem>>, vector<16x128xf32>
    %dot_general3A = arith.constant dense<0.000000e+00> : vector<3200x128xf32>
    %dot_general3A_5 = tpu.matmul %get3A_1, %get3A_4, %dot_general3A {dimension_numbers = #tpu.dot_dimension_numbers<[1], [0], [0], [1], [0, 0, 1, 1], [], []>, transpose_lhs_hint = false} : vector<3200x16xf32>, vector<16x128xf32>, vector<3200x128xf32> -> vector<3200x128xf32>
    %get3A_6 = arith.constant 0 : index
    %get3A_7 = arith.constant 0 : index
    %get3A_8 = vector.load %arg3[%get3A_6, %get3A_7] : memref<1x128xf32, #tpu.memory_space<vmem>>, vector<1x128xf32>
    %add3A = vector.broadcast %get3A_8 : vector<1x128xf32> to vector<3200x128xf32>
    %add3A_9 = arith.addf %dot_general3A_5, %add3A : vector<3200x128xf32>
    %max3A = arith.constant 0.000000e+00 : f32
    %max3A_10 = vector.broadcast %max3A : f32 to vector<3200x128xf32>
    %max3A_11 = arith.maximumf %add3A_9, %max3A_10 : vector<3200x128xf32>
    %get3A_12 = arith.constant 0 : index
    %get3A_13 = arith.constant 0 : index
    %get3A_14 = vector.load %arg4[%get3A_12, %get3A_13] : memref<128x128xf32, #tpu.memory_space<vmem>>, vector<128x128xf32>
    %dot_general3A_15 = arith.constant dense<0.000000e+00> : vector<3200x128xf32>
    %dot_general3A_16 = tpu.matmul %max3A_11, %get3A_14, %dot_general3A_15 {dimension_numbers = #tpu.dot_dimension_numbers<[1], [0], [0], [1], [0, 0, 1, 1], [], []>, transpose_lhs_hint = false} : vector<3200x128xf32>, vector<128x128xf32>, vector<3200x128xf32> -> vector<3200x128xf32>
    %get3A_17 = arith.constant 0 : index
    %get3A_18 = arith.constant 0 : index
    %get3A_19 = vector.load %arg5[%get3A_17, %get3A_18] : memref<1x128xf32, #tpu.memory_space<vmem>>, vector<1x128xf32>
    %add3A_20 = vector.broadcast %get3A_19 : vector<1x128xf32> to vector<3200x128xf32>
    %add3A_21 = arith.addf %dot_general3A_16, %add3A_20 : vector<3200x128xf32>
    %get3A_22 = arith.constant 0 : index
    %get3A_23 = arith.constant 0 : index
    %get3A_24 = vector.load %arg6[%get3A_22, %get3A_23] : memref<1x128xf32, #tpu.memory_space<vmem>>, vector<1x128xf32>
    %get3A_25 = arith.constant 0 : index
    %get3A_26 = arith.constant 0 : index
    %get3A_27 = vector.load %arg7[%get3A_25, %get3A_26] : memref<1x128xf32, #tpu.memory_space<vmem>>, vector<1x128xf32>
    %reduce_sum3A = arith.constant dense<0.000000e+00> : vector<3200xf32>
    %reduce_sum3A_28 = vector.multi_reduction <add>, %add3A_21, %reduce_sum3A [1] : vector<3200x128xf32> to vector<3200xf32>
    %broadcast_in_dim3A = vector.shape_cast %reduce_sum3A_28 : vector<3200xf32> to vector<3200x1xf32>
    %div3A = arith.constant 1.280000e+02 : f32
    %div3A_29 = vector.broadcast %div3A : f32 to vector<3200x1xf32>
    %div3A_30 = arith.divf %broadcast_in_dim3A, %div3A_29 : vector<3200x1xf32>
    %sub3A = vector.broadcast %div3A_30 : vector<3200x1xf32> to vector<3200x128xf32>
    %sub3A_31 = arith.subf %add3A_21, %sub3A : vector<3200x128xf32>
    %integer_pow3A = arith.mulf %sub3A_31, %sub3A_31 : vector<3200x128xf32>
    %reduce_sum3A_32 = arith.constant dense<0.000000e+00> : vector<3200xf32>
    %reduce_sum3A_33 = vector.multi_reduction <add>, %integer_pow3A, %reduce_sum3A_32 [1] : vector<3200x128xf32> to vector<3200xf32>
    %broadcast_in_dim3A_34 = vector.shape_cast %reduce_sum3A_33 : vector<3200xf32> to vector<3200x1xf32>
    %div3A_35 = arith.constant 1.280000e+02 : f32
    %div3A_36 = vector.broadcast %div3A_35 : f32 to vector<3200x1xf32>
    %div3A_37 = arith.divf %broadcast_in_dim3A_34, %div3A_36 : vector<3200x1xf32>
    %sub3A_38 = vector.broadcast %div3A_30 : vector<3200x1xf32> to vector<3200x128xf32>
    %sub3A_39 = arith.subf %add3A_21, %sub3A_38 : vector<3200x128xf32>
    %add3A_40 = arith.constant 9.99999974E-6 : f32
    %add3A_41 = vector.broadcast %add3A_40 : f32 to vector<3200x1xf32>
    %add3A_42 = arith.addf %div3A_37, %add3A_41 : vector<3200x1xf32>
    %rsqrt3A = math.rsqrt %add3A_42 : vector<3200x1xf32>
    %mul3A = vector.broadcast %rsqrt3A : vector<3200x1xf32> to vector<3200x128xf32>
    %mul3A_43 = arith.mulf %sub3A_39, %mul3A : vector<3200x128xf32>
    %mul3A_44 = vector.broadcast %get3A_24 : vector<1x128xf32> to vector<3200x128xf32>
    %mul3A_45 = arith.mulf %mul3A_43, %mul3A_44 : vector<3200x128xf32>
    %add3A_46 = vector.broadcast %get3A_27 : vector<1x128xf32> to vector<3200x128xf32>
    %add3A_47 = arith.addf %mul3A_45, %add3A_46 : vector<3200x128xf32>
    %swap3A = arith.constant 0 : index
    %swap3A_48 = arith.constant 0 : index
    %swap3A_49 = vector.load %arg8[%swap3A, %swap3A_48] : memref<3200x128xf32, #tpu.memory_space<vmem>>, vector<3200x128xf32>
    tpu.vector_store %arg8[%swap3A, %swap3A_48], %add3A_47 {strides = array<i32>} : memref<3200x128xf32, #tpu.memory_space<vmem>>, vector<3200x128xf32>,
    return
  }
  func.func @transform_0(%arg0: i32) -> (i32, i32) {
    %add3A = arith.constant 48 : i32
    %add3A_0 = arith.addi %arg0, %add3A : i32
    %c0_i32 = arith.constant 0 : i32
    %c0_i32_1 = arith.constant 0 : i32
    return %add3A_0, %c0_i32 : i32, i32
  }
  func.func @transform_1(%arg0: i32) -> (i32, i32) {
    %c0_i32 = arith.constant 0 : i32
    %c0_i32_0 = arith.constant 0 : i32
    %c0_i32_1 = arith.constant 0 : i32
    return %c0_i32, %c0_i32_0 : i32, i32
  }
  func.func @transform_2(%arg0: i32) -> (i32, i32) {
    %c0_i32 = arith.constant 0 : i32
    %c0_i32_0 = arith.constant 0 : i32
    %c0_i32_1 = arith.constant 0 : i32
    return %c0_i32, %c0_i32_0 : i32, i32
  }
  func.func @transform_3(%arg0: i32) -> (i32, i32) {
    %c0_i32 = arith.constant 0 : i32
    %c0_i32_0 = arith.constant 0 : i32
    %c0_i32_1 = arith.constant 0 : i32
    return %c0_i32, %c0_i32_0 : i32, i32
  }
  func.func @transform_4(%arg0: i32) -> (i32, i32) {
    %c0_i32 = arith.constant 0 : i32
    %c0_i32_0 = arith.constant 0 : i32
    %c0_i32_1 = arith.constant 0 : i32
    return %c0_i32, %c0_i32_0 : i32, i32
  }
  func.func @transform_5(%arg0: i32) -> (i32, i32) {
    %c0_i32 = arith.constant 0 : i32
    %c0_i32_0 = arith.constant 0 : i32
    %c0_i32_1 = arith.constant 0 : i32
    return %c0_i32, %c0_i32_0 : i32, i32
  }
  func.func @transform_6(%arg0: i32) -> (i32, i32) {
    %c0_i32 = arith.constant 0 : i32
    %c0_i32_0 = arith.constant 0 : i32
    %c0_i32_1 = arith.constant 0 : i32
    return %c0_i32, %c0_i32_0 : i32, i32
  }
  func.func @transform_7(%arg0: i32) -> (i32, i32) {
    %c0_i32 = arith.constant 0 : i32
    %c0_i32_0 = arith.constant 0 : i32
    return %arg0, %c0_i32 : i32, i32
  }
}

module attributes {stable_mosaic.version = 14 : i64} {
  func.func @_edge_enc_body(%arg0: i32, %arg1: memref<3200x16xf32, #tpu.memory_space<vmem>>, %arg2: memref<16x128xf32, #tpu.memory_space<vmem>>, %arg3: memref<1x128xf32, #tpu.memory_space<vmem>>, %arg4: memref<128x128xf32, #tpu.memory_space<vmem>>, %arg5: memref<1x128xf32, #tpu.memory_space<vmem>>, %arg6: memref<1x128xf32, #tpu.memory_space<vmem>>, %arg7: memref<1x128xf32, #tpu.memory_space<vmem>>, %arg8: memref<3200x128xf32, #tpu.memory_space<vmem>>) attributes {dimension_semantics = [#tpu.dimension_semantics<arbitrary>], iteration_bounds = array<i64: 48>, scalar_prefetch = 0 : i64, scratch_operands = 0 : i64, tpu.core_type = #tpu.core_type<tc>, window_params = [{transform_indices = @transform_0, window_bounds = array<i64: 3200, 16>}, {pipeline_mode = #tpu.pipeline_mode<synchronous>, transform_indices = @transform_1, window_bounds = array<i64: 16, 128>}, {pipeline_mode = #tpu.pipeline_mode<synchronous>, transform_indices = @transform_2, window_bounds = array<i64: 1, 128>}, {pipeline_mode = #tpu.pipeline_mode<synchronous>, transform_indices = @transform_3, window_bounds = array<i64: 128, 128>}, {pipeline_mode = #tpu.pipeline_mode<synchronous>, transform_indices = @transform_4, window_bounds = array<i64: 1, 128>}, {pipeline_mode = #tpu.pipeline_mode<synchronous>, transform_indices = @transform_5, window_bounds = array<i64: 1, 128>}, {pipeline_mode = #tpu.pipeline_mode<synchronous>, transform_indices = @transform_6, window_bounds = array<i64: 1, 128>}, {transform_indices = @transform_7, window_bounds = array<i64: 3200, 128>}]} {
    %get3A = arith.constant 0 : index
    %get3A_0 = arith.constant 0 : index
    %get3A_1 = vector.load %arg1[%get3A, %get3A_0] : memref<3200x16xf32, #tpu.memory_space<vmem>>, vector<3200x16xf32>
    %get3A_2 = arith.constant 0 : index
    %get3A_3 = arith.constant 0 : index
    %get3A_4 = vector.load %arg2[%get3A_2, %get3A_3] : memref<16x128xf32, #tpu.memory_space<vmem>>, vector<16x128xf32>
    %dot_general3A = arith.constant dense<0.000000e+00> : vector<3200x128xf32>
    %dot_general3A_5 = tpu.matmul %get3A_1, %get3A_4, %dot_general3A {dimension_numbers = #tpu.dot_dimension_numbers<[1], [0], [0], [1], [0, 0, 1, 1], [], []>, transpose_lhs_hint = false} : vector<3200x16xf32>, vector<16x128xf32>, vector<3200x128xf32> -> vector<3200x128xf32>
    %get3A_6 = arith.constant 0 : index
    %get3A_7 = arith.constant 0 : index
    %get3A_8 = vector.load %arg3[%get3A_6, %get3A_7] : memref<1x128xf32, #tpu.memory_space<vmem>>, vector<1x128xf32>
    %add3A = vector.broadcast %get3A_8 : vector<1x128xf32> to vector<3200x128xf32>
    %add3A_9 = arith.addf %dot_general3A_5, %add3A : vector<3200x128xf32>
    %max3A = arith.constant 0.000000e+00 : f32
    %max3A_10 = vector.broadcast %max3A : f32 to vector<3200x128xf32>
    %max3A_11 = arith.maximumf %add3A_9, %max3A_10 : vector<3200x128xf32>
    %get3A_12 = arith.constant 0 : index
    %get3A_13 = arith.constant 0 : index
    %get3A_14 = vector.load %arg4[%get3A_12, %get3A_13] : memref<128x128xf32, #tpu.memory_space<vmem>>, vector<128x128xf32>
    %dot_general3A_15 = arith.constant dense<0.000000e+00> : vector<3200x128xf32>
    %dot_general3A_16 = tpu.matmul %max3A_11, %get3A_14, %dot_general3A_15 {dimension_numbers = #tpu.dot_dimension_numbers<[1], [0], [0], [1], [0, 0, 1, 1], [], []>, transpose_lhs_hint = false} : vector<3200x128xf32>, vector<128x128xf32>, vector<3200x128xf32> -> vector<3200x128xf32>
    %get3A_17 = arith.constant 0 : index
    %get3A_18 = arith.constant 0 : index
    %get3A_19 = vector.load %arg5[%get3A_17, %get3A_18] : memref<1x128xf32, #tpu.memory_space<vmem>>, vector<1x128xf32>
    %add3A_20 = vector.broadcast %get3A_19 : vector<1x128xf32> to vector<3200x128xf32>
    %add3A_21 = arith.addf %dot_general3A_16, %add3A_20 : vector<3200x128xf32>
    %get3A_22 = arith.constant 0 : index
    %get3A_23 = arith.constant 0 : index
    %get3A_24 = vector.load %arg6[%get3A_22, %get3A_23] : memref<1x128xf32, #tpu.memory_space<vmem>>, vector<1x128xf32>
    %get3A_25 = arith.constant 0 : index
    %get3A_26 = arith.constant 0 : index
    %get3A_27 = vector.load %arg7[%get3A_25, %get3A_26] : memref<1x128xf32, #tpu.memory_space<vmem>>, vector<1x128xf32>
    %reduce_sum3A = arith.constant dense<0.000000e+00> : vector<3200xf32>
    %reduce_sum3A_28 = vector.multi_reduction <add>, %add3A_21, %reduce_sum3A [1] : vector<3200x128xf32> to vector<3200xf32>
    %broadcast_in_dim3A = vector.shape_cast %reduce_sum3A_28 : vector<3200xf32> to vector<3200x1xf32>
    %div3A = arith.constant 1.280000e+02 : f32
    %div3A_29 = vector.broadcast %div3A : f32 to vector<3200x1xf32>
    %div3A_30 = arith.divf %broadcast_in_dim3A, %div3A_29 : vector<3200x1xf32>
    %sub3A = vector.broadcast %div3A_30 : vector<3200x1xf32> to vector<3200x128xf32>
    %sub3A_31 = arith.subf %add3A_21, %sub3A : vector<3200x128xf32>
    %integer_pow3A = arith.mulf %sub3A_31, %sub3A_31 : vector<3200x128xf32>
    %reduce_sum3A_32 = arith.constant dense<0.000000e+00> : vector<3200xf32>
    %reduce_sum3A_33 = vector.multi_reduction <add>, %integer_pow3A, %reduce_sum3A_32 [1] : vector<3200x128xf32> to vector<3200xf32>
    %broadcast_in_dim3A_34 = vector.shape_cast %reduce_sum3A_33 : vector<3200xf32> to vector<3200x1xf32>
    %div3A_35 = arith.constant 1.280000e+02 : f32
    %div3A_36 = vector.broadcast %div3A_35 : f32 to vector<3200x1xf32>
    %div3A_37 = arith.divf %broadcast_in_dim3A_34, %div3A_36 : vector<3200x1xf32>
    %sub3A_38 = vector.broadcast %div3A_30 : vector<3200x1xf32> to vector<3200x128xf32>
    %sub3A_39 = arith.subf %add3A_21, %sub3A_38 : vector<3200x128xf32>
    %add3A_40 = arith.constant 9.99999974E-6 : f32
    %add3A_41 = vector.broadcast %add3A_40 : f32 to vector<3200x1xf32>
    %add3A_42 = arith.addf %div3A_37, %add3A_41 : vector<3200x1xf32>
    %rsqrt3A = math.rsqrt %add3A_42 : vector<3200x1xf32>
    %mul3A = vector.broadcast %rsqrt3A : vector<3200x1xf32> to vector<3200x128xf32>
    %mul3A_43 = arith.mulf %sub3A_39, %mul3A : vector<3200x128xf32>
    %mul3A_44 = vector.broadcast %get3A_24 : vector<1x128xf32> to vector<3200x128xf32>
    %mul3A_45 = arith.mulf %mul3A_43, %mul3A_44 : vector<3200x128xf32>
    %add3A_46 = vector.broadcast %get3A_27 : vector<1x128xf32> to vector<3200x128xf32>
    %add3A_47 = arith.addf %mul3A_45, %add3A_46 : vector<3200x128xf32>
    %swap3A = arith.constant 0 : index
    %swap3A_48 = arith.constant 0 : index
    %swap3A_49 = vector.load %arg8[%swap3A, %swap3A_48] : memref<3200x128xf32, #tpu.memory_space<vmem>>, vector<3200x128xf32>
    tpu.vector_store %arg8[%swap3A, %swap3A_48], %add3A_47 {strides = array<i32>} : memref<3200x128xf32, #tpu.memory_space<vmem>>, vector<3200x128xf32>,
    return
  }
  func.func @transform_0(%arg0: i32) -> (i32, i32) {
    %add3A = arith.constant 0 : i32
    %add3A_0 = arith.addi %arg0, %add3A : i32
    %c0_i32 = arith.constant 0 : i32
    %c0_i32_1 = arith.constant 0 : i32
    return %add3A_0, %c0_i32 : i32, i32
  }
  func.func @transform_1(%arg0: i32) -> (i32, i32) {
    %c0_i32 = arith.constant 0 : i32
    %c0_i32_0 = arith.constant 0 : i32
    %c0_i32_1 = arith.constant 0 : i32
    return %c0_i32, %c0_i32_0 : i32, i32
  }
  func.func @transform_2(%arg0: i32) -> (i32, i32) {
    %c0_i32 = arith.constant 0 : i32
    %c0_i32_0 = arith.constant 0 : i32
    %c0_i32_1 = arith.constant 0 : i32
    return %c0_i32, %c0_i32_0 : i32, i32
  }
  func.func @transform_3(%arg0: i32) -> (i32, i32) {
    %c0_i32 = arith.constant 0 : i32
    %c0_i32_0 = arith.constant 0 : i32
    %c0_i32_1 = arith.constant 0 : i32
    return %c0_i32, %c0_i32_0 : i32, i32
  }
  func.func @transform_4(%arg0: i32) -> (i32, i32) {
    %c0_i32 = arith.constant 0 : i32
    %c0_i32_0 = arith.constant 0 : i32
    %c0_i32_1 = arith.constant 0 : i32
    return %c0_i32, %c0_i32_0 : i32, i32
  }
  func.func @transform_5(%arg0: i32) -> (i32, i32) {
    %c0_i32 = arith.constant 0 : i32
    %c0_i32_0 = arith.constant 0 : i32
    %c0_i32_1 = arith.constant 0 : i32
    return %c0_i32, %c0_i32_0 : i32, i32
  }
  func.func @transform_6(%arg0: i32) -> (i32, i32) {
    %c0_i32 = arith.constant 0 : i32
    %c0_i32_0 = arith.constant 0 : i32
    %c0_i32_1 = arith.constant 0 : i32
    return %c0_i32, %c0_i32_0 : i32, i32
  }
  func.func @transform_7(%arg0: i32) -> (i32, i32) {
    %c0_i32 = arith.constant 0 : i32
    %c0_i32_0 = arith.constant 0 : i32
    return %arg0, %c0_i32 : i32, i32
  }
}

module attributes {stable_mosaic.version = 14 : i64} {
  func.func @_gf_body(%arg0: i32, %arg1: memref<2000x128xf32, #tpu.memory_space<vmem>>, %arg2: memref<128x128xf32, #tpu.memory_space<vmem>>, %arg3: memref<1x128xf32, #tpu.memory_space<vmem>>, %arg4: memref<128x128xf32, #tpu.memory_space<vmem>>, %arg5: memref<1x128xf32, #tpu.memory_space<vmem>>, %arg6: memref<1x128xf32, #tpu.memory_space<vmem>>) attributes {dimension_semantics = [#tpu.dimension_semantics<arbitrary>], iteration_bounds = array<i64: 5>, scalar_prefetch = 0 : i64, scratch_operands = 0 : i64, tpu.core_type = #tpu.core_type<tc>, window_params = [{transform_indices = @transform_0, window_bounds = array<i64: 2000, 128>}, {pipeline_mode = #tpu.pipeline_mode<synchronous>, transform_indices = @transform_1, window_bounds = array<i64: 128, 128>}, {pipeline_mode = #tpu.pipeline_mode<synchronous>, transform_indices = @transform_2, window_bounds = array<i64: 1, 128>}, {pipeline_mode = #tpu.pipeline_mode<synchronous>, transform_indices = @transform_3, window_bounds = array<i64: 128, 128>}, {pipeline_mode = #tpu.pipeline_mode<synchronous>, transform_indices = @transform_4, window_bounds = array<i64: 1, 128>}, {pipeline_mode = #tpu.pipeline_mode<synchronous>, transform_indices = @transform_5, window_bounds = array<i64: 1, 128>}]} {
    %get3A = arith.constant 0 : index
    %get3A_0 = arith.constant 0 : index
    %get3A_1 = vector.load %arg1[%get3A, %get3A_0] : memref<2000x128xf32, #tpu.memory_space<vmem>>, vector<2000x128xf32>
    %get3A_2 = arith.constant 0 : index
    %get3A_3 = arith.constant 0 : index
    %get3A_4 = vector.load %arg2[%get3A_2, %get3A_3] : memref<128x128xf32, #tpu.memory_space<vmem>>, vector<128x128xf32>
    %dot_general3A = arith.constant dense<0.000000e+00> : vector<2000x128xf32>
    %dot_general3A_5 = tpu.matmul %get3A_1, %get3A_4, %dot_general3A {dimension_numbers = #tpu.dot_dimension_numbers<[1], [0], [0], [1], [0, 0, 1, 1], [], []>, transpose_lhs_hint = false} : vector<2000x128xf32>, vector<128x128xf32>, vector<2000x128xf32> -> vector<2000x128xf32>
    %get3A_6 = arith.constant 0 : index
    %get3A_7 = arith.constant 0 : index
    %get3A_8 = vector.load %arg3[%get3A_6, %get3A_7] : memref<1x128xf32, #tpu.memory_space<vmem>>, vector<1x128xf32>
    %add3A = vector.broadcast %get3A_8 : vector<1x128xf32> to vector<2000x128xf32>
    %add3A_9 = arith.addf %dot_general3A_5, %add3A : vector<2000x128xf32>
    %max3A = arith.constant 0.000000e+00 : f32
    %max3A_10 = vector.broadcast %max3A : f32 to vector<2000x128xf32>
    %max3A_11 = arith.maximumf %add3A_9, %max3A_10 : vector<2000x128xf32>
    %get3A_12 = arith.constant 0 : index
    %get3A_13 = arith.constant 0 : index
    %get3A_14 = vector.load %arg4[%get3A_12, %get3A_13] : memref<128x128xf32, #tpu.memory_space<vmem>>, vector<128x128xf32>
    %dot_general3A_15 = arith.constant dense<0.000000e+00> : vector<2000x128xf32>
    %dot_general3A_16 = tpu.matmul %max3A_11, %get3A_14, %dot_general3A_15 {dimension_numbers = #tpu.dot_dimension_numbers<[1], [0], [0], [1], [0, 0, 1, 1], [], []>, transpose_lhs_hint = false} : vector<2000x128xf32>, vector<128x128xf32>, vector<2000x128xf32> -> vector<2000x128xf32>
    %get3A_17 = arith.constant 0 : index
    %get3A_18 = arith.constant 0 : index
    %get3A_19 = vector.load %arg5[%get3A_17, %get3A_18] : memref<1x128xf32, #tpu.memory_space<vmem>>, vector<1x128xf32>
    %add3A_20 = vector.broadcast %get3A_19 : vector<1x128xf32> to vector<2000x128xf32>
    %add3A_21 = arith.addf %dot_general3A_16, %add3A_20 : vector<2000x128xf32>
    %reduce_sum3A = arith.constant dense<0.000000e+00> : vector<128xf32>
    %reduce_sum3A_22 = vector.multi_reduction <add>, %add3A_21, %reduce_sum3A [0] : vector<2000x128xf32> to vector<128xf32>
    %broadcast_in_dim3A = vector.shape_cast %reduce_sum3A_22 : vector<128xf32> to vector<1x128xf32>
    %mul3A = arith.constant 9.99999974E-5 : f32
    %mul3A_23 = vector.broadcast %mul3A : f32 to vector<1x128xf32>
    %mul3A_24 = arith.mulf %broadcast_in_dim3A, %mul3A_23 : vector<1x128xf32>
    %eq3A = arith.constant 0 : i32
    %eq3A_25 = arith.cmpi eq, %arg0, %eq3A : i32
    %convert_element_type3A = arith.extui %eq3A_25 : i1 to i32
    %cond3A = arith.constant 0 : i32
    %cond3A_26 = arith.cmpi ne, %convert_element_type3A, %cond3A : i32
    scf.if %cond3A_26 {
      %swap3A = arith.constant 0 : index
      %swap3A_31 = arith.constant 0 : index
      %swap3A_32 = vector.load %arg6[%swap3A, %swap3A_31] : memref<1x128xf32, #tpu.memory_space<vmem>>, vector<1x128xf32>
      tpu.vector_store %arg6[%swap3A, %swap3A_31], %mul3A_24 {strides = array<i32>} : memref<1x128xf32, #tpu.memory_space<vmem>>, vector<1x128xf32>,
    } else {
    }
    %ne3A = arith.constant 0 : i32
    %ne3A_27 = arith.cmpi ne, %arg0, %ne3A : i32
    %convert_element_type3A_28 = arith.extui %ne3A_27 : i1 to i32
    %cond3A_29 = arith.constant 0 : i32
    %cond3A_30 = arith.cmpi ne, %convert_element_type3A_28, %cond3A_29 : i32
    scf.if %cond3A_30 {
      %get3A_31 = arith.constant 0 : index
      %get3A_32 = arith.constant 0 : index
      %get3A_33 = vector.load %arg6[%get3A_31, %get3A_32] : memref<1x128xf32, #tpu.memory_space<vmem>>, vector<1x128xf32>
      %add3A_34 = arith.addf %get3A_33, %mul3A_24 : vector<1x128xf32>
      %swap3A = arith.constant 0 : index
      %swap3A_35 = arith.constant 0 : index
      %swap3A_36 = vector.load %arg6[%swap3A, %swap3A_35] : memref<1x128xf32, #tpu.memory_space<vmem>>, vector<1x128xf32>
      tpu.vector_store %arg6[%swap3A, %swap3A_35], %add3A_34 {strides = array<i32>} : memref<1x128xf32, #tpu.memory_space<vmem>>, vector<1x128xf32>,
    } else {
    }
    return
  }
  func.func @transform_0(%arg0: i32) -> (i32, i32) {
    %c0_i32 = arith.constant 0 : i32
    %c0_i32_0 = arith.constant 0 : i32
    return %arg0, %c0_i32 : i32, i32
  }
  func.func @transform_1(%arg0: i32) -> (i32, i32) {
    %c0_i32 = arith.constant 0 : i32
    %c0_i32_0 = arith.constant 0 : i32
    %c0_i32_1 = arith.constant 0 : i32
    return %c0_i32, %c0_i32_0 : i32, i32
  }
  func.func @transform_2(%arg0: i32) -> (i32, i32) {
    %c0_i32 = arith.constant 0 : i32
    %c0_i32_0 = arith.constant 0 : i32
    %c0_i32_1 = arith.constant 0 : i32
    return %c0_i32, %c0_i32_0 : i32, i32
  }
  func.func @transform_3(%arg0: i32) -> (i32, i32) {
    %c0_i32 = arith.constant 0 : i32
    %c0_i32_0 = arith.constant 0 : i32
    %c0_i32_1 = arith.constant 0 : i32
    return %c0_i32, %c0_i32_0 : i32, i32
  }
  func.func @transform_4(%arg0: i32) -> (i32, i32) {
    %c0_i32 = arith.constant 0 : i32
    %c0_i32_0 = arith.constant 0 : i32
    %c0_i32_1 = arith.constant 0 : i32
    return %c0_i32, %c0_i32_0 : i32, i32
  }
  func.func @transform_5(%arg0: i32) -> (i32, i32) {
    %c0_i32 = arith.constant 0 : i32
    %c0_i32_0 = arith.constant 0 : i32
    %c0_i32_1 = arith.constant 0 : i32
    return %c0_i32, %c0_i32_0 : i32, i32
  }
}

module attributes {stable_mosaic.version = 14 : i64} {
  func.func @_node_enc_body(%arg0: i32, %arg1: memref<2000x128xf32, #tpu.memory_space<vmem>>, %arg2: memref<1x128xf32, #tpu.memory_space<vmem>>, %arg3: memref<128x128xf32, #tpu.memory_space<vmem>>, %arg4: memref<128x128xf32, #tpu.memory_space<vmem>>, %arg5: memref<1x128xf32, #tpu.memory_space<vmem>>, %arg6: memref<128x128xf32, #tpu.memory_space<vmem>>, %arg7: memref<1x128xf32, #tpu.memory_space<vmem>>, %arg8: memref<1x128xf32, #tpu.memory_space<vmem>>, %arg9: memref<1x128xf32, #tpu.memory_space<vmem>>, %arg10: memref<2000x128xf32, #tpu.memory_space<vmem>>) attributes {dimension_semantics = [#tpu.dimension_semantics<arbitrary>], iteration_bounds = array<i64: 5>, scalar_prefetch = 0 : i64, scratch_operands = 0 : i64, tpu.core_type = #tpu.core_type<tc>, window_params = [{transform_indices = @transform_0, window_bounds = array<i64: 2000, 128>}, {pipeline_mode = #tpu.pipeline_mode<synchronous>, transform_indices = @transform_1, window_bounds = array<i64: 1, 128>}, {pipeline_mode = #tpu.pipeline_mode<synchronous>, transform_indices = @transform_2, window_bounds = array<i64: 128, 128>}, {pipeline_mode = #tpu.pipeline_mode<synchronous>, transform_indices = @transform_3, window_bounds = array<i64: 128, 128>}, {pipeline_mode = #tpu.pipeline_mode<synchronous>, transform_indices = @transform_4, window_bounds = array<i64: 1, 128>}, {pipeline_mode = #tpu.pipeline_mode<synchronous>, transform_indices = @transform_5, window_bounds = array<i64: 128, 128>}, {pipeline_mode = #tpu.pipeline_mode<synchronous>, transform_indices = @transform_6, window_bounds = array<i64: 1, 128>}, {pipeline_mode = #tpu.pipeline_mode<synchronous>, transform_indices = @transform_7, window_bounds = array<i64: 1, 128>}, {pipeline_mode = #tpu.pipeline_mode<synchronous>, transform_indices = @transform_8, window_bounds = array<i64: 1, 128>}, {transform_indices = @transform_9, window_bounds = array<i64: 2000, 128>}]} {
    %get3A = arith.constant 0 : index
    %get3A_0 = arith.constant 0 : index
    %get3A_1 = vector.load %arg1[%get3A, %get3A_0] : memref<2000x128xf32, #tpu.memory_space<vmem>>, vector<2000x128xf32>
    %get3A_2 = arith.constant 0 : index
    %get3A_3 = arith.constant 0 : index
    %get3A_4 = vector.load %arg3[%get3A_2, %get3A_3] : memref<128x128xf32, #tpu.memory_space<vmem>>, vector<128x128xf32>
    %dot_general3A = arith.constant dense<0.000000e+00> : vector<2000x128xf32>
    %dot_general3A_5 = tpu.matmul %get3A_1, %get3A_4, %dot_general3A {dimension_numbers = #tpu.dot_dimension_numbers<[1], [0], [0], [1], [0, 0, 1, 1], [], []>, transpose_lhs_hint = false} : vector<2000x128xf32>, vector<128x128xf32>, vector<2000x128xf32> -> vector<2000x128xf32>
    %get3A_6 = arith.constant 0 : index
    %get3A_7 = arith.constant 0 : index
    %get3A_8 = vector.load %arg2[%get3A_6, %get3A_7] : memref<1x128xf32, #tpu.memory_space<vmem>>, vector<1x128xf32>
    %get3A_9 = arith.constant 0 : index
    %get3A_10 = arith.constant 0 : index
    %get3A_11 = vector.load %arg4[%get3A_9, %get3A_10] : memref<128x128xf32, #tpu.memory_space<vmem>>, vector<128x128xf32>
    %dot_general3A_12 = arith.constant dense<0.000000e+00> : vector<1x128xf32>
    %dot_general3A_13 = tpu.matmul %get3A_8, %get3A_11, %dot_general3A_12 {dimension_numbers = #tpu.dot_dimension_numbers<[1], [0], [0], [1], [0, 0, 1, 1], [], []>, transpose_lhs_hint = false} : vector<1x128xf32>, vector<128x128xf32>, vector<1x128xf32> -> vector<1x128xf32>
    %add3A = vector.broadcast %dot_general3A_13 : vector<1x128xf32> to vector<2000x128xf32>
    %add3A_14 = arith.addf %dot_general3A_5, %add3A : vector<2000x128xf32>
    %get3A_15 = arith.constant 0 : index
    %get3A_16 = arith.constant 0 : index
    %get3A_17 = vector.load %arg5[%get3A_15, %get3A_16] : memref<1x128xf32, #tpu.memory_space<vmem>>, vector<1x128xf32>
    %add3A_18 = vector.broadcast %get3A_17 : vector<1x128xf32> to vector<2000x128xf32>
    %add3A_19 = arith.addf %add3A_14, %add3A_18 : vector<2000x128xf32>
    %max3A = arith.constant 0.000000e+00 : f32
    %max3A_20 = vector.broadcast %max3A : f32 to vector<2000x128xf32>
    %max3A_21 = arith.maximumf %add3A_19, %max3A_20 : vector<2000x128xf32>
    %get3A_22 = arith.constant 0 : index
    %get3A_23 = arith.constant 0 : index
    %get3A_24 = vector.load %arg6[%get3A_22, %get3A_23] : memref<128x128xf32, #tpu.memory_space<vmem>>, vector<128x128xf32>
    %dot_general3A_25 = arith.constant dense<0.000000e+00> : vector<2000x128xf32>
    %dot_general3A_26 = tpu.matmul %max3A_21, %get3A_24, %dot_general3A_25 {dimension_numbers = #tpu.dot_dimension_numbers<[1], [0], [0], [1], [0, 0, 1, 1], [], []>, transpose_lhs_hint = false} : vector<2000x128xf32>, vector<128x128xf32>, vector<2000x128xf32> -> vector<2000x128xf32>
    %get3A_27 = arith.constant 0 : index
    %get3A_28 = arith.constant 0 : index
    %get3A_29 = vector.load %arg7[%get3A_27, %get3A_28] : memref<1x128xf32, #tpu.memory_space<vmem>>, vector<1x128xf32>
    %add3A_30 = vector.broadcast %get3A_29 : vector<1x128xf32> to vector<2000x128xf32>
    %add3A_31 = arith.addf %dot_general3A_26, %add3A_30 : vector<2000x128xf32>
    %get3A_32 = arith.constant 0 : index
    %get3A_33 = arith.constant 0 : index
    %get3A_34 = vector.load %arg8[%get3A_32, %get3A_33] : memref<1x128xf32, #tpu.memory_space<vmem>>, vector<1x128xf32>
    %get3A_35 = arith.constant 0 : index
    %get3A_36 = arith.constant 0 : index
    %get3A_37 = vector.load %arg9[%get3A_35, %get3A_36] : memref<1x128xf32, #tpu.memory_space<vmem>>, vector<1x128xf32>
    %reduce_sum3A = arith.constant dense<0.000000e+00> : vector<2000xf32>
    %reduce_sum3A_38 = vector.multi_reduction <add>, %add3A_31, %reduce_sum3A [1] : vector<2000x128xf32> to vector<2000xf32>
    %broadcast_in_dim3A = vector.shape_cast %reduce_sum3A_38 : vector<2000xf32> to vector<2000x1xf32>
    %div3A = arith.constant 1.280000e+02 : f32
    %div3A_39 = vector.broadcast %div3A : f32 to vector<2000x1xf32>
    %div3A_40 = arith.divf %broadcast_in_dim3A, %div3A_39 : vector<2000x1xf32>
    %sub3A = vector.broadcast %div3A_40 : vector<2000x1xf32> to vector<2000x128xf32>
    %sub3A_41 = arith.subf %add3A_31, %sub3A : vector<2000x128xf32>
    %integer_pow3A = arith.mulf %sub3A_41, %sub3A_41 : vector<2000x128xf32>
    %reduce_sum3A_42 = arith.constant dense<0.000000e+00> : vector<2000xf32>
    %reduce_sum3A_43 = vector.multi_reduction <add>, %integer_pow3A, %reduce_sum3A_42 [1] : vector<2000x128xf32> to vector<2000xf32>
    %broadcast_in_dim3A_44 = vector.shape_cast %reduce_sum3A_43 : vector<2000xf32> to vector<2000x1xf32>
    %div3A_45 = arith.constant 1.280000e+02 : f32
    %div3A_46 = vector.broadcast %div3A_45 : f32 to vector<2000x1xf32>
    %div3A_47 = arith.divf %broadcast_in_dim3A_44, %div3A_46 : vector<2000x1xf32>
    %sub3A_48 = vector.broadcast %div3A_40 : vector<2000x1xf32> to vector<2000x128xf32>
    %sub3A_49 = arith.subf %add3A_31, %sub3A_48 : vector<2000x128xf32>
    %add3A_50 = arith.constant 9.99999974E-6 : f32
    %add3A_51 = vector.broadcast %add3A_50 : f32 to vector<2000x1xf32>
    %add3A_52 = arith.addf %div3A_47, %add3A_51 : vector<2000x1xf32>
    %rsqrt3A = math.rsqrt %add3A_52 : vector<2000x1xf32>
    %mul3A = vector.broadcast %rsqrt3A : vector<2000x1xf32> to vector<2000x128xf32>
    %mul3A_53 = arith.mulf %sub3A_49, %mul3A : vector<2000x128xf32>
    %mul3A_54 = vector.broadcast %get3A_34 : vector<1x128xf32> to vector<2000x128xf32>
    %mul3A_55 = arith.mulf %mul3A_53, %mul3A_54 : vector<2000x128xf32>
    %add3A_56 = vector.broadcast %get3A_37 : vector<1x128xf32> to vector<2000x128xf32>
    %add3A_57 = arith.addf %mul3A_55, %add3A_56 : vector<2000x128xf32>
    %swap3A = arith.constant 0 : index
    %swap3A_58 = arith.constant 0 : index
    %swap3A_59 = vector.load %arg10[%swap3A, %swap3A_58] : memref<2000x128xf32, #tpu.memory_space<vmem>>, vector<2000x128xf32>
    tpu.vector_store %arg10[%swap3A, %swap3A_58], %add3A_57 {strides = array<i32>} : memref<2000x128xf32, #tpu.memory_space<vmem>>, vector<2000x128xf32>,
    return
  }
  func.func @transform_0(%arg0: i32) -> (i32, i32) {
    %c0_i32 = arith.constant 0 : i32
    %c0_i32_0 = arith.constant 0 : i32
    return %arg0, %c0_i32 : i32, i32
  }
  func.func @transform_1(%arg0: i32) -> (i32, i32) {
    %c0_i32 = arith.constant 0 : i32
    %c0_i32_0 = arith.constant 0 : i32
    %c0_i32_1 = arith.constant 0 : i32
    return %c0_i32, %c0_i32_0 : i32, i32
  }
  func.func @transform_2(%arg0: i32) -> (i32, i32) {
    %c0_i32 = arith.constant 0 : i32
    %c0_i32_0 = arith.constant 0 : i32
    %c0_i32_1 = arith.constant 0 : i32
    return %c0_i32, %c0_i32_0 : i32, i32
  }
  func.func @transform_3(%arg0: i32) -> (i32, i32) {
    %c0_i32 = arith.constant 0 : i32
    %c0_i32_0 = arith.constant 0 : i32
    %c0_i32_1 = arith.constant 0 : i32
    return %c0_i32, %c0_i32_0 : i32, i32
  }
  func.func @transform_4(%arg0: i32) -> (i32, i32) {
    %c0_i32 = arith.constant 0 : i32
    %c0_i32_0 = arith.constant 0 : i32
    %c0_i32_1 = arith.constant 0 : i32
    return %c0_i32, %c0_i32_0 : i32, i32
  }
  func.func @transform_5(%arg0: i32) -> (i32, i32) {
    %c0_i32 = arith.constant 0 : i32
    %c0_i32_0 = arith.constant 0 : i32
    %c0_i32_1 = arith.constant 0 : i32
    return %c0_i32, %c0_i32_0 : i32, i32
  }
  func.func @transform_6(%arg0: i32) -> (i32, i32) {
    %c0_i32 = arith.constant 0 : i32
    %c0_i32_0 = arith.constant 0 : i32
    %c0_i32_1 = arith.constant 0 : i32
    return %c0_i32, %c0_i32_0 : i32, i32
  }
  func.func @transform_7(%arg0: i32) -> (i32, i32) {
    %c0_i32 = arith.constant 0 : i32
    %c0_i32_0 = arith.constant 0 : i32
    %c0_i32_1 = arith.constant 0 : i32
    return %c0_i32, %c0_i32_0 : i32, i32
  }
  func.func @transform_8(%arg0: i32) -> (i32, i32) {
    %c0_i32 = arith.constant 0 : i32
    %c0_i32_0 = arith.constant 0 : i32
    %c0_i32_1 = arith.constant 0 : i32
    return %c0_i32, %c0_i32_0 : i32, i32
  }
  func.func @transform_9(%arg0: i32) -> (i32, i32) {
    %c0_i32 = arith.constant 0 : i32
    %c0_i32_0 = arith.constant 0 : i32
    return %arg0, %c0_i32 : i32, i32
  }
}

module attributes {stable_mosaic.version = 14 : i64} {
  func.func @_uv_body(%arg0: i32, %arg1: memref<2000x128xf32, #tpu.memory_space<vmem>>, %arg2: memref<128x128xf32, #tpu.memory_space<vmem>>, %arg3: memref<128x128xf32, #tpu.memory_space<vmem>>, %arg4: memref<1x128xf32, #tpu.memory_space<vmem>>, %arg5: memref<2000x128xf32, #tpu.memory_space<vmem>>, %arg6: memref<2000x128xf32, #tpu.memory_space<vmem>>) attributes {dimension_semantics = [#tpu.dimension_semantics<arbitrary>], iteration_bounds = array<i64: 5>, scalar_prefetch = 0 : i64, scratch_operands = 0 : i64, tpu.core_type = #tpu.core_type<tc>, window_params = [{transform_indices = @transform_0, window_bounds = array<i64: 2000, 128>}, {pipeline_mode = #tpu.pipeline_mode<synchronous>, transform_indices = @transform_1, window_bounds = array<i64: 128, 128>}, {pipeline_mode = #tpu.pipeline_mode<synchronous>, transform_indices = @transform_2, window_bounds = array<i64: 128, 128>}, {pipeline_mode = #tpu.pipeline_mode<synchronous>, transform_indices = @transform_3, window_bounds = array<i64: 1, 128>}, {transform_indices = @transform_4, window_bounds = array<i64: 2000, 128>}, {transform_indices = @transform_5, window_bounds = array<i64: 2000, 128>}]} {
    %get3A = arith.constant 0 : index
    %get3A_0 = arith.constant 0 : index
    %get3A_1 = vector.load %arg1[%get3A, %get3A_0] : memref<2000x128xf32, #tpu.memory_space<vmem>>, vector<2000x128xf32>
    %get3A_2 = arith.constant 0 : index
    %get3A_3 = arith.constant 0 : index
    %get3A_4 = vector.load %arg2[%get3A_2, %get3A_3] : memref<128x128xf32, #tpu.memory_space<vmem>>, vector<128x128xf32>
    %dot_general3A = arith.constant dense<0.000000e+00> : vector<2000x128xf32>
    %dot_general3A_5 = tpu.matmul %get3A_1, %get3A_4, %dot_general3A {dimension_numbers = #tpu.dot_dimension_numbers<[1], [0], [0], [1], [0, 0, 1, 1], [], []>, transpose_lhs_hint = false} : vector<2000x128xf32>, vector<128x128xf32>, vector<2000x128xf32> -> vector<2000x128xf32>
    %get3A_6 = arith.constant 0 : index
    %get3A_7 = arith.constant 0 : index
    %get3A_8 = vector.load %arg4[%get3A_6, %get3A_7] : memref<1x128xf32, #tpu.memory_space<vmem>>, vector<1x128xf32>
    %add3A = vector.broadcast %get3A_8 : vector<1x128xf32> to vector<2000x128xf32>
    %add3A_9 = arith.addf %dot_general3A_5, %add3A : vector<2000x128xf32>
    %swap3A = arith.constant 0 : index
    %swap3A_10 = arith.constant 0 : index
    %swap3A_11 = vector.load %arg5[%swap3A, %swap3A_10] : memref<2000x128xf32, #tpu.memory_space<vmem>>, vector<2000x128xf32>
    tpu.vector_store %arg5[%swap3A, %swap3A_10], %add3A_9 {strides = array<i32>} : memref<2000x128xf32, #tpu.memory_space<vmem>>, vector<2000x128xf32>,
    %get3A_12 = arith.constant 0 : index
    %get3A_13 = arith.constant 0 : index
    %get3A_14 = vector.load %arg3[%get3A_12, %get3A_13] : memref<128x128xf32, #tpu.memory_space<vmem>>, vector<128x128xf32>
    %dot_general3A_15 = arith.constant dense<0.000000e+00> : vector<2000x128xf32>
    %dot_general3A_16 = tpu.matmul %get3A_1, %get3A_14, %dot_general3A_15 {dimension_numbers = #tpu.dot_dimension_numbers<[1], [0], [0], [1], [0, 0, 1, 1], [], []>, transpose_lhs_hint = false} : vector<2000x128xf32>, vector<128x128xf32>, vector<2000x128xf32> -> vector<2000x128xf32>
    %swap3A_17 = arith.constant 0 : index
    %swap3A_18 = arith.constant 0 : index
    %swap3A_19 = vector.load %arg6[%swap3A_17, %swap3A_18] : memref<2000x128xf32, #tpu.memory_space<vmem>>, vector<2000x128xf32>
    tpu.vector_store %arg6[%swap3A_17, %swap3A_18], %dot_general3A_16 {strides = array<i32>} : memref<2000x128xf32, #tpu.memory_space<vmem>>, vector<2000x128xf32>,
    return
  }
  func.func @transform_0(%arg0: i32) -> (i32, i32) {
    %c0_i32 = arith.constant 0 : i32
    %c0_i32_0 = arith.constant 0 : i32
    return %arg0, %c0_i32 : i32, i32
  }
  func.func @transform_1(%arg0: i32) -> (i32, i32) {
    %c0_i32 = arith.constant 0 : i32
    %c0_i32_0 = arith.constant 0 : i32
    %c0_i32_1 = arith.constant 0 : i32
    return %c0_i32, %c0_i32_0 : i32, i32
  }
  func.func @transform_2(%arg0: i32) -> (i32, i32) {
    %c0_i32 = arith.constant 0 : i32
    %c0_i32_0 = arith.constant 0 : i32
    %c0_i32_1 = arith.constant 0 : i32
    return %c0_i32, %c0_i32_0 : i32, i32
  }
  func.func @transform_3(%arg0: i32) -> (i32, i32) {
    %c0_i32 = arith.constant 0 : i32
    %c0_i32_0 = arith.constant 0 : i32
    %c0_i32_1 = arith.constant 0 : i32
    return %c0_i32, %c0_i32_0 : i32, i32
  }
  func.func @transform_4(%arg0: i32) -> (i32, i32) {
    %c0_i32 = arith.constant 0 : i32
    %c0_i32_0 = arith.constant 0 : i32
    return %arg0, %c0_i32 : i32, i32
  }
  func.func @transform_5(%arg0: i32) -> (i32, i32) {
    %c0_i32 = arith.constant 0 : i32
    %c0_i32_0 = arith.constant 0 : i32
    return %arg0, %c0_i32 : i32, i32
  }
}

module attributes {stable_mosaic.version = 14 : i64} {
  func.func @_edge_body(%arg0: i32, %arg1: memref<3200x128xf32, #tpu.memory_space<vmem>>, %arg2: memref<3200x128xf32, #tpu.memory_space<vmem>>, %arg3: memref<128x128xf32, #tpu.memory_space<vmem>>, %arg4: memref<128x128xf32, #tpu.memory_space<vmem>>, %arg5: memref<1x128xf32, #tpu.memory_space<vmem>>, %arg6: memref<1x128xf32, #tpu.memory_space<vmem>>, %arg7: memref<1x128xf32, #tpu.memory_space<vmem>>, %arg8: memref<3200x128xf32, #tpu.memory_space<vmem>>) attributes {dimension_semantics = [#tpu.dimension_semantics<arbitrary>], iteration_bounds = array<i64: 52>, scalar_prefetch = 0 : i64, scratch_operands = 0 : i64, tpu.core_type = #tpu.core_type<tc>, window_params = [{transform_indices = @transform_0, window_bounds = array<i64: 3200, 128>}, {transform_indices = @transform_1, window_bounds = array<i64: 3200, 128>}, {pipeline_mode = #tpu.pipeline_mode<synchronous>, transform_indices = @transform_2, window_bounds = array<i64: 128, 128>}, {pipeline_mode = #tpu.pipeline_mode<synchronous>, transform_indices = @transform_3, window_bounds = array<i64: 128, 128>}, {pipeline_mode = #tpu.pipeline_mode<synchronous>, transform_indices = @transform_4, window_bounds = array<i64: 1, 128>}, {pipeline_mode = #tpu.pipeline_mode<synchronous>, transform_indices = @transform_5, window_bounds = array<i64: 1, 128>}, {pipeline_mode = #tpu.pipeline_mode<synchronous>, transform_indices = @transform_6, window_bounds = array<i64: 1, 128>}, {transform_indices = @transform_7, window_bounds = array<i64: 3200, 128>}]} {
    %get3A = arith.constant 0 : index
    %get3A_0 = arith.constant 0 : index
    %get3A_1 = vector.load %arg2[%get3A, %get3A_0] : memref<3200x128xf32, #tpu.memory_space<vmem>>, vector<3200x128xf32>
    %get3A_2 = arith.constant 0 : index
    %get3A_3 = arith.constant 0 : index
    %get3A_4 = vector.load %arg1[%get3A_2, %get3A_3] : memref<3200x128xf32, #tpu.memory_space<vmem>>, vector<3200x128xf32>
    %get3A_5 = arith.constant 0 : index
    %get3A_6 = arith.constant 0 : index
    %get3A_7 = vector.load %arg3[%get3A_5, %get3A_6] : memref<128x128xf32, #tpu.memory_space<vmem>>, vector<128x128xf32>
    %dot_general3A = arith.constant dense<0.000000e+00> : vector<3200x128xf32>
    %dot_general3A_8 = tpu.matmul %get3A_1, %get3A_7, %dot_general3A {dimension_numbers = #tpu.dot_dimension_numbers<[1], [0], [0], [1], [0, 0, 1, 1], [], []>, transpose_lhs_hint = false} : vector<3200x128xf32>, vector<128x128xf32>, vector<3200x128xf32> -> vector<3200x128xf32>
    %add3A = arith.addf %get3A_4, %dot_general3A_8 : vector<3200x128xf32>
    %max3A = arith.constant 0.000000e+00 : f32
    %max3A_9 = vector.broadcast %max3A : f32 to vector<3200x128xf32>
    %max3A_10 = arith.maximumf %add3A, %max3A_9 : vector<3200x128xf32>
    %get3A_11 = arith.constant 0 : index
    %get3A_12 = arith.constant 0 : index
    %get3A_13 = vector.load %arg4[%get3A_11, %get3A_12] : memref<128x128xf32, #tpu.memory_space<vmem>>, vector<128x128xf32>
    %dot_general3A_14 = arith.constant dense<0.000000e+00> : vector<3200x128xf32>
    %dot_general3A_15 = tpu.matmul %max3A_10, %get3A_13, %dot_general3A_14 {dimension_numbers = #tpu.dot_dimension_numbers<[1], [0], [0], [1], [0, 0, 1, 1], [], []>, transpose_lhs_hint = false} : vector<3200x128xf32>, vector<128x128xf32>, vector<3200x128xf32> -> vector<3200x128xf32>
    %get3A_16 = arith.constant 0 : index
    %get3A_17 = arith.constant 0 : index
    %get3A_18 = vector.load %arg5[%get3A_16, %get3A_17] : memref<1x128xf32, #tpu.memory_space<vmem>>, vector<1x128xf32>
    %add3A_19 = vector.broadcast %get3A_18 : vector<1x128xf32> to vector<3200x128xf32>
    %add3A_20 = arith.addf %dot_general3A_15, %add3A_19 : vector<3200x128xf32>
    %get3A_21 = arith.constant 0 : index
    %get3A_22 = arith.constant 0 : index
    %get3A_23 = vector.load %arg6[%get3A_21, %get3A_22] : memref<1x128xf32, #tpu.memory_space<vmem>>, vector<1x128xf32>
    %get3A_24 = arith.constant 0 : index
    %get3A_25 = arith.constant 0 : index
    %get3A_26 = vector.load %arg7[%get3A_24, %get3A_25] : memref<1x128xf32, #tpu.memory_space<vmem>>, vector<1x128xf32>
    %reduce_sum3A = arith.constant dense<0.000000e+00> : vector<3200xf32>
    %reduce_sum3A_27 = vector.multi_reduction <add>, %add3A_20, %reduce_sum3A [1] : vector<3200x128xf32> to vector<3200xf32>
    %broadcast_in_dim3A = vector.shape_cast %reduce_sum3A_27 : vector<3200xf32> to vector<3200x1xf32>
    %div3A = arith.constant 1.280000e+02 : f32
    %div3A_28 = vector.broadcast %div3A : f32 to vector<3200x1xf32>
    %div3A_29 = arith.divf %broadcast_in_dim3A, %div3A_28 : vector<3200x1xf32>
    %sub3A = vector.broadcast %div3A_29 : vector<3200x1xf32> to vector<3200x128xf32>
    %sub3A_30 = arith.subf %add3A_20, %sub3A : vector<3200x128xf32>
    %integer_pow3A = arith.mulf %sub3A_30, %sub3A_30 : vector<3200x128xf32>
    %reduce_sum3A_31 = arith.constant dense<0.000000e+00> : vector<3200xf32>
    %reduce_sum3A_32 = vector.multi_reduction <add>, %integer_pow3A, %reduce_sum3A_31 [1] : vector<3200x128xf32> to vector<3200xf32>
    %broadcast_in_dim3A_33 = vector.shape_cast %reduce_sum3A_32 : vector<3200xf32> to vector<3200x1xf32>
    %div3A_34 = arith.constant 1.280000e+02 : f32
    %div3A_35 = vector.broadcast %div3A_34 : f32 to vector<3200x1xf32>
    %div3A_36 = arith.divf %broadcast_in_dim3A_33, %div3A_35 : vector<3200x1xf32>
    %sub3A_37 = vector.broadcast %div3A_29 : vector<3200x1xf32> to vector<3200x128xf32>
    %sub3A_38 = arith.subf %add3A_20, %sub3A_37 : vector<3200x128xf32>
    %add3A_39 = arith.constant 9.99999974E-6 : f32
    %add3A_40 = vector.broadcast %add3A_39 : f32 to vector<3200x1xf32>
    %add3A_41 = arith.addf %div3A_36, %add3A_40 : vector<3200x1xf32>
    %rsqrt3A = math.rsqrt %add3A_41 : vector<3200x1xf32>
    %mul3A = vector.broadcast %rsqrt3A : vector<3200x1xf32> to vector<3200x128xf32>
    %mul3A_42 = arith.mulf %sub3A_38, %mul3A : vector<3200x128xf32>
    %mul3A_43 = vector.broadcast %get3A_23 : vector<1x128xf32> to vector<3200x128xf32>
    %mul3A_44 = arith.mulf %mul3A_42, %mul3A_43 : vector<3200x128xf32>
    %add3A_45 = vector.broadcast %get3A_26 : vector<1x128xf32> to vector<3200x128xf32>
    %add3A_46 = arith.addf %mul3A_44, %add3A_45 : vector<3200x128xf32>
    %add3A_47 = arith.addf %add3A_46, %get3A_1 : vector<3200x128xf32>
    %swap3A = arith.constant 0 : index
    %swap3A_48 = arith.constant 0 : index
    %swap3A_49 = vector.load %arg8[%swap3A, %swap3A_48] : memref<3200x128xf32, #tpu.memory_space<vmem>>, vector<3200x128xf32>
    tpu.vector_store %arg8[%swap3A, %swap3A_48], %add3A_47 {strides = array<i32>} : memref<3200x128xf32, #tpu.memory_space<vmem>>, vector<3200x128xf32>,
    return
  }
  func.func @transform_0(%arg0: i32) -> (i32, i32) {
    %c0_i32 = arith.constant 0 : i32
    %c0_i32_0 = arith.constant 0 : i32
    return %arg0, %c0_i32 : i32, i32
  }
  func.func @transform_1(%arg0: i32) -> (i32, i32) {
    %c0_i32 = arith.constant 0 : i32
    %c0_i32_0 = arith.constant 0 : i32
    return %arg0, %c0_i32 : i32, i32
  }
  func.func @transform_2(%arg0: i32) -> (i32, i32) {
    %c0_i32 = arith.constant 0 : i32
    %c0_i32_0 = arith.constant 0 : i32
    %c0_i32_1 = arith.constant 0 : i32
    return %c0_i32, %c0_i32_0 : i32, i32
  }
  func.func @transform_3(%arg0: i32) -> (i32, i32) {
    %c0_i32 = arith.constant 0 : i32
    %c0_i32_0 = arith.constant 0 : i32
    %c0_i32_1 = arith.constant 0 : i32
    return %c0_i32, %c0_i32_0 : i32, i32
  }
  func.func @transform_4(%arg0: i32) -> (i32, i32) {
    %c0_i32 = arith.constant 0 : i32
    %c0_i32_0 = arith.constant 0 : i32
    %c0_i32_1 = arith.constant 0 : i32
    return %c0_i32, %c0_i32_0 : i32, i32
  }
  func.func @transform_5(%arg0: i32) -> (i32, i32) {
    %c0_i32 = arith.constant 0 : i32
    %c0_i32_0 = arith.constant 0 : i32
    %c0_i32_1 = arith.constant 0 : i32
    return %c0_i32, %c0_i32_0 : i32, i32
  }
  func.func @transform_6(%arg0: i32) -> (i32, i32) {
    %c0_i32 = arith.constant 0 : i32
    %c0_i32_0 = arith.constant 0 : i32
    %c0_i32_1 = arith.constant 0 : i32
    return %c0_i32, %c0_i32_0 : i32, i32
  }
  func.func @transform_7(%arg0: i32) -> (i32, i32) {
    %c0_i32 = arith.constant 0 : i32
    %c0_i32_0 = arith.constant 0 : i32
    return %arg0, %c0_i32 : i32, i32
  }
}

module attributes {stable_mosaic.version = 14 : i64} {
  func.func @_edge_body(%arg0: i32, %arg1: memref<3200x128xf32, #tpu.memory_space<vmem>>, %arg2: memref<3200x128xf32, #tpu.memory_space<vmem>>, %arg3: memref<128x128xf32, #tpu.memory_space<vmem>>, %arg4: memref<128x128xf32, #tpu.memory_space<vmem>>, %arg5: memref<1x128xf32, #tpu.memory_space<vmem>>, %arg6: memref<1x128xf32, #tpu.memory_space<vmem>>, %arg7: memref<1x128xf32, #tpu.memory_space<vmem>>, %arg8: memref<3200x128xf32, #tpu.memory_space<vmem>>) attributes {dimension_semantics = [#tpu.dimension_semantics<arbitrary>], iteration_bounds = array<i64: 48>, scalar_prefetch = 0 : i64, scratch_operands = 0 : i64, tpu.core_type = #tpu.core_type<tc>, window_params = [{transform_indices = @transform_0, window_bounds = array<i64: 3200, 128>}, {transform_indices = @transform_1, window_bounds = array<i64: 3200, 128>}, {pipeline_mode = #tpu.pipeline_mode<synchronous>, transform_indices = @transform_2, window_bounds = array<i64: 128, 128>}, {pipeline_mode = #tpu.pipeline_mode<synchronous>, transform_indices = @transform_3, window_bounds = array<i64: 128, 128>}, {pipeline_mode = #tpu.pipeline_mode<synchronous>, transform_indices = @transform_4, window_bounds = array<i64: 1, 128>}, {pipeline_mode = #tpu.pipeline_mode<synchronous>, transform_indices = @transform_5, window_bounds = array<i64: 1, 128>}, {pipeline_mode = #tpu.pipeline_mode<synchronous>, transform_indices = @transform_6, window_bounds = array<i64: 1, 128>}, {transform_indices = @transform_7, window_bounds = array<i64: 3200, 128>}]} {
    %get3A = arith.constant 0 : index
    %get3A_0 = arith.constant 0 : index
    %get3A_1 = vector.load %arg2[%get3A, %get3A_0] : memref<3200x128xf32, #tpu.memory_space<vmem>>, vector<3200x128xf32>
    %get3A_2 = arith.constant 0 : index
    %get3A_3 = arith.constant 0 : index
    %get3A_4 = vector.load %arg1[%get3A_2, %get3A_3] : memref<3200x128xf32, #tpu.memory_space<vmem>>, vector<3200x128xf32>
    %get3A_5 = arith.constant 0 : index
    %get3A_6 = arith.constant 0 : index
    %get3A_7 = vector.load %arg3[%get3A_5, %get3A_6] : memref<128x128xf32, #tpu.memory_space<vmem>>, vector<128x128xf32>
    %dot_general3A = arith.constant dense<0.000000e+00> : vector<3200x128xf32>
    %dot_general3A_8 = tpu.matmul %get3A_1, %get3A_7, %dot_general3A {dimension_numbers = #tpu.dot_dimension_numbers<[1], [0], [0], [1], [0, 0, 1, 1], [], []>, transpose_lhs_hint = false} : vector<3200x128xf32>, vector<128x128xf32>, vector<3200x128xf32> -> vector<3200x128xf32>
    %add3A = arith.addf %get3A_4, %dot_general3A_8 : vector<3200x128xf32>
    %max3A = arith.constant 0.000000e+00 : f32
    %max3A_9 = vector.broadcast %max3A : f32 to vector<3200x128xf32>
    %max3A_10 = arith.maximumf %add3A, %max3A_9 : vector<3200x128xf32>
    %get3A_11 = arith.constant 0 : index
    %get3A_12 = arith.constant 0 : index
    %get3A_13 = vector.load %arg4[%get3A_11, %get3A_12] : memref<128x128xf32, #tpu.memory_space<vmem>>, vector<128x128xf32>
    %dot_general3A_14 = arith.constant dense<0.000000e+00> : vector<3200x128xf32>
    %dot_general3A_15 = tpu.matmul %max3A_10, %get3A_13, %dot_general3A_14 {dimension_numbers = #tpu.dot_dimension_numbers<[1], [0], [0], [1], [0, 0, 1, 1], [], []>, transpose_lhs_hint = false} : vector<3200x128xf32>, vector<128x128xf32>, vector<3200x128xf32> -> vector<3200x128xf32>
    %get3A_16 = arith.constant 0 : index
    %get3A_17 = arith.constant 0 : index
    %get3A_18 = vector.load %arg5[%get3A_16, %get3A_17] : memref<1x128xf32, #tpu.memory_space<vmem>>, vector<1x128xf32>
    %add3A_19 = vector.broadcast %get3A_18 : vector<1x128xf32> to vector<3200x128xf32>
    %add3A_20 = arith.addf %dot_general3A_15, %add3A_19 : vector<3200x128xf32>
    %get3A_21 = arith.constant 0 : index
    %get3A_22 = arith.constant 0 : index
    %get3A_23 = vector.load %arg6[%get3A_21, %get3A_22] : memref<1x128xf32, #tpu.memory_space<vmem>>, vector<1x128xf32>
    %get3A_24 = arith.constant 0 : index
    %get3A_25 = arith.constant 0 : index
    %get3A_26 = vector.load %arg7[%get3A_24, %get3A_25] : memref<1x128xf32, #tpu.memory_space<vmem>>, vector<1x128xf32>
    %reduce_sum3A = arith.constant dense<0.000000e+00> : vector<3200xf32>
    %reduce_sum3A_27 = vector.multi_reduction <add>, %add3A_20, %reduce_sum3A [1] : vector<3200x128xf32> to vector<3200xf32>
    %broadcast_in_dim3A = vector.shape_cast %reduce_sum3A_27 : vector<3200xf32> to vector<3200x1xf32>
    %div3A = arith.constant 1.280000e+02 : f32
    %div3A_28 = vector.broadcast %div3A : f32 to vector<3200x1xf32>
    %div3A_29 = arith.divf %broadcast_in_dim3A, %div3A_28 : vector<3200x1xf32>
    %sub3A = vector.broadcast %div3A_29 : vector<3200x1xf32> to vector<3200x128xf32>
    %sub3A_30 = arith.subf %add3A_20, %sub3A : vector<3200x128xf32>
    %integer_pow3A = arith.mulf %sub3A_30, %sub3A_30 : vector<3200x128xf32>
    %reduce_sum3A_31 = arith.constant dense<0.000000e+00> : vector<3200xf32>
    %reduce_sum3A_32 = vector.multi_reduction <add>, %integer_pow3A, %reduce_sum3A_31 [1] : vector<3200x128xf32> to vector<3200xf32>
    %broadcast_in_dim3A_33 = vector.shape_cast %reduce_sum3A_32 : vector<3200xf32> to vector<3200x1xf32>
    %div3A_34 = arith.constant 1.280000e+02 : f32
    %div3A_35 = vector.broadcast %div3A_34 : f32 to vector<3200x1xf32>
    %div3A_36 = arith.divf %broadcast_in_dim3A_33, %div3A_35 : vector<3200x1xf32>
    %sub3A_37 = vector.broadcast %div3A_29 : vector<3200x1xf32> to vector<3200x128xf32>
    %sub3A_38 = arith.subf %add3A_20, %sub3A_37 : vector<3200x128xf32>
    %add3A_39 = arith.constant 9.99999974E-6 : f32
    %add3A_40 = vector.broadcast %add3A_39 : f32 to vector<3200x1xf32>
    %add3A_41 = arith.addf %div3A_36, %add3A_40 : vector<3200x1xf32>
    %rsqrt3A = math.rsqrt %add3A_41 : vector<3200x1xf32>
    %mul3A = vector.broadcast %rsqrt3A : vector<3200x1xf32> to vector<3200x128xf32>
    %mul3A_42 = arith.mulf %sub3A_38, %mul3A : vector<3200x128xf32>
    %mul3A_43 = vector.broadcast %get3A_23 : vector<1x128xf32> to vector<3200x128xf32>
    %mul3A_44 = arith.mulf %mul3A_42, %mul3A_43 : vector<3200x128xf32>
    %add3A_45 = vector.broadcast %get3A_26 : vector<1x128xf32> to vector<3200x128xf32>
    %add3A_46 = arith.addf %mul3A_44, %add3A_45 : vector<3200x128xf32>
    %add3A_47 = arith.addf %add3A_46, %get3A_1 : vector<3200x128xf32>
    %swap3A = arith.constant 0 : index
    %swap3A_48 = arith.constant 0 : index
    %swap3A_49 = vector.load %arg8[%swap3A, %swap3A_48] : memref<3200x128xf32, #tpu.memory_space<vmem>>, vector<3200x128xf32>
    tpu.vector_store %arg8[%swap3A, %swap3A_48], %add3A_47 {strides = array<i32>} : memref<3200x128xf32, #tpu.memory_space<vmem>>, vector<3200x128xf32>,
    return
  }
  func.func @transform_0(%arg0: i32) -> (i32, i32) {
    %c0_i32 = arith.constant 0 : i32
    %c0_i32_0 = arith.constant 0 : i32
    return %arg0, %c0_i32 : i32, i32
  }
  func.func @transform_1(%arg0: i32) -> (i32, i32) {
    %c0_i32 = arith.constant 0 : i32
    %c0_i32_0 = arith.constant 0 : i32
    return %arg0, %c0_i32 : i32, i32
  }
  func.func @transform_2(%arg0: i32) -> (i32, i32) {
    %c0_i32 = arith.constant 0 : i32
    %c0_i32_0 = arith.constant 0 : i32
    %c0_i32_1 = arith.constant 0 : i32
    return %c0_i32, %c0_i32_0 : i32, i32
  }
  func.func @transform_3(%arg0: i32) -> (i32, i32) {
    %c0_i32 = arith.constant 0 : i32
    %c0_i32_0 = arith.constant 0 : i32
    %c0_i32_1 = arith.constant 0 : i32
    return %c0_i32, %c0_i32_0 : i32, i32
  }
  func.func @transform_4(%arg0: i32) -> (i32, i32) {
    %c0_i32 = arith.constant 0 : i32
    %c0_i32_0 = arith.constant 0 : i32
    %c0_i32_1 = arith.constant 0 : i32
    return %c0_i32, %c0_i32_0 : i32, i32
  }
  func.func @transform_5(%arg0: i32) -> (i32, i32) {
    %c0_i32 = arith.constant 0 : i32
    %c0_i32_0 = arith.constant 0 : i32
    %c0_i32_1 = arith.constant 0 : i32
    return %c0_i32, %c0_i32_0 : i32, i32
  }
  func.func @transform_6(%arg0: i32) -> (i32, i32) {
    %c0_i32 = arith.constant 0 : i32
    %c0_i32_0 = arith.constant 0 : i32
    %c0_i32_1 = arith.constant 0 : i32
    return %c0_i32, %c0_i32_0 : i32, i32
  }
  func.func @transform_7(%arg0: i32) -> (i32, i32) {
    %c0_i32 = arith.constant 0 : i32
    %c0_i32_0 = arith.constant 0 : i32
    return %arg0, %c0_i32 : i32, i32
  }
}

module attributes {stable_mosaic.version = 14 : i64} {
  func.func @_node_body(%arg0: i32, %arg1: memref<2000x128xf32, #tpu.memory_space<vmem>>, %arg2: memref<2000x128xf32, #tpu.memory_space<vmem>>, %arg3: memref<2000x128xf32, #tpu.memory_space<vmem>>, %arg4: memref<2000x128xf32, #tpu.memory_space<vmem>>, %arg5: memref<2000x128xf32, #tpu.memory_space<vmem>>, %arg6: memref<128x128xf32, #tpu.memory_space<vmem>>, %arg7: memref<128x128xf32, #tpu.memory_space<vmem>>, %arg8: memref<1x128xf32, #tpu.memory_space<vmem>>, %arg9: memref<128x128xf32, #tpu.memory_space<vmem>>, %arg10: memref<1x128xf32, #tpu.memory_space<vmem>>, %arg11: memref<1x128xf32, #tpu.memory_space<vmem>>, %arg12: memref<1x128xf32, #tpu.memory_space<vmem>>, %arg13: memref<2000x128xf32, #tpu.memory_space<vmem>>) attributes {dimension_semantics = [#tpu.dimension_semantics<arbitrary>], iteration_bounds = array<i64: 5>, scalar_prefetch = 0 : i64, scratch_operands = 0 : i64, tpu.core_type = #tpu.core_type<tc>, window_params = [{transform_indices = @transform_0, window_bounds = array<i64: 2000, 128>}, {transform_indices = @transform_1, window_bounds = array<i64: 2000, 128>}, {transform_indices = @transform_2, window_bounds = array<i64: 2000, 128>}, {transform_indices = @transform_3, window_bounds = array<i64: 2000, 128>}, {transform_indices = @transform_4, window_bounds = array<i64: 2000, 128>}, {pipeline_mode = #tpu.pipeline_mode<synchronous>, transform_indices = @transform_5, window_bounds = array<i64: 128, 128>}, {pipeline_mode = #tpu.pipeline_mode<synchronous>, transform_indices = @transform_6, window_bounds = array<i64: 128, 128>}, {pipeline_mode = #tpu.pipeline_mode<synchronous>, transform_indices = @transform_7, window_bounds = array<i64: 1, 128>}, {pipeline_mode = #tpu.pipeline_mode<synchronous>, transform_indices = @transform_8, window_bounds = array<i64: 128, 128>}, {pipeline_mode = #tpu.pipeline_mode<synchronous>, transform_indices = @transform_9, window_bounds = array<i64: 1, 128>}, {pipeline_mode = #tpu.pipeline_mode<synchronous>, transform_indices = @transform_10, window_bounds = array<i64: 1, 128>}, {pipeline_mode = #tpu.pipeline_mode<synchronous>, transform_indices = @transform_11, window_bounds = array<i64: 1, 128>}, {transform_indices = @transform_12, window_bounds = array<i64: 2000, 128>}]} {
    %get3A = arith.constant 0 : index
    %get3A_0 = arith.constant 0 : index
    %get3A_1 = vector.load %arg1[%get3A, %get3A_0] : memref<2000x128xf32, #tpu.memory_space<vmem>>, vector<2000x128xf32>
    %get3A_2 = arith.constant 0 : index
    %get3A_3 = arith.constant 0 : index
    %get3A_4 = vector.load %arg2[%get3A_2, %get3A_3] : memref<2000x128xf32, #tpu.memory_space<vmem>>, vector<2000x128xf32>
    %get3A_5 = arith.constant 0 : index
    %get3A_6 = arith.constant 0 : index
    %get3A_7 = vector.load %arg3[%get3A_5, %get3A_6] : memref<2000x128xf32, #tpu.memory_space<vmem>>, vector<2000x128xf32>
    %add3A = arith.addf %get3A_4, %get3A_7 : vector<2000x128xf32>
    %get3A_8 = arith.constant 0 : index
    %get3A_9 = arith.constant 0 : index
    %get3A_10 = vector.load %arg4[%get3A_8, %get3A_9] : memref<2000x128xf32, #tpu.memory_space<vmem>>, vector<2000x128xf32>
    %add3A_11 = arith.addf %add3A, %get3A_10 : vector<2000x128xf32>
    %get3A_12 = arith.constant 0 : index
    %get3A_13 = arith.constant 0 : index
    %get3A_14 = vector.load %arg5[%get3A_12, %get3A_13] : memref<2000x128xf32, #tpu.memory_space<vmem>>, vector<2000x128xf32>
    %add3A_15 = arith.addf %add3A_11, %get3A_14 : vector<2000x128xf32>
    %get3A_16 = arith.constant 0 : index
    %get3A_17 = arith.constant 0 : index
    %get3A_18 = vector.load %arg6[%get3A_16, %get3A_17] : memref<128x128xf32, #tpu.memory_space<vmem>>, vector<128x128xf32>
    %dot_general3A = arith.constant dense<0.000000e+00> : vector<2000x128xf32>
    %dot_general3A_19 = tpu.matmul %get3A_1, %get3A_18, %dot_general3A {dimension_numbers = #tpu.dot_dimension_numbers<[1], [0], [0], [1], [0, 0, 1, 1], [], []>, transpose_lhs_hint = false} : vector<2000x128xf32>, vector<128x128xf32>, vector<2000x128xf32> -> vector<2000x128xf32>
    %get3A_20 = arith.constant 0 : index
    %get3A_21 = arith.constant 0 : index
    %get3A_22 = vector.load %arg7[%get3A_20, %get3A_21] : memref<128x128xf32, #tpu.memory_space<vmem>>, vector<128x128xf32>
    %dot_general3A_23 = arith.constant dense<0.000000e+00> : vector<2000x128xf32>
    %dot_general3A_24 = tpu.matmul %add3A_15, %get3A_22, %dot_general3A_23 {dimension_numbers = #tpu.dot_dimension_numbers<[1], [0], [0], [1], [0, 0, 1, 1], [], []>, transpose_lhs_hint = false} : vector<2000x128xf32>, vector<128x128xf32>, vector<2000x128xf32> -> vector<2000x128xf32>
    %add3A_25 = arith.addf %dot_general3A_19, %dot_general3A_24 : vector<2000x128xf32>
    %get3A_26 = arith.constant 0 : index
    %get3A_27 = arith.constant 0 : index
    %get3A_28 = vector.load %arg8[%get3A_26, %get3A_27] : memref<1x128xf32, #tpu.memory_space<vmem>>, vector<1x128xf32>
    %add3A_29 = vector.broadcast %get3A_28 : vector<1x128xf32> to vector<2000x128xf32>
    %add3A_30 = arith.addf %add3A_25, %add3A_29 : vector<2000x128xf32>
    %max3A = arith.constant 0.000000e+00 : f32
    %max3A_31 = vector.broadcast %max3A : f32 to vector<2000x128xf32>
    %max3A_32 = arith.maximumf %add3A_30, %max3A_31 : vector<2000x128xf32>
    %get3A_33 = arith.constant 0 : index
    %get3A_34 = arith.constant 0 : index
    %get3A_35 = vector.load %arg9[%get3A_33, %get3A_34] : memref<128x128xf32, #tpu.memory_space<vmem>>, vector<128x128xf32>
    %dot_general3A_36 = arith.constant dense<0.000000e+00> : vector<2000x128xf32>
    %dot_general3A_37 = tpu.matmul %max3A_32, %get3A_35, %dot_general3A_36 {dimension_numbers = #tpu.dot_dimension_numbers<[1], [0], [0], [1], [0, 0, 1, 1], [], []>, transpose_lhs_hint = false} : vector<2000x128xf32>, vector<128x128xf32>, vector<2000x128xf32> -> vector<2000x128xf32>
    %get3A_38 = arith.constant 0 : index
    %get3A_39 = arith.constant 0 : index
    %get3A_40 = vector.load %arg10[%get3A_38, %get3A_39] : memref<1x128xf32, #tpu.memory_space<vmem>>, vector<1x128xf32>
    %add3A_41 = vector.broadcast %get3A_40 : vector<1x128xf32> to vector<2000x128xf32>
    %add3A_42 = arith.addf %dot_general3A_37, %add3A_41 : vector<2000x128xf32>
    %get3A_43 = arith.constant 0 : index
    %get3A_44 = arith.constant 0 : index
    %get3A_45 = vector.load %arg11[%get3A_43, %get3A_44] : memref<1x128xf32, #tpu.memory_space<vmem>>, vector<1x128xf32>
    %get3A_46 = arith.constant 0 : index
    %get3A_47 = arith.constant 0 : index
    %get3A_48 = vector.load %arg12[%get3A_46, %get3A_47] : memref<1x128xf32, #tpu.memory_space<vmem>>, vector<1x128xf32>
    %reduce_sum3A = arith.constant dense<0.000000e+00> : vector<2000xf32>
    %reduce_sum3A_49 = vector.multi_reduction <add>, %add3A_42, %reduce_sum3A [1] : vector<2000x128xf32> to vector<2000xf32>
    %broadcast_in_dim3A = vector.shape_cast %reduce_sum3A_49 : vector<2000xf32> to vector<2000x1xf32>
    %div3A = arith.constant 1.280000e+02 : f32
    %div3A_50 = vector.broadcast %div3A : f32 to vector<2000x1xf32>
    %div3A_51 = arith.divf %broadcast_in_dim3A, %div3A_50 : vector<2000x1xf32>
    %sub3A = vector.broadcast %div3A_51 : vector<2000x1xf32> to vector<2000x128xf32>
    %sub3A_52 = arith.subf %add3A_42, %sub3A : vector<2000x128xf32>
    %integer_pow3A = arith.mulf %sub3A_52, %sub3A_52 : vector<2000x128xf32>
    %reduce_sum3A_53 = arith.constant dense<0.000000e+00> : vector<2000xf32>
    %reduce_sum3A_54 = vector.multi_reduction <add>, %integer_pow3A, %reduce_sum3A_53 [1] : vector<2000x128xf32> to vector<2000xf32>
    %broadcast_in_dim3A_55 = vector.shape_cast %reduce_sum3A_54 : vector<2000xf32> to vector<2000x1xf32>
    %div3A_56 = arith.constant 1.280000e+02 : f32
    %div3A_57 = vector.broadcast %div3A_56 : f32 to vector<2000x1xf32>
    %div3A_58 = arith.divf %broadcast_in_dim3A_55, %div3A_57 : vector<2000x1xf32>
    %sub3A_59 = vector.broadcast %div3A_51 : vector<2000x1xf32> to vector<2000x128xf32>
    %sub3A_60 = arith.subf %add3A_42, %sub3A_59 : vector<2000x128xf32>
    %add3A_61 = arith.constant 9.99999974E-6 : f32
    %add3A_62 = vector.broadcast %add3A_61 : f32 to vector<2000x1xf32>
    %add3A_63 = arith.addf %div3A_58, %add3A_62 : vector<2000x1xf32>
    %rsqrt3A = math.rsqrt %add3A_63 : vector<2000x1xf32>
    %mul3A = vector.broadcast %rsqrt3A : vector<2000x1xf32> to vector<2000x128xf32>
    %mul3A_64 = arith.mulf %sub3A_60, %mul3A : vector<2000x128xf32>
    %mul3A_65 = vector.broadcast %get3A_45 : vector<1x128xf32> to vector<2000x128xf32>
    %mul3A_66 = arith.mulf %mul3A_64, %mul3A_65 : vector<2000x128xf32>
    %add3A_67 = vector.broadcast %get3A_48 : vector<1x128xf32> to vector<2000x128xf32>
    %add3A_68 = arith.addf %mul3A_66, %add3A_67 : vector<2000x128xf32>
    %add3A_69 = arith.addf %add3A_68, %get3A_1 : vector<2000x128xf32>
    %swap3A = arith.constant 0 : index
    %swap3A_70 = arith.constant 0 : index
    %swap3A_71 = vector.load %arg13[%swap3A, %swap3A_70] : memref<2000x128xf32, #tpu.memory_space<vmem>>, vector<2000x128xf32>
    tpu.vector_store %arg13[%swap3A, %swap3A_70], %add3A_69 {strides = array<i32>} : memref<2000x128xf32, #tpu.memory_space<vmem>>, vector<2000x128xf32>,
    return
  }
  func.func @transform_0(%arg0: i32) -> (i32, i32) {
    %c0_i32 = arith.constant 0 : i32
    %c0_i32_0 = arith.constant 0 : i32
    return %arg0, %c0_i32 : i32, i32
  }
  func.func @transform_1(%arg0: i32) -> (i32, i32) {
    %c0_i32 = arith.constant 0 : i32
    %c0_i32_0 = arith.constant 0 : i32
    return %arg0, %c0_i32 : i32, i32
  }
  func.func @transform_2(%arg0: i32) -> (i32, i32) {
    %add3A = arith.constant 5 : i32
    %add3A_0 = arith.addi %add3A, %arg0 : i32
    %c0_i32 = arith.constant 0 : i32
    %c0_i32_1 = arith.constant 0 : i32
    return %add3A_0, %c0_i32 : i32, i32
  }
  func.func @transform_3(%arg0: i32) -> (i32, i32) {
    %c0_i32 = arith.constant 0 : i32
    %c0_i32_0 = arith.constant 0 : i32
    return %arg0, %c0_i32 : i32, i32
  }
  func.func @transform_4(%arg0: i32) -> (i32, i32) {
    %add3A = arith.constant 5 : i32
    %add3A_0 = arith.addi %add3A, %arg0 : i32
    %c0_i32 = arith.constant 0 : i32
    %c0_i32_1 = arith.constant 0 : i32
    return %add3A_0, %c0_i32 : i32, i32
  }
  func.func @transform_5(%arg0: i32) -> (i32, i32) {
    %c0_i32 = arith.constant 0 : i32
    %c0_i32_0 = arith.constant 0 : i32
    %c0_i32_1 = arith.constant 0 : i32
    return %c0_i32, %c0_i32_0 : i32, i32
  }
  func.func @transform_6(%arg0: i32) -> (i32, i32) {
    %c0_i32 = arith.constant 0 : i32
    %c0_i32_0 = arith.constant 0 : i32
    %c0_i32_1 = arith.constant 0 : i32
    return %c0_i32, %c0_i32_0 : i32, i32
  }
  func.func @transform_7(%arg0: i32) -> (i32, i32) {
    %c0_i32 = arith.constant 0 : i32
    %c0_i32_0 = arith.constant 0 : i32
    %c0_i32_1 = arith.constant 0 : i32
    return %c0_i32, %c0_i32_0 : i32, i32
  }
  func.func @transform_8(%arg0: i32) -> (i32, i32) {
    %c0_i32 = arith.constant 0 : i32
    %c0_i32_0 = arith.constant 0 : i32
    %c0_i32_1 = arith.constant 0 : i32
    return %c0_i32, %c0_i32_0 : i32, i32
  }
  func.func @transform_9(%arg0: i32) -> (i32, i32) {
    %c0_i32 = arith.constant 0 : i32
    %c0_i32_0 = arith.constant 0 : i32
    %c0_i32_1 = arith.constant 0 : i32
    return %c0_i32, %c0_i32_0 : i32, i32
  }
  func.func @transform_10(%arg0: i32) -> (i32, i32) {
    %c0_i32 = arith.constant 0 : i32
    %c0_i32_0 = arith.constant 0 : i32
    %c0_i32_1 = arith.constant 0 : i32
    return %c0_i32, %c0_i32_0 : i32, i32
  }
  func.func @transform_11(%arg0: i32) -> (i32, i32) {
    %c0_i32 = arith.constant 0 : i32
    %c0_i32_0 = arith.constant 0 : i32
    %c0_i32_1 = arith.constant 0 : i32
    return %c0_i32, %c0_i32_0 : i32, i32
  }
  func.func @transform_12(%arg0: i32) -> (i32, i32) {
    %c0_i32 = arith.constant 0 : i32
    %c0_i32_0 = arith.constant 0 : i32
    return %arg0, %c0_i32 : i32, i32
  }
}

module attributes {stable_mosaic.version = 14 : i64} {
  func.func @_dec_body(%arg0: i32, %arg1: memref<2000x128xf32, #tpu.memory_space<vmem>>, %arg2: memref<128x128xf32, #tpu.memory_space<vmem>>, %arg3: memref<1x128xf32, #tpu.memory_space<vmem>>, %arg4: memref<128x4xf32, #tpu.memory_space<vmem>>, %arg5: memref<1x4xf32, #tpu.memory_space<vmem>>, %arg6: memref<2000x4xf32, #tpu.memory_space<vmem>>) attributes {dimension_semantics = [#tpu.dimension_semantics<arbitrary>], iteration_bounds = array<i64: 5>, scalar_prefetch = 0 : i64, scratch_operands = 0 : i64, tpu.core_type = #tpu.core_type<tc>, window_params = [{transform_indices = @transform_0, window_bounds = array<i64: 2000, 128>}, {pipeline_mode = #tpu.pipeline_mode<synchronous>, transform_indices = @transform_1, window_bounds = array<i64: 128, 128>}, {pipeline_mode = #tpu.pipeline_mode<synchronous>, transform_indices = @transform_2, window_bounds = array<i64: 1, 128>}, {pipeline_mode = #tpu.pipeline_mode<synchronous>, transform_indices = @transform_3, window_bounds = array<i64: 128, 4>}, {pipeline_mode = #tpu.pipeline_mode<synchronous>, transform_indices = @transform_4, window_bounds = array<i64: 1, 4>}, {transform_indices = @transform_5, window_bounds = array<i64: 2000, 4>}]} {
    %get3A = arith.constant 0 : index
    %get3A_0 = arith.constant 0 : index
    %get3A_1 = vector.load %arg1[%get3A, %get3A_0] : memref<2000x128xf32, #tpu.memory_space<vmem>>, vector<2000x128xf32>
    %get3A_2 = arith.constant 0 : index
    %get3A_3 = arith.constant 0 : index
    %get3A_4 = vector.load %arg2[%get3A_2, %get3A_3] : memref<128x128xf32, #tpu.memory_space<vmem>>, vector<128x128xf32>
    %dot_general3A = arith.constant dense<0.000000e+00> : vector<2000x128xf32>
    %dot_general3A_5 = tpu.matmul %get3A_1, %get3A_4, %dot_general3A {dimension_numbers = #tpu.dot_dimension_numbers<[1], [0], [0], [1], [0, 0, 1, 1], [], []>, transpose_lhs_hint = false} : vector<2000x128xf32>, vector<128x128xf32>, vector<2000x128xf32> -> vector<2000x128xf32>
    %get3A_6 = arith.constant 0 : index
    %get3A_7 = arith.constant 0 : index
    %get3A_8 = vector.load %arg3[%get3A_6, %get3A_7] : memref<1x128xf32, #tpu.memory_space<vmem>>, vector<1x128xf32>
    %add3A = vector.broadcast %get3A_8 : vector<1x128xf32> to vector<2000x128xf32>
    %add3A_9 = arith.addf %dot_general3A_5, %add3A : vector<2000x128xf32>
    %max3A = arith.constant 0.000000e+00 : f32
    %max3A_10 = vector.broadcast %max3A : f32 to vector<2000x128xf32>
    %max3A_11 = arith.maximumf %add3A_9, %max3A_10 : vector<2000x128xf32>
    %get3A_12 = arith.constant 0 : index
    %get3A_13 = arith.constant 0 : index
    %get3A_14 = vector.load %arg4[%get3A_12, %get3A_13] : memref<128x4xf32, #tpu.memory_space<vmem>>, vector<128x4xf32>
    %dot_general3A_15 = arith.constant dense<0.000000e+00> : vector<2000x4xf32>
    %dot_general3A_16 = tpu.matmul %max3A_11, %get3A_14, %dot_general3A_15 {dimension_numbers = #tpu.dot_dimension_numbers<[1], [0], [0], [1], [0, 0, 1, 1], [], []>, transpose_lhs_hint = false} : vector<2000x128xf32>, vector<128x4xf32>, vector<2000x4xf32> -> vector<2000x4xf32>
    %get3A_17 = arith.constant 0 : index
    %get3A_18 = arith.constant 0 : index
    %get3A_19 = vector.load %arg5[%get3A_17, %get3A_18] : memref<1x4xf32, #tpu.memory_space<vmem>>, vector<1x4xf32>
    %add3A_20 = vector.broadcast %get3A_19 : vector<1x4xf32> to vector<2000x4xf32>
    %add3A_21 = arith.addf %dot_general3A_16, %add3A_20 : vector<2000x4xf32>
    %swap3A = arith.constant 0 : index
    %swap3A_22 = arith.constant 0 : index
    %swap3A_23 = vector.load %arg6[%swap3A, %swap3A_22] : memref<2000x4xf32, #tpu.memory_space<vmem>>, vector<2000x4xf32>
    tpu.vector_store %arg6[%swap3A, %swap3A_22], %add3A_21 {strides = array<i32>} : memref<2000x4xf32, #tpu.memory_space<vmem>>, vector<2000x4xf32>,
    return
  }
  func.func @transform_0(%arg0: i32) -> (i32, i32) {
    %c0_i32 = arith.constant 0 : i32
    %c0_i32_0 = arith.constant 0 : i32
    return %arg0, %c0_i32 : i32, i32
  }
  func.func @transform_1(%arg0: i32) -> (i32, i32) {
    %c0_i32 = arith.constant 0 : i32
    %c0_i32_0 = arith.constant 0 : i32
    %c0_i32_1 = arith.constant 0 : i32
    return %c0_i32, %c0_i32_0 : i32, i32
  }
  func.func @transform_2(%arg0: i32) -> (i32, i32) {
    %c0_i32 = arith.constant 0 : i32
    %c0_i32_0 = arith.constant 0 : i32
    %c0_i32_1 = arith.constant 0 : i32
    return %c0_i32, %c0_i32_0 : i32, i32
  }
  func.func @transform_3(%arg0: i32) -> (i32, i32) {
    %c0_i32 = arith.constant 0 : i32
    %c0_i32_0 = arith.constant 0 : i32
    %c0_i32_1 = arith.constant 0 : i32
    return %c0_i32, %c0_i32_0 : i32, i32
  }
  func.func @transform_4(%arg0: i32) -> (i32, i32) {
    %c0_i32 = arith.constant 0 : i32
    %c0_i32_0 = arith.constant 0 : i32
    %c0_i32_1 = arith.constant 0 : i32
    return %c0_i32, %c0_i32_0 : i32, i32
  }
  func.func @transform_5(%arg0: i32) -> (i32, i32) {
    %c0_i32 = arith.constant 0 : i32
    %c0_i32_0 = arith.constant 0 : i32
    return %arg0, %c0_i32 : i32, i32
  }
}

</mosaic_0001>

<sc_bundles>
// kernel: closed_call.30.cloned.1.call-start
scs
__scs_entry_jumppad:
0x0: {  	(pc) =	sbr.rel $0x88, $3  }
0x1: {  	(tag) =	ssettag $0x0;
	lr =	simm.s32 $0x1  }
0x2: {  	[smem:$0x3ED6] =	sst lr;
	_ =	strace $0xD0000000  }
0x3: {  	_ = 	snop  }
0x4: {  	_ = 	snop  }
0x5: {  	_ = 	snop  }
0x6: {  	_ = 	snop  }
0x7: {  	_ = 	snop  }
__scs_overlays_trampoline_lowered:
0x8: {  	[smem:$0x3EE5] =	sst s0  }
0x9: {  	[smem:$0x3EE6] =	sst s1  }
0xa: {  	[smem:$0x3EE7] =	sst s2  }
0xb: {  	[smem:$0x3EE8] =	sst s3  }
0xc: {  	[smem:$0x3EE9] =	sst s4  }
0xd: {  	[smem:$0x3EEA] =	sst s5  }
0xe: {  	[smem:$0x3EEB] =	sst s6  }
0xf: {  	[smem:$0x3EEC] =	sst s7  }
0x10: {  	[smem:$0x3EED] =	sst s8  }
0x11: {  	[smem:$0x3EEE] =	sst s9;
	s0 =	simm.s32 @!p0 $0x0  }
0x12: {  	s1 =	sld [smem:$0x3ED4];
	s0 =	simm.s32 @p0 $0x1  }
0x13: {  	[smem:$0x3EEF] =	sst s0;
	s0 =	simm.s32 @!p1 $0x0  }
0x14: {  	s2 =	sld [smem:$0x3ED3];
	s0 =	simm.s32 @p1 $0x1  }
0x15: {  	[smem:$0x3EF0] =	sst s0;
	s0 =	simm.s32 @!p2 $0x0  }
0x16: {  	s3 =	sld [smem:$0x3FDB];
	s0 =	simm.s32 @p2 $0x1  }
0x17: {  	s4 =	simm.s32 $0x1BF5;
	[smem:$0x3EF2] =	sst s0  }
0x18: {  	s0 =	sld [smem:$0x3ED5];
	_ =	swait.ge [sflag:s4], $0x0  }
0x19: {  	s7 =	sld [smem:$0x3ED6]  }
0x1a: {  	s8 =	sadd.s32 $0xFFFFE003, lr  }
0x1b: {  	s9 =	sadd.s32 $0xFFFFFEF7, lr;
	s5 =	simm.s32 $0xFFFFFFFF;
	p2 =	slt.u32 s8, $0xFFFFF086  }
0x1c: {  	p1 =	slt.u32 s9, $0xF7A;
	s5 =	simm.s32 @!p2 $0x0  }
0x1d: {  	s5 =	simm.s32 @p1 $0x1;
	p0 =	seq.s32 s7, s2  }
0x1e: {  	s7 =	smul.u32 @!p0 $0xF7A, s2;
	p2 =	seq.s32 @!p0 s5, $0x0  }
0x1f: {  	s9 =	smul.u32 $0xF7A, s1;
	s8 =	simm.s32 @!p0 $0x1BF5;
	p2 =	por !p2, p0  }
0x20: {  	[sflag:s8] =	ssyncset.s32 @!p0 $0xFFFFF086;
	s6 =	sadd.s32 @!p0 s3, s7;
	s7 =	simm.s32 @!p0 $0x108  }
0x21: {  	s3 =	sadd.s32 s3, s9;
	s6 =	sadd.s32 @!p0 $0x88, s6;
	s7 =	simm.s32 @p2 $0x1082  }
0x22: {  	[simem:s7], [sflag:s8] =	dma.local @!p0 [hbm:s6], $0xF7A  }
0x23: {  	s9 =	sor.u32 $0xD0000000, s2;
	s6 =	simm.s32 $0x108;
	_ =	swait.ge @!p0 [sflag:s8], $0x0  }
0x24: {  	s3 =	sadd.s32 $0x88, s3;
	s6 =	simm.s32 @!p1 $0x1082;
	[sflag:s4] =	ssyncset.s32 $0xFFFFF086  }
0x25: {  	[simem:s6], [sflag:s4] =	dma.local [hbm:s3], $0xF7A  }
0x26: {  	[smem:$0x3ED6] =	sst s1;
	(tag) =	ssettag s2;
	_ =	strace s9  }
0x27: {  	s1 =	sld [smem:$0x3EE6]  }
0x28: {  	s2 =	sld [smem:$0x3EE7]  }
0x29: {  	s4 =	sld [smem:$0x3EE9]  }
0x2a: {  	p0 =	seq.s32 s5, $0x0;
	s5 =	sld [smem:$0x3EEA]  }
0x2b: {  	s6 =	sld [smem:$0x3EEB]  }
0x2c: {  	s7 =	sld [smem:$0x3EEC]  }
0x2d: {  	s3 =	simm.s32 $0x108;
	s8 =	sld [smem:$0x3EED]  }
0x2e: {  	s3 =	simm.s32 @!p0 $0x1082;
	s9 =	sld [smem:$0x3EEE]  }
0x2f: {  	lr =	sadd.s32 s0, s3;
	s0 =	sld [smem:$0x3EE5]  }
0x30: {  	s3 =	sld [smem:$0x3EE8]  }
0x31: {  	[smem:$0x3EF1] =	sst s10  }
0x32: {  	s10 =	sld [smem:$0x3EEF];
	_ =	sdelay $0x3  }
0x33: {  	p0 =	seq.s32 s10, $0x1;
	s10 =	sld [smem:$0x3EF1];
	_ =	sdelay $0x3  }
0x34: {  	[smem:$0x3EF1] =	sst s10  }
0x35: {  	s10 =	sld [smem:$0x3EF0];
	_ =	sdelay $0x3  }
0x36: {  	p1 =	seq.s32 s10, $0x1;
	s10 =	sld [smem:$0x3EF1];
	_ =	sdelay $0x3  }
0x37: {  	[smem:$0x3EF1] =	sst s10  }
0x38: {  	s10 =	sld [smem:$0x3EF2]  }
0x39: {  	_ = 	snop;
	(pc) =	sbr.ind lr, $3  }
0x3a: {  	_ = 	snop  }
0x3b: {  	_ = 	snop  }
0x3c: {  	p2 =	seq.s32 s10, $0x1;
	s10 =	sld [smem:$0x3EF1]  }
0x3d: {  	_ =	shalt  }
0x3e: {  	_ =	shalt  }
0x3f: {  	_ =	shalt  }
0x40: {  	_ =	shalt  }
0x41: {  	_ =	shalt  }
0x42: {  	_ =	shalt  }
0x43: {  	_ =	shalt  }
0x44: {  	_ =	shalt  }
0x45: {  	_ =	shalt  }
0x46: {  	_ =	shalt  }
0x47: {  	_ =	shalt  }
0x48: {  	_ =	shalt  }
0x49: {  	_ =	shalt  }
0x4a: {  	_ =	shalt  }
0x4b: {  	_ =	shalt  }
0x4c: {  	_ =	shalt  }
0x4d: {  	_ =	shalt  }
0x4e: {  	_ =	shalt  }
0x4f: {  	_ =	shalt  }
0x50: {  	_ =	shalt  }
0x51: {  	_ =	shalt  }
0x52: {  	_ =	shalt  }
0x53: {  	_ =	shalt  }
0x54: {  	_ =	shalt  }
0x55: {  	_ =	shalt  }
0x56: {  	_ =	shalt  }
0x57: {  	_ =	shalt  }
0x58: {  	_ =	shalt  }
0x59: {  	_ =	shalt  }
0x5a: {  	_ =	shalt  }
0x5b: {  	_ =	shalt  }
0x5c: {  	_ =	shalt  }
0x5d: {  	_ =	shalt  }
0x5e: {  	_ =	shalt  }
0x5f: {  	_ =	shalt  }
0x60: {  	_ =	shalt  }
0x61: {  	_ =	shalt  }
0x62: {  	_ =	shalt  }
0x63: {  	_ =	shalt  }
0x64: {  	_ =	shalt  }
0x65: {  	_ =	shalt  }
0x66: {  	_ =	shalt  }
0x67: {  	_ =	shalt  }
0x68: {  	_ =	shalt  }
0x69: {  	_ =	shalt  }
0x6a: {  	_ =	shalt  }
0x6b: {  	_ =	shalt  }
0x6c: {  	_ =	shalt  }
0x6d: {  	_ =	shalt  }
0x6e: {  	_ =	shalt  }
0x6f: {  	_ =	shalt  }
0x70: {  	_ =	shalt  }
0x71: {  	_ =	shalt  }
0x72: {  	_ =	shalt  }
0x73: {  	_ =	shalt  }
0x74: {  	_ =	shalt  }
0x75: {  	_ =	shalt  }
0x76: {  	_ =	shalt  }
0x77: {  	_ =	shalt  }
0x78: {  	_ =	shalt  }
0x79: {  	_ =	shalt  }
0x7a: {  	_ =	shalt  }
0x7b: {  	_ =	shalt  }
0x7c: {  	_ =	shalt  }
0x7d: {  	_ =	shalt  }
0x7e: {  	_ =	shalt  }
0x7f: {  	_ =	shalt  }
0x80: {  	_ =	shalt  }
0x81: {  	_ =	shalt  }
0x82: {  	_ =	shalt  }
0x83: {  	_ =	shalt  }
0x84: {  	_ =	shalt  }
0x85: {  	_ =	shalt  }
0x86: {  	_ =	shalt  }
0x87: {  	_ =	shalt  }
.Lfunc_end0:
.L_simem_size_0:
called_computation_lowered:
.L_overlay_start_0:
0x88: {  	s2 =	sld [smem:$0x3FD9]  }
0x89: {  	s3 =	sld [smem:$0x3FFE];
	_ =	sdelay $0x1  }
0x8a: {  	s1 =	srdreg.scid  }
0x8b: {  	s0 =	sand.u32 $0x1, s1  }
0x8c: {  	s17 =	sshll.u32 s0, $0xA;
	s2 =	sadd.s32 s3, s2  }
0x8d: {  	s2 =	sadd.s32 s2, s17  }
0x8e: {  	[smem:$0x3EFD] =	sst s2  }
0x8f: {  	_ = 	snop  }
0x90: {  	(tm) =	ssettm $0x1  }
0x91: {  	s18 =	sld [smem:$0x3FFB];
	_ =	sdelay $0x3  }
0x92: {  	_ =	strace s18  }
0x93: {  	s2 =	sld [smem:$0x3FFC];
	_ =	sdelay $0x3  }
0x94: {  	_ =	strace s2  }
0x95: {  	s2 =	sld [smem:$0x3FFD];
	_ =	sdelay $0x3  }
0x96: {  	_ =	strace s2  }
0x97: {  	_ =	strace $0x8FFFFFFF  }
0x98: {  	s19 =	sld [smem:$0x3FDB];
	_ =	sdelay $0x1  }
0x99: {  	s20 =	simm.s32 $_scs_section_size  }
0x9a: {  	s4 =	simm.s32 $_size__tile_overlayer_lowered;
	s5 =	simm.s32 $_tile_overlayer_lowered  }
0x9b: {  	s6 =	simm.s32 $0x1BFF;
	s21 =	sshll.u32 s5, $0x1;
	s3 =	sadd.s32 s20, s19  }
0x9c: {  	s22 =	simm.s32 $0x0;
	s4 =	sshll.u32 s4, $0x1;
	s5 =	sadd.s32 s21, s3  }
0x9d: {  	[timem:s22], [sflag:s6] =	dma.local [hbm:s5], s4  }
0x9e: {  	_ =	swait.ge [sflag:s6], s4  }
0x9f: {  	s4 =	ssub.s32 $0x0, s4;
	[sflag:s6] =	ssyncset.done $0x0  }
0xa0: {  	[sflag:s6] =	ssyncadd.s32 s4;
	_ =	sdelay $0x1  }
0xa1: {  	s23 =	simm.s32 $0x1B8B  }
0xa2: {  	_ =	swait.ge [sflag:s23], $0x1  }
0xa3: {  	[sflag:s23] =	ssyncset.done $0x0  }
0xa4: {  	[sflag:s23] =	ssyncadd.s32 $0xFFFFFFFF  }
0xa5: {  	s4 =	sld [smem:$0x0]  }
0xa6: {  	s5 =	sand.u32 $0xFFFFFFFE, s1  }
0xa7: {  	p0 =	sne.s32 s1, s5  }
0xa8: {  	s5 =	sshll.u32 @p0 s5, $0xE  }
0xa9: {  	s5 =	sadd.s32 @p0 $0x11B8D, s5;
	s6 =	sshll.u32 @p0 s4, $0x11  }
0xaa: {  	s5 =	sor.u32 @p0 s6, s5  }
0xab: {  	[sflag:s5] =	ssyncadd.remote.s32 @p0 $0x1;
	_ =	sdelay $0x1  }
0xac: {  	s5 =	simm.s32 @p0 $0x1B8D  }
0xad: {  	_ =	swait.eq @p0 [sflag:s5], $0x1  }
0xae: {  	[sflag:s5] =	ssyncadd.s32 @p0 $0xFFFFFFFF  }
0xaf: {  	s6 =	sshll.u32 @!p0 s1, $0xE  }
0xb0: {  	s6 =	sor.u32 @!p0 $0x4000, s6;
	s5 =	simm.s32 @!p0 $0x1B8D  }
0xb1: {  	s4 =	sshll.u32 @!p0 s4, $0x11;
	s6 =	sadd.s32 @!p0 $0x11B8D, s6;
	_ =	swait.eq @!p0 [sflag:s5], $0x1  }
0xb2: {  	s4 =	sor.u32 @!p0 s4, s6;
	[sflag:s5] =	ssyncadd.s32 @!p0 $0xFFFFFFFF  }
0xb3: {  	s25 =	simm.s32 $0x1B8E;
	s24 =	sld [smem:$0x3FFE];
	[sflag:s4] =	ssyncadd.remote.s32 @!p0 $0x1  }
0xb4: {  	s26 =	simm.s32 $execute0_lowered;
	[smem:$0x3FD2] =	sst s25  }
0xb5: {  	s5 =	sshll.u32 s26, $0x1;
	_ =	strace $0x80000046;
	[dreg:$0x1] =	wrdreg $0xFFFFFFFF  }
0xb6: {  	s28 =	simm.s32 $_size_execute0_lowered;
	s3 =	sadd.s32 s3, s5;
	[dreg:$0x0] =	wrdreg $0x0  }
0xb7: {  	s5 =	sshll.u32 s28, $0x1;
	[dreg:$0x2] =	wrdreg s3  }
0xb8: {  	[dreg:$0x3] =	wrdreg s5  }
0xb9: {  	[dreg:$0x4] =	wrdreg $0xC0  }
0xba: {  	_ =	task [dreg:s22], $0x5FFFF  }
0xbb: {  	[dreg:$0x1] =	wrdreg $0xFFFFFFFF  }
0xbc: {  	[dreg:$0x0] =	wrdreg $0x60  }
0xbd: {  	[dreg:$0x2] =	wrdreg s24  }
0xbe: {  	[dreg:$0x3] =	wrdreg $0x9  }
0xbf: {  	_ =	task.clear_ibuf [dreg:s22], $0x4FFFF;
	_ =	strace $0x90000046  }
0xc0: {  	s29 =	simm.s32 $0x9;
	_ =	strace $0x80000048  }
0xc1: {  	_ =	swait.ge [sflag:s29], $0x1  }
0xc2: {  	[sflag:s29] =	ssyncadd.s32 $0xFFFFFFFF  }
0xc3: {  	_ =	strace $0x90000048  }
0xc4: {  	_ =	sfence  }
0xc5: {  	s30 =	sld [smem:$0x0];
	_ =	sdelay $0x2  }
0xc6: {  	s31 =	sshll.u32 s1, $0xD;
	s1 =	sshrl.u32 s1, $0x2  }
0xc7: {  	s4 =	sand.u32 $0x4000, s31;
	s1 =	sadd.s32 s1, s30  }
0xc8: {  	s0 =	sor.u32 s4, s0;
	s1 =	sshll.u32 s1, $0x11  }
0xc9: {  	s0 =	sor.u32 s1, s0  }
0xca: {  	s0 =	sadd.s32 $0x8F2B, s0  }
0xcb: {  	[sflag:s0] =	ssyncadd.remote.s32 $0x1  }
0xcc: {  	_ =	sfence.sel $0xFFFF  }
0xcd: {  	[dreg:$0x0] =	wrdreg $0xFFFFFFFF;
	(pc) =	sbr.abs _section_cstart, $3  }
0xce: {  	[dreg:$0x1] =	wrdreg $0xFFFFFFFF  }
0xcf: {  	_ =	task.clear_ibuf [dreg:s22], $0x2FFFF;
	_ =	strace $0x9FFFFFFF  }
0xd0: {  	(tm) =	ssettm $0x7FFFFFFF  }
0xd1: {  	_ =	shalt  }
tec
execute0_lowered:
.L_overlay_start_1:
0x0: {  	(tag) =	ssettag $0x1  }
0x1: {  	s0 =	rddreg [dreg:$0x0];
	s2 =	simm.s32 $0x0  }
0x2: {  	s1 =	srdreg.scid;
	s4 =	stileid.u32;
	s18 =	simm.s32 $0x5  }
0x3: {  	s19 =	simm.s32 $0x200;
	s20 =	simm.s32 $0xC8;
	s28 =	simm.s32 $0x13000  }
0x4: {  	s29 =	simm.s32 $0x2;
	s30 =	simm.s32 $0x3;
	s31 =	simm.s32 $0x4  }
0x5: {  	[smem:$0x7FF] =	sst s2;
	s1 =	sand.u32 $0x1, s1;
	s6 =	sshll.u32 s4, $0x1  }
0x6: {  	s3 =	sadd.s32 $0xA9A00, s0;
	s4 =	sadd.s32 $0xD0C00, s0;
	s8 =	sor.u32 s1, s6  }
0x7: {  	s5 =	sadd.s32 $0x78800, s0;
	s7 =	sadd.s32 $0xA0A800, s0;
	s9 =	smul.u32 $0x12C0, s8  }
0x8: {  	_ =	strace $0x80000047;
	s1 =	ssub.s32 $0x2, s1;
	s11 =	smul.u32 $0x12C00, s8  }
0x9: {  	s6 =	sadd.s32 $0x6EA00, s0;
	s21 =	sshrl.u32 s1, $0x1;
	s8 =	smul.u32 $0x96000, s8  }
0xa: {  	s0 =	ssub.s32 s1, s21;
	s21 =	simm.s32 $0x400;
	s22 =	sshrl.u32 s9, $0x3  }
0xb: {  	s23 =	sadd.s32 s7, s11;
	s8 =	sshrl.u32 s8, $0x3;
	s14 =	sadd.s32 $0x190, s9  }
0xc: {  	s15 =	sadd.s32 $0x258, s9;
	s17 =	smax.u32 s0, $0x1;
	s0 =	simm.s32 $0x0  }
0xd: {  	s10 =	sadd.s32 s5, s22;
	s1 =	sadd.s32 s6, s22;
	[dreg:$0x4] =	wrdreg s23  }
0xe: {  	s26 =	sadd.s32 s7, s8;
	[dreg:$0x2] =	wrdreg s10;
	s10 =	sadd.s32 $0xC8, s9  }
0xf: {  	s22 =	simm.s32 $0xCC00;
	s23 =	simm.s32 $0x1;
	s24 =	sshrl.u32 s10, $0x3  }
0x10: {  	[dreg:$0x3] =	wrdreg s1;
	s16 =	sadd.s32 $0x11F80, s26;
	s25 =	sadd.s32 s5, s24  }
0x11: {  	s26 =	simm.s32 $0x6800;
	s1 =	sadd.s32 s6, s24;
	[dreg:$0x5] =	wrdreg s25  }
0x12: {  	s24 =	simm.s32 $0x100;
	[dreg:$0x6] =	wrdreg s1;
	s25 =	simm.s32 $0x300  }
.LBB2_1:
0x13: {  	s1 =	rddreg [dreg:$0x2]  }
0x14: {  	[tilespmem:s2], [sflag:$0x5] =	stream.linear.gather [hbm4b:s1+s2], $0xC8, $0x38;
	[tilespmem:$0x19400] =	vst v63  }
0x15: {  	_ =	swait.ge [sflag:s18], $0xC8  }
0x16: {  	[sflag:s18] =	ssyncset.done $0x0  }
0x17: {  	s13 =	rddreg [dreg:$0x3];
	[sflag:s18] =	ssyncadd.s32 $0xFFFFFF38  }
0x18: {  	[tilespmem:s19], [sflag:$0x5] =	stream.linear.gather [hbm4b:s13+s2], $0xC8, $0x38;
	[tilespmem:$0x19400] =	vst v63  }
0x19: {  	_ =	swait.ge [sflag:s18], $0xC8  }
0x1a: {  	[sflag:s18] =	ssyncset.done $0x0  }
0x1b: {  	[sflag:s18] =	ssyncadd.s32 $0xFFFFFF38  }
0x1c: {  	[tilespmem:s21], [sflag:$0x1] =	stream.indirect.gather [hbm4b:s3+s20], $0x80, s2, s20, $0xb8;
	[tilespmem:$0x19400] =	vst v63  }
0x1d: {  	_ = 	snop  }
0x1e: {  	[tilespmem:s22], [sflag:$0x1] =	stream.indirect.gather [hbm4b:s4+s20], $0x80, s19, s20, $0xb8;
	[tilespmem:$0x19400] =	vst v63  }
0x1f: {  	_ =	swait.ge [sflag:s23], $0x6400  }
0x20: {  	[sflag:s23] =	ssyncset.done $0x0  }
0x21: {  	[sflag:s23] =	ssyncadd.s32 $0xFFFF9C00  }
0x22: {  	_ =	swait.ge [sflag:s23], $0x6400  }
0x23: {  	[sflag:s23] =	ssyncset.done $0x0  }
0x24: {  	s1 =	simm.s32 $0x0;
	[sflag:s23] =	ssyncadd.s32 $0xFFFF9C00  }
0x25: {  	v7 =	vld [tilespmem:s1+$0xCC00]  }
0x26: {  	v11 =	vld [tilespmem:s1+$0xCC10]  }
0x27: {  	v5 =	vld [tilespmem:s1+$0xCC20]  }
0x28: {  	v4 =	vld [tilespmem:s1+$0xCC30]  }
0x29: {  	v3 =	vld [tilespmem:s1+$0xCC40]  }
0x2a: {  	v2 =	vld [tilespmem:s1+$0xCC50]  }
0x2b: {  	v1 =	vld [tilespmem:s1+$0xCC60]  }
0x2c: {  	v0 =	vld [tilespmem:s1+$0xCC70]  }
0x2d: {  	v12 =	vld [tilespmem:s1+$0x400]  }
0x2e: {  	v13 =	vld [tilespmem:s1+$0x410]  }
0x2f: {  	v10 =	vld [tilespmem:s1+$0x420]  }
0x30: {  	v9 =	vld [tilespmem:s1+$0x430]  }
0x31: {  	v8 =	vld [tilespmem:s1+$0x440]  }
0x32: {  	v6 =	vld [tilespmem:s1+$0x450];
	v12 =	vadd.f32 v7, v12  }
0x33: {  	s8 =	simm.s32 $0x200;
	v11 =	vadd.f32 v11, v13;
	v7 =	vld [tilespmem:s1+$0x460]  }
.LBB2_2:
0x34: {  	s9 =	sshra.s32 s8, $0x2;
	p0 =	sne.s32 s8, $0x18E00;
	[tilespmem:s1+$0x400] =	vst v12;
	v5 =	vadd.f32 v5, v10;
	v10 =	vld [tilespmem:s1+$0x470]  }
0x35: {  	v12 =	vld [tilespmem:s9+$0xCC00];
	[tilespmem:s1+$0x410] =	vst v11;
	v4 =	vadd.f32 v4, v9  }
0x36: {  	v11 =	vld [tilespmem:s9+$0xCC10];
	[tilespmem:s1+$0x420] =	vst v5;
	v3 =	vadd.f32 v3, v8  }
0x37: {  	v5 =	vld [tilespmem:s9+$0xCC20];
	[tilespmem:s1+$0x430] =	vst v4;
	v2 =	vadd.f32 v2, v6  }
0x38: {  	v4 =	vld [tilespmem:s9+$0xCC30];
	[tilespmem:s1+$0x440] =	vst v3;
	v1 =	vadd.f32 v1, v7  }
0x39: {  	v3 =	vld [tilespmem:s9+$0xCC40];
	[tilespmem:s1+$0x450] =	vst v2;
	v0 =	vadd.f32 v0, v10  }
0x3a: {  	v2 =	vld [tilespmem:s9+$0xCC50];
	[tilespmem:s1+$0x460] =	vst v1  }
0x3b: {  	v1 =	vld [tilespmem:s9+$0xCC60];
	[tilespmem:s1+$0x470] =	vst v0;
	s1 =	smov.u32 s9  }
0x3c: {  	v0 =	vld [tilespmem:s1+$0xCC70]  }
0x3d: {  	v6 =	vld [tilespmem:s1+$0x400]  }
0x3e: {  	v7 =	vld [tilespmem:s1+$0x410]  }
.Ltmp0:
0x3f: {  	v10 =	vld [tilespmem:s1+$0x420];
	(pc) =	sbr.rel @p0 .LBB2_2-.Ltmp0, $4  }
0x40: {  	v9 =	vld [tilespmem:s1+$0x430]  }
0x41: {  	v8 =	vld [tilespmem:s1+$0x440]  }
0x42: {  	v12 =	vadd.f32 v12, v6;
	v6 =	vld [tilespmem:s1+$0x450]  }
0x43: {  	s8 =	sadd.s32 $0x200, s8;
	v11 =	vadd.f32 v11, v7;
	v7 =	vld [tilespmem:s1+$0x460]  }
0x44: {  	[tilespmem:s1+$0x400] =	vst v12;
	v5 =	vadd.f32 v5, v10;
	v63 =	vld [tilespmem:s1+$0x470]  }
0x45: {  	[tilespmem:s1+$0x410] =	vst v11;
	v4 =	vadd.f32 v4, v9  }
0x46: {  	[tilespmem:s1+$0x420] =	vst v5;
	v3 =	vadd.f32 v3, v8  }
0x47: {  	[tilespmem:s1+$0x430] =	vst v4;
	v2 =	vadd.f32 v2, v6  }
0x48: {  	[tilespmem:s1+$0x440] =	vst v3;
	v1 =	vadd.f32 v1, v7  }
0x49: {  	[tilespmem:s1+$0x450] =	vst v2;
	v0 =	vadd.f32 v0, v63  }
0x4a: {  	[tilespmem:s1+$0x460] =	vst v1  }
0x4b: {  	s8 =	rddreg [dreg:$0x4];
	[tilespmem:s1+$0x470] =	vst v0;
	s1 =	simm.s32 $0x0  }
0x4c: {  	[hbm4b:s8+s1] =	stream.linear.scatter [tilespmem:s21], [sflag:$0x3], $0x6400, $0x38;
	[tilespmem:$0x19400] =	vst v63  }
0x4d: {  	s12 =	rddreg [dreg:$0x5]  }
0x4e: {  	[tilespmem:s24], [sflag:$0x5] =	stream.linear.gather [hbm4b:s12+s1], $0xC8, $0x38;
	[tilespmem:$0x19400] =	vst v63  }
0x4f: {  	_ =	swait.ge [sflag:s18], $0xC8  }
0x50: {  	[sflag:s18] =	ssyncset.done $0x0  }
0x51: {  	s13 =	rddreg [dreg:$0x6];
	[sflag:s18] =	ssyncadd.s32 $0xFFFFFF38  }
0x52: {  	[tilespmem:s25], [sflag:$0x5] =	stream.linear.gather [hbm4b:s13+s1], $0xC8, $0x38;
	[tilespmem:$0x19400] =	vst v63  }
0x53: {  	_ =	swait.ge [sflag:s18], $0xC8  }
0x54: {  	[sflag:s18] =	ssyncset.done $0x0  }
0x55: {  	[sflag:s18] =	ssyncadd.s32 $0xFFFFFF38  }
0x56: {  	[tilespmem:s26], [sflag:$0x2] =	stream.indirect.gather [hbm4b:s3+s20], $0x80, s24, s20, $0xb8;
	[tilespmem:$0x19400] =	vst v63  }
0x57: {  	_ = 	snop  }
0x58: {  	[tilespmem:s28], [sflag:$0x2] =	stream.indirect.gather [hbm4b:s4+s20], $0x80, s25, s20, $0xb8;
	[tilespmem:$0x19400] =	vst v63  }
.LBB2_4:
0x59: {  	_ =	swait.ge [sflag:s29], $0x6400  }
0x5a: {  	[sflag:s29] =	ssyncset.done $0x0  }
0x5b: {  	[sflag:s29] =	ssyncadd.s32 $0xFFFF9C00  }
0x5c: {  	_ =	swait.ge [sflag:s29], $0x6400  }
0x5d: {  	[sflag:s29] =	ssyncset.done $0x0  }
0x5e: {  	s9 =	simm.s32 $0x0;
	[sflag:s29] =	ssyncadd.s32 $0xFFFF9C00  }
0x5f: {  	v6 =	vld [tilespmem:s9+$0x13000]  }
0x60: {  	v11 =	vld [tilespmem:s9+$0x13010]  }
0x61: {  	v5 =	vld [tilespmem:s9+$0x13020]  }
0x62: {  	v4 =	vld [tilespmem:s9+$0x13030]  }
0x63: {  	v3 =	vld [tilespmem:s9+$0x13040]  }
0x64: {  	v2 =	vld [tilespmem:s9+$0x13050]  }
0x65: {  	v1 =	vld [tilespmem:s9+$0x13060]  }
0x66: {  	v0 =	vld [tilespmem:s9+$0x13070]  }
0x67: {  	v12 =	vld [tilespmem:s9+$0x6800]  }
0x68: {  	v13 =	vld [tilespmem:s9+$0x6810]  }
0x69: {  	v10 =	vld [tilespmem:s9+$0x6820]  }
0x6a: {  	v9 =	vld [tilespmem:s9+$0x6830]  }
0x6b: {  	v8 =	vld [tilespmem:s9+$0x6840]  }
0x6c: {  	v7 =	vld [tilespmem:s9+$0x6850];
	v12 =	vadd.f32 v6, v12  }
0x6d: {  	s8 =	simm.s32 $0x200;
	v11 =	vadd.f32 v11, v13;
	v6 =	vld [tilespmem:s9+$0x6860]  }
.LBB2_5:
0x6e: {  	s11 =	sshra.s32 s8, $0x2;
	p0 =	sne.s32 s8, $0x18E00;
	[tilespmem:s9+$0x6800] =	vst v12;
	v5 =	vadd.f32 v5, v10;
	v10 =	vld [tilespmem:s9+$0x6870]  }
0x6f: {  	v12 =	vld [tilespmem:s11+$0x13000];
	[tilespmem:s9+$0x6810] =	vst v11;
	v4 =	vadd.f32 v4, v9  }
0x70: {  	v11 =	vld [tilespmem:s11+$0x13010];
	[tilespmem:s9+$0x6820] =	vst v5;
	v3 =	vadd.f32 v3, v8  }
0x71: {  	v5 =	vld [tilespmem:s11+$0x13020];
	[tilespmem:s9+$0x6830] =	vst v4;
	v2 =	vadd.f32 v2, v7  }
0x72: {  	v4 =	vld [tilespmem:s11+$0x13030];
	[tilespmem:s9+$0x6840] =	vst v3;
	v1 =	vadd.f32 v1, v6  }
0x73: {  	v3 =	vld [tilespmem:s11+$0x13040];
	[tilespmem:s9+$0x6850] =	vst v2;
	v0 =	vadd.f32 v0, v10  }
0x74: {  	v2 =	vld [tilespmem:s11+$0x13050];
	[tilespmem:s9+$0x6860] =	vst v1  }
0x75: {  	v1 =	vld [tilespmem:s11+$0x13060];
	[tilespmem:s9+$0x6870] =	vst v0;
	s9 =	smov.u32 s11  }
0x76: {  	v0 =	vld [tilespmem:s9+$0x13070]  }
0x77: {  	v6 =	vld [tilespmem:s9+$0x6800]  }
0x78: {  	v13 =	vld [tilespmem:s9+$0x6810]  }
.Ltmp1:
0x79: {  	v10 =	vld [tilespmem:s9+$0x6820];
	(pc) =	sbr.rel @p0 .LBB2_5-.Ltmp1, $4  }
0x7a: {  	v9 =	vld [tilespmem:s9+$0x6830]  }
0x7b: {  	v8 =	vld [tilespmem:s9+$0x6840]  }
0x7c: {  	v12 =	vadd.f32 v12, v6;
	v7 =	vld [tilespmem:s9+$0x6850]  }
0x7d: {  	s8 =	sadd.s32 $0x200, s8;
	v11 =	vadd.f32 v11, v13;
	v6 =	vld [tilespmem:s9+$0x6860]  }
0x7e: {  	[tilespmem:s9+$0x6800] =	vst v12;
	v5 =	vadd.f32 v5, v10;
	v10 =	vld [tilespmem:s9+$0x6870]  }
0x7f: {  	[tilespmem:s9+$0x6810] =	vst v11;
	v4 =	vadd.f32 v4, v9  }
0x80: {  	[tilespmem:s9+$0x6820] =	vst v5;
	v3 =	vadd.f32 v3, v8  }
0x81: {  	s8 =	smul.u32 $0x190, s1;
	[tilespmem:s9+$0x6830] =	vst v4;
	v2 =	vadd.f32 v2, v7  }
0x82: {  	[tilespmem:s9+$0x6840] =	vst v3;
	v1 =	vadd.f32 v1, v6  }
0x83: {  	s11 =	sadd.s32 s8, s10;
	[tilespmem:s9+$0x6850] =	vst v2;
	v0 =	vadd.f32 v0, v10  }
0x84: {  	s11 =	sshll.u32 s11, $0x4;
	[tilespmem:s9+$0x6860] =	vst v1  }
0x85: {  	s13 =	sadd.s32 s7, s11;
	s11 =	simm.s32 $0x0;
	[tilespmem:s9+$0x6870] =	vst v0  }
0x86: {  	[hbm4b:s13+s11] =	stream.linear.scatter [tilespmem:s26], [sflag:$0x4], $0x6400, $0x38;
	[tilespmem:$0x19400] =	vst v63  }
0x87: {  	s9 =	sadd.s32 s8, s14;
	_ =	swait.ge [sflag:s30], $0x6400  }
0x88: {  	s12 =	sshrl.u32 s9, $0x3;
	[sflag:s30] =	ssyncset.done $0x0  }
0x89: {  	s13 =	sadd.s32 s5, s12;
	[sflag:s30] =	ssyncadd.s32 $0xFFFF9C00  }
0x8a: {  	[tilespmem:s11], [sflag:$0x5] =	stream.linear.gather [hbm4b:s13+s11], $0xC8, $0x38;
	[tilespmem:$0x19400] =	vst v63  }
0x8b: {  	_ =	swait.ge [sflag:s18], $0xC8  }
0x8c: {  	[sflag:s18] =	ssyncset.done $0x0  }
0x8d: {  	s12 =	sadd.s32 s6, s12;
	[sflag:s18] =	ssyncadd.s32 $0xFFFFFF38  }
0x8e: {  	[tilespmem:s19], [sflag:$0x5] =	stream.linear.gather [hbm4b:s12+s11], $0xC8, $0x38;
	[tilespmem:$0x19400] =	vst v63  }
0x8f: {  	_ =	swait.ge [sflag:s18], $0xC8  }
0x90: {  	[sflag:s18] =	ssyncset.done $0x0  }
0x91: {  	[sflag:s18] =	ssyncadd.s32 $0xFFFFFF38  }
0x92: {  	[tilespmem:s21], [sflag:$0x1] =	stream.indirect.gather [hbm4b:s3+s20], $0x80, s11, s20, $0xb8;
	[tilespmem:$0x19400] =	vst v63  }
0x93: {  	_ = 	snop  }
0x94: {  	[tilespmem:s22], [sflag:$0x1] =	stream.indirect.gather [hbm4b:s4+s20], $0x80, s19, s20, $0xb8;
	[tilespmem:$0x19400] =	vst v63  }
0x95: {  	_ =	swait.ge [sflag:s23], $0x6400  }
0x96: {  	[sflag:s23] =	ssyncset.done $0x0  }
0x97: {  	[sflag:s23] =	ssyncadd.s32 $0xFFFF9C00  }
0x98: {  	_ =	swait.ge [sflag:s23], $0x6400  }
0x99: {  	[sflag:s23] =	ssyncset.done $0x0  }
0x9a: {  	s11 =	simm.s32 $0x0;
	[sflag:s23] =	ssyncadd.s32 $0xFFFF9C00  }
0x9b: {  	v7 =	vld [tilespmem:s11+$0xCC00]  }
0x9c: {  	v11 =	vld [tilespmem:s11+$0xCC10]  }
0x9d: {  	v5 =	vld [tilespmem:s11+$0xCC20]  }
0x9e: {  	v4 =	vld [tilespmem:s11+$0xCC30]  }
0x9f: {  	v3 =	vld [tilespmem:s11+$0xCC40]  }
0xa0: {  	v2 =	vld [tilespmem:s11+$0xCC50]  }
0xa1: {  	v1 =	vld [tilespmem:s11+$0xCC60]  }
0xa2: {  	v0 =	vld [tilespmem:s11+$0xCC70]  }
0xa3: {  	v12 =	vld [tilespmem:s11+$0x400]  }
0xa4: {  	v13 =	vld [tilespmem:s11+$0x410]  }
0xa5: {  	v10 =	vld [tilespmem:s11+$0x420]  }
0xa6: {  	v9 =	vld [tilespmem:s11+$0x430]  }
0xa7: {  	v8 =	vld [tilespmem:s11+$0x440]  }
0xa8: {  	v6 =	vld [tilespmem:s11+$0x450];
	v12 =	vadd.f32 v7, v12  }
0xa9: {  	s12 =	simm.s32 $0x200;
	v11 =	vadd.f32 v11, v13;
	v7 =	vld [tilespmem:s11+$0x460]  }
.LBB2_7:
0xaa: {  	s13 =	sshra.s32 s12, $0x2;
	p0 =	sne.s32 s12, $0x18E00;
	[tilespmem:s11+$0x400] =	vst v12;
	v5 =	vadd.f32 v5, v10;
	v10 =	vld [tilespmem:s11+$0x470]  }
0xab: {  	v12 =	vld [tilespmem:s13+$0xCC00];
	[tilespmem:s11+$0x410] =	vst v11;
	v4 =	vadd.f32 v4, v9  }
0xac: {  	v11 =	vld [tilespmem:s13+$0xCC10];
	[tilespmem:s11+$0x420] =	vst v5;
	v3 =	vadd.f32 v3, v8  }
0xad: {  	v5 =	vld [tilespmem:s13+$0xCC20];
	[tilespmem:s11+$0x430] =	vst v4;
	v2 =	vadd.f32 v2, v6  }
0xae: {  	v4 =	vld [tilespmem:s13+$0xCC30];
	[tilespmem:s11+$0x440] =	vst v3;
	v1 =	vadd.f32 v1, v7  }
0xaf: {  	v3 =	vld [tilespmem:s13+$0xCC40];
	[tilespmem:s11+$0x450] =	vst v2;
	v0 =	vadd.f32 v0, v10  }
0xb0: {  	v2 =	vld [tilespmem:s13+$0xCC50];
	[tilespmem:s11+$0x460] =	vst v1  }
0xb1: {  	v1 =	vld [tilespmem:s13+$0xCC60];
	[tilespmem:s11+$0x470] =	vst v0;
	s11 =	smov.u32 s13  }
0xb2: {  	v0 =	vld [tilespmem:s11+$0xCC70]  }
0xb3: {  	v6 =	vld [tilespmem:s11+$0x400]  }
0xb4: {  	v7 =	vld [tilespmem:s11+$0x410]  }
.Ltmp2:
0xb5: {  	v10 =	vld [tilespmem:s11+$0x420];
	(pc) =	sbr.rel @p0 .LBB2_7-.Ltmp2, $4  }
0xb6: {  	v9 =	vld [tilespmem:s11+$0x430]  }
0xb7: {  	v8 =	vld [tilespmem:s11+$0x440]  }
0xb8: {  	v12 =	vadd.f32 v12, v6;
	v6 =	vld [tilespmem:s11+$0x450]  }
0xb9: {  	s12 =	sadd.s32 $0x200, s12;
	v11 =	vadd.f32 v11, v7;
	v7 =	vld [tilespmem:s11+$0x460]  }
0xba: {  	[tilespmem:s11+$0x400] =	vst v12;
	v5 =	vadd.f32 v5, v10;
	v63 =	vld [tilespmem:s11+$0x470]  }
0xbb: {  	[tilespmem:s11+$0x410] =	vst v11;
	v4 =	vadd.f32 v4, v9  }
0xbc: {  	[tilespmem:s11+$0x420] =	vst v5;
	v3 =	vadd.f32 v3, v8  }
0xbd: {  	[tilespmem:s11+$0x430] =	vst v4;
	v2 =	vadd.f32 v2, v6  }
0xbe: {  	[tilespmem:s11+$0x440] =	vst v3;
	v1 =	vadd.f32 v1, v7  }
0xbf: {  	[tilespmem:s11+$0x450] =	vst v2;
	v0 =	vadd.f32 v0, v63  }
0xc0: {  	s9 =	sshll.u32 s9, $0x4;
	[tilespmem:s11+$0x460] =	vst v1  }
0xc1: {  	s9 =	sadd.s32 s7, s9;
	[tilespmem:s11+$0x470] =	vst v0  }
0xc2: {  	[hbm4b:s9+s2] =	stream.linear.scatter [tilespmem:s21], [sflag:$0x3], $0x6400, $0x38;
	[tilespmem:$0x19400] =	vst v63  }
0xc3: {  	s8 =	sadd.s32 s8, s15;
	_ =	swait.ge [sflag:s31], $0x6400  }
0xc4: {  	s8 =	sshrl.u32 s8, $0x3;
	[sflag:s31] =	ssyncset.done $0x0  }
0xc5: {  	s13 =	sadd.s32 s5, s8;
	[sflag:s31] =	ssyncadd.s32 $0xFFFF9C00  }
0xc6: {  	[tilespmem:s24], [sflag:$0x5] =	stream.linear.gather [hbm4b:s13+s2], $0xC8, $0x38;
	[tilespmem:$0x19400] =	vst v63  }
0xc7: {  	_ =	swait.ge [sflag:s18], $0xC8  }
0xc8: {  	[sflag:s18] =	ssyncset.done $0x0  }
0xc9: {  	s1 =	sadd.s32 $0x1, s1;
	s8 =	sadd.s32 s6, s8;
	[sflag:s18] =	ssyncadd.s32 $0xFFFFFF38  }
0xca: {  	[tilespmem:s25], [sflag:$0x5] =	stream.linear.gather [hbm4b:s8+s2], $0xC8, $0x38;
	[tilespmem:$0x19400] =	vst v63  }
0xcb: {  	p0 =	sne.s32 s1, $0xB;
	_ =	swait.ge [sflag:s18], $0xC8  }
.Ltmp3:
0xcc: {  	[sflag:s18] =	ssyncset.done $0x0;
	(pc) =	sbr.rel @p0 .LBB2_4-.Ltmp3, $4  }
0xcd: {  	[sflag:s18] =	ssyncadd.s32 $0xFFFFFF38  }
0xce: {  	[tilespmem:s26], [sflag:$0x2] =	stream.indirect.gather [hbm4b:s3+s20], $0x80, s24, s20, $0xb8;
	[tilespmem:$0x19400] =	vst v63  }
0xcf: {  	_ = 	snop  }
0xd0: {  	[tilespmem:s28], [sflag:$0x2] =	stream.indirect.gather [hbm4b:s4+s20], $0x80, s25, s20, $0xb8;
	[tilespmem:$0x19400] =	vst v63  }
0xd1: {  	_ =	swait.ge [sflag:s29], $0x6400  }
0xd2: {  	[sflag:s29] =	ssyncset.done $0x0  }
0xd3: {  	[sflag:s29] =	ssyncadd.s32 $0xFFFF9C00  }
0xd4: {  	_ =	swait.ge [sflag:s29], $0x6400  }
0xd5: {  	[sflag:s29] =	ssyncset.done $0x0  }
0xd6: {  	s1 =	simm.s32 $0x0;
	[sflag:s29] =	ssyncadd.s32 $0xFFFF9C00  }
0xd7: {  	v7 =	vld [tilespmem:s1+$0x13000]  }
0xd8: {  	v11 =	vld [tilespmem:s1+$0x13010]  }
0xd9: {  	v5 =	vld [tilespmem:s1+$0x13020]  }
0xda: {  	v4 =	vld [tilespmem:s1+$0x13030]  }
0xdb: {  	v3 =	vld [tilespmem:s1+$0x13040]  }
0xdc: {  	v2 =	vld [tilespmem:s1+$0x13050]  }
0xdd: {  	v1 =	vld [tilespmem:s1+$0x13060]  }
0xde: {  	v0 =	vld [tilespmem:s1+$0x13070]  }
0xdf: {  	v12 =	vld [tilespmem:s1+$0x6800]  }
0xe0: {  	v13 =	vld [tilespmem:s1+$0x6810]  }
0xe1: {  	v10 =	vld [tilespmem:s1+$0x6820]  }
0xe2: {  	v9 =	vld [tilespmem:s1+$0x6830]  }
0xe3: {  	v8 =	vld [tilespmem:s1+$0x6840]  }
0xe4: {  	v6 =	vld [tilespmem:s1+$0x6850];
	v12 =	vadd.f32 v7, v12  }
0xe5: {  	s8 =	simm.s32 $0x200;
	v11 =	vadd.f32 v11, v13;
	v7 =	vld [tilespmem:s1+$0x6860]  }
.LBB2_10:
0xe6: {  	s9 =	sshra.s32 s8, $0x2;
	p0 =	sne.s32 s8, $0x18E00;
	[tilespmem:s1+$0x6800] =	vst v12;
	v5 =	vadd.f32 v5, v10;
	v10 =	vld [tilespmem:s1+$0x6870]  }
0xe7: {  	v12 =	vld [tilespmem:s9+$0x13000];
	[tilespmem:s1+$0x6810] =	vst v11;
	v4 =	vadd.f32 v4, v9  }
0xe8: {  	v11 =	vld [tilespmem:s9+$0x13010];
	[tilespmem:s1+$0x6820] =	vst v5;
	v3 =	vadd.f32 v3, v8  }
0xe9: {  	v5 =	vld [tilespmem:s9+$0x13020];
	[tilespmem:s1+$0x6830] =	vst v4;
	v2 =	vadd.f32 v2, v6  }
0xea: {  	v4 =	vld [tilespmem:s9+$0x13030];
	[tilespmem:s1+$0x6840] =	vst v3;
	v1 =	vadd.f32 v1, v7  }
0xeb: {  	v3 =	vld [tilespmem:s9+$0x13040];
	[tilespmem:s1+$0x6850] =	vst v2;
	v0 =	vadd.f32 v0, v10  }
0xec: {  	v2 =	vld [tilespmem:s9+$0x13050];
	[tilespmem:s1+$0x6860] =	vst v1  }
0xed: {  	v1 =	vld [tilespmem:s9+$0x13060];
	[tilespmem:s1+$0x6870] =	vst v0;
	s1 =	smov.u32 s9  }
0xee: {  	v0 =	vld [tilespmem:s1+$0x13070]  }
0xef: {  	v6 =	vld [tilespmem:s1+$0x6800]  }
0xf0: {  	v7 =	vld [tilespmem:s1+$0x6810]  }
.Ltmp4:
0xf1: {  	v10 =	vld [tilespmem:s1+$0x6820];
	(pc) =	sbr.rel @p0 .LBB2_10-.Ltmp4, $4  }
0xf2: {  	v9 =	vld [tilespmem:s1+$0x6830]  }
0xf3: {  	v8 =	vld [tilespmem:s1+$0x6840]  }
0xf4: {  	v12 =	vadd.f32 v12, v6;
	v6 =	vld [tilespmem:s1+$0x6850]  }
0xf5: {  	s8 =	sadd.s32 $0x200, s8;
	v11 =	vadd.f32 v11, v7;
	v7 =	vld [tilespmem:s1+$0x6860]  }
0xf6: {  	[tilespmem:s1+$0x6800] =	vst v12;
	v5 =	vadd.f32 v5, v10;
	v63 =	vld [tilespmem:s1+$0x6870]  }
0xf7: {  	[tilespmem:s1+$0x6810] =	vst v11;
	v4 =	vadd.f32 v4, v9  }
0xf8: {  	[tilespmem:s1+$0x6820] =	vst v5;
	v3 =	vadd.f32 v3, v8  }
0xf9: {  	[tilespmem:s1+$0x6830] =	vst v4;
	v2 =	vadd.f32 v2, v6  }
0xfa: {  	[tilespmem:s1+$0x6840] =	vst v3;
	v1 =	vadd.f32 v1, v7  }
0xfb: {  	[tilespmem:s1+$0x6850] =	vst v2;
	v0 =	vadd.f32 v0, v63  }
0xfc: {  	[tilespmem:s1+$0x6860] =	vst v1  }
0xfd: {  	s0 =	sadd.s32 $0x1, s0;
	[tilespmem:s1+$0x6870] =	vst v0  }
0xfe: {  	[hbm4b:s16+s2] =	stream.linear.scatter [tilespmem:s26], [sflag:$0x4], $0x6400, $0x38;
	[tilespmem:$0x19400] =	vst v63  }
0xff: {  	p0 =	sne.s32 s0, s17;
	_ =	swait.ge [sflag:s30], $0x6400  }
.Ltmp5:
0x100: {  	[sflag:s30] =	ssyncset.done $0x0;
	(pc) =	sbr.rel @p0 .LBB2_1-.Ltmp5, $4  }
0x101: {  	[sflag:s30] =	ssyncadd.s32 $0xFFFF9C00  }
0x102: {  	_ =	swait.ge [sflag:s31], $0x6400  }
0x103: {  	[sflag:s31] =	ssyncset.done $0x0  }
0x104: {  	[sflag:s31] =	ssyncadd.s32 $0xFFFF9C00  }
0x105: {  	_ =	sfence.sel $0x180000  }
0x106: {  	[bflag:$0x0] =	sbarrier.arrive $0xFFFF  }
0x107: {  	_ =	strace $0x90000047  }
0x108: {  	s0 =	stileid.u32;
	[bflag:$0x2] =	sbarrier.arrive $0xFFFF  }
0x109: {  	p0 =	sne.s32 s0, $0x0;
	s0 =	rddreg [dreg:$0x1]  }
0x10a: {  	s0 =	sadd.s32 @!p0 $0x100000, s0  }
0x10b: {  	[sflag:s0] =	ssyncadd.tile.s32 @!p0 $0x1;
	_ =	shalt  }
.Lfunc_end2:
_tile_overlayer_lowered:
.L_overlay_start_2:
0x10c: {  	(tag) =	ssettag $0x2  }
0x10d: {  	s0 =	rddreg [dreg:$0x0];
	s2 =	stileid.u32  }
0x10e: {  	s1 =	rddreg [dreg:$0x1];
	p0 =	sne.s32 s2, $0x0  }
0x10f: {  	s3 =	rddreg [dreg:$0x2];
	[bflag:$0x3] =	sbarrier.arrive $0xFFFF;
	s2 =	simm.s32 @!p0 $0x1C05  }
0x110: {  	[timem:s3], [sflag:s2] =	dma.local @!p0 [hbm:s0], s1  }
0x111: {  	s0 =	simm.s32 @!p0 $0x5  }
0x112: {  	_ =	swait.ge @!p0 [sflag:s0], s1  }
0x113: {  	s1 =	ssub.s32 @!p0 $0x0, s1;
	[sflag:s0] =	ssyncset.done @!p0 $0x0  }
0x114: {  	[sflag:s0] =	ssyncadd.s32 @!p0 s1  }
0x115: {  	[bflag:$0x3] =	sbarrier.arrive $0xFFFF  }
0x116: {  	_ =	shalt  }

// kernel: closed_call.33.cloned.1.call-start
scs
__scs_entry_jumppad:
0x0: {  	(pc) =	sbr.rel $0x88, $3  }
0x1: {  	(tag) =	ssettag $0x0;
	lr =	simm.s32 $0x1  }
0x2: {  	[smem:$0x3ED6] =	sst lr;
	_ =	strace $0xD0000000  }
0x3: {  	_ = 	snop  }
0x4: {  	_ = 	snop  }
0x5: {  	_ = 	snop  }
0x6: {  	_ = 	snop  }
0x7: {  	_ = 	snop  }
__scs_overlays_trampoline_lowered:
0x8: {  	[smem:$0x3EE5] =	sst s0  }
0x9: {  	[smem:$0x3EE6] =	sst s1  }
0xa: {  	[smem:$0x3EE7] =	sst s2  }
0xb: {  	[smem:$0x3EE8] =	sst s3  }
0xc: {  	[smem:$0x3EE9] =	sst s4  }
0xd: {  	[smem:$0x3EEA] =	sst s5  }
0xe: {  	[smem:$0x3EEB] =	sst s6  }
0xf: {  	[smem:$0x3EEC] =	sst s7  }
0x10: {  	[smem:$0x3EED] =	sst s8  }
0x11: {  	[smem:$0x3EEE] =	sst s9;
	s0 =	simm.s32 @!p0 $0x0  }
0x12: {  	s1 =	sld [smem:$0x3ED4];
	s0 =	simm.s32 @p0 $0x1  }
0x13: {  	[smem:$0x3EEF] =	sst s0;
	s0 =	simm.s32 @!p1 $0x0  }
0x14: {  	s2 =	sld [smem:$0x3ED3];
	s0 =	simm.s32 @p1 $0x1  }
0x15: {  	[smem:$0x3EF0] =	sst s0;
	s0 =	simm.s32 @!p2 $0x0  }
0x16: {  	s3 =	sld [smem:$0x3FDB];
	s0 =	simm.s32 @p2 $0x1  }
0x17: {  	s4 =	simm.s32 $0x1BF5;
	[smem:$0x3EF2] =	sst s0  }
0x18: {  	s0 =	sld [smem:$0x3ED5];
	_ =	swait.ge [sflag:s4], $0x0  }
0x19: {  	s7 =	sld [smem:$0x3ED6]  }
0x1a: {  	s8 =	sadd.s32 $0xFFFFE003, lr  }
0x1b: {  	s9 =	sadd.s32 $0xFFFFFEF7, lr;
	s5 =	simm.s32 $0xFFFFFFFF;
	p2 =	slt.u32 s8, $0xFFFFF086  }
0x1c: {  	p1 =	slt.u32 s9, $0xF7A;
	s5 =	simm.s32 @!p2 $0x0  }
0x1d: {  	s5 =	simm.s32 @p1 $0x1;
	p0 =	seq.s32 s7, s2  }
0x1e: {  	s7 =	smul.u32 @!p0 $0xF7A, s2;
	p2 =	seq.s32 @!p0 s5, $0x0  }
0x1f: {  	s9 =	smul.u32 $0xF7A, s1;
	s8 =	simm.s32 @!p0 $0x1BF5;
	p2 =	por !p2, p0  }
0x20: {  	[sflag:s8] =	ssyncset.s32 @!p0 $0xFFFFF086;
	s6 =	sadd.s32 @!p0 s3, s7;
	s7 =	simm.s32 @!p0 $0x108  }
0x21: {  	s3 =	sadd.s32 s3, s9;
	s6 =	sadd.s32 @!p0 $0x88, s6;
	s7 =	simm.s32 @p2 $0x1082  }
0x22: {  	[simem:s7], [sflag:s8] =	dma.local @!p0 [hbm:s6], $0xF7A  }
0x23: {  	s9 =	sor.u32 $0xD0000000, s2;
	s6 =	simm.s32 $0x108;
	_ =	swait.ge @!p0 [sflag:s8], $0x0  }
0x24: {  	s3 =	sadd.s32 $0x88, s3;
	s6 =	simm.s32 @!p1 $0x1082;
	[sflag:s4] =	ssyncset.s32 $0xFFFFF086  }
0x25: {  	[simem:s6], [sflag:s4] =	dma.local [hbm:s3], $0xF7A  }
0x26: {  	[smem:$0x3ED6] =	sst s1;
	(tag) =	ssettag s2;
	_ =	strace s9  }
0x27: {  	s1 =	sld [smem:$0x3EE6]  }
0x28: {  	s2 =	sld [smem:$0x3EE7]  }
0x29: {  	s4 =	sld [smem:$0x3EE9]  }
0x2a: {  	p0 =	seq.s32 s5, $0x0;
	s5 =	sld [smem:$0x3EEA]  }
0x2b: {  	s6 =	sld [smem:$0x3EEB]  }
0x2c: {  	s7 =	sld [smem:$0x3EEC]  }
0x2d: {  	s3 =	simm.s32 $0x108;
	s8 =	sld [smem:$0x3EED]  }
0x2e: {  	s3 =	simm.s32 @!p0 $0x1082;
	s9 =	sld [smem:$0x3EEE]  }
0x2f: {  	lr =	sadd.s32 s0, s3;
	s0 =	sld [smem:$0x3EE5]  }
0x30: {  	s3 =	sld [smem:$0x3EE8]  }
0x31: {  	[smem:$0x3EF1] =	sst s10  }
0x32: {  	s10 =	sld [smem:$0x3EEF];
	_ =	sdelay $0x3  }
0x33: {  	p0 =	seq.s32 s10, $0x1;
	s10 =	sld [smem:$0x3EF1];
	_ =	sdelay $0x3  }
0x34: {  	[smem:$0x3EF1] =	sst s10  }
0x35: {  	s10 =	sld [smem:$0x3EF0];
	_ =	sdelay $0x3  }
0x36: {  	p1 =	seq.s32 s10, $0x1;
	s10 =	sld [smem:$0x3EF1];
	_ =	sdelay $0x3  }
0x37: {  	[smem:$0x3EF1] =	sst s10  }
0x38: {  	s10 =	sld [smem:$0x3EF2]  }
0x39: {  	_ = 	snop;
	(pc) =	sbr.ind lr, $3  }
0x3a: {  	_ = 	snop  }
0x3b: {  	_ = 	snop  }
0x3c: {  	p2 =	seq.s32 s10, $0x1;
	s10 =	sld [smem:$0x3EF1]  }
0x3d: {  	_ =	shalt  }
0x3e: {  	_ =	shalt  }
0x3f: {  	_ =	shalt  }
0x40: {  	_ =	shalt  }
0x41: {  	_ =	shalt  }
0x42: {  	_ =	shalt  }
0x43: {  	_ =	shalt  }
0x44: {  	_ =	shalt  }
0x45: {  	_ =	shalt  }
0x46: {  	_ =	shalt  }
0x47: {  	_ =	shalt  }
0x48: {  	_ =	shalt  }
0x49: {  	_ =	shalt  }
0x4a: {  	_ =	shalt  }
0x4b: {  	_ =	shalt  }
0x4c: {  	_ =	shalt  }
0x4d: {  	_ =	shalt  }
0x4e: {  	_ =	shalt  }
0x4f: {  	_ =	shalt  }
0x50: {  	_ =	shalt  }
0x51: {  	_ =	shalt  }
0x52: {  	_ =	shalt  }
0x53: {  	_ =	shalt  }
0x54: {  	_ =	shalt  }
0x55: {  	_ =	shalt  }
0x56: {  	_ =	shalt  }
0x57: {  	_ =	shalt  }
0x58: {  	_ =	shalt  }
0x59: {  	_ =	shalt  }
0x5a: {  	_ =	shalt  }
0x5b: {  	_ =	shalt  }
0x5c: {  	_ =	shalt  }
0x5d: {  	_ =	shalt  }
0x5e: {  	_ =	shalt  }
0x5f: {  	_ =	shalt  }
0x60: {  	_ =	shalt  }
0x61: {  	_ =	shalt  }
0x62: {  	_ =	shalt  }
0x63: {  	_ =	shalt  }
0x64: {  	_ =	shalt  }
0x65: {  	_ =	shalt  }
0x66: {  	_ =	shalt  }
0x67: {  	_ =	shalt  }
0x68: {  	_ =	shalt  }
0x69: {  	_ =	shalt  }
0x6a: {  	_ =	shalt  }
0x6b: {  	_ =	shalt  }
0x6c: {  	_ =	shalt  }
0x6d: {  	_ =	shalt  }
0x6e: {  	_ =	shalt  }
0x6f: {  	_ =	shalt  }
0x70: {  	_ =	shalt  }
0x71: {  	_ =	shalt  }
0x72: {  	_ =	shalt  }
0x73: {  	_ =	shalt  }
0x74: {  	_ =	shalt  }
0x75: {  	_ =	shalt  }
0x76: {  	_ =	shalt  }
0x77: {  	_ =	shalt  }
0x78: {  	_ =	shalt  }
0x79: {  	_ =	shalt  }
0x7a: {  	_ =	shalt  }
0x7b: {  	_ =	shalt  }
0x7c: {  	_ =	shalt  }
0x7d: {  	_ =	shalt  }
0x7e: {  	_ =	shalt  }
0x7f: {  	_ =	shalt  }
0x80: {  	_ =	shalt  }
0x81: {  	_ =	shalt  }
0x82: {  	_ =	shalt  }
0x83: {  	_ =	shalt  }
0x84: {  	_ =	shalt  }
0x85: {  	_ =	shalt  }
0x86: {  	_ =	shalt  }
0x87: {  	_ =	shalt  }
.Lfunc_end0:
.L_simem_size_0:
called_computation.1_lowered:
.L_overlay_start_0:
0x88: {  	s2 =	sld [smem:$0x3FD9]  }
0x89: {  	s3 =	sld [smem:$0x3FFE];
	_ =	sdelay $0x1  }
0x8a: {  	s1 =	srdreg.scid  }
0x8b: {  	s0 =	sand.u32 $0x1, s1  }
0x8c: {  	s17 =	sshll.u32 s0, $0xA;
	s2 =	sadd.s32 s3, s2  }
0x8d: {  	s2 =	sadd.s32 s2, s17  }
0x8e: {  	[smem:$0x3EFD] =	sst s2  }
0x8f: {  	_ = 	snop  }
0x90: {  	(tm) =	ssettm $0x1  }
0x91: {  	s18 =	sld [smem:$0x3FFB];
	_ =	sdelay $0x3  }
0x92: {  	_ =	strace s18  }
0x93: {  	s2 =	sld [smem:$0x3FFC];
	_ =	sdelay $0x3  }
0x94: {  	_ =	strace s2  }
0x95: {  	s2 =	sld [smem:$0x3FFD];
	_ =	sdelay $0x3  }
0x96: {  	_ =	strace s2  }
0x97: {  	_ =	strace $0x8FFFFFFF  }
0x98: {  	s19 =	sld [smem:$0x3FDB];
	_ =	sdelay $0x1  }
0x99: {  	s20 =	simm.s32 $_scs_section_size  }
0x9a: {  	s4 =	simm.s32 $_size__tile_overlayer_lowered;
	s5 =	simm.s32 $_tile_overlayer_lowered  }
0x9b: {  	s6 =	simm.s32 $0x1BFF;
	s21 =	sshll.u32 s5, $0x1;
	s3 =	sadd.s32 s20, s19  }
0x9c: {  	s22 =	simm.s32 $0x0;
	s4 =	sshll.u32 s4, $0x1;
	s5 =	sadd.s32 s21, s3  }
0x9d: {  	[timem:s22], [sflag:s6] =	dma.local [hbm:s5], s4  }
0x9e: {  	_ =	swait.ge [sflag:s6], s4  }
0x9f: {  	s4 =	ssub.s32 $0x0, s4;
	[sflag:s6] =	ssyncset.done $0x0  }
0xa0: {  	[sflag:s6] =	ssyncadd.s32 s4;
	_ =	sdelay $0x1  }
0xa1: {  	s23 =	simm.s32 $0x1B8B  }
0xa2: {  	_ =	swait.ge [sflag:s23], $0x1  }
0xa3: {  	[sflag:s23] =	ssyncset.done $0x0  }
0xa4: {  	[sflag:s23] =	ssyncadd.s32 $0xFFFFFFFF  }
0xa5: {  	s4 =	sld [smem:$0x0]  }
0xa6: {  	s5 =	sand.u32 $0xFFFFFFFE, s1  }
0xa7: {  	p0 =	sne.s32 s1, s5  }
0xa8: {  	s5 =	sshll.u32 @p0 s5, $0xE  }
0xa9: {  	s5 =	sadd.s32 @p0 $0x11B8D, s5;
	s6 =	sshll.u32 @p0 s4, $0x11  }
0xaa: {  	s5 =	sor.u32 @p0 s6, s5  }
0xab: {  	[sflag:s5] =	ssyncadd.remote.s32 @p0 $0x1;
	_ =	sdelay $0x1  }
0xac: {  	s5 =	simm.s32 @p0 $0x1B8D  }
0xad: {  	_ =	swait.eq @p0 [sflag:s5], $0x1  }
0xae: {  	[sflag:s5] =	ssyncadd.s32 @p0 $0xFFFFFFFF  }
0xaf: {  	s6 =	sshll.u32 @!p0 s1, $0xE  }
0xb0: {  	s6 =	sor.u32 @!p0 $0x4000, s6;
	s5 =	simm.s32 @!p0 $0x1B8D  }
0xb1: {  	s4 =	sshll.u32 @!p0 s4, $0x11;
	s6 =	sadd.s32 @!p0 $0x11B8D, s6;
	_ =	swait.eq @!p0 [sflag:s5], $0x1  }
0xb2: {  	s4 =	sor.u32 @!p0 s4, s6;
	[sflag:s5] =	ssyncadd.s32 @!p0 $0xFFFFFFFF  }
0xb3: {  	s25 =	simm.s32 $0x1B8E;
	s24 =	sld [smem:$0x3FFE];
	[sflag:s4] =	ssyncadd.remote.s32 @!p0 $0x1  }
0xb4: {  	s26 =	simm.s32 $execute0_lowered;
	[smem:$0x3FD2] =	sst s25  }
0xb5: {  	s5 =	sshll.u32 s26, $0x1;
	_ =	strace $0x80000049;
	[dreg:$0x1] =	wrdreg $0xFFFFFFFF  }
0xb6: {  	s28 =	simm.s32 $_size_execute0_lowered;
	s3 =	sadd.s32 s3, s5;
	[dreg:$0x0] =	wrdreg $0x0  }
0xb7: {  	s5 =	sshll.u32 s28, $0x1;
	[dreg:$0x2] =	wrdreg s3  }
0xb8: {  	[dreg:$0x3] =	wrdreg s5  }
0xb9: {  	[dreg:$0x4] =	wrdreg $0xC0  }
0xba: {  	_ =	task [dreg:s22], $0x5FFFF  }
0xbb: {  	[dreg:$0x1] =	wrdreg $0xFFFFFFFF  }
0xbc: {  	[dreg:$0x0] =	wrdreg $0x60  }
0xbd: {  	[dreg:$0x2] =	wrdreg s24  }
0xbe: {  	[dreg:$0x3] =	wrdreg $0x0  }
0xbf: {  	[dreg:$0x4] =	wrdreg $0x9  }
0xc0: {  	_ =	task.clear_ibuf [dreg:s22], $0x5FFFF;
	_ =	strace $0x90000049  }
0xc1: {  	s29 =	simm.s32 $0x9;
	_ =	strace $0x8000004B  }
0xc2: {  	_ =	swait.ge [sflag:s29], $0x1  }
0xc3: {  	[sflag:s29] =	ssyncadd.s32 $0xFFFFFFFF  }
0xc4: {  	_ =	strace $0x9000004B  }
0xc5: {  	_ =	sfence  }
0xc6: {  	s30 =	sld [smem:$0x0];
	_ =	sdelay $0x2  }
0xc7: {  	s31 =	sshll.u32 s1, $0xD;
	s1 =	sshrl.u32 s1, $0x2  }
0xc8: {  	s4 =	sand.u32 $0x4000, s31;
	s1 =	sadd.s32 s1, s30  }
0xc9: {  	s0 =	sor.u32 s4, s0;
	s1 =	sshll.u32 s1, $0x11  }
0xca: {  	s0 =	sor.u32 s1, s0  }
0xcb: {  	s0 =	sadd.s32 $0x8F2B, s0  }
0xcc: {  	[sflag:s0] =	ssyncadd.remote.s32 $0x1  }
0xcd: {  	_ =	sfence.sel $0xFFFF  }
0xce: {  	[dreg:$0x0] =	wrdreg $0xFFFFFFFF;
	(pc) =	sbr.abs _section_cstart, $3  }
0xcf: {  	[dreg:$0x1] =	wrdreg $0xFFFFFFFF  }
0xd0: {  	_ =	task.clear_ibuf [dreg:s22], $0x2FFFF;
	_ =	strace $0x9FFFFFFF  }
0xd1: {  	(tm) =	ssettm $0x7FFFFFFF  }
tec
execute0_lowered:
.L_overlay_start_1:
0x0: {  	(tag) =	ssettag $0x1  }
0x1: {  	s6 =	rddreg [dreg:$0x0];
	s1 =	stileid.u32  }
0x2: {  	s0 =	srdreg.scid;
	s5 =	smul.u32 $0x13C00, s1  }
0x3: {  	s2 =	rddreg [dreg:$0x1];
	s12 =	smul.u32 $0x4E200, s1  }
0x4: {  	s3 =	simm.s32 $0x0;
	s20 =	simm.s32 $0x16100;
	s28 =	smul.u32 $0x25800, s1  }
0x5: {  	s10 =	sand.u32 $0x1, s0;
	[smem:$0x7FF] =	sst s3;
	s17 =	smul.u32 $0x2580, s1  }
0x6: {  	s11 =	sadd.s32 $0x7B2800, s6;
	s9 =	sshll.u32 s1, $0x1;
	s4 =	smul.u32 $0x13C000, s10  }
0x7: {  	s25 =	sshll.u32 s1, $0x6;
	_ =	strace $0x8000004A;
	s18 =	smul.u32 $0x12C0, s10  }
0x8: {  	s8 =	ssub.s32 $0x2, s10;
	s22 =	sor.u32 s10, s9;
	s19 =	smul.u32 $0x12C00, s10  }
0x9: {  	s21 =	sshrl.u32 s8, $0x1;
	s23 =	sshrl.u32 s12, $0x2;
	s24 =	smul.u32 $0x12C0, s22  }
0xa: {  	s9 =	smul.u32 $0x12C00, s22;
	s12 =	sadd.s32 s28, s11;
	s22 =	simm.s32 $0x1  }
0xb: {  	s7 =	sadd.s32 s5, s4;
	s4 =	sadd.s32 $0x6EA00, s6;
	s5 =	sadd.s32 $0x382C00, s6  }
0xc: {  	s14 =	ssub.s32 s8, s21;
	s16 =	sadd.s32 s23, s2;
	s30 =	sadd.s32 s18, s17  }
0xd: {  	s31 =	sadd.s32 s19, s12;
	s18 =	simm.s32 $0x16080;
	s19 =	simm.s32 $0x13880  }
0xe: {  	s21 =	simm.s32 $0x14C80;
	s23 =	simm.s32 $0x28;
	s7 =	sshrl.u32 s7, $0x3  }
0xf: {  	s26 =	sshrl.u32 s24, $0x3;
	s15 =	sadd.s32 $0x1298, s24;
	s8 =	sadd.s32 s11, s9  }
0x10: {  	s17 =	sor.u32 $0x28, s30;
	s12 =	smax.u32 s14, $0x1;
	s14 =	sadd.s32 $0x50, s30  }
0x11: {  	s16 =	sshrl.u32 s16, $0x3;
	s24 =	simm.s32 $0x2;
	s13 =	sadd.s32 s7, s6  }
0x12: {  	s6 =	sor.u32 $0x1C03, s25;
	s7 =	sadd.s32 s4, s26;
	s29 =	sshrl.u32 s15, $0x3  }
0x13: {  	s15 =	sshll.u32 s15, $0x4;
	s17 =	sshrl.u32 s17, $0x3;
	s25 =	simm.s32 $0x0  }
0x14: {  	s9 =	sadd.s32 s4, s29;
	s10 =	sadd.s32 s11, s15;
	s11 =	sadd.s32 $0x3D4400, s13  }
0x15: {  	s13 =	sadd.s32 $0x500, s31;
	s15 =	sadd.s32 s17, s4;
	s17 =	simm.s32 $0x3  }
.LBB2_1:
0x16: {  	[spmem:s16], [sflag:s6] =	dma.local [hbm:s5], $0x2710  }
0x17: {  	_ =	swait.ge [sflag:s17], $0x2710  }
0x18: {  	[sflag:s17] =	ssyncset.done $0x0  }
0x19: {  	[sflag:s17] =	ssyncadd.s32 $0xFFFFD8F0  }
0x1a: {  	[bflag:$0x0] =	sbarrier.arrive $0xFFFF  }
0x1b: {  	[tilespmem:s18], [sflag:$0x1] =	stream.linear.gather [hbm4b:s7+s3], $0x28, $0x38;
	[tilespmem:$0x16180] =	vst v63  }
0x1c: {  	_ = 	snop  }
0x1d: {  	[tilespmem:s19], [sflag:$0x1] =	stream.linear.gather [hbm4b:s8+s3], $0x1400, $0x38;
	[tilespmem:$0x16180] =	vst v63  }
0x1e: {  	s26 =	sadd.s32 $0x0, s15  }
0x1f: {  	[tilespmem:s20], [sflag:$0x2] =	stream.linear.gather [hbm4b:s26+s3], $0x28, $0x38;
	[tilespmem:$0x16180] =	vst v63  }
0x20: {  	s0 =	sadd.s32 $0xFFFFFD80, s13  }
0x21: {  	[tilespmem:s21], [sflag:$0x2] =	stream.linear.gather [hbm4b:s0+s3], $0x1400, $0x38;
	[tilespmem:$0x16180] =	vst v63  }
0x22: {  	_ =	swait.ge [sflag:s22], $0x28  }
0x23: {  	[sflag:s22] =	ssyncset.done $0x0  }
0x24: {  	[sflag:s22] =	ssyncadd.s32 $0xFFFFFFD8  }
0x25: {  	_ =	swait.ge [sflag:s22], $0x1400  }
0x26: {  	[sflag:s22] =	ssyncset.done $0x0  }
0x27: {  	[sflag:s22] =	ssyncadd.s32 $0xFFFFEC00  }
0x28: {  	[spmem:s2] =	stream.indirect.scatter.add.f32 [tilespmem:s19], [sflag:$0x3], $0x80, s18, s23, $0xb8;
	[tilespmem:$0x16180] =	vst v63  }
0x29: {  	_ =	swait.ge [sflag:s17], $0x1400  }
0x2a: {  	s31 =	sshrl.u32 s14, $0x3;
	[sflag:s17] =	ssyncset.done $0x0  }
0x2b: {  	s26 =	sadd.s32 s4, s31;
	[sflag:s17] =	ssyncadd.s32 $0xFFFFEC00  }
0x2c: {  	[tilespmem:s18], [sflag:$0x1] =	stream.linear.gather [hbm4b:s26+s3], $0x28, $0x38;
	[tilespmem:$0x16180] =	vst v63  }
0x2d: {  	_ = 	snop  }
0x2e: {  	[tilespmem:s19], [sflag:$0x1] =	stream.linear.gather [hbm4b:s13+s3], $0x1400, $0x38;
	[tilespmem:$0x16180] =	vst v63  }
0x2f: {  	_ =	swait.ge [sflag:s24], $0x28  }
0x30: {  	[sflag:s24] =	ssyncset.done $0x0  }
0x31: {  	[sflag:s24] =	ssyncadd.s32 $0xFFFFFFD8  }
0x32: {  	_ =	swait.ge [sflag:s24], $0x1400  }
0x33: {  	[sflag:s24] =	ssyncset.done $0x0  }
0x34: {  	[sflag:s24] =	ssyncadd.s32 $0xFFFFEC00  }
0x35: {  	[spmem:s2] =	stream.indirect.scatter.add.f32 [tilespmem:s21], [sflag:$0x3], $0x80, s20, s23, $0xb8;
	[tilespmem:$0x16180] =	vst v63  }
0x36: {  	s29 =	simm.s32 $0xA;
	s30 =	simm.s32 $0x14;
	_ =	swait.ge [sflag:s17], $0x1400  }
0x37: {  	s28 =	sadd.s32 $0x50, s14;
	s26 =	sadd.s32 $0x500, s13;
	[sflag:s17] =	ssyncset.done $0x0  }
.LBB2_2:
0x38: {  	s31 =	sadd.s32 s29, s15  }
0x39: {  	[sflag:s17] =	ssyncadd.s32 $0xFFFFEC00;
	s29 =	smov.u32 s30;
	s0 =	sadd.s32 $0xA, s30  }
0x3a: {  	[tilespmem:s20], [sflag:$0x2] =	stream.linear.gather [hbm4b:s31+s3], $0x28, $0x38;
	[tilespmem:$0x16180] =	vst v63  }
0x3b: {  	p0 =	sne.s32 s30, $0x244;
	s30 =	sadd.s32 $0xFFFFFD80, s26  }
0x3c: {  	[tilespmem:s21], [sflag:$0x2] =	stream.linear.gather [hbm4b:s30+s3], $0x1400, $0x38;
	[tilespmem:$0x16180] =	vst v63  }
0x3d: {  	_ =	swait.ge [sflag:s22], $0x28  }
0x3e: {  	[sflag:s22] =	ssyncset.done $0x0  }
0x3f: {  	[sflag:s22] =	ssyncadd.s32 $0xFFFFFFD8  }
0x40: {  	_ =	swait.ge [sflag:s22], $0x1400  }
0x41: {  	[sflag:s22] =	ssyncset.done $0x0  }
0x42: {  	[sflag:s22] =	ssyncadd.s32 $0xFFFFEC00  }
0x43: {  	[spmem:s2] =	stream.indirect.scatter.add.f32 [tilespmem:s19], [sflag:$0x3], $0x80, s18, s23, $0xb8;
	[tilespmem:$0x16180] =	vst v63  }
0x44: {  	_ =	swait.ge [sflag:s17], $0x1400  }
0x45: {  	s30 =	sshrl.u32 s28, $0x3;
	[sflag:s17] =	ssyncset.done $0x0  }
0x46: {  	s30 =	sadd.s32 s4, s30;
	[sflag:s17] =	ssyncadd.s32 $0xFFFFEC00  }
0x47: {  	[tilespmem:s18], [sflag:$0x1] =	stream.linear.gather [hbm4b:s30+s3], $0x28, $0x38;
	[tilespmem:$0x16180] =	vst v63  }
0x48: {  	_ = 	snop  }
0x49: {  	[tilespmem:s19], [sflag:$0x1] =	stream.linear.gather [hbm4b:s26+s3], $0x1400, $0x38;
	[tilespmem:$0x16180] =	vst v63  }
0x4a: {  	_ =	swait.ge [sflag:s24], $0x28  }
0x4b: {  	[sflag:s24] =	ssyncset.done $0x0  }
0x4c: {  	[sflag:s24] =	ssyncadd.s32 $0xFFFFFFD8  }
0x4d: {  	_ =	swait.ge [sflag:s24], $0x1400  }
.Ltmp0:
0x4e: {  	[sflag:s24] =	ssyncset.done $0x0;
	(pc) =	sbr.rel @p0 .LBB2_2-.Ltmp0, $4  }
0x4f: {  	[sflag:s24] =	ssyncadd.s32 $0xFFFFEC00  }
0x50: {  	[spmem:s2] =	stream.indirect.scatter.add.f32 [tilespmem:s21], [sflag:$0x3], $0x80, s20, s23, $0xb8;
	[tilespmem:$0x16180] =	vst v63  }
0x51: {  	s28 =	sadd.s32 $0x50, s28;
	_ =	swait.ge [sflag:s17], $0x1400  }
0x52: {  	s30 =	smov.u32 s0;
	s26 =	sadd.s32 $0x500, s26;
	[sflag:s17] =	ssyncset.done $0x0  }
0x53: {  	s0 =	sadd.s32 s29, s15;
	[sflag:s17] =	ssyncadd.s32 $0xFFFFEC00  }
0x54: {  	[tilespmem:s20], [sflag:$0x2] =	stream.linear.gather [hbm4b:s0+s3], $0x28, $0x38;
	[tilespmem:$0x16180] =	vst v63  }
0x55: {  	s30 =	sadd.s32 $0xFFFFFD80, s26  }
0x56: {  	[tilespmem:s21], [sflag:$0x2] =	stream.linear.gather [hbm4b:s30+s3], $0x1400, $0x38;
	[tilespmem:$0x16180] =	vst v63  }
0x57: {  	_ =	swait.ge [sflag:s22], $0x28  }
0x58: {  	[sflag:s22] =	ssyncset.done $0x0  }
0x59: {  	[sflag:s22] =	ssyncadd.s32 $0xFFFFFFD8  }
0x5a: {  	_ =	swait.ge [sflag:s22], $0x1400  }
0x5b: {  	[sflag:s22] =	ssyncset.done $0x0  }
0x5c: {  	[sflag:s22] =	ssyncadd.s32 $0xFFFFEC00  }
0x5d: {  	[spmem:s2] =	stream.indirect.scatter.add.f32 [tilespmem:s19], [sflag:$0x3], $0x80, s18, s23, $0xb8;
	[tilespmem:$0x16180] =	vst v63  }
0x5e: {  	_ =	swait.ge [sflag:s17], $0x1400  }
0x5f: {  	s31 =	sshrl.u32 s28, $0x3;
	[sflag:s17] =	ssyncset.done $0x0  }
0x60: {  	s0 =	sadd.s32 s4, s31;
	[sflag:s17] =	ssyncadd.s32 $0xFFFFEC00  }
0x61: {  	[tilespmem:s18], [sflag:$0x1] =	stream.linear.gather [hbm4b:s0+s3], $0x28, $0x38;
	[tilespmem:$0x16180] =	vst v63  }
0x62: {  	_ = 	snop  }
0x63: {  	[tilespmem:s19], [sflag:$0x1] =	stream.linear.gather [hbm4b:s26+s3], $0x1400, $0x38;
	[tilespmem:$0x16180] =	vst v63  }
0x64: {  	_ =	swait.ge [sflag:s24], $0x28  }
0x65: {  	[sflag:s24] =	ssyncset.done $0x0  }
0x66: {  	[sflag:s24] =	ssyncadd.s32 $0xFFFFFFD8  }
0x67: {  	_ =	swait.ge [sflag:s24], $0x1400  }
0x68: {  	[sflag:s24] =	ssyncset.done $0x0  }
0x69: {  	[sflag:s24] =	ssyncadd.s32 $0xFFFFEC00  }
0x6a: {  	[spmem:s2] =	stream.indirect.scatter.add.f32 [tilespmem:s21], [sflag:$0x3], $0x80, s20, s23, $0xb8;
	[tilespmem:$0x16180] =	vst v63  }
0x6b: {  	_ =	swait.ge [sflag:s17], $0x1400  }
0x6c: {  	[sflag:s17] =	ssyncset.done $0x0  }
0x6d: {  	[sflag:s17] =	ssyncadd.s32 $0xFFFFEC00  }
0x6e: {  	[tilespmem:s20], [sflag:$0x2] =	stream.linear.gather [hbm4b:s9+s3], $0x28, $0x38;
	[tilespmem:$0x16180] =	vst v63  }
0x6f: {  	_ = 	snop  }
0x70: {  	[tilespmem:s21], [sflag:$0x2] =	stream.linear.gather [hbm4b:s10+s3], $0x1400, $0x38;
	[tilespmem:$0x16180] =	vst v63  }
0x71: {  	_ =	swait.ge [sflag:s22], $0x28  }
0x72: {  	[sflag:s22] =	ssyncset.done $0x0  }
0x73: {  	[sflag:s22] =	ssyncadd.s32 $0xFFFFFFD8  }
0x74: {  	_ =	swait.ge [sflag:s22], $0x1400  }
0x75: {  	[sflag:s22] =	ssyncset.done $0x0  }
0x76: {  	[sflag:s22] =	ssyncadd.s32 $0xFFFFEC00  }
0x77: {  	[spmem:s2] =	stream.indirect.scatter.add.f32 [tilespmem:s19], [sflag:$0x3], $0x80, s18, s23, $0xb8;
	[tilespmem:$0x16180] =	vst v63  }
0x78: {  	_ =	swait.ge [sflag:s17], $0x1400  }
0x79: {  	[sflag:s17] =	ssyncset.done $0x0  }
0x7a: {  	[sflag:s17] =	ssyncadd.s32 $0xFFFFEC00  }
0x7b: {  	_ =	swait.ge [sflag:s24], $0x28  }
0x7c: {  	[sflag:s24] =	ssyncset.done $0x0  }
0x7d: {  	[sflag:s24] =	ssyncadd.s32 $0xFFFFFFD8  }
0x7e: {  	_ =	swait.ge [sflag:s24], $0x1400  }
0x7f: {  	[sflag:s24] =	ssyncset.done $0x0  }
0x80: {  	[sflag:s24] =	ssyncadd.s32 $0xFFFFEC00  }
0x81: {  	[spmem:s2] =	stream.indirect.scatter.add.f32 [tilespmem:s21], [sflag:$0x3], $0x80, s20, s23, $0xb8;
	[tilespmem:$0x16180] =	vst v63  }
0x82: {  	_ =	swait.ge [sflag:s17], $0x1400  }
0x83: {  	s25 =	sadd.s32 $0x1, s25;
	[sflag:s17] =	ssyncset.done $0x0  }
0x84: {  	p0 =	sne.s32 s25, s12;
	[sflag:s17] =	ssyncadd.s32 $0xFFFFEC00  }
.Ltmp1:
0x85: {  	[bflag:$0x0] =	sbarrier.arrive $0xFFFF;
	(pc) =	sbr.rel @p0 .LBB2_1-.Ltmp1, $4  }
0x86: {  	[hbm:s11], [sflag:s6] =	dma.local [spmem:s16], $0x2710  }
0x87: {  	_ =	swait.ge [sflag:s17], $0x2710  }
0x88: {  	[sflag:s17] =	ssyncset.done $0x0  }
0x89: {  	[sflag:s17] =	ssyncadd.s32 $0xFFFFD8F0  }
0x8a: {  	_ =	sfence.sel $0x180000  }
0x8b: {  	[bflag:$0x0] =	sbarrier.arrive $0xFFFF  }
0x8c: {  	_ =	strace $0x9000004A  }
0x8d: {  	[bflag:$0x2] =	sbarrier.arrive $0xFFFF  }
0x8e: {  	p0 =	sne.s32 s1, $0x0;
	s0 =	rddreg [dreg:$0x2]  }
0x8f: {  	s0 =	sadd.s32 @!p0 $0x100000, s0  }
0x90: {  	[sflag:s0] =	ssyncadd.tile.s32 @!p0 $0x1;
	_ =	shalt  }
.Lfunc_end2:
_tile_overlayer_lowered:
.L_overlay_start_2:
0x91: {  	(tag) =	ssettag $0x2  }
0x92: {  	s0 =	rddreg [dreg:$0x0];
	s2 =	stileid.u32  }
0x93: {  	s1 =	rddreg [dreg:$0x1];
	p0 =	sne.s32 s2, $0x0  }
0x94: {  	s3 =	rddreg [dreg:$0x2];
	[bflag:$0x3] =	sbarrier.arrive $0xFFFF;
	s2 =	simm.s32 @!p0 $0x1C03  }
0x95: {  	[timem:s3], [sflag:s2] =	dma.local @!p0 [hbm:s0], s1  }
0x96: {  	s0 =	simm.s32 @!p0 $0x3  }
0x97: {  	_ =	swait.ge @!p0 [sflag:s0], s1  }
0x98: {  	s1 =	ssub.s32 @!p0 $0x0, s1;
	[sflag:s0] =	ssyncset.done @!p0 $0x0  }
0x99: {  	[sflag:s0] =	ssyncadd.s32 @!p0 s1  }
0x9a: {  	[bflag:$0x3] =	sbarrier.arrive $0xFFFF  }
0x9b: {  	_ =	shalt  }

// kernel: closed_call.36.cloned.1.call-start
scs
__scs_entry_jumppad:
0x0: {  	(pc) =	sbr.rel $0x88, $3  }
0x1: {  	(tag) =	ssettag $0x0;
	lr =	simm.s32 $0x1  }
0x2: {  	[smem:$0x3ED6] =	sst lr;
	_ =	strace $0xD0000000  }
0x3: {  	_ = 	snop  }
0x4: {  	_ = 	snop  }
0x5: {  	_ = 	snop  }
0x6: {  	_ = 	snop  }
0x7: {  	_ = 	snop  }
__scs_overlays_trampoline_lowered:
0x8: {  	[smem:$0x3EE5] =	sst s0  }
0x9: {  	[smem:$0x3EE6] =	sst s1  }
0xa: {  	[smem:$0x3EE7] =	sst s2  }
0xb: {  	[smem:$0x3EE8] =	sst s3  }
0xc: {  	[smem:$0x3EE9] =	sst s4  }
0xd: {  	[smem:$0x3EEA] =	sst s5  }
0xe: {  	[smem:$0x3EEB] =	sst s6  }
0xf: {  	[smem:$0x3EEC] =	sst s7  }
0x10: {  	[smem:$0x3EED] =	sst s8  }
0x11: {  	[smem:$0x3EEE] =	sst s9;
	s0 =	simm.s32 @!p0 $0x0  }
0x12: {  	s1 =	sld [smem:$0x3ED4];
	s0 =	simm.s32 @p0 $0x1  }
0x13: {  	[smem:$0x3EEF] =	sst s0;
	s0 =	simm.s32 @!p1 $0x0  }
0x14: {  	s2 =	sld [smem:$0x3ED3];
	s0 =	simm.s32 @p1 $0x1  }
0x15: {  	[smem:$0x3EF0] =	sst s0;
	s0 =	simm.s32 @!p2 $0x0  }
0x16: {  	s3 =	sld [smem:$0x3FDB];
	s0 =	simm.s32 @p2 $0x1  }
0x17: {  	s4 =	simm.s32 $0x1BF5;
	[smem:$0x3EF2] =	sst s0  }
0x18: {  	s0 =	sld [smem:$0x3ED5];
	_ =	swait.ge [sflag:s4], $0x0  }
0x19: {  	s7 =	sld [smem:$0x3ED6]  }
0x1a: {  	s8 =	sadd.s32 $0xFFFFE003, lr  }
0x1b: {  	s9 =	sadd.s32 $0xFFFFFEF7, lr;
	s5 =	simm.s32 $0xFFFFFFFF;
	p2 =	slt.u32 s8, $0xFFFFF086  }
0x1c: {  	p1 =	slt.u32 s9, $0xF7A;
	s5 =	simm.s32 @!p2 $0x0  }
0x1d: {  	s5 =	simm.s32 @p1 $0x1;
	p0 =	seq.s32 s7, s2  }
0x1e: {  	s7 =	smul.u32 @!p0 $0xF7A, s2;
	p2 =	seq.s32 @!p0 s5, $0x0  }
0x1f: {  	s9 =	smul.u32 $0xF7A, s1;
	s8 =	simm.s32 @!p0 $0x1BF5;
	p2 =	por !p2, p0  }
0x20: {  	[sflag:s8] =	ssyncset.s32 @!p0 $0xFFFFF086;
	s6 =	sadd.s32 @!p0 s3, s7;
	s7 =	simm.s32 @!p0 $0x108  }
0x21: {  	s3 =	sadd.s32 s3, s9;
	s6 =	sadd.s32 @!p0 $0x88, s6;
	s7 =	simm.s32 @p2 $0x1082  }
0x22: {  	[simem:s7], [sflag:s8] =	dma.local @!p0 [hbm:s6], $0xF7A  }
0x23: {  	s9 =	sor.u32 $0xD0000000, s2;
	s6 =	simm.s32 $0x108;
	_ =	swait.ge @!p0 [sflag:s8], $0x0  }
0x24: {  	s3 =	sadd.s32 $0x88, s3;
	s6 =	simm.s32 @!p1 $0x1082;
	[sflag:s4] =	ssyncset.s32 $0xFFFFF086  }
0x25: {  	[simem:s6], [sflag:s4] =	dma.local [hbm:s3], $0xF7A  }
0x26: {  	[smem:$0x3ED6] =	sst s1;
	(tag) =	ssettag s2;
	_ =	strace s9  }
0x27: {  	s1 =	sld [smem:$0x3EE6]  }
0x28: {  	s2 =	sld [smem:$0x3EE7]  }
0x29: {  	s4 =	sld [smem:$0x3EE9]  }
0x2a: {  	p0 =	seq.s32 s5, $0x0;
	s5 =	sld [smem:$0x3EEA]  }
0x2b: {  	s6 =	sld [smem:$0x3EEB]  }
0x2c: {  	s7 =	sld [smem:$0x3EEC]  }
0x2d: {  	s3 =	simm.s32 $0x108;
	s8 =	sld [smem:$0x3EED]  }
0x2e: {  	s3 =	simm.s32 @!p0 $0x1082;
	s9 =	sld [smem:$0x3EEE]  }
0x2f: {  	lr =	sadd.s32 s0, s3;
	s0 =	sld [smem:$0x3EE5]  }
0x30: {  	s3 =	sld [smem:$0x3EE8]  }
0x31: {  	[smem:$0x3EF1] =	sst s10  }
0x32: {  	s10 =	sld [smem:$0x3EEF];
	_ =	sdelay $0x3  }
0x33: {  	p0 =	seq.s32 s10, $0x1;
	s10 =	sld [smem:$0x3EF1];
	_ =	sdelay $0x3  }
0x34: {  	[smem:$0x3EF1] =	sst s10  }
0x35: {  	s10 =	sld [smem:$0x3EF0];
	_ =	sdelay $0x3  }
0x36: {  	p1 =	seq.s32 s10, $0x1;
	s10 =	sld [smem:$0x3EF1];
	_ =	sdelay $0x3  }
0x37: {  	[smem:$0x3EF1] =	sst s10  }
0x38: {  	s10 =	sld [smem:$0x3EF2]  }
0x39: {  	_ = 	snop;
	(pc) =	sbr.ind lr, $3  }
0x3a: {  	_ = 	snop  }
0x3b: {  	_ = 	snop  }
0x3c: {  	p2 =	seq.s32 s10, $0x1;
	s10 =	sld [smem:$0x3EF1]  }
0x3d: {  	_ =	shalt  }
0x3e: {  	_ =	shalt  }
0x3f: {  	_ =	shalt  }
0x40: {  	_ =	shalt  }
0x41: {  	_ =	shalt  }
0x42: {  	_ =	shalt  }
0x43: {  	_ =	shalt  }
0x44: {  	_ =	shalt  }
0x45: {  	_ =	shalt  }
0x46: {  	_ =	shalt  }
0x47: {  	_ =	shalt  }
0x48: {  	_ =	shalt  }
0x49: {  	_ =	shalt  }
0x4a: {  	_ =	shalt  }
0x4b: {  	_ =	shalt  }
0x4c: {  	_ =	shalt  }
0x4d: {  	_ =	shalt  }
0x4e: {  	_ =	shalt  }
0x4f: {  	_ =	shalt  }
0x50: {  	_ =	shalt  }
0x51: {  	_ =	shalt  }
0x52: {  	_ =	shalt  }
0x53: {  	_ =	shalt  }
0x54: {  	_ =	shalt  }
0x55: {  	_ =	shalt  }
0x56: {  	_ =	shalt  }
0x57: {  	_ =	shalt  }
0x58: {  	_ =	shalt  }
0x59: {  	_ =	shalt  }
0x5a: {  	_ =	shalt  }
0x5b: {  	_ =	shalt  }
0x5c: {  	_ =	shalt  }
0x5d: {  	_ =	shalt  }
0x5e: {  	_ =	shalt  }
0x5f: {  	_ =	shalt  }
0x60: {  	_ =	shalt  }
0x61: {  	_ =	shalt  }
0x62: {  	_ =	shalt  }
0x63: {  	_ =	shalt  }
0x64: {  	_ =	shalt  }
0x65: {  	_ =	shalt  }
0x66: {  	_ =	shalt  }
0x67: {  	_ =	shalt  }
0x68: {  	_ =	shalt  }
0x69: {  	_ =	shalt  }
0x6a: {  	_ =	shalt  }
0x6b: {  	_ =	shalt  }
0x6c: {  	_ =	shalt  }
0x6d: {  	_ =	shalt  }
0x6e: {  	_ =	shalt  }
0x6f: {  	_ =	shalt  }
0x70: {  	_ =	shalt  }
0x71: {  	_ =	shalt  }
0x72: {  	_ =	shalt  }
0x73: {  	_ =	shalt  }
0x74: {  	_ =	shalt  }
0x75: {  	_ =	shalt  }
0x76: {  	_ =	shalt  }
0x77: {  	_ =	shalt  }
0x78: {  	_ =	shalt  }
0x79: {  	_ =	shalt  }
0x7a: {  	_ =	shalt  }
0x7b: {  	_ =	shalt  }
0x7c: {  	_ =	shalt  }
0x7d: {  	_ =	shalt  }
0x7e: {  	_ =	shalt  }
0x7f: {  	_ =	shalt  }
0x80: {  	_ =	shalt  }
0x81: {  	_ =	shalt  }
0x82: {  	_ =	shalt  }
0x83: {  	_ =	shalt  }
0x84: {  	_ =	shalt  }
0x85: {  	_ =	shalt  }
0x86: {  	_ =	shalt  }
0x87: {  	_ =	shalt  }
.Lfunc_end0:
.L_simem_size_0:
called_computation.2_lowered:
.L_overlay_start_0:
0x88: {  	s2 =	sld [smem:$0x3FD9]  }
0x89: {  	s3 =	sld [smem:$0x3FFE];
	_ =	sdelay $0x1  }
0x8a: {  	s1 =	srdreg.scid  }
0x8b: {  	s0 =	sand.u32 $0x1, s1  }
0x8c: {  	s16 =	sshll.u32 s0, $0xA;
	s2 =	sadd.s32 s3, s2  }
0x8d: {  	s2 =	sadd.s32 s2, s16  }
0x8e: {  	[smem:$0x3EFD] =	sst s2  }
0x8f: {  	_ = 	snop  }
0x90: {  	(tm) =	ssettm $0x1  }
0x91: {  	s17 =	sld [smem:$0x3FFB];
	_ =	sdelay $0x3  }
0x92: {  	_ =	strace s17  }
0x93: {  	s2 =	sld [smem:$0x3FFC];
	_ =	sdelay $0x3  }
0x94: {  	_ =	strace s2  }
0x95: {  	s2 =	sld [smem:$0x3FFD];
	_ =	sdelay $0x3  }
0x96: {  	_ =	strace s2  }
0x97: {  	_ =	strace $0x8FFFFFFF  }
0x98: {  	s18 =	sld [smem:$0x3FDB];
	_ =	sdelay $0x1  }
0x99: {  	s19 =	simm.s32 $_scs_section_size  }
0x9a: {  	s4 =	simm.s32 $_size__tile_overlayer_lowered;
	s5 =	simm.s32 $_tile_overlayer_lowered  }
0x9b: {  	s22 =	simm.s32 $0x1BFF;
	s21 =	sshll.u32 s5, $0x1;
	s2 =	sadd.s32 s19, s18  }
0x9c: {  	s6 =	simm.s32 $0x0;
	s20 =	sshll.u32 s4, $0x1;
	s4 =	sadd.s32 s21, s2  }
0x9d: {  	[timem:s6], [sflag:s22] =	dma.local [hbm:s4], s20  }
0x9e: {  	_ =	swait.ge [sflag:s22], s20  }
0x9f: {  	s3 =	ssub.s32 $0x0, s20;
	[sflag:s22] =	ssyncset.done $0x0  }
0xa0: {  	[sflag:s22] =	ssyncadd.s32 s3;
	_ =	sdelay $0x1  }
0xa1: {  	s23 =	simm.s32 $0x1B8B  }
0xa2: {  	_ =	swait.ge [sflag:s23], $0x1  }
0xa3: {  	[sflag:s23] =	ssyncset.done $0x0  }
0xa4: {  	s25 =	simm.s32 $0x1B8E;
	s24 =	sld [smem:$0x3FFE];
	[sflag:s23] =	ssyncadd.s32 $0xFFFFFFFF  }
0xa5: {  	s26 =	simm.s32 $execute0_lowered;
	[smem:$0x3FD2] =	sst s25  }
0xa6: {  	s4 =	sshll.u32 s26, $0x1;
	_ =	strace $0x8000004C;
	[dreg:$0x1] =	wrdreg $0xFFFFFFFF  }
0xa7: {  	s28 =	simm.s32 $_size_execute0_lowered;
	s2 =	sadd.s32 s2, s4;
	[dreg:$0x0] =	wrdreg $0x0  }
0xa8: {  	s4 =	sshll.u32 s28, $0x1;
	[dreg:$0x2] =	wrdreg s2  }
0xa9: {  	[dreg:$0x3] =	wrdreg s4  }
0xaa: {  	[dreg:$0x4] =	wrdreg $0xC0  }
0xab: {  	_ =	task [dreg:s6], $0x5FFFF  }
0xac: {  	[dreg:$0x1] =	wrdreg $0xFFFFFFFF  }
0xad: {  	[dreg:$0x0] =	wrdreg $0x60  }
0xae: {  	[dreg:$0x2] =	wrdreg s24  }
0xaf: {  	[dreg:$0x3] =	wrdreg $0xA  }
0xb0: {  	_ =	task.clear_ibuf [dreg:s6], $0x4FFFF;
	_ =	strace $0x9000004C  }
0xb1: {  	s29 =	simm.s32 $0xA;
	_ =	strace $0x8000004E  }
0xb2: {  	_ =	swait.ge [sflag:s29], $0x1  }
0xb3: {  	[sflag:s29] =	ssyncadd.s32 $0xFFFFFFFF  }
0xb4: {  	_ =	strace $0x9000004E  }
0xb5: {  	_ =	sfence  }
0xb6: {  	s30 =	sld [smem:$0x0];
	_ =	sdelay $0x2  }
0xb7: {  	s31 =	sshll.u32 s1, $0xD;
	s1 =	sshrl.u32 s1, $0x2  }
0xb8: {  	s3 =	sand.u32 $0x4000, s31;
	s1 =	sadd.s32 s1, s30  }
0xb9: {  	s0 =	sor.u32 s3, s0;
	s1 =	sshll.u32 s1, $0x11  }
0xba: {  	s0 =	sor.u32 s1, s0  }
0xbb: {  	s0 =	sadd.s32 $0x8F2B, s0  }
0xbc: {  	[sflag:s0] =	ssyncadd.remote.s32 $0x1  }
0xbd: {  	_ =	sfence.sel $0xFFFF  }
0xbe: {  	[dreg:$0x0] =	wrdreg $0xFFFFFFFF;
	(pc) =	sbr.abs _section_cstart, $3  }
0xbf: {  	[dreg:$0x1] =	wrdreg $0xFFFFFFFF  }
0xc0: {  	_ =	task.clear_ibuf [dreg:s6], $0x2FFFF;
	_ =	strace $0x9FFFFFFF  }
0xc1: {  	(tm) =	ssettm $0x7FFFFFFF  }
tec
execute0_lowered:
.L_overlay_start_1:
0x0: {  	(tag) =	ssettag $0x1  }
0x1: {  	s0 =	rddreg [dreg:$0x0]  }
0x2: {  	s2 =	simm.s32 $0x0;
	s1 =	srdreg.scid;
	s3 =	stileid.u32  }
0x3: {  	s18 =	simm.s32 $0x5;
	s19 =	simm.s32 $0x200;
	s20 =	simm.s32 $0xC8  }
0x4: {  	s21 =	simm.s32 $0x400;
	s28 =	simm.s32 $0x13000;
	s29 =	simm.s32 $0x2  }
0x5: {  	s30 =	simm.s32 $0x3;
	s31 =	simm.s32 $0x4;
	[smem:$0x7FF] =	sst s2  }
0x6: {  	s1 =	sand.u32 $0x1, s1;
	s5 =	sshll.u32 s3, $0x1;
	s3 =	sadd.s32 $0xA9A00, s0  }
0x7: {  	s4 =	sadd.s32 $0xD0C00, s0;
	s6 =	sadd.s32 $0x6EA00, s0;
	s8 =	sor.u32 s1, s5  }
0x8: {  	s7 =	sadd.s32 $0xF7E00, s0;
	s1 =	ssub.s32 $0x2, s1;
	s9 =	smul.u32 $0x1450, s8  }
0x9: {  	_ =	strace $0x8000004D;
	s22 =	sshrl.u32 s1, $0x1;
	s10 =	smul.u32 $0x14500, s8  }
0xa: {  	s5 =	sadd.s32 $0x78800, s0;
	s8 =	smul.u32 $0xA2800, s8;
	s0 =	ssub.s32 s1, s22  }
0xb: {  	s22 =	simm.s32 $0xCC00;
	s23 =	sshrl.u32 s9, $0x3;
	s11 =	sadd.s32 $0x258C8, s9  }
0xc: {  	s10 =	sadd.s32 s7, s10;
	s8 =	sshrl.u32 s8, $0x3;
	s13 =	sadd.s32 $0xC8, s9  }
0xd: {  	s14 =	sadd.s32 $0x190, s9;
	s15 =	sadd.s32 $0x25A58, s9;
	s17 =	smax.u32 s0, $0x1  }
0xe: {  	s0 =	simm.s32 $0x0;
	s1 =	sadd.s32 $0x4B00, s23;
	s24 =	sshrl.u32 s11, $0x3  }
0xf: {  	[dreg:$0x4] =	wrdreg s10;
	s26 =	sadd.s32 s7, s8;
	s12 =	sadd.s32 s5, s1  }
0x10: {  	s23 =	simm.s32 $0x1;
	s1 =	sadd.s32 s6, s1;
	[dreg:$0x2] =	wrdreg s12  }
0x11: {  	s25 =	sadd.s32 s5, s24;
	s16 =	sadd.s32 $0x13880, s26;
	[dreg:$0x3] =	wrdreg s1  }
0x12: {  	s26 =	simm.s32 $0x6800;
	[dreg:$0x5] =	wrdreg s25;
	s1 =	sadd.s32 s6, s24  }
0x13: {  	s24 =	simm.s32 $0x100;
	s25 =	simm.s32 $0x300;
	[dreg:$0x6] =	wrdreg s1  }
.LBB2_1:
0x14: {  	s1 =	rddreg [dreg:$0x2]  }
0x15: {  	[tilespmem:s2], [sflag:$0x5] =	stream.linear.gather [hbm4b:s1+s2], $0xC8, $0x38;
	[tilespmem:$0x19400] =	vst v63  }
0x16: {  	_ =	swait.ge [sflag:s18], $0xC8  }
0x17: {  	[sflag:s18] =	ssyncset.done $0x0  }
0x18: {  	s12 =	rddreg [dreg:$0x3];
	[sflag:s18] =	ssyncadd.s32 $0xFFFFFF38  }
0x19: {  	[tilespmem:s19], [sflag:$0x5] =	stream.linear.gather [hbm4b:s12+s2], $0xC8, $0x38;
	[tilespmem:$0x19400] =	vst v63  }
0x1a: {  	_ =	swait.ge [sflag:s18], $0xC8  }
0x1b: {  	[sflag:s18] =	ssyncset.done $0x0  }
0x1c: {  	[sflag:s18] =	ssyncadd.s32 $0xFFFFFF38  }
0x1d: {  	[tilespmem:s21], [sflag:$0x1] =	stream.indirect.gather [hbm4b:s3+s20], $0x80, s2, s20, $0xb8;
	[tilespmem:$0x19400] =	vst v63  }
0x1e: {  	_ = 	snop  }
0x1f: {  	[tilespmem:s22], [sflag:$0x1] =	stream.indirect.gather [hbm4b:s4+s20], $0x80, s19, s20, $0xb8;
	[tilespmem:$0x19400] =	vst v63  }
0x20: {  	_ =	swait.ge [sflag:s23], $0x6400  }
0x21: {  	[sflag:s23] =	ssyncset.done $0x0  }
0x22: {  	[sflag:s23] =	ssyncadd.s32 $0xFFFF9C00  }
0x23: {  	_ =	swait.ge [sflag:s23], $0x6400  }
0x24: {  	[sflag:s23] =	ssyncset.done $0x0  }
0x25: {  	s1 =	simm.s32 $0x0;
	[sflag:s23] =	ssyncadd.s32 $0xFFFF9C00  }
0x26: {  	v7 =	vld [tilespmem:s1+$0xCC00]  }
0x27: {  	v11 =	vld [tilespmem:s1+$0xCC10]  }
0x28: {  	v5 =	vld [tilespmem:s1+$0xCC20]  }
0x29: {  	v4 =	vld [tilespmem:s1+$0xCC30]  }
0x2a: {  	v3 =	vld [tilespmem:s1+$0xCC40]  }
0x2b: {  	v2 =	vld [tilespmem:s1+$0xCC50]  }
0x2c: {  	v1 =	vld [tilespmem:s1+$0xCC60]  }
0x2d: {  	v0 =	vld [tilespmem:s1+$0xCC70]  }
0x2e: {  	v12 =	vld [tilespmem:s1+$0x400]  }
0x2f: {  	v13 =	vld [tilespmem:s1+$0x410]  }
0x30: {  	v10 =	vld [tilespmem:s1+$0x420]  }
0x31: {  	v9 =	vld [tilespmem:s1+$0x430]  }
0x32: {  	v8 =	vld [tilespmem:s1+$0x440]  }
0x33: {  	v6 =	vld [tilespmem:s1+$0x450];
	v12 =	vadd.f32 v7, v12  }
0x34: {  	s8 =	simm.s32 $0x200;
	v11 =	vadd.f32 v11, v13;
	v7 =	vld [tilespmem:s1+$0x460]  }
.LBB2_2:
0x35: {  	s9 =	sshra.s32 s8, $0x2;
	p0 =	sne.s32 s8, $0x18E00;
	[tilespmem:s1+$0x400] =	vst v12;
	v5 =	vadd.f32 v5, v10;
	v10 =	vld [tilespmem:s1+$0x470]  }
0x36: {  	v12 =	vld [tilespmem:s9+$0xCC00];
	[tilespmem:s1+$0x410] =	vst v11;
	v4 =	vadd.f32 v4, v9  }
0x37: {  	v11 =	vld [tilespmem:s9+$0xCC10];
	[tilespmem:s1+$0x420] =	vst v5;
	v3 =	vadd.f32 v3, v8  }
0x38: {  	v5 =	vld [tilespmem:s9+$0xCC20];
	[tilespmem:s1+$0x430] =	vst v4;
	v2 =	vadd.f32 v2, v6  }
0x39: {  	v4 =	vld [tilespmem:s9+$0xCC30];
	[tilespmem:s1+$0x440] =	vst v3;
	v1 =	vadd.f32 v1, v7  }
0x3a: {  	v3 =	vld [tilespmem:s9+$0xCC40];
	[tilespmem:s1+$0x450] =	vst v2;
	v0 =	vadd.f32 v0, v10  }
0x3b: {  	v2 =	vld [tilespmem:s9+$0xCC50];
	[tilespmem:s1+$0x460] =	vst v1  }
0x3c: {  	v1 =	vld [tilespmem:s9+$0xCC60];
	[tilespmem:s1+$0x470] =	vst v0;
	s1 =	smov.u32 s9  }
0x3d: {  	v0 =	vld [tilespmem:s1+$0xCC70]  }
0x3e: {  	v6 =	vld [tilespmem:s1+$0x400]  }
0x3f: {  	v7 =	vld [tilespmem:s1+$0x410]  }
.Ltmp0:
0x40: {  	v10 =	vld [tilespmem:s1+$0x420];
	(pc) =	sbr.rel @p0 .LBB2_2-.Ltmp0, $4  }
0x41: {  	v9 =	vld [tilespmem:s1+$0x430]  }
0x42: {  	v8 =	vld [tilespmem:s1+$0x440]  }
0x43: {  	v12 =	vadd.f32 v12, v6;
	v6 =	vld [tilespmem:s1+$0x450]  }
0x44: {  	s8 =	sadd.s32 $0x200, s8;
	v11 =	vadd.f32 v11, v7;
	v7 =	vld [tilespmem:s1+$0x460]  }
0x45: {  	[tilespmem:s1+$0x400] =	vst v12;
	v5 =	vadd.f32 v5, v10;
	v63 =	vld [tilespmem:s1+$0x470]  }
0x46: {  	[tilespmem:s1+$0x410] =	vst v11;
	v4 =	vadd.f32 v4, v9  }
0x47: {  	[tilespmem:s1+$0x420] =	vst v5;
	v3 =	vadd.f32 v3, v8  }
0x48: {  	[tilespmem:s1+$0x430] =	vst v4;
	v2 =	vadd.f32 v2, v6  }
0x49: {  	[tilespmem:s1+$0x440] =	vst v3;
	v1 =	vadd.f32 v1, v7  }
0x4a: {  	[tilespmem:s1+$0x450] =	vst v2;
	v0 =	vadd.f32 v0, v63  }
0x4b: {  	[tilespmem:s1+$0x460] =	vst v1  }
0x4c: {  	s8 =	rddreg [dreg:$0x4];
	[tilespmem:s1+$0x470] =	vst v0;
	s1 =	simm.s32 $0x0  }
0x4d: {  	[hbm4b:s8+s1] =	stream.linear.scatter [tilespmem:s21], [sflag:$0x3], $0x6400, $0x38;
	[tilespmem:$0x19400] =	vst v63  }
0x4e: {  	s11 =	rddreg [dreg:$0x5]  }
0x4f: {  	[tilespmem:s24], [sflag:$0x5] =	stream.linear.gather [hbm4b:s11+s1], $0xC8, $0x38;
	[tilespmem:$0x19400] =	vst v63  }
0x50: {  	_ =	swait.ge [sflag:s18], $0xC8  }
0x51: {  	[sflag:s18] =	ssyncset.done $0x0  }
0x52: {  	s12 =	rddreg [dreg:$0x6];
	[sflag:s18] =	ssyncadd.s32 $0xFFFFFF38  }
0x53: {  	[tilespmem:s25], [sflag:$0x5] =	stream.linear.gather [hbm4b:s12+s1], $0xC8, $0x38;
	[tilespmem:$0x19400] =	vst v63  }
0x54: {  	_ =	swait.ge [sflag:s18], $0xC8  }
0x55: {  	[sflag:s18] =	ssyncset.done $0x0  }
0x56: {  	[sflag:s18] =	ssyncadd.s32 $0xFFFFFF38  }
0x57: {  	[tilespmem:s26], [sflag:$0x2] =	stream.indirect.gather [hbm4b:s3+s20], $0x80, s24, s20, $0xb8;
	[tilespmem:$0x19400] =	vst v63  }
0x58: {  	_ = 	snop  }
0x59: {  	[tilespmem:s28], [sflag:$0x2] =	stream.indirect.gather [hbm4b:s4+s20], $0x80, s25, s20, $0xb8;
	[tilespmem:$0x19400] =	vst v63  }
.LBB2_4:
0x5a: {  	_ =	swait.ge [sflag:s29], $0x6400  }
0x5b: {  	[sflag:s29] =	ssyncset.done $0x0  }
0x5c: {  	[sflag:s29] =	ssyncadd.s32 $0xFFFF9C00  }
0x5d: {  	_ =	swait.ge [sflag:s29], $0x6400  }
0x5e: {  	[sflag:s29] =	ssyncset.done $0x0  }
0x5f: {  	s9 =	simm.s32 $0x0;
	[sflag:s29] =	ssyncadd.s32 $0xFFFF9C00  }
0x60: {  	v6 =	vld [tilespmem:s9+$0x13000]  }
0x61: {  	v11 =	vld [tilespmem:s9+$0x13010]  }
0x62: {  	v5 =	vld [tilespmem:s9+$0x13020]  }
0x63: {  	v4 =	vld [tilespmem:s9+$0x13030]  }
0x64: {  	v3 =	vld [tilespmem:s9+$0x13040]  }
0x65: {  	v2 =	vld [tilespmem:s9+$0x13050]  }
0x66: {  	v1 =	vld [tilespmem:s9+$0x13060]  }
0x67: {  	v0 =	vld [tilespmem:s9+$0x13070]  }
0x68: {  	v12 =	vld [tilespmem:s9+$0x6800]  }
0x69: {  	v13 =	vld [tilespmem:s9+$0x6810]  }
0x6a: {  	v10 =	vld [tilespmem:s9+$0x6820]  }
0x6b: {  	v9 =	vld [tilespmem:s9+$0x6830]  }
0x6c: {  	v8 =	vld [tilespmem:s9+$0x6840]  }
0x6d: {  	v7 =	vld [tilespmem:s9+$0x6850];
	v12 =	vadd.f32 v6, v12  }
0x6e: {  	s8 =	simm.s32 $0x200;
	v11 =	vadd.f32 v11, v13;
	v6 =	vld [tilespmem:s9+$0x6860]  }
.LBB2_5:
0x6f: {  	s10 =	sshra.s32 s8, $0x2;
	p0 =	sne.s32 s8, $0x18E00;
	[tilespmem:s9+$0x6800] =	vst v12;
	v5 =	vadd.f32 v5, v10;
	v10 =	vld [tilespmem:s9+$0x6870]  }
0x70: {  	v12 =	vld [tilespmem:s10+$0x13000];
	[tilespmem:s9+$0x6810] =	vst v11;
	v4 =	vadd.f32 v4, v9  }
0x71: {  	v11 =	vld [tilespmem:s10+$0x13010];
	[tilespmem:s9+$0x6820] =	vst v5;
	v3 =	vadd.f32 v3, v8  }
0x72: {  	v5 =	vld [tilespmem:s10+$0x13020];
	[tilespmem:s9+$0x6830] =	vst v4;
	v2 =	vadd.f32 v2, v7  }
0x73: {  	v4 =	vld [tilespmem:s10+$0x13030];
	[tilespmem:s9+$0x6840] =	vst v3;
	v1 =	vadd.f32 v1, v6  }
0x74: {  	v3 =	vld [tilespmem:s10+$0x13040];
	[tilespmem:s9+$0x6850] =	vst v2;
	v0 =	vadd.f32 v0, v10  }
0x75: {  	v2 =	vld [tilespmem:s10+$0x13050];
	[tilespmem:s9+$0x6860] =	vst v1  }
0x76: {  	v1 =	vld [tilespmem:s10+$0x13060];
	[tilespmem:s9+$0x6870] =	vst v0;
	s9 =	smov.u32 s10  }
0x77: {  	v0 =	vld [tilespmem:s9+$0x13070]  }
0x78: {  	v6 =	vld [tilespmem:s9+$0x6800]  }
0x79: {  	v13 =	vld [tilespmem:s9+$0x6810]  }
.Ltmp1:
0x7a: {  	v10 =	vld [tilespmem:s9+$0x6820];
	(pc) =	sbr.rel @p0 .LBB2_5-.Ltmp1, $4  }
0x7b: {  	v9 =	vld [tilespmem:s9+$0x6830]  }
0x7c: {  	v8 =	vld [tilespmem:s9+$0x6840]  }
0x7d: {  	v12 =	vadd.f32 v12, v6;
	v7 =	vld [tilespmem:s9+$0x6850]  }
0x7e: {  	s8 =	sadd.s32 $0x200, s8;
	v11 =	vadd.f32 v11, v13;
	v6 =	vld [tilespmem:s9+$0x6860]  }
0x7f: {  	[tilespmem:s9+$0x6800] =	vst v12;
	v5 =	vadd.f32 v5, v10;
	v10 =	vld [tilespmem:s9+$0x6870]  }
0x80: {  	[tilespmem:s9+$0x6810] =	vst v11;
	v4 =	vadd.f32 v4, v9  }
0x81: {  	[tilespmem:s9+$0x6820] =	vst v5;
	v3 =	vadd.f32 v3, v8  }
0x82: {  	s8 =	smul.u32 $0x190, s1;
	[tilespmem:s9+$0x6830] =	vst v4;
	v2 =	vadd.f32 v2, v7  }
0x83: {  	[tilespmem:s9+$0x6840] =	vst v3;
	v1 =	vadd.f32 v1, v6  }
0x84: {  	s10 =	sadd.s32 s8, s13;
	[tilespmem:s9+$0x6850] =	vst v2;
	v0 =	vadd.f32 v0, v10  }
0x85: {  	s10 =	sshll.u32 s10, $0x4;
	[tilespmem:s9+$0x6860] =	vst v1  }
0x86: {  	s12 =	sadd.s32 s7, s10;
	s10 =	simm.s32 $0x0;
	[tilespmem:s9+$0x6870] =	vst v0;
	s9 =	sadd.s32 s8, s14  }
0x87: {  	[hbm4b:s12+s10] =	stream.linear.scatter [tilespmem:s26], [sflag:$0x4], $0x6400, $0x38;
	[tilespmem:$0x19400] =	vst v63  }
0x88: {  	s11 =	sshrl.u32 s9, $0x3;
	_ =	swait.ge [sflag:s30], $0x6400  }
0x89: {  	s11 =	sadd.s32 $0x4B00, s11;
	[sflag:s30] =	ssyncset.done $0x0  }
0x8a: {  	s12 =	sadd.s32 s5, s11;
	[sflag:s30] =	ssyncadd.s32 $0xFFFF9C00  }
0x8b: {  	[tilespmem:s10], [sflag:$0x5] =	stream.linear.gather [hbm4b:s12+s10], $0xC8, $0x38;
	[tilespmem:$0x19400] =	vst v63  }
0x8c: {  	_ =	swait.ge [sflag:s18], $0xC8  }
0x8d: {  	[sflag:s18] =	ssyncset.done $0x0  }
0x8e: {  	s11 =	sadd.s32 s6, s11;
	[sflag:s18] =	ssyncadd.s32 $0xFFFFFF38  }
0x8f: {  	[tilespmem:s19], [sflag:$0x5] =	stream.linear.gather [hbm4b:s11+s10], $0xC8, $0x38;
	[tilespmem:$0x19400] =	vst v63  }
0x90: {  	_ =	swait.ge [sflag:s18], $0xC8  }
0x91: {  	[sflag:s18] =	ssyncset.done $0x0  }
0x92: {  	[sflag:s18] =	ssyncadd.s32 $0xFFFFFF38  }
0x93: {  	[tilespmem:s21], [sflag:$0x1] =	stream.indirect.gather [hbm4b:s3+s20], $0x80, s10, s20, $0xb8;
	[tilespmem:$0x19400] =	vst v63  }
0x94: {  	_ = 	snop  }
0x95: {  	[tilespmem:s22], [sflag:$0x1] =	stream.indirect.gather [hbm4b:s4+s20], $0x80, s19, s20, $0xb8;
	[tilespmem:$0x19400] =	vst v63  }
0x96: {  	_ =	swait.ge [sflag:s23], $0x6400  }
0x97: {  	[sflag:s23] =	ssyncset.done $0x0  }
0x98: {  	[sflag:s23] =	ssyncadd.s32 $0xFFFF9C00  }
0x99: {  	_ =	swait.ge [sflag:s23], $0x6400  }
0x9a: {  	[sflag:s23] =	ssyncset.done $0x0  }
0x9b: {  	s10 =	simm.s32 $0x0;
	[sflag:s23] =	ssyncadd.s32 $0xFFFF9C00  }
0x9c: {  	v7 =	vld [tilespmem:s10+$0xCC00]  }
0x9d: {  	v11 =	vld [tilespmem:s10+$0xCC10]  }
0x9e: {  	v5 =	vld [tilespmem:s10+$0xCC20]  }
0x9f: {  	v4 =	vld [tilespmem:s10+$0xCC30]  }
0xa0: {  	v3 =	vld [tilespmem:s10+$0xCC40]  }
0xa1: {  	v2 =	vld [tilespmem:s10+$0xCC50]  }
0xa2: {  	v1 =	vld [tilespmem:s10+$0xCC60]  }
0xa3: {  	v0 =	vld [tilespmem:s10+$0xCC70]  }
0xa4: {  	v12 =	vld [tilespmem:s10+$0x400]  }
0xa5: {  	v13 =	vld [tilespmem:s10+$0x410]  }
0xa6: {  	v10 =	vld [tilespmem:s10+$0x420]  }
0xa7: {  	v9 =	vld [tilespmem:s10+$0x430]  }
0xa8: {  	v8 =	vld [tilespmem:s10+$0x440]  }
0xa9: {  	v6 =	vld [tilespmem:s10+$0x450];
	v12 =	vadd.f32 v7, v12  }
0xaa: {  	s11 =	simm.s32 $0x200;
	v11 =	vadd.f32 v11, v13;
	v7 =	vld [tilespmem:s10+$0x460]  }
.LBB2_7:
0xab: {  	s12 =	sshra.s32 s11, $0x2;
	p0 =	sne.s32 s11, $0x18E00;
	[tilespmem:s10+$0x400] =	vst v12;
	v5 =	vadd.f32 v5, v10;
	v10 =	vld [tilespmem:s10+$0x470]  }
0xac: {  	v12 =	vld [tilespmem:s12+$0xCC00];
	[tilespmem:s10+$0x410] =	vst v11;
	v4 =	vadd.f32 v4, v9  }
0xad: {  	v11 =	vld [tilespmem:s12+$0xCC10];
	[tilespmem:s10+$0x420] =	vst v5;
	v3 =	vadd.f32 v3, v8  }
0xae: {  	v5 =	vld [tilespmem:s12+$0xCC20];
	[tilespmem:s10+$0x430] =	vst v4;
	v2 =	vadd.f32 v2, v6  }
0xaf: {  	v4 =	vld [tilespmem:s12+$0xCC30];
	[tilespmem:s10+$0x440] =	vst v3;
	v1 =	vadd.f32 v1, v7  }
0xb0: {  	v3 =	vld [tilespmem:s12+$0xCC40];
	[tilespmem:s10+$0x450] =	vst v2;
	v0 =	vadd.f32 v0, v10  }
0xb1: {  	v2 =	vld [tilespmem:s12+$0xCC50];
	[tilespmem:s10+$0x460] =	vst v1  }
0xb2: {  	v1 =	vld [tilespmem:s12+$0xCC60];
	[tilespmem:s10+$0x470] =	vst v0;
	s10 =	smov.u32 s12  }
0xb3: {  	v0 =	vld [tilespmem:s10+$0xCC70]  }
0xb4: {  	v6 =	vld [tilespmem:s10+$0x400]  }
0xb5: {  	v7 =	vld [tilespmem:s10+$0x410]  }
.Ltmp2:
0xb6: {  	v10 =	vld [tilespmem:s10+$0x420];
	(pc) =	sbr.rel @p0 .LBB2_7-.Ltmp2, $4  }
0xb7: {  	v9 =	vld [tilespmem:s10+$0x430]  }
0xb8: {  	v8 =	vld [tilespmem:s10+$0x440]  }
0xb9: {  	v12 =	vadd.f32 v12, v6;
	v6 =	vld [tilespmem:s10+$0x450]  }
0xba: {  	s11 =	sadd.s32 $0x200, s11;
	v11 =	vadd.f32 v11, v7;
	v7 =	vld [tilespmem:s10+$0x460]  }
0xbb: {  	[tilespmem:s10+$0x400] =	vst v12;
	v5 =	vadd.f32 v5, v10;
	v63 =	vld [tilespmem:s10+$0x470]  }
0xbc: {  	[tilespmem:s10+$0x410] =	vst v11;
	v4 =	vadd.f32 v4, v9  }
0xbd: {  	[tilespmem:s10+$0x420] =	vst v5;
	v3 =	vadd.f32 v3, v8  }
0xbe: {  	[tilespmem:s10+$0x430] =	vst v4;
	v2 =	vadd.f32 v2, v6  }
0xbf: {  	[tilespmem:s10+$0x440] =	vst v3;
	v1 =	vadd.f32 v1, v7  }
0xc0: {  	[tilespmem:s10+$0x450] =	vst v2;
	v0 =	vadd.f32 v0, v63  }
0xc1: {  	s9 =	sshll.u32 s9, $0x4;
	[tilespmem:s10+$0x460] =	vst v1  }
0xc2: {  	s9 =	sadd.s32 s7, s9;
	[tilespmem:s10+$0x470] =	vst v0  }
0xc3: {  	[hbm4b:s9+s2] =	stream.linear.scatter [tilespmem:s21], [sflag:$0x3], $0x6400, $0x38;
	[tilespmem:$0x19400] =	vst v63  }
0xc4: {  	s8 =	sadd.s32 s8, s15;
	_ =	swait.ge [sflag:s31], $0x6400  }
0xc5: {  	s8 =	sshrl.u32 s8, $0x3;
	[sflag:s31] =	ssyncset.done $0x0  }
0xc6: {  	s12 =	sadd.s32 s5, s8;
	[sflag:s31] =	ssyncadd.s32 $0xFFFF9C00  }
0xc7: {  	[tilespmem:s24], [sflag:$0x5] =	stream.linear.gather [hbm4b:s12+s2], $0xC8, $0x38;
	[tilespmem:$0x19400] =	vst v63  }
0xc8: {  	_ =	swait.ge [sflag:s18], $0xC8  }
0xc9: {  	[sflag:s18] =	ssyncset.done $0x0  }
0xca: {  	s1 =	sadd.s32 $0x1, s1;
	s8 =	sadd.s32 s6, s8;
	[sflag:s18] =	ssyncadd.s32 $0xFFFFFF38  }
0xcb: {  	[tilespmem:s25], [sflag:$0x5] =	stream.linear.gather [hbm4b:s8+s2], $0xC8, $0x38;
	[tilespmem:$0x19400] =	vst v63  }
0xcc: {  	p0 =	sne.s32 s1, $0xC;
	_ =	swait.ge [sflag:s18], $0xC8  }
.Ltmp3:
0xcd: {  	[sflag:s18] =	ssyncset.done $0x0;
	(pc) =	sbr.rel @p0 .LBB2_4-.Ltmp3, $4  }
0xce: {  	[sflag:s18] =	ssyncadd.s32 $0xFFFFFF38  }
0xcf: {  	[tilespmem:s26], [sflag:$0x2] =	stream.indirect.gather [hbm4b:s3+s20], $0x80, s24, s20, $0xb8;
	[tilespmem:$0x19400] =	vst v63  }
0xd0: {  	_ = 	snop  }
0xd1: {  	[tilespmem:s28], [sflag:$0x2] =	stream.indirect.gather [hbm4b:s4+s20], $0x80, s25, s20, $0xb8;
	[tilespmem:$0x19400] =	vst v63  }
0xd2: {  	_ =	swait.ge [sflag:s29], $0x6400  }
0xd3: {  	[sflag:s29] =	ssyncset.done $0x0  }
0xd4: {  	[sflag:s29] =	ssyncadd.s32 $0xFFFF9C00  }
0xd5: {  	_ =	swait.ge [sflag:s29], $0x6400  }
0xd6: {  	[sflag:s29] =	ssyncset.done $0x0  }
0xd7: {  	s1 =	simm.s32 $0x0;
	[sflag:s29] =	ssyncadd.s32 $0xFFFF9C00  }
0xd8: {  	v7 =	vld [tilespmem:s1+$0x13000]  }
0xd9: {  	v11 =	vld [tilespmem:s1+$0x13010]  }
0xda: {  	v5 =	vld [tilespmem:s1+$0x13020]  }
0xdb: {  	v4 =	vld [tilespmem:s1+$0x13030]  }
0xdc: {  	v3 =	vld [tilespmem:s1+$0x13040]  }
0xdd: {  	v2 =	vld [tilespmem:s1+$0x13050]  }
0xde: {  	v1 =	vld [tilespmem:s1+$0x13060]  }
0xdf: {  	v0 =	vld [tilespmem:s1+$0x13070]  }
0xe0: {  	v12 =	vld [tilespmem:s1+$0x6800]  }
0xe1: {  	v13 =	vld [tilespmem:s1+$0x6810]  }
0xe2: {  	v10 =	vld [tilespmem:s1+$0x6820]  }
0xe3: {  	v9 =	vld [tilespmem:s1+$0x6830]  }
0xe4: {  	v8 =	vld [tilespmem:s1+$0x6840]  }
0xe5: {  	v6 =	vld [tilespmem:s1+$0x6850];
	v12 =	vadd.f32 v7, v12  }
0xe6: {  	s8 =	simm.s32 $0x200;
	v11 =	vadd.f32 v11, v13;
	v7 =	vld [tilespmem:s1+$0x6860]  }
.LBB2_10:
0xe7: {  	s9 =	sshra.s32 s8, $0x2;
	p0 =	sne.s32 s8, $0x18E00;
	[tilespmem:s1+$0x6800] =	vst v12;
	v5 =	vadd.f32 v5, v10;
	v10 =	vld [tilespmem:s1+$0x6870]  }
0xe8: {  	v12 =	vld [tilespmem:s9+$0x13000];
	[tilespmem:s1+$0x6810] =	vst v11;
	v4 =	vadd.f32 v4, v9  }
0xe9: {  	v11 =	vld [tilespmem:s9+$0x13010];
	[tilespmem:s1+$0x6820] =	vst v5;
	v3 =	vadd.f32 v3, v8  }
0xea: {  	v5 =	vld [tilespmem:s9+$0x13020];
	[tilespmem:s1+$0x6830] =	vst v4;
	v2 =	vadd.f32 v2, v6  }
0xeb: {  	v4 =	vld [tilespmem:s9+$0x13030];
	[tilespmem:s1+$0x6840] =	vst v3;
	v1 =	vadd.f32 v1, v7  }
0xec: {  	v3 =	vld [tilespmem:s9+$0x13040];
	[tilespmem:s1+$0x6850] =	vst v2;
	v0 =	vadd.f32 v0, v10  }
0xed: {  	v2 =	vld [tilespmem:s9+$0x13050];
	[tilespmem:s1+$0x6860] =	vst v1  }
0xee: {  	v1 =	vld [tilespmem:s9+$0x13060];
	[tilespmem:s1+$0x6870] =	vst v0;
	s1 =	smov.u32 s9  }
0xef: {  	v0 =	vld [tilespmem:s1+$0x13070]  }
0xf0: {  	v6 =	vld [tilespmem:s1+$0x6800]  }
0xf1: {  	v7 =	vld [tilespmem:s1+$0x6810]  }
.Ltmp4:
0xf2: {  	v10 =	vld [tilespmem:s1+$0x6820];
	(pc) =	sbr.rel @p0 .LBB2_10-.Ltmp4, $4  }
0xf3: {  	v9 =	vld [tilespmem:s1+$0x6830]  }
0xf4: {  	v8 =	vld [tilespmem:s1+$0x6840]  }
0xf5: {  	v12 =	vadd.f32 v12, v6;
	v6 =	vld [tilespmem:s1+$0x6850]  }
0xf6: {  	s8 =	sadd.s32 $0x200, s8;
	v11 =	vadd.f32 v11, v7;
	v7 =	vld [tilespmem:s1+$0x6860]  }
0xf7: {  	[tilespmem:s1+$0x6800] =	vst v12;
	v5 =	vadd.f32 v5, v10;
	v63 =	vld [tilespmem:s1+$0x6870]  }
0xf8: {  	[tilespmem:s1+$0x6810] =	vst v11;
	v4 =	vadd.f32 v4, v9  }
0xf9: {  	[tilespmem:s1+$0x6820] =	vst v5;
	v3 =	vadd.f32 v3, v8  }
0xfa: {  	[tilespmem:s1+$0x6830] =	vst v4;
	v2 =	vadd.f32 v2, v6  }
0xfb: {  	[tilespmem:s1+$0x6840] =	vst v3;
	v1 =	vadd.f32 v1, v7  }
0xfc: {  	[tilespmem:s1+$0x6850] =	vst v2;
	v0 =	vadd.f32 v0, v63  }
0xfd: {  	[tilespmem:s1+$0x6860] =	vst v1  }
0xfe: {  	s0 =	sadd.s32 $0x1, s0;
	[tilespmem:s1+$0x6870] =	vst v0  }
0xff: {  	[hbm4b:s16+s2] =	stream.linear.scatter [tilespmem:s26], [sflag:$0x4], $0x6400, $0x38;
	[tilespmem:$0x19400] =	vst v63  }
0x100: {  	p0 =	sne.s32 s0, s17;
	_ =	swait.ge [sflag:s30], $0x6400  }
.Ltmp5:
0x101: {  	[sflag:s30] =	ssyncset.done $0x0;
	(pc) =	sbr.rel @p0 .LBB2_1-.Ltmp5, $4  }
0x102: {  	[sflag:s30] =	ssyncadd.s32 $0xFFFF9C00  }
0x103: {  	_ =	swait.ge [sflag:s31], $0x6400  }
0x104: {  	[sflag:s31] =	ssyncset.done $0x0  }
0x105: {  	[sflag:s31] =	ssyncadd.s32 $0xFFFF9C00  }
0x106: {  	_ =	sfence.sel $0x180000  }
0x107: {  	[bflag:$0x0] =	sbarrier.arrive $0xFFFF  }
0x108: {  	_ =	strace $0x9000004D  }
0x109: {  	s0 =	stileid.u32;
	[bflag:$0x2] =	sbarrier.arrive $0xFFFF  }
0x10a: {  	p0 =	sne.s32 s0, $0x0;
	s0 =	rddreg [dreg:$0x1]  }
0x10b: {  	s0 =	sadd.s32 @!p0 $0x100000, s0  }
0x10c: {  	[sflag:s0] =	ssyncadd.tile.s32 @!p0 $0x1;
	_ =	shalt  }
.Lfunc_end2:
_tile_overlayer_lowered:
.L_overlay_start_2:
0x10d: {  	(tag) =	ssettag $0x2  }
0x10e: {  	s0 =	rddreg [dreg:$0x0];
	s2 =	stileid.u32  }
0x10f: {  	s1 =	rddreg [dreg:$0x1];
	p0 =	sne.s32 s2, $0x0  }
0x110: {  	s3 =	rddreg [dreg:$0x2];
	[bflag:$0x3] =	sbarrier.arrive $0xFFFF;
	s2 =	simm.s32 @!p0 $0x1C05  }
0x111: {  	[timem:s3], [sflag:s2] =	dma.local @!p0 [hbm:s0], s1  }
0x112: {  	s0 =	simm.s32 @!p0 $0x5  }
0x113: {  	_ =	swait.ge @!p0 [sflag:s0], s1  }
0x114: {  	s1 =	ssub.s32 @!p0 $0x0, s1;
	[sflag:s0] =	ssyncset.done @!p0 $0x0  }
0x115: {  	[sflag:s0] =	ssyncadd.s32 @!p0 s1  }
0x116: {  	[bflag:$0x3] =	sbarrier.arrive $0xFFFF  }
0x117: {  	_ =	shalt  }

// kernel: closed_call.39.cloned.1.call-start
scs
__scs_entry_jumppad:
0x0: {  	(pc) =	sbr.rel $0x88, $3  }
0x1: {  	(tag) =	ssettag $0x0;
	lr =	simm.s32 $0x1  }
0x2: {  	[smem:$0x3ED6] =	sst lr;
	_ =	strace $0xD0000000  }
0x3: {  	_ = 	snop  }
0x4: {  	_ = 	snop  }
0x5: {  	_ = 	snop  }
0x6: {  	_ = 	snop  }
0x7: {  	_ = 	snop  }
__scs_overlays_trampoline_lowered:
0x8: {  	[smem:$0x3EE5] =	sst s0  }
0x9: {  	[smem:$0x3EE6] =	sst s1  }
0xa: {  	[smem:$0x3EE7] =	sst s2  }
0xb: {  	[smem:$0x3EE8] =	sst s3  }
0xc: {  	[smem:$0x3EE9] =	sst s4  }
0xd: {  	[smem:$0x3EEA] =	sst s5  }
0xe: {  	[smem:$0x3EEB] =	sst s6  }
0xf: {  	[smem:$0x3EEC] =	sst s7  }
0x10: {  	[smem:$0x3EED] =	sst s8  }
0x11: {  	[smem:$0x3EEE] =	sst s9;
	s0 =	simm.s32 @!p0 $0x0  }
0x12: {  	s1 =	sld [smem:$0x3ED4];
	s0 =	simm.s32 @p0 $0x1  }
0x13: {  	[smem:$0x3EEF] =	sst s0;
	s0 =	simm.s32 @!p1 $0x0  }
0x14: {  	s2 =	sld [smem:$0x3ED3];
	s0 =	simm.s32 @p1 $0x1  }
0x15: {  	[smem:$0x3EF0] =	sst s0;
	s0 =	simm.s32 @!p2 $0x0  }
0x16: {  	s3 =	sld [smem:$0x3FDB];
	s0 =	simm.s32 @p2 $0x1  }
0x17: {  	s4 =	simm.s32 $0x1BF5;
	[smem:$0x3EF2] =	sst s0  }
0x18: {  	s0 =	sld [smem:$0x3ED5];
	_ =	swait.ge [sflag:s4], $0x0  }
0x19: {  	s7 =	sld [smem:$0x3ED6]  }
0x1a: {  	s8 =	sadd.s32 $0xFFFFE003, lr  }
0x1b: {  	s9 =	sadd.s32 $0xFFFFFEF7, lr;
	s5 =	simm.s32 $0xFFFFFFFF;
	p2 =	slt.u32 s8, $0xFFFFF086  }
0x1c: {  	p1 =	slt.u32 s9, $0xF7A;
	s5 =	simm.s32 @!p2 $0x0  }
0x1d: {  	s5 =	simm.s32 @p1 $0x1;
	p0 =	seq.s32 s7, s2  }
0x1e: {  	s7 =	smul.u32 @!p0 $0xF7A, s2;
	p2 =	seq.s32 @!p0 s5, $0x0  }
0x1f: {  	s9 =	smul.u32 $0xF7A, s1;
	s8 =	simm.s32 @!p0 $0x1BF5;
	p2 =	por !p2, p0  }
0x20: {  	[sflag:s8] =	ssyncset.s32 @!p0 $0xFFFFF086;
	s6 =	sadd.s32 @!p0 s3, s7;
	s7 =	simm.s32 @!p0 $0x108  }
0x21: {  	s3 =	sadd.s32 s3, s9;
	s6 =	sadd.s32 @!p0 $0x88, s6;
	s7 =	simm.s32 @p2 $0x1082  }
0x22: {  	[simem:s7], [sflag:s8] =	dma.local @!p0 [hbm:s6], $0xF7A  }
0x23: {  	s9 =	sor.u32 $0xD0000000, s2;
	s6 =	simm.s32 $0x108;
	_ =	swait.ge @!p0 [sflag:s8], $0x0  }
0x24: {  	s3 =	sadd.s32 $0x88, s3;
	s6 =	simm.s32 @!p1 $0x1082;
	[sflag:s4] =	ssyncset.s32 $0xFFFFF086  }
0x25: {  	[simem:s6], [sflag:s4] =	dma.local [hbm:s3], $0xF7A  }
0x26: {  	[smem:$0x3ED6] =	sst s1;
	(tag) =	ssettag s2;
	_ =	strace s9  }
0x27: {  	s1 =	sld [smem:$0x3EE6]  }
0x28: {  	s2 =	sld [smem:$0x3EE7]  }
0x29: {  	s4 =	sld [smem:$0x3EE9]  }
0x2a: {  	p0 =	seq.s32 s5, $0x0;
	s5 =	sld [smem:$0x3EEA]  }
0x2b: {  	s6 =	sld [smem:$0x3EEB]  }
0x2c: {  	s7 =	sld [smem:$0x3EEC]  }
0x2d: {  	s3 =	simm.s32 $0x108;
	s8 =	sld [smem:$0x3EED]  }
0x2e: {  	s3 =	simm.s32 @!p0 $0x1082;
	s9 =	sld [smem:$0x3EEE]  }
0x2f: {  	lr =	sadd.s32 s0, s3;
	s0 =	sld [smem:$0x3EE5]  }
0x30: {  	s3 =	sld [smem:$0x3EE8]  }
0x31: {  	[smem:$0x3EF1] =	sst s10  }
0x32: {  	s10 =	sld [smem:$0x3EEF];
	_ =	sdelay $0x3  }
0x33: {  	p0 =	seq.s32 s10, $0x1;
	s10 =	sld [smem:$0x3EF1];
	_ =	sdelay $0x3  }
0x34: {  	[smem:$0x3EF1] =	sst s10  }
0x35: {  	s10 =	sld [smem:$0x3EF0];
	_ =	sdelay $0x3  }
0x36: {  	p1 =	seq.s32 s10, $0x1;
	s10 =	sld [smem:$0x3EF1];
	_ =	sdelay $0x3  }
0x37: {  	[smem:$0x3EF1] =	sst s10  }
0x38: {  	s10 =	sld [smem:$0x3EF2]  }
0x39: {  	_ = 	snop;
	(pc) =	sbr.ind lr, $3  }
0x3a: {  	_ = 	snop  }
0x3b: {  	_ = 	snop  }
0x3c: {  	p2 =	seq.s32 s10, $0x1;
	s10 =	sld [smem:$0x3EF1]  }
0x3d: {  	_ =	shalt  }
0x3e: {  	_ =	shalt  }
0x3f: {  	_ =	shalt  }
0x40: {  	_ =	shalt  }
0x41: {  	_ =	shalt  }
0x42: {  	_ =	shalt  }
0x43: {  	_ =	shalt  }
0x44: {  	_ =	shalt  }
0x45: {  	_ =	shalt  }
0x46: {  	_ =	shalt  }
0x47: {  	_ =	shalt  }
0x48: {  	_ =	shalt  }
0x49: {  	_ =	shalt  }
0x4a: {  	_ =	shalt  }
0x4b: {  	_ =	shalt  }
0x4c: {  	_ =	shalt  }
0x4d: {  	_ =	shalt  }
0x4e: {  	_ =	shalt  }
0x4f: {  	_ =	shalt  }
0x50: {  	_ =	shalt  }
0x51: {  	_ =	shalt  }
0x52: {  	_ =	shalt  }
0x53: {  	_ =	shalt  }
0x54: {  	_ =	shalt  }
0x55: {  	_ =	shalt  }
0x56: {  	_ =	shalt  }
0x57: {  	_ =	shalt  }
0x58: {  	_ =	shalt  }
0x59: {  	_ =	shalt  }
0x5a: {  	_ =	shalt  }
0x5b: {  	_ =	shalt  }
0x5c: {  	_ =	shalt  }
0x5d: {  	_ =	shalt  }
0x5e: {  	_ =	shalt  }
0x5f: {  	_ =	shalt  }
0x60: {  	_ =	shalt  }
0x61: {  	_ =	shalt  }
0x62: {  	_ =	shalt  }
0x63: {  	_ =	shalt  }
0x64: {  	_ =	shalt  }
0x65: {  	_ =	shalt  }
0x66: {  	_ =	shalt  }
0x67: {  	_ =	shalt  }
0x68: {  	_ =	shalt  }
0x69: {  	_ =	shalt  }
0x6a: {  	_ =	shalt  }
0x6b: {  	_ =	shalt  }
0x6c: {  	_ =	shalt  }
0x6d: {  	_ =	shalt  }
0x6e: {  	_ =	shalt  }
0x6f: {  	_ =	shalt  }
0x70: {  	_ =	shalt  }
0x71: {  	_ =	shalt  }
0x72: {  	_ =	shalt  }
0x73: {  	_ =	shalt  }
0x74: {  	_ =	shalt  }
0x75: {  	_ =	shalt  }
0x76: {  	_ =	shalt  }
0x77: {  	_ =	shalt  }
0x78: {  	_ =	shalt  }
0x79: {  	_ =	shalt  }
0x7a: {  	_ =	shalt  }
0x7b: {  	_ =	shalt  }
0x7c: {  	_ =	shalt  }
0x7d: {  	_ =	shalt  }
0x7e: {  	_ =	shalt  }
0x7f: {  	_ =	shalt  }
0x80: {  	_ =	shalt  }
0x81: {  	_ =	shalt  }
0x82: {  	_ =	shalt  }
0x83: {  	_ =	shalt  }
0x84: {  	_ =	shalt  }
0x85: {  	_ =	shalt  }
0x86: {  	_ =	shalt  }
0x87: {  	_ =	shalt  }
.Lfunc_end0:
.L_simem_size_0:
called_computation.3_lowered:
.L_overlay_start_0:
0x88: {  	s2 =	sld [smem:$0x3FD9]  }
0x89: {  	s3 =	sld [smem:$0x3FFE];
	_ =	sdelay $0x1  }
0x8a: {  	s1 =	srdreg.scid  }
0x8b: {  	s0 =	sand.u32 $0x1, s1  }
0x8c: {  	s17 =	sshll.u32 s0, $0xA;
	s2 =	sadd.s32 s3, s2  }
0x8d: {  	s2 =	sadd.s32 s2, s17  }
0x8e: {  	[smem:$0x3EFD] =	sst s2  }
0x8f: {  	_ = 	snop  }
0x90: {  	(tm) =	ssettm $0x1  }
0x91: {  	s18 =	sld [smem:$0x3FFB];
	_ =	sdelay $0x3  }
0x92: {  	_ =	strace s18  }
0x93: {  	s2 =	sld [smem:$0x3FFC];
	_ =	sdelay $0x3  }
0x94: {  	_ =	strace s2  }
0x95: {  	s2 =	sld [smem:$0x3FFD];
	_ =	sdelay $0x3  }
0x96: {  	_ =	strace s2  }
0x97: {  	_ =	strace $0x8FFFFFFF  }
0x98: {  	s19 =	sld [smem:$0x3FDB];
	_ =	sdelay $0x1  }
0x99: {  	s20 =	simm.s32 $_scs_section_size  }
0x9a: {  	s4 =	simm.s32 $_size__tile_overlayer_lowered;
	s5 =	simm.s32 $_tile_overlayer_lowered  }
0x9b: {  	s6 =	simm.s32 $0x1BFF;
	s21 =	sshll.u32 s5, $0x1;
	s3 =	sadd.s32 s20, s19  }
0x9c: {  	s22 =	simm.s32 $0x0;
	s4 =	sshll.u32 s4, $0x1;
	s5 =	sadd.s32 s21, s3  }
0x9d: {  	[timem:s22], [sflag:s6] =	dma.local [hbm:s5], s4  }
0x9e: {  	_ =	swait.ge [sflag:s6], s4  }
0x9f: {  	s4 =	ssub.s32 $0x0, s4;
	[sflag:s6] =	ssyncset.done $0x0  }
0xa0: {  	[sflag:s6] =	ssyncadd.s32 s4;
	_ =	sdelay $0x1  }
0xa1: {  	s23 =	simm.s32 $0x1B8B  }
0xa2: {  	_ =	swait.ge [sflag:s23], $0x1  }
0xa3: {  	[sflag:s23] =	ssyncset.done $0x0  }
0xa4: {  	[sflag:s23] =	ssyncadd.s32 $0xFFFFFFFF  }
0xa5: {  	s4 =	sld [smem:$0x0]  }
0xa6: {  	s5 =	sand.u32 $0xFFFFFFFE, s1  }
0xa7: {  	p0 =	sne.s32 s1, s5  }
0xa8: {  	s5 =	sshll.u32 @p0 s5, $0xE  }
0xa9: {  	s5 =	sadd.s32 @p0 $0x11B8D, s5;
	s6 =	sshll.u32 @p0 s4, $0x11  }
0xaa: {  	s5 =	sor.u32 @p0 s6, s5  }
0xab: {  	[sflag:s5] =	ssyncadd.remote.s32 @p0 $0x1;
	_ =	sdelay $0x1  }
0xac: {  	s5 =	simm.s32 @p0 $0x1B8D  }
0xad: {  	_ =	swait.eq @p0 [sflag:s5], $0x1  }
0xae: {  	[sflag:s5] =	ssyncadd.s32 @p0 $0xFFFFFFFF  }
0xaf: {  	s6 =	sshll.u32 @!p0 s1, $0xE  }
0xb0: {  	s6 =	sor.u32 @!p0 $0x4000, s6;
	s5 =	simm.s32 @!p0 $0x1B8D  }
0xb1: {  	s4 =	sshll.u32 @!p0 s4, $0x11;
	s6 =	sadd.s32 @!p0 $0x11B8D, s6;
	_ =	swait.eq @!p0 [sflag:s5], $0x1  }
0xb2: {  	s4 =	sor.u32 @!p0 s4, s6;
	[sflag:s5] =	ssyncadd.s32 @!p0 $0xFFFFFFFF  }
0xb3: {  	s25 =	simm.s32 $0x1B8E;
	s24 =	sld [smem:$0x3FFE];
	[sflag:s4] =	ssyncadd.remote.s32 @!p0 $0x1  }
0xb4: {  	s26 =	simm.s32 $execute0_lowered;
	[smem:$0x3FD2] =	sst s25  }
0xb5: {  	s5 =	sshll.u32 s26, $0x1;
	_ =	strace $0x8000004F;
	[dreg:$0x1] =	wrdreg $0xFFFFFFFF  }
0xb6: {  	s28 =	simm.s32 $_size_execute0_lowered;
	s3 =	sadd.s32 s3, s5;
	[dreg:$0x0] =	wrdreg $0x0  }
0xb7: {  	s5 =	sshll.u32 s28, $0x1;
	[dreg:$0x2] =	wrdreg s3  }
0xb8: {  	[dreg:$0x3] =	wrdreg s5  }
0xb9: {  	[dreg:$0x4] =	wrdreg $0xC0  }
0xba: {  	_ =	task [dreg:s22], $0x5FFFF  }
0xbb: {  	[dreg:$0x1] =	wrdreg $0xFFFFFFFF  }
0xbc: {  	[dreg:$0x0] =	wrdreg $0x60  }
0xbd: {  	[dreg:$0x2] =	wrdreg s24  }
0xbe: {  	[dreg:$0x3] =	wrdreg $0x0  }
0xbf: {  	[dreg:$0x4] =	wrdreg $0xA  }
0xc0: {  	_ =	task.clear_ibuf [dreg:s22], $0x5FFFF;
	_ =	strace $0x9000004F  }
0xc1: {  	s29 =	simm.s32 $0xA;
	_ =	strace $0x80000051  }
0xc2: {  	_ =	swait.ge [sflag:s29], $0x1  }
0xc3: {  	[sflag:s29] =	ssyncadd.s32 $0xFFFFFFFF  }
0xc4: {  	_ =	strace $0x90000051  }
0xc5: {  	_ =	sfence  }
0xc6: {  	s30 =	sld [smem:$0x0];
	_ =	sdelay $0x2  }
0xc7: {  	s31 =	sshll.u32 s1, $0xD;
	s1 =	sshrl.u32 s1, $0x2  }
0xc8: {  	s4 =	sand.u32 $0x4000, s31;
	s1 =	sadd.s32 s1, s30  }
0xc9: {  	s0 =	sor.u32 s4, s0;
	s1 =	sshll.u32 s1, $0x11  }
0xca: {  	s0 =	sor.u32 s1, s0  }
0xcb: {  	s0 =	sadd.s32 $0x8F2B, s0  }
0xcc: {  	[sflag:s0] =	ssyncadd.remote.s32 $0x1  }
0xcd: {  	_ =	sfence.sel $0xFFFF  }
0xce: {  	[dreg:$0x0] =	wrdreg $0xFFFFFFFF;
	(pc) =	sbr.abs _section_cstart, $3  }
0xcf: {  	[dreg:$0x1] =	wrdreg $0xFFFFFFFF  }
0xd0: {  	_ =	task.clear_ibuf [dreg:s22], $0x2FFFF;
	_ =	strace $0x9FFFFFFF  }
0xd1: {  	(tm) =	ssettm $0x7FFFFFFF  }
tec
execute0_lowered:
.L_overlay_start_1:
0x0: {  	(tag) =	ssettag $0x1  }
0x1: {  	s5 =	rddreg [dreg:$0x0];
	s3 =	srdreg.scid  }
0x2: {  	s1 =	rddreg [dreg:$0x1];
	s11 =	sand.u32 $0x1, s3  }
0x3: {  	s3 =	stileid.u32;
	s6 =	smul.u32 $0x13C000, s11  }
0x4: {  	s0 =	rddreg [dreg:$0x2];
	s2 =	simm.s32 $0x0;
	s7 =	smul.u32 $0x13C00, s3  }
0x5: {  	[smem:$0x7FF] =	sst s2;
	s8 =	sshll.u32 s3, $0x1;
	s17 =	smul.u32 $0x4E200, s3  }
0x6: {  	s12 =	sadd.s32 $0x528800, s5;
	s29 =	smul.u32 $0x14500, s11;
	s31 =	sor.u32 s11, s8  }
0x7: {  	s14 =	sadd.s32 $0x6EA00, s5;
	s4 =	sadd.s32 $0x382C00, s5;
	s10 =	smul.u32 $0x1450, s31  }
0x8: {  	_ =	strace $0x80000050;
	s9 =	ssub.s32 $0x2, s11;
	s23 =	smul.u32 $0x14500, s31  }
0x9: {  	s21 =	sshll.u32 s3, $0x6;
	s18 =	sshrl.u32 s9, $0x1;
	s24 =	smul.u32 $0xA2800, s31  }
0xa: {  	s6 =	sadd.s32 s7, s6;
	s19 =	sshrl.u32 s17, $0x2;
	s17 =	smul.u32 $0x28A00, s3  }
0xb: {  	s15 =	ssub.s32 s9, s18;
	s18 =	smul.u32 $0x28A0, s3;
	s6 =	sshrl.u32 s6, $0x3  }
0xc: {  	s16 =	sadd.s32 s19, s1;
	s19 =	smul.u32 $0x1450, s11;
	s11 =	smax.u32 s15, $0x1  }
0xd: {  	s13 =	sadd.s32 s6, s5;
	s20 =	sshrl.u32 s10, $0x3;
	s5 =	sor.u32 $0x1C03, s21  }
0xe: {  	s7 =	sadd.s32 s12, s23;
	s25 =	sadd.s32 $0x26C28, s10;
	s26 =	sshrl.u32 s24, $0x3  }
0xf: {  	s21 =	simm.s32 $0x1;
	s23 =	simm.s32 $0x2;
	s24 =	simm.s32 $0x0  }
0x10: {  	s22 =	sadd.s32 s14, s20;
	s9 =	sshrl.u32 s25, $0x3;
	s28 =	sadd.s32 s12, s26  }
0x11: {  	s10 =	sadd.s32 $0x385400, s13;
	s12 =	sadd.s32 s17, s12;
	s30 =	sadd.s32 s19, s18  }
0x12: {  	s17 =	simm.s32 $0x16080;
	s18 =	simm.s32 $0x13880;
	s19 =	simm.s32 $0x16100  }
0x13: {  	s20 =	simm.s32 $0x14C80;
	s6 =	sadd.s32 $0x4B00, s22;
	s8 =	sadd.s32 s14, s9  }
0x14: {  	s9 =	sadd.s32 $0x14280, s28;
	s12 =	sadd.s32 s29, s12;
	s31 =	sadd.s32 $0x25850, s30  }
0x15: {  	s15 =	sadd.s32 $0x25828, s30;
	s22 =	simm.s32 $0x28;
	s13 =	sshrl.u32 s31, $0x3  }
0x16: {  	s12 =	sadd.s32 $0x500, s12;
	s15 =	sshrl.u32 s15, $0x3;
	s13 =	sadd.s32 s13, s14  }
0x17: {  	s14 =	sadd.s32 s15, s14;
	s15 =	sshrl.u32 s16, $0x3;
	s16 =	simm.s32 $0x3  }
.LBB2_1:
0x18: {  	[spmem:s15], [sflag:s5] =	dma.local [hbm:s4], $0x2710  }
0x19: {  	_ =	swait.ge [sflag:s16], $0x2710  }
0x1a: {  	[sflag:s16] =	ssyncset.done $0x0  }
0x1b: {  	[sflag:s16] =	ssyncadd.s32 $0xFFFFD8F0  }
0x1c: {  	[bflag:$0x0] =	sbarrier.arrive $0xFFFF  }
0x1d: {  	[tilespmem:s17], [sflag:$0x1] =	stream.linear.gather [hbm4b:s6+s2], $0x28, $0x38;
	[tilespmem:$0x16180] =	vst v63  }
0x1e: {  	_ = 	snop  }
0x1f: {  	[tilespmem:s18], [sflag:$0x1] =	stream.linear.gather [hbm4b:s7+s2], $0x1400, $0x38;
	[tilespmem:$0x16180] =	vst v63  }
0x20: {  	s25 =	sadd.s32 $0x0, s14  }
0x21: {  	[tilespmem:s19], [sflag:$0x2] =	stream.linear.gather [hbm4b:s25+s2], $0x28, $0x38;
	[tilespmem:$0x16180] =	vst v63  }
0x22: {  	s30 =	sadd.s32 $0xFFFFFD80, s12  }
0x23: {  	[tilespmem:s20], [sflag:$0x2] =	stream.linear.gather [hbm4b:s30+s2], $0x1400, $0x38;
	[tilespmem:$0x16180] =	vst v63  }
0x24: {  	_ =	swait.ge [sflag:s21], $0x28  }
0x25: {  	[sflag:s21] =	ssyncset.done $0x0  }
0x26: {  	[sflag:s21] =	ssyncadd.s32 $0xFFFFFFD8  }
0x27: {  	_ =	swait.ge [sflag:s21], $0x1400  }
0x28: {  	[sflag:s21] =	ssyncset.done $0x0  }
0x29: {  	[sflag:s21] =	ssyncadd.s32 $0xFFFFEC00  }
0x2a: {  	[spmem:s1] =	stream.indirect.scatter.add.f32 [tilespmem:s18], [sflag:$0x3], $0x80, s17, s22, $0xb8;
	[tilespmem:$0x16180] =	vst v63  }
0x2b: {  	_ =	swait.ge [sflag:s16], $0x1400  }
0x2c: {  	[sflag:s16] =	ssyncset.done $0x0  }
0x2d: {  	s31 =	sadd.s32 $0x0, s13;
	[sflag:s16] =	ssyncadd.s32 $0xFFFFEC00  }
0x2e: {  	[tilespmem:s17], [sflag:$0x1] =	stream.linear.gather [hbm4b:s31+s2], $0x28, $0x38;
	[tilespmem:$0x16180] =	vst v63  }
0x2f: {  	_ = 	snop  }
0x30: {  	[tilespmem:s18], [sflag:$0x1] =	stream.linear.gather [hbm4b:s12+s2], $0x1400, $0x38;
	[tilespmem:$0x16180] =	vst v63  }
0x31: {  	_ =	swait.ge [sflag:s23], $0x28  }
0x32: {  	[sflag:s23] =	ssyncset.done $0x0  }
0x33: {  	[sflag:s23] =	ssyncadd.s32 $0xFFFFFFD8  }
0x34: {  	_ =	swait.ge [sflag:s23], $0x1400  }
0x35: {  	[sflag:s23] =	ssyncset.done $0x0  }
0x36: {  	[sflag:s23] =	ssyncadd.s32 $0xFFFFEC00  }
0x37: {  	[spmem:s1] =	stream.indirect.scatter.add.f32 [tilespmem:s20], [sflag:$0x3], $0x80, s19, s22, $0xb8;
	[tilespmem:$0x16180] =	vst v63  }
0x38: {  	s28 =	simm.s32 $0x14;
	_ =	swait.ge [sflag:s16], $0x1400  }
0x39: {  	s26 =	sadd.s32 $0x500, s12;
	s25 =	simm.s32 $0xA;
	[sflag:s16] =	ssyncset.done $0x0  }
.LBB2_2:
0x3a: {  	s29 =	sadd.s32 s25, s14  }
0x3b: {  	[sflag:s16] =	ssyncadd.s32 $0xFFFFEC00;
	s30 =	smov.u32 s28;
	s31 =	sadd.s32 $0xA, s28  }
0x3c: {  	[tilespmem:s19], [sflag:$0x2] =	stream.linear.gather [hbm4b:s29+s2], $0x28, $0x38;
	[tilespmem:$0x16180] =	vst v63  }
0x3d: {  	p0 =	sne.s32 s28, $0x276;
	s28 =	sadd.s32 $0xFFFFFD80, s26  }
0x3e: {  	[tilespmem:s20], [sflag:$0x2] =	stream.linear.gather [hbm4b:s28+s2], $0x1400, $0x38;
	[tilespmem:$0x16180] =	vst v63  }
0x3f: {  	_ =	swait.ge [sflag:s21], $0x28  }
0x40: {  	[sflag:s21] =	ssyncset.done $0x0  }
0x41: {  	[sflag:s21] =	ssyncadd.s32 $0xFFFFFFD8  }
0x42: {  	_ =	swait.ge [sflag:s21], $0x1400  }
0x43: {  	[sflag:s21] =	ssyncset.done $0x0  }
0x44: {  	[sflag:s21] =	ssyncadd.s32 $0xFFFFEC00  }
0x45: {  	[spmem:s1] =	stream.indirect.scatter.add.f32 [tilespmem:s18], [sflag:$0x3], $0x80, s17, s22, $0xb8;
	[tilespmem:$0x16180] =	vst v63  }
0x46: {  	_ =	swait.ge [sflag:s16], $0x1400  }
0x47: {  	[sflag:s16] =	ssyncset.done $0x0  }
0x48: {  	s28 =	sadd.s32 s25, s13;
	s25 =	smov.u32 s30;
	[sflag:s16] =	ssyncadd.s32 $0xFFFFEC00  }
0x49: {  	[tilespmem:s17], [sflag:$0x1] =	stream.linear.gather [hbm4b:s28+s2], $0x28, $0x38;
	[tilespmem:$0x16180] =	vst v63  }
0x4a: {  	_ = 	snop  }
0x4b: {  	[tilespmem:s18], [sflag:$0x1] =	stream.linear.gather [hbm4b:s26+s2], $0x1400, $0x38;
	[tilespmem:$0x16180] =	vst v63  }
0x4c: {  	_ =	swait.ge [sflag:s23], $0x28  }
0x4d: {  	[sflag:s23] =	ssyncset.done $0x0  }
0x4e: {  	[sflag:s23] =	ssyncadd.s32 $0xFFFFFFD8  }
0x4f: {  	_ =	swait.ge [sflag:s23], $0x1400  }
.Ltmp0:
0x50: {  	[sflag:s23] =	ssyncset.done $0x0;
	(pc) =	sbr.rel @p0 .LBB2_2-.Ltmp0, $4  }
0x51: {  	[sflag:s23] =	ssyncadd.s32 $0xFFFFEC00  }
0x52: {  	[spmem:s1] =	stream.indirect.scatter.add.f32 [tilespmem:s20], [sflag:$0x3], $0x80, s19, s22, $0xb8;
	[tilespmem:$0x16180] =	vst v63  }
0x53: {  	_ =	swait.ge [sflag:s16], $0x1400  }
0x54: {  	s28 =	smov.u32 s31;
	s26 =	sadd.s32 $0x500, s26;
	[sflag:s16] =	ssyncset.done $0x0  }
0x55: {  	s28 =	sadd.s32 s25, s14;
	[sflag:s16] =	ssyncadd.s32 $0xFFFFEC00  }
0x56: {  	[tilespmem:s19], [sflag:$0x2] =	stream.linear.gather [hbm4b:s28+s2], $0x28, $0x38;
	[tilespmem:$0x16180] =	vst v63  }
0x57: {  	s30 =	sadd.s32 $0xFFFFFD80, s26  }
0x58: {  	[tilespmem:s20], [sflag:$0x2] =	stream.linear.gather [hbm4b:s30+s2], $0x1400, $0x38;
	[tilespmem:$0x16180] =	vst v63  }
0x59: {  	_ =	swait.ge [sflag:s21], $0x28  }
0x5a: {  	[sflag:s21] =	ssyncset.done $0x0  }
0x5b: {  	[sflag:s21] =	ssyncadd.s32 $0xFFFFFFD8  }
0x5c: {  	_ =	swait.ge [sflag:s21], $0x1400  }
0x5d: {  	[sflag:s21] =	ssyncset.done $0x0  }
0x5e: {  	[sflag:s21] =	ssyncadd.s32 $0xFFFFEC00  }
0x5f: {  	[spmem:s1] =	stream.indirect.scatter.add.f32 [tilespmem:s18], [sflag:$0x3], $0x80, s17, s22, $0xb8;
	[tilespmem:$0x16180] =	vst v63  }
0x60: {  	_ =	swait.ge [sflag:s16], $0x1400  }
0x61: {  	[sflag:s16] =	ssyncset.done $0x0  }
0x62: {  	s31 =	sadd.s32 s25, s13;
	[sflag:s16] =	ssyncadd.s32 $0xFFFFEC00  }
0x63: {  	[tilespmem:s17], [sflag:$0x1] =	stream.linear.gather [hbm4b:s31+s2], $0x28, $0x38;
	[tilespmem:$0x16180] =	vst v63  }
0x64: {  	_ = 	snop  }
0x65: {  	[tilespmem:s18], [sflag:$0x1] =	stream.linear.gather [hbm4b:s26+s2], $0x1400, $0x38;
	[tilespmem:$0x16180] =	vst v63  }
0x66: {  	_ =	swait.ge [sflag:s23], $0x28  }
0x67: {  	[sflag:s23] =	ssyncset.done $0x0  }
0x68: {  	[sflag:s23] =	ssyncadd.s32 $0xFFFFFFD8  }
0x69: {  	_ =	swait.ge [sflag:s23], $0x1400  }
0x6a: {  	[sflag:s23] =	ssyncset.done $0x0  }
0x6b: {  	[sflag:s23] =	ssyncadd.s32 $0xFFFFEC00  }
0x6c: {  	[spmem:s1] =	stream.indirect.scatter.add.f32 [tilespmem:s20], [sflag:$0x3], $0x80, s19, s22, $0xb8;
	[tilespmem:$0x16180] =	vst v63  }
0x6d: {  	_ =	swait.ge [sflag:s16], $0x1400  }
0x6e: {  	[sflag:s16] =	ssyncset.done $0x0  }
0x6f: {  	[sflag:s16] =	ssyncadd.s32 $0xFFFFEC00  }
0x70: {  	[tilespmem:s19], [sflag:$0x2] =	stream.linear.gather [hbm4b:s8+s2], $0x28, $0x38;
	[tilespmem:$0x16180] =	vst v63  }
0x71: {  	_ = 	snop  }
0x72: {  	[tilespmem:s20], [sflag:$0x2] =	stream.linear.gather [hbm4b:s9+s2], $0x1400, $0x38;
	[tilespmem:$0x16180] =	vst v63  }
0x73: {  	_ =	swait.ge [sflag:s21], $0x28  }
0x74: {  	[sflag:s21] =	ssyncset.done $0x0  }
0x75: {  	[sflag:s21] =	ssyncadd.s32 $0xFFFFFFD8  }
0x76: {  	_ =	swait.ge [sflag:s21], $0x1400  }
0x77: {  	[sflag:s21] =	ssyncset.done $0x0  }
0x78: {  	[sflag:s21] =	ssyncadd.s32 $0xFFFFEC00  }
0x79: {  	[spmem:s1] =	stream.indirect.scatter.add.f32 [tilespmem:s18], [sflag:$0x3], $0x80, s17, s22, $0xb8;
	[tilespmem:$0x16180] =	vst v63  }
0x7a: {  	_ =	swait.ge [sflag:s16], $0x1400  }
0x7b: {  	[sflag:s16] =	ssyncset.done $0x0  }
0x7c: {  	[sflag:s16] =	ssyncadd.s32 $0xFFFFEC00  }
0x7d: {  	_ =	swait.ge [sflag:s23], $0x28  }
0x7e: {  	[sflag:s23] =	ssyncset.done $0x0  }
0x7f: {  	[sflag:s23] =	ssyncadd.s32 $0xFFFFFFD8  }
0x80: {  	_ =	swait.ge [sflag:s23], $0x1400  }
0x81: {  	[sflag:s23] =	ssyncset.done $0x0  }
0x82: {  	[sflag:s23] =	ssyncadd.s32 $0xFFFFEC00  }
0x83: {  	[spmem:s1] =	stream.indirect.scatter.add.f32 [tilespmem:s20], [sflag:$0x3], $0x80, s19, s22, $0xb8;
	[tilespmem:$0x16180] =	vst v63  }
0x84: {  	_ =	swait.ge [sflag:s16], $0x1400  }
0x85: {  	s24 =	sadd.s32 $0x1, s24;
	[sflag:s16] =	ssyncset.done $0x0  }
0x86: {  	p0 =	sne.s32 s24, s11;
	[sflag:s16] =	ssyncadd.s32 $0xFFFFEC00  }
.Ltmp1:
0x87: {  	[bflag:$0x0] =	sbarrier.arrive $0xFFFF;
	(pc) =	sbr.rel @p0 .LBB2_1-.Ltmp1, $4  }
0x88: {  	[hbm:s10], [sflag:s5] =	dma.local [spmem:s15], $0x2710  }
0x89: {  	_ =	swait.ge [sflag:s16], $0x2710  }
0x8a: {  	[sflag:s16] =	ssyncset.done $0x0  }
0x8b: {  	[sflag:s16] =	ssyncadd.s32 $0xFFFFD8F0  }
0x8c: {  	_ =	sfence.sel $0x180000  }
0x8d: {  	[bflag:$0x0] =	sbarrier.arrive $0xFFFF  }
0x8e: {  	p0 =	sne.s32 s3, $0x0;
	_ =	strace $0x90000050  }
0x8f: {  	s0 =	sadd.s32 @!p0 $0x100000, s0;
	[bflag:$0x2] =	sbarrier.arrive $0xFFFF  }
0x90: {  	[sflag:s0] =	ssyncadd.tile.s32 @!p0 $0x1;
	_ =	shalt  }
.Lfunc_end2:
_tile_overlayer_lowered:
.L_overlay_start_2:
0x91: {  	(tag) =	ssettag $0x2  }
0x92: {  	s0 =	rddreg [dreg:$0x0];
	s2 =	stileid.u32  }
0x93: {  	s1 =	rddreg [dreg:$0x1];
	p0 =	sne.s32 s2, $0x0  }
0x94: {  	s3 =	rddreg [dreg:$0x2];
	[bflag:$0x3] =	sbarrier.arrive $0xFFFF;
	s2 =	simm.s32 @!p0 $0x1C03  }
0x95: {  	[timem:s3], [sflag:s2] =	dma.local @!p0 [hbm:s0], s1  }
0x96: {  	s0 =	simm.s32 @!p0 $0x3  }
0x97: {  	_ =	swait.ge @!p0 [sflag:s0], s1  }
0x98: {  	s1 =	ssub.s32 @!p0 $0x0, s1;
	[sflag:s0] =	ssyncset.done @!p0 $0x0  }
0x99: {  	[sflag:s0] =	ssyncadd.s32 @!p0 s1  }
0x9a: {  	[bflag:$0x3] =	sbarrier.arrive $0xFFFF  }
0x9b: {  	_ =	shalt  }

</sc_bundles>
